<compile_context>
chip_gen: v7x
topology: tpu7x:2x2x1
jax: 0.10.2.dev20260603
libtpu: 0.0.44.dev20260713+nightly
codegen_flags: <defaults>
</compile_context>

<pallas_src>
import functools

import jax
import jax.numpy as jnp
from jax import lax
from jax.experimental import pallas as pl
from jax.experimental.pallas import tpu as pltpu
from jax.experimental.pallas import tpu_sc as plsc

N = 10000
E = 320000
D = 128
BN_EPS = 1e-5

NC = 2
NS = 16
NW = NC * NS
L = 16

EP = E // NW
CH = 100
NCH = EP // CH
RT = N // NS
RB = 125
NRB = RT // RB
DQ = 3
NSET = 3 * DQ
BD = jnp.bfloat16
LB = 32

_mesh = functools.partial(
    plsc.VectorSubcoreMesh, core_axis_name="c", subcore_axis_name="s",
    num_cores=NC, num_subcores=NS)
_sc_params = pltpu.CompilerParams(
    needs_layout_passes=False, use_tc_tiling_on_sc=False)


@functools.partial(
    pl.kernel,
    out_type=(jax.ShapeDtypeStruct((NW, N), jnp.float32),
              jax.ShapeDtypeStruct((NW, N), jnp.float32)),
    mesh=_mesh(),
    compiler_params=_sc_params,
    scratch_types=[
        pltpu.VMEM((EP // L, L), jnp.int32),
        pltpu.VMEM((EP // L, L), jnp.int32),
        pltpu.VMEM((N,), jnp.float32),
        pltpu.VMEM((N,), jnp.float32),
    ],
)
def _deg_kernel(src_hbm, dst_hbm, degs_hbm, degd_hbm,
                src_v, dst_v, degs_v, degd_v):
    c = lax.axis_index("c")
    s = lax.axis_index("s")
    wid = s * NC + c
    pltpu.sync_copy(src_hbm.at[wid], src_v)
    pltpu.sync_copy(dst_hbm.at[wid], dst_v)

    z = jnp.zeros((L,), jnp.float32)

    @pl.loop(0, N // L)
    def _zero(i):
        degs_v[pl.ds(i * L, L)] = z
        degd_v[pl.ds(i * L, L)] = z

    ones = jnp.ones((L,), jnp.float32)

    @pl.loop(0, EP // L)
    def _acc(j):
        plsc.addupdate_scatter(degs_v, [src_v[j]], ones)
        plsc.addupdate_scatter(degd_v, [dst_v[j]], ones)

    pltpu.sync_copy(degs_v, degs_hbm.at[wid])
    pltpu.sync_copy(degd_v, degd_hbm.at[wid])


@functools.partial(
    pl.kernel,
    out_type=jax.ShapeDtypeStruct((NC, N, D), BD),
    mesh=_mesh(),
    compiler_params=_sc_params,
    scratch_types=[
        pltpu.VMEM((NSET, CH), jnp.int32),
        pltpu.VMEM((NSET, CH), jnp.int32),
        pltpu.VMEM((NSET, CH, D), BD),
        pltpu.VMEM_SHARED((N, D), BD),
        pltpu.SemaphoreType.DMA,
        pltpu.SemaphoreType.DMA,
        pltpu.SemaphoreType.DMA,
    ],
)
def _spmm_kernel(h_hbm, src_hbm, dst_hbm, agg_hbm,
                 sidx, didx, rows_v, agg_sh, gsem, ssem, isem):
    c = lax.axis_index("c")
    s = lax.axis_index("s")
    wid = s * NC + c

    z = jnp.zeros((LB,), BD)

    @pl.loop(0, CH)
    def _zb(j):
        for k in range(D // LB):
            rows_v[0, j, pl.ds(k * LB, LB)] = z

    row0 = s * RT
    nz = RT // CH
    for t in range(nz):
        pltpu.async_copy(rows_v.at[0], agg_sh.at[pl.ds(row0 + t * CH, CH)],
                         ssem)
    rz = RT - nz * CH
    pltpu.async_copy(rows_v.at[0, pl.ds(0, rz)],
                     agg_sh.at[pl.ds(row0 + nz * CH, rz)], ssem)
    for t in range(nz):
        pltpu.make_async_copy(rows_v.at[0], agg_sh.at[pl.ds(0, CH)],
                              ssem).wait()
    pltpu.make_async_copy(rows_v.at[0, pl.ds(0, rz)],
                          agg_sh.at[pl.ds(0, rz)], ssem).wait()
    plsc.subcore_barrier()

    def _fire_idx(x, st):
        pltpu.async_copy(src_hbm.at[wid, x], sidx.at[st], isem)
        pltpu.async_copy(dst_hbm.at[wid, x], didx.at[st], isem)

    def _drain_idx(st):
        pltpu.make_async_copy(src_hbm.at[wid, 0], sidx.at[st], isem).wait()
        pltpu.make_async_copy(dst_hbm.at[wid, 0], didx.at[st], isem).wait()

    def _fire_g(st):
        pltpu.async_copy(h_hbm.at[sidx.at[st]], rows_v.at[st], gsem)

    def _fire_s(st):
        pltpu.async_copy(rows_v.at[st], agg_sh.at[didx.at[st]], ssem,
                         add=True)

    def _drain_rows(sem, st):
        pltpu.make_async_copy(h_hbm.at[sidx.at[0]], rows_v.at[st],
                              sem).wait()

    for j in range(DQ):
        _fire_idx(j, j)
    for j in range(DQ):
        _drain_idx(j)
        _fire_g(j)
    for j in range(DQ, 2 * DQ):
        _fire_idx(j, j)

    @pl.loop(0, NCH)
    def _grp(x):
        st = lax.rem(x, NSET)
        sg = lax.rem(x + DQ, NSET)
        sf = lax.rem(x + 2 * DQ, NSET)

        @pl.when(x > DQ - 1)
        def _():
            _drain_rows(ssem, sf)

        @pl.when(x + 2 * DQ < NCH)
        def _():
            _fire_idx(x + 2 * DQ, sf)

        @pl.when(x + DQ < NCH)
        def _():
            _drain_idx(sg)
            _fire_g(sg)

        _drain_rows(gsem, st)
        _fire_s(st)

    for j in range(DQ):
        _drain_rows(ssem, lax.rem(jnp.int32(NCH - DQ + j), NSET))
    plsc.subcore_barrier()

    for t in range(NRB):
        r = row0 + t * RB
        pltpu.sync_copy(agg_sh.at[pl.ds(r, RB)], agg_hbm.at[c, pl.ds(r, RB)])


def _norm_body(x_ref, degs_ref, degd_ref, hs_ref, ns_ref, nd_ref):
    deg_out = jnp.sum(degs_ref[...], axis=1, keepdims=True)
    deg_in = jnp.sum(degd_ref[...], axis=1, keepdims=True)
    ns = jnp.where(deg_out > 0, lax.rsqrt(jnp.maximum(deg_out, 1.0)), 0.0)
    nd = jnp.where(deg_in > 0, lax.rsqrt(jnp.maximum(deg_in, 1.0)), 0.0)
    ns_ref[...] = ns
    nd_ref[...] = nd
    hs_ref[...] = (x_ref[...] * ns).astype(BD)


_norm_call = pl.pallas_call(
    _norm_body,
    out_shape=(jax.ShapeDtypeStruct((N, D), BD),
               jax.ShapeDtypeStruct((N, 1), jnp.float32),
               jax.ShapeDtypeStruct((N, 1), jnp.float32)),
)


def _layer_body(relu_and_prescale, aggp_ref, nd_ref, ns_ref, w_ref, b_ref,
                out_ref):
    agg = (aggp_ref[0].astype(jnp.float32) +
           aggp_ref[1].astype(jnp.float32))
    h = agg * nd_ref[...]
    y = jnp.dot(h, w_ref[...], preferred_element_type=jnp.float32)
    y = y + b_ref[...]
    if relu_and_prescale:
        y = jnp.maximum(y, 0.0) * ns_ref[...]
        out_ref[...] = y.astype(BD)
    else:
        out_ref[...] = y


_layer_mid = pl.pallas_call(
    functools.partial(_layer_body, True),
    out_shape=jax.ShapeDtypeStruct((N, D), BD),
)
_layer_last = pl.pallas_call(
    functools.partial(_layer_body, False),
    out_shape=jax.ShapeDtypeStruct((N, D), jnp.float32),
)


def kernel(x, edge_index, W1, b1, g1, be1, W2, b2, g2, be2, W3, b3):
    src2 = edge_index[0].reshape(NW, NCH, CH)
    dst2 = edge_index[1].reshape(NW, NCH, CH)
    src_d = edge_index[0].reshape(NW, EP // L, L)
    dst_d = edge_index[1].reshape(NW, EP // L, L)

    degs_p, degd_p = _deg_kernel(src_d, dst_d)
    hs, ns, nd = _norm_call(x, degs_p.T, degd_p.T)

    sc = 1.0 / jnp.sqrt(jnp.float32(1.0) + BN_EPS)
    Wf1 = W1 * (g1 * sc)[None, :]
    bf1 = (b1 * g1 * sc + be1).reshape(1, D)
    Wf2 = W2 * (g2 * sc)[None, :]
    bf2 = (b2 * g2 * sc + be2).reshape(1, D)
    bf3 = b3.reshape(1, D)

    aggp = _spmm_kernel(hs, src2, dst2)
    hs = _layer_mid(aggp, nd, ns, Wf1, bf1)
    aggp = _spmm_kernel(hs, src2, dst2)
    hs = _layer_mid(aggp, nd, ns, Wf2, bf2)
    aggp = _spmm_kernel(hs, src2, dst2)
    out = _layer_last(aggp, nd, ns, W3, bf3)
    return out

# --- scband reference (transcript-rebuilt; emitter-appended) ---
"""Pipeline reference for scband-gcn-56599079027148 (READ-ONLY COPY).

The authoritative reference and input builder live on the scoring server;
editing this copy changes nothing except your own understanding.
"""

import jax, jax.numpy as jnp
import numpy as np

N_NODES = 10000
N_EDGES = 320000
D = 128
BN_EPS = 1e-5


def _graph_conv(x, src, dst, W, b):
    n = x.shape[0]
    ones = jnp.ones((src.shape[0],), dtype=x.dtype)
    deg_out = jax.ops.segment_sum(ones, src, num_segments=n)
    deg_in = jax.ops.segment_sum(ones, dst, num_segments=n)
    norm_src = jnp.where(deg_out > 0, 1.0 / jnp.sqrt(jnp.maximum(deg_out, 1.0)), 0.0)
    norm_dst = jnp.where(deg_in > 0, 1.0 / jnp.sqrt(jnp.maximum(deg_in, 1.0)), 0.0)
    h = x * norm_src[:, None]
    msgs = jnp.take(h, src, axis=0)
    agg = jax.ops.segment_sum(msgs, dst, num_segments=n)
    h = agg * norm_dst[:, None]
    return h @ W + b


def _bn_eval(h, gamma, beta):
    # eval-mode BatchNorm1d with running_mean=0, running_var=1
    return h / jnp.sqrt(1.0 + BN_EPS) * gamma + beta


def setup_inputs(seed: int = 0) -> dict:
    key = jax.random.key(seed)
    ks = jax.random.split(key, 10)
    x = jax.random.normal(ks[0], (N_NODES, D), dtype=jnp.float32)
    edge_index = jax.random.randint(ks[1], (2, N_EDGES), 0, N_NODES, dtype=jnp.int32)
    s = 1.0 / np.sqrt(D)
    W1 = jax.random.uniform(ks[2], (D, D), dtype=jnp.float32, minval=-s, maxval=s)
    b1 = jnp.zeros((D,), dtype=jnp.float32)
    W2 = jax.random.uniform(ks[3], (D, D), dtype=jnp.float32, minval=-s, maxval=s)
    b2 = jnp.zeros((D,), dtype=jnp.float32)
    W3 = jax.random.uniform(ks[4], (D, D), dtype=jnp.float32, minval=-s, maxval=s)
    b3 = jnp.zeros((D,), dtype=jnp.float32)
    g1 = jnp.ones((D,), dtype=jnp.float32)
    be1 = jnp.zeros((D,), dtype=jnp.float32)
    g2 = jnp.ones((D,), dtype=jnp.float32)
    be2 = jnp.zeros((D,), dtype=jnp.float32)
    return {"x": x, "edge_index": edge_index, "W1": W1, "b1": b1, "g1": g1, "be1": be1,
            "W2": W2, "b2": b2, "g2": g2, "be2": be2, "W3": W3, "b3": b3}


def reference(x, edge_index, W1, b1, g1, be1, W2, b2, g2, be2, W3, b3):
    src = edge_index[0]
    dst = edge_index[1]
    h = _graph_conv(x, src, dst, W1, b1)
    h = _bn_eval(h, g1, be1)
    h = jax.nn.relu(h)
    # dropout p=0.0 / eval mode: identity
    h = _graph_conv(h, src, dst, W2, b2)
    h = _bn_eval(h, g2, be2)
    h = jax.nn.relu(h)
    h = _graph_conv(h, src, dst, W3, b3)
    return h

if __name__ == "__main__":
    import jax
    _d = setup_inputs()
    print(jax.jit(kernel)(*tuple(_d.values())))

</pallas_src>

<mosaic_0001>
#map = affine_map<(d0, d1) -> (0, 0)>
#map1 = affine_map<(d0, d1) -> (0, 0, 0)>
module attributes {stable_mosaic.version = 14 : i64} {
  func.func @_spmm_kernel(%arg0: i32, %arg1: i32, %arg2: memref<10000x128xbf16, #tpu.memory_space<hbm>>, %arg3: memref<32x100x100xi32, #tpu.memory_space<hbm>>, %arg4: memref<32x100x100xi32, #tpu.memory_space<hbm>>, %arg5: memref<2x10000x128xbf16, #tpu.memory_space<hbm>>, %arg6: memref<9x100xi32, #tpu.memory_space<vmem>>, %arg7: memref<9x100xi32, #tpu.memory_space<vmem>>, %arg8: memref<9x100x128xbf16, #tpu.memory_space<vmem>>, %arg9: memref<10000x128xbf16, #tpu.memory_space<vmem_shared>>, %arg10: memref<!tpu.dma_semaphore, #tpu.memory_space<semaphore_mem>>, %arg11: memref<!tpu.dma_semaphore, #tpu.memory_space<semaphore_mem>>, %arg12: memref<!tpu.dma_semaphore, #tpu.memory_space<semaphore_mem>>) attributes {dimension_semantics = [#tpu.dimension_semantics<core_parallel>, #tpu.dimension_semantics<subcore_parallel>], iteration_bounds = array<i64: 2, 16>, scalar_prefetch = 0 : i64, scratch_operands = 7 : i64, tpu.core_type = #tpu.core_type<sc_vector_subcore>, window_params = [{transform_indices = #map}, {transform_indices = #map1}, {transform_indices = #map1}, {transform_indices = #map1}]} {
    %mul3A = arith.constant 2 : i32
    %mul3A_0 = arith.muli %arg1, %mul3A : i32
    %add3A = arith.addi %mul3A_0, %arg0 : i32
    %broadcast_in_dim3A = arith.constant 0.000000e+00 : bf16
    %broadcast_in_dim3A_1 = vector.broadcast %broadcast_in_dim3A : bf16 to vector<32xbf16>
    %scan3A = arith.constant 0 : i32
    %scan3A_2 = arith.constant 100 : i32
    %scan3A_3 = arith.addi %scan3A, %scan3A_2 : i32
    %scan3A_4 = arith.constant 1 : i32
    scf.for %scan3A_561 = %scan3A to %scan3A_3 step %scan3A_4  : i32 {
      %mul3A_562 = arith.constant 1 : i32
      %mul3A_563 = arith.muli %scan3A_561, %mul3A_562 : i32
      %add3A_564 = arith.constant 0 : i32
      %add3A_565 = arith.addi %add3A_564, %mul3A_563 : i32
      %swap3A = arith.constant 0 : i32
      %swap3A_566 = arith.index_cast %swap3A : i32 to index
      %swap3A_567 = arith.index_cast %add3A_565 : i32 to index
      %swap3A_568 = arith.constant 0 : index
      %swap3A_569 = tpu.vector_load %arg8[%swap3A_566, %swap3A_567, %swap3A_568] {strides = array<i32>} : memref<9x100x128xbf16, #tpu.memory_space<vmem>>, vector<32xbf16>,
      tpu.vector_store %arg8[%swap3A_566, %swap3A_567, %swap3A_568], %broadcast_in_dim3A_1 {strides = array<i32>} : memref<9x100x128xbf16, #tpu.memory_space<vmem>>, vector<32xbf16>,
      %swap3A_570 = arith.constant 0 : i32
      %swap3A_571 = arith.index_cast %swap3A_570 : i32 to index
      %swap3A_572 = arith.index_cast %add3A_565 : i32 to index
      %swap3A_573 = arith.constant 32 : index
      %swap3A_574 = tpu.vector_load %arg8[%swap3A_571, %swap3A_572, %swap3A_573] {strides = array<i32>} : memref<9x100x128xbf16, #tpu.memory_space<vmem>>, vector<32xbf16>,
      tpu.vector_store %arg8[%swap3A_571, %swap3A_572, %swap3A_573], %broadcast_in_dim3A_1 {strides = array<i32>} : memref<9x100x128xbf16, #tpu.memory_space<vmem>>, vector<32xbf16>,
      %swap3A_575 = arith.constant 0 : i32
      %swap3A_576 = arith.index_cast %swap3A_575 : i32 to index
      %swap3A_577 = arith.index_cast %add3A_565 : i32 to index
      %swap3A_578 = arith.constant 64 : index
      %swap3A_579 = tpu.vector_load %arg8[%swap3A_576, %swap3A_577, %swap3A_578] {strides = array<i32>} : memref<9x100x128xbf16, #tpu.memory_space<vmem>>, vector<32xbf16>,
      tpu.vector_store %arg8[%swap3A_576, %swap3A_577, %swap3A_578], %broadcast_in_dim3A_1 {strides = array<i32>} : memref<9x100x128xbf16, #tpu.memory_space<vmem>>, vector<32xbf16>,
      %swap3A_580 = arith.constant 0 : i32
      %swap3A_581 = arith.index_cast %swap3A_580 : i32 to index
      %swap3A_582 = arith.index_cast %add3A_565 : i32 to index
      %swap3A_583 = arith.constant 96 : index
      %swap3A_584 = tpu.vector_load %arg8[%swap3A_581, %swap3A_582, %swap3A_583] {strides = array<i32>} : memref<9x100x128xbf16, #tpu.memory_space<vmem>>, vector<32xbf16>,
      tpu.vector_store %arg8[%swap3A_581, %swap3A_582, %swap3A_583], %broadcast_in_dim3A_1 {strides = array<i32>} : memref<9x100x128xbf16, #tpu.memory_space<vmem>>, vector<32xbf16>,
    }
    %scan3A_5 = arith.constant 100 : i32
    %mul3A_6 = arith.constant 625 : i32
    %mul3A_7 = arith.muli %arg1, %mul3A_6 : i32
    %add3A_8 = arith.constant 0 : i32
    %add3A_9 = arith.addi %mul3A_7, %add3A_8 : i32
    %dma_start3A = arith.constant 0 : i32
    %dma_start3A_10 = arith.constant 0 : i32
    %dma_start3A_11 = arith.constant 0 : i32
    %dma_start3A_12 = tpu.memref_slice %arg8[%dma_start3A, %dma_start3A_10, %dma_start3A_11] : memref<9x100x128xbf16, #tpu.memory_space<vmem>> -> memref<1x100x128xbf16, #tpu.memory_space<vmem>>
    %dma_start3A_13 = tpu.memref_squeeze %dma_start3A_12 : memref<1x100x128xbf16, #tpu.memory_space<vmem>> -> memref<100x128xbf16, #tpu.memory_space<vmem>>
    %dma_start3A_14 = arith.constant 0 : i32
    %dma_start3A_15 = tpu.memref_slice %arg9[%add3A_9, %dma_start3A_14] : memref<10000x128xbf16, #tpu.memory_space<vmem_shared>> -> memref<100x128xbf16, #tpu.memory_space<vmem_shared>>
    %dma_start3A_16 = arith.constant 0 : i32
    %dma_start3A_17 = tpu.memref_slice %arg9[%add3A_9, %dma_start3A_16] : memref<10000x128xbf16, #tpu.memory_space<vmem_shared>> -> memref<100x128xbf16, #tpu.memory_space<vmem_shared>>
    %dma_start3A_18 = arith.constant 0 : i32
    %dma_start3A_19 = arith.constant 0 : i32
    %dma_start3A_20 = tpu.memref_slice %arg8[%dma_start3A, %dma_start3A_18, %dma_start3A_19] : memref<9x100x128xbf16, #tpu.memory_space<vmem>> -> memref<1x100x128xbf16, #tpu.memory_space<vmem>>
    %dma_start3A_21 = tpu.memref_squeeze %dma_start3A_20 : memref<1x100x128xbf16, #tpu.memory_space<vmem>> -> memref<100x128xbf16, #tpu.memory_space<vmem>>
    tpu.enqueue_dma source(%dma_start3A_21 : memref<100x128xbf16, #tpu.memory_space<vmem>>) target(%dma_start3A_17 : memref<100x128xbf16, #tpu.memory_space<vmem_shared>>) target_semaphore(%arg11 : memref<!tpu.dma_semaphore, #tpu.memory_space<semaphore_mem>>)
    %add3A_22 = arith.constant 100 : i32
    %add3A_23 = arith.addi %mul3A_7, %add3A_22 : i32
    %dma_start3A_24 = arith.constant 0 : i32
    %dma_start3A_25 = arith.constant 0 : i32
    %dma_start3A_26 = arith.constant 0 : i32
    %dma_start3A_27 = tpu.memref_slice %arg8[%dma_start3A_24, %dma_start3A_25, %dma_start3A_26] : memref<9x100x128xbf16, #tpu.memory_space<vmem>> -> memref<1x100x128xbf16, #tpu.memory_space<vmem>>
    %dma_start3A_28 = tpu.memref_squeeze %dma_start3A_27 : memref<1x100x128xbf16, #tpu.memory_space<vmem>> -> memref<100x128xbf16, #tpu.memory_space<vmem>>
    %dma_start3A_29 = arith.constant 0 : i32
    %dma_start3A_30 = tpu.memref_slice %arg9[%add3A_23, %dma_start3A_29] : memref<10000x128xbf16, #tpu.memory_space<vmem_shared>> -> memref<100x128xbf16, #tpu.memory_space<vmem_shared>>
    %dma_start3A_31 = arith.constant 0 : i32
    %dma_start3A_32 = tpu.memref_slice %arg9[%add3A_23, %dma_start3A_31] : memref<10000x128xbf16, #tpu.memory_space<vmem_shared>> -> memref<100x128xbf16, #tpu.memory_space<vmem_shared>>
    %dma_start3A_33 = arith.constant 0 : i32
    %dma_start3A_34 = arith.constant 0 : i32
    %dma_start3A_35 = tpu.memref_slice %arg8[%dma_start3A_24, %dma_start3A_33, %dma_start3A_34] : memref<9x100x128xbf16, #tpu.memory_space<vmem>> -> memref<1x100x128xbf16, #tpu.memory_space<vmem>>
    %dma_start3A_36 = tpu.memref_squeeze %dma_start3A_35 : memref<1x100x128xbf16, #tpu.memory_space<vmem>> -> memref<100x128xbf16, #tpu.memory_space<vmem>>
    tpu.enqueue_dma source(%dma_start3A_36 : memref<100x128xbf16, #tpu.memory_space<vmem>>) target(%dma_start3A_32 : memref<100x128xbf16, #tpu.memory_space<vmem_shared>>) target_semaphore(%arg11 : memref<!tpu.dma_semaphore, #tpu.memory_space<semaphore_mem>>)
    %add3A_37 = arith.constant 200 : i32
    %add3A_38 = arith.addi %mul3A_7, %add3A_37 : i32
    %dma_start3A_39 = arith.constant 0 : i32
    %dma_start3A_40 = arith.constant 0 : i32
    %dma_start3A_41 = arith.constant 0 : i32
    %dma_start3A_42 = tpu.memref_slice %arg8[%dma_start3A_39, %dma_start3A_40, %dma_start3A_41] : memref<9x100x128xbf16, #tpu.memory_space<vmem>> -> memref<1x100x128xbf16, #tpu.memory_space<vmem>>
    %dma_start3A_43 = tpu.memref_squeeze %dma_start3A_42 : memref<1x100x128xbf16, #tpu.memory_space<vmem>> -> memref<100x128xbf16, #tpu.memory_space<vmem>>
    %dma_start3A_44 = arith.constant 0 : i32
    %dma_start3A_45 = tpu.memref_slice %arg9[%add3A_38, %dma_start3A_44] : memref<10000x128xbf16, #tpu.memory_space<vmem_shared>> -> memref<100x128xbf16, #tpu.memory_space<vmem_shared>>
    %dma_start3A_46 = arith.constant 0 : i32
    %dma_start3A_47 = tpu.memref_slice %arg9[%add3A_38, %dma_start3A_46] : memref<10000x128xbf16, #tpu.memory_space<vmem_shared>> -> memref<100x128xbf16, #tpu.memory_space<vmem_shared>>
    %dma_start3A_48 = arith.constant 0 : i32
    %dma_start3A_49 = arith.constant 0 : i32
    %dma_start3A_50 = tpu.memref_slice %arg8[%dma_start3A_39, %dma_start3A_48, %dma_start3A_49] : memref<9x100x128xbf16, #tpu.memory_space<vmem>> -> memref<1x100x128xbf16, #tpu.memory_space<vmem>>
    %dma_start3A_51 = tpu.memref_squeeze %dma_start3A_50 : memref<1x100x128xbf16, #tpu.memory_space<vmem>> -> memref<100x128xbf16, #tpu.memory_space<vmem>>
    tpu.enqueue_dma source(%dma_start3A_51 : memref<100x128xbf16, #tpu.memory_space<vmem>>) target(%dma_start3A_47 : memref<100x128xbf16, #tpu.memory_space<vmem_shared>>) target_semaphore(%arg11 : memref<!tpu.dma_semaphore, #tpu.memory_space<semaphore_mem>>)
    %add3A_52 = arith.constant 300 : i32
    %add3A_53 = arith.addi %mul3A_7, %add3A_52 : i32
    %dma_start3A_54 = arith.constant 0 : i32
    %dma_start3A_55 = arith.constant 0 : i32
    %dma_start3A_56 = arith.constant 0 : i32
    %dma_start3A_57 = tpu.memref_slice %arg8[%dma_start3A_54, %dma_start3A_55, %dma_start3A_56] : memref<9x100x128xbf16, #tpu.memory_space<vmem>> -> memref<1x100x128xbf16, #tpu.memory_space<vmem>>
    %dma_start3A_58 = tpu.memref_squeeze %dma_start3A_57 : memref<1x100x128xbf16, #tpu.memory_space<vmem>> -> memref<100x128xbf16, #tpu.memory_space<vmem>>
    %dma_start3A_59 = arith.constant 0 : i32
    %dma_start3A_60 = tpu.memref_slice %arg9[%add3A_53, %dma_start3A_59] : memref<10000x128xbf16, #tpu.memory_space<vmem_shared>> -> memref<100x128xbf16, #tpu.memory_space<vmem_shared>>
    %dma_start3A_61 = arith.constant 0 : i32
    %dma_start3A_62 = tpu.memref_slice %arg9[%add3A_53, %dma_start3A_61] : memref<10000x128xbf16, #tpu.memory_space<vmem_shared>> -> memref<100x128xbf16, #tpu.memory_space<vmem_shared>>
    %dma_start3A_63 = arith.constant 0 : i32
    %dma_start3A_64 = arith.constant 0 : i32
    %dma_start3A_65 = tpu.memref_slice %arg8[%dma_start3A_54, %dma_start3A_63, %dma_start3A_64] : memref<9x100x128xbf16, #tpu.memory_space<vmem>> -> memref<1x100x128xbf16, #tpu.memory_space<vmem>>
    %dma_start3A_66 = tpu.memref_squeeze %dma_start3A_65 : memref<1x100x128xbf16, #tpu.memory_space<vmem>> -> memref<100x128xbf16, #tpu.memory_space<vmem>>
    tpu.enqueue_dma source(%dma_start3A_66 : memref<100x128xbf16, #tpu.memory_space<vmem>>) target(%dma_start3A_62 : memref<100x128xbf16, #tpu.memory_space<vmem_shared>>) target_semaphore(%arg11 : memref<!tpu.dma_semaphore, #tpu.memory_space<semaphore_mem>>)
    %add3A_67 = arith.constant 400 : i32
    %add3A_68 = arith.addi %mul3A_7, %add3A_67 : i32
    %dma_start3A_69 = arith.constant 0 : i32
    %dma_start3A_70 = arith.constant 0 : i32
    %dma_start3A_71 = arith.constant 0 : i32
    %dma_start3A_72 = tpu.memref_slice %arg8[%dma_start3A_69, %dma_start3A_70, %dma_start3A_71] : memref<9x100x128xbf16, #tpu.memory_space<vmem>> -> memref<1x100x128xbf16, #tpu.memory_space<vmem>>
    %dma_start3A_73 = tpu.memref_squeeze %dma_start3A_72 : memref<1x100x128xbf16, #tpu.memory_space<vmem>> -> memref<100x128xbf16, #tpu.memory_space<vmem>>
    %dma_start3A_74 = arith.constant 0 : i32
    %dma_start3A_75 = tpu.memref_slice %arg9[%add3A_68, %dma_start3A_74] : memref<10000x128xbf16, #tpu.memory_space<vmem_shared>> -> memref<100x128xbf16, #tpu.memory_space<vmem_shared>>
    %dma_start3A_76 = arith.constant 0 : i32
    %dma_start3A_77 = tpu.memref_slice %arg9[%add3A_68, %dma_start3A_76] : memref<10000x128xbf16, #tpu.memory_space<vmem_shared>> -> memref<100x128xbf16, #tpu.memory_space<vmem_shared>>
    %dma_start3A_78 = arith.constant 0 : i32
    %dma_start3A_79 = arith.constant 0 : i32
    %dma_start3A_80 = tpu.memref_slice %arg8[%dma_start3A_69, %dma_start3A_78, %dma_start3A_79] : memref<9x100x128xbf16, #tpu.memory_space<vmem>> -> memref<1x100x128xbf16, #tpu.memory_space<vmem>>
    %dma_start3A_81 = tpu.memref_squeeze %dma_start3A_80 : memref<1x100x128xbf16, #tpu.memory_space<vmem>> -> memref<100x128xbf16, #tpu.memory_space<vmem>>
    tpu.enqueue_dma source(%dma_start3A_81 : memref<100x128xbf16, #tpu.memory_space<vmem>>) target(%dma_start3A_77 : memref<100x128xbf16, #tpu.memory_space<vmem_shared>>) target_semaphore(%arg11 : memref<!tpu.dma_semaphore, #tpu.memory_space<semaphore_mem>>)
    %add3A_82 = arith.constant 500 : i32
    %add3A_83 = arith.addi %mul3A_7, %add3A_82 : i32
    %dma_start3A_84 = arith.constant 0 : i32
    %dma_start3A_85 = arith.constant 0 : i32
    %dma_start3A_86 = arith.constant 0 : i32
    %dma_start3A_87 = tpu.memref_slice %arg8[%dma_start3A_84, %dma_start3A_85, %dma_start3A_86] : memref<9x100x128xbf16, #tpu.memory_space<vmem>> -> memref<1x100x128xbf16, #tpu.memory_space<vmem>>
    %dma_start3A_88 = tpu.memref_squeeze %dma_start3A_87 : memref<1x100x128xbf16, #tpu.memory_space<vmem>> -> memref<100x128xbf16, #tpu.memory_space<vmem>>
    %dma_start3A_89 = arith.constant 0 : i32
    %dma_start3A_90 = tpu.memref_slice %arg9[%add3A_83, %dma_start3A_89] : memref<10000x128xbf16, #tpu.memory_space<vmem_shared>> -> memref<100x128xbf16, #tpu.memory_space<vmem_shared>>
    %dma_start3A_91 = arith.constant 0 : i32
    %dma_start3A_92 = tpu.memref_slice %arg9[%add3A_83, %dma_start3A_91] : memref<10000x128xbf16, #tpu.memory_space<vmem_shared>> -> memref<100x128xbf16, #tpu.memory_space<vmem_shared>>
    %dma_start3A_93 = arith.constant 0 : i32
    %dma_start3A_94 = arith.constant 0 : i32
    %dma_start3A_95 = tpu.memref_slice %arg8[%dma_start3A_84, %dma_start3A_93, %dma_start3A_94] : memref<9x100x128xbf16, #tpu.memory_space<vmem>> -> memref<1x100x128xbf16, #tpu.memory_space<vmem>>
    %dma_start3A_96 = tpu.memref_squeeze %dma_start3A_95 : memref<1x100x128xbf16, #tpu.memory_space<vmem>> -> memref<100x128xbf16, #tpu.memory_space<vmem>>
    tpu.enqueue_dma source(%dma_start3A_96 : memref<100x128xbf16, #tpu.memory_space<vmem>>) target(%dma_start3A_92 : memref<100x128xbf16, #tpu.memory_space<vmem_shared>>) target_semaphore(%arg11 : memref<!tpu.dma_semaphore, #tpu.memory_space<semaphore_mem>>)
    %add3A_97 = arith.constant 600 : i32
    %add3A_98 = arith.addi %mul3A_7, %add3A_97 : i32
    %dma_start3A_99 = arith.constant 0 : i32
    %dma_start3A_100 = arith.constant 0 : i32
    %dma_start3A_101 = arith.constant 0 : i32
    %dma_start3A_102 = tpu.memref_slice %arg8[%dma_start3A_99, %dma_start3A_100, %dma_start3A_101] : memref<9x100x128xbf16, #tpu.memory_space<vmem>> -> memref<1x25x128xbf16, #tpu.memory_space<vmem>>
    %dma_start3A_103 = tpu.memref_squeeze %dma_start3A_102 : memref<1x25x128xbf16, #tpu.memory_space<vmem>> -> memref<25x128xbf16, #tpu.memory_space<vmem>>
    %dma_start3A_104 = arith.constant 0 : i32
    %dma_start3A_105 = tpu.memref_slice %arg9[%add3A_98, %dma_start3A_104] : memref<10000x128xbf16, #tpu.memory_space<vmem_shared>> -> memref<25x128xbf16, #tpu.memory_space<vmem_shared>>
    %dma_start3A_106 = arith.constant 0 : i32
    %dma_start3A_107 = tpu.memref_slice %arg9[%add3A_98, %dma_start3A_106] : memref<10000x128xbf16, #tpu.memory_space<vmem_shared>> -> memref<25x128xbf16, #tpu.memory_space<vmem_shared>>
    %dma_start3A_108 = arith.constant 0 : i32
    %dma_start3A_109 = arith.constant 0 : i32
    %dma_start3A_110 = tpu.memref_slice %arg8[%dma_start3A_99, %dma_start3A_108, %dma_start3A_109] : memref<9x100x128xbf16, #tpu.memory_space<vmem>> -> memref<1x25x128xbf16, #tpu.memory_space<vmem>>
    %dma_start3A_111 = tpu.memref_squeeze %dma_start3A_110 : memref<1x25x128xbf16, #tpu.memory_space<vmem>> -> memref<25x128xbf16, #tpu.memory_space<vmem>>
    tpu.enqueue_dma source(%dma_start3A_111 : memref<25x128xbf16, #tpu.memory_space<vmem>>) target(%dma_start3A_107 : memref<25x128xbf16, #tpu.memory_space<vmem_shared>>) target_semaphore(%arg11 : memref<!tpu.dma_semaphore, #tpu.memory_space<semaphore_mem>>)
    %dma_wait3A = arith.constant 0 : i32
    %dma_wait3A_112 = arith.constant 0 : i32
    %dma_wait3A_113 = arith.constant 0 : i32
    %dma_wait3A_114 = tpu.memref_slice %arg8[%dma_wait3A, %dma_wait3A_112, %dma_wait3A_113] : memref<9x100x128xbf16, #tpu.memory_space<vmem>> -> memref<1x100x128xbf16, #tpu.memory_space<vmem>>
    %dma_wait3A_115 = tpu.memref_squeeze %dma_wait3A_114 : memref<1x100x128xbf16, #tpu.memory_space<vmem>> -> memref<100x128xbf16, #tpu.memory_space<vmem>>
    %dma_wait3A_116 = arith.constant 0 : i32
    %dma_wait3A_117 = arith.constant 0 : i32
    %dma_wait3A_118 = tpu.memref_slice %arg9[%dma_wait3A_116, %dma_wait3A_117] : memref<10000x128xbf16, #tpu.memory_space<vmem_shared>> -> memref<100x128xbf16, #tpu.memory_space<vmem_shared>>
    %dma_wait3A_119 = arith.constant 0 : i32
    %dma_wait3A_120 = arith.constant 0 : i32
    %dma_wait3A_121 = tpu.memref_slice %arg9[%dma_wait3A_119, %dma_wait3A_120] : memref<10000x128xbf16, #tpu.memory_space<vmem_shared>> -> memref<100x128xbf16, #tpu.memory_space<vmem_shared>>
    %dma_wait3A_122 = arith.constant 0 : i32
    %dma_wait3A_123 = arith.constant 0 : i32
    %dma_wait3A_124 = tpu.memref_slice %arg8[%dma_wait3A, %dma_wait3A_122, %dma_wait3A_123] : memref<9x100x128xbf16, #tpu.memory_space<vmem>> -> memref<1x100x128xbf16, #tpu.memory_space<vmem>>
    %dma_wait3A_125 = tpu.memref_squeeze %dma_wait3A_124 : memref<1x100x128xbf16, #tpu.memory_space<vmem>> -> memref<100x128xbf16, #tpu.memory_space<vmem>>
    tpu.wait_dma2 semaphore(%arg11 : memref<!tpu.dma_semaphore, #tpu.memory_space<semaphore_mem>>) src(%dma_wait3A_125 : memref<100x128xbf16, #tpu.memory_space<vmem>>) dst(%dma_wait3A_121 : memref<100x128xbf16, #tpu.memory_space<vmem_shared>>)
    %dma_wait3A_126 = arith.constant 0 : i32
    %dma_wait3A_127 = arith.constant 0 : i32
    %dma_wait3A_128 = arith.constant 0 : i32
    %dma_wait3A_129 = tpu.memref_slice %arg8[%dma_wait3A_126, %dma_wait3A_127, %dma_wait3A_128] : memref<9x100x128xbf16, #tpu.memory_space<vmem>> -> memref<1x100x128xbf16, #tpu.memory_space<vmem>>
    %dma_wait3A_130 = tpu.memref_squeeze %dma_wait3A_129 : memref<1x100x128xbf16, #tpu.memory_space<vmem>> -> memref<100x128xbf16, #tpu.memory_space<vmem>>
    %dma_wait3A_131 = arith.constant 0 : i32
    %dma_wait3A_132 = arith.constant 0 : i32
    %dma_wait3A_133 = tpu.memref_slice %arg9[%dma_wait3A_131, %dma_wait3A_132] : memref<10000x128xbf16, #tpu.memory_space<vmem_shared>> -> memref<100x128xbf16, #tpu.memory_space<vmem_shared>>
    %dma_wait3A_134 = arith.constant 0 : i32
    %dma_wait3A_135 = arith.constant 0 : i32
    %dma_wait3A_136 = tpu.memref_slice %arg9[%dma_wait3A_134, %dma_wait3A_135] : memref<10000x128xbf16, #tpu.memory_space<vmem_shared>> -> memref<100x128xbf16, #tpu.memory_space<vmem_shared>>
    %dma_wait3A_137 = arith.constant 0 : i32
    %dma_wait3A_138 = arith.constant 0 : i32
    %dma_wait3A_139 = tpu.memref_slice %arg8[%dma_wait3A_126, %dma_wait3A_137, %dma_wait3A_138] : memref<9x100x128xbf16, #tpu.memory_space<vmem>> -> memref<1x100x128xbf16, #tpu.memory_space<vmem>>
    %dma_wait3A_140 = tpu.memref_squeeze %dma_wait3A_139 : memref<1x100x128xbf16, #tpu.memory_space<vmem>> -> memref<100x128xbf16, #tpu.memory_space<vmem>>
    tpu.wait_dma2 semaphore(%arg11 : memref<!tpu.dma_semaphore, #tpu.memory_space<semaphore_mem>>) src(%dma_wait3A_140 : memref<100x128xbf16, #tpu.memory_space<vmem>>) dst(%dma_wait3A_136 : memref<100x128xbf16, #tpu.memory_space<vmem_shared>>)
    %dma_wait3A_141 = arith.constant 0 : i32
    %dma_wait3A_142 = arith.constant 0 : i32
    %dma_wait3A_143 = arith.constant 0 : i32
    %dma_wait3A_144 = tpu.memref_slice %arg8[%dma_wait3A_141, %dma_wait3A_142, %dma_wait3A_143] : memref<9x100x128xbf16, #tpu.memory_space<vmem>> -> memref<1x100x128xbf16, #tpu.memory_space<vmem>>
    %dma_wait3A_145 = tpu.memref_squeeze %dma_wait3A_144 : memref<1x100x128xbf16, #tpu.memory_space<vmem>> -> memref<100x128xbf16, #tpu.memory_space<vmem>>
    %dma_wait3A_146 = arith.constant 0 : i32
    %dma_wait3A_147 = arith.constant 0 : i32
    %dma_wait3A_148 = tpu.memref_slice %arg9[%dma_wait3A_146, %dma_wait3A_147] : memref<10000x128xbf16, #tpu.memory_space<vmem_shared>> -> memref<100x128xbf16, #tpu.memory_space<vmem_shared>>
    %dma_wait3A_149 = arith.constant 0 : i32
    %dma_wait3A_150 = arith.constant 0 : i32
    %dma_wait3A_151 = tpu.memref_slice %arg9[%dma_wait3A_149, %dma_wait3A_150] : memref<10000x128xbf16, #tpu.memory_space<vmem_shared>> -> memref<100x128xbf16, #tpu.memory_space<vmem_shared>>
    %dma_wait3A_152 = arith.constant 0 : i32
    %dma_wait3A_153 = arith.constant 0 : i32
    %dma_wait3A_154 = tpu.memref_slice %arg8[%dma_wait3A_141, %dma_wait3A_152, %dma_wait3A_153] : memref<9x100x128xbf16, #tpu.memory_space<vmem>> -> memref<1x100x128xbf16, #tpu.memory_space<vmem>>
    %dma_wait3A_155 = tpu.memref_squeeze %dma_wait3A_154 : memref<1x100x128xbf16, #tpu.memory_space<vmem>> -> memref<100x128xbf16, #tpu.memory_space<vmem>>
    tpu.wait_dma2 semaphore(%arg11 : memref<!tpu.dma_semaphore, #tpu.memory_space<semaphore_mem>>) src(%dma_wait3A_155 : memref<100x128xbf16, #tpu.memory_space<vmem>>) dst(%dma_wait3A_151 : memref<100x128xbf16, #tpu.memory_space<vmem_shared>>)
    %dma_wait3A_156 = arith.constant 0 : i32
    %dma_wait3A_157 = arith.constant 0 : i32
    %dma_wait3A_158 = arith.constant 0 : i32
    %dma_wait3A_159 = tpu.memref_slice %arg8[%dma_wait3A_156, %dma_wait3A_157, %dma_wait3A_158] : memref<9x100x128xbf16, #tpu.memory_space<vmem>> -> memref<1x100x128xbf16, #tpu.memory_space<vmem>>
    %dma_wait3A_160 = tpu.memref_squeeze %dma_wait3A_159 : memref<1x100x128xbf16, #tpu.memory_space<vmem>> -> memref<100x128xbf16, #tpu.memory_space<vmem>>
    %dma_wait3A_161 = arith.constant 0 : i32
    %dma_wait3A_162 = arith.constant 0 : i32
    %dma_wait3A_163 = tpu.memref_slice %arg9[%dma_wait3A_161, %dma_wait3A_162] : memref<10000x128xbf16, #tpu.memory_space<vmem_shared>> -> memref<100x128xbf16, #tpu.memory_space<vmem_shared>>
    %dma_wait3A_164 = arith.constant 0 : i32
    %dma_wait3A_165 = arith.constant 0 : i32
    %dma_wait3A_166 = tpu.memref_slice %arg9[%dma_wait3A_164, %dma_wait3A_165] : memref<10000x128xbf16, #tpu.memory_space<vmem_shared>> -> memref<100x128xbf16, #tpu.memory_space<vmem_shared>>
    %dma_wait3A_167 = arith.constant 0 : i32
    %dma_wait3A_168 = arith.constant 0 : i32
    %dma_wait3A_169 = tpu.memref_slice %arg8[%dma_wait3A_156, %dma_wait3A_167, %dma_wait3A_168] : memref<9x100x128xbf16, #tpu.memory_space<vmem>> -> memref<1x100x128xbf16, #tpu.memory_space<vmem>>
    %dma_wait3A_170 = tpu.memref_squeeze %dma_wait3A_169 : memref<1x100x128xbf16, #tpu.memory_space<vmem>> -> memref<100x128xbf16, #tpu.memory_space<vmem>>
    tpu.wait_dma2 semaphore(%arg11 : memref<!tpu.dma_semaphore, #tpu.memory_space<semaphore_mem>>) src(%dma_wait3A_170 : memref<100x128xbf16, #tpu.memory_space<vmem>>) dst(%dma_wait3A_166 : memref<100x128xbf16, #tpu.memory_space<vmem_shared>>)
    %dma_wait3A_171 = arith.constant 0 : i32
    %dma_wait3A_172 = arith.constant 0 : i32
    %dma_wait3A_173 = arith.constant 0 : i32
    %dma_wait3A_174 = tpu.memref_slice %arg8[%dma_wait3A_171, %dma_wait3A_172, %dma_wait3A_173] : memref<9x100x128xbf16, #tpu.memory_space<vmem>> -> memref<1x100x128xbf16, #tpu.memory_space<vmem>>
    %dma_wait3A_175 = tpu.memref_squeeze %dma_wait3A_174 : memref<1x100x128xbf16, #tpu.memory_space<vmem>> -> memref<100x128xbf16, #tpu.memory_space<vmem>>
    %dma_wait3A_176 = arith.constant 0 : i32
    %dma_wait3A_177 = arith.constant 0 : i32
    %dma_wait3A_178 = tpu.memref_slice %arg9[%dma_wait3A_176, %dma_wait3A_177] : memref<10000x128xbf16, #tpu.memory_space<vmem_shared>> -> memref<100x128xbf16, #tpu.memory_space<vmem_shared>>
    %dma_wait3A_179 = arith.constant 0 : i32
    %dma_wait3A_180 = arith.constant 0 : i32
    %dma_wait3A_181 = tpu.memref_slice %arg9[%dma_wait3A_179, %dma_wait3A_180] : memref<10000x128xbf16, #tpu.memory_space<vmem_shared>> -> memref<100x128xbf16, #tpu.memory_space<vmem_shared>>
    %dma_wait3A_182 = arith.constant 0 : i32
    %dma_wait3A_183 = arith.constant 0 : i32
    %dma_wait3A_184 = tpu.memref_slice %arg8[%dma_wait3A_171, %dma_wait3A_182, %dma_wait3A_183] : memref<9x100x128xbf16, #tpu.memory_space<vmem>> -> memref<1x100x128xbf16, #tpu.memory_space<vmem>>
    %dma_wait3A_185 = tpu.memref_squeeze %dma_wait3A_184 : memref<1x100x128xbf16, #tpu.memory_space<vmem>> -> memref<100x128xbf16, #tpu.memory_space<vmem>>
    tpu.wait_dma2 semaphore(%arg11 : memref<!tpu.dma_semaphore, #tpu.memory_space<semaphore_mem>>) src(%dma_wait3A_185 : memref<100x128xbf16, #tpu.memory_space<vmem>>) dst(%dma_wait3A_181 : memref<100x128xbf16, #tpu.memory_space<vmem_shared>>)
    %dma_wait3A_186 = arith.constant 0 : i32
    %dma_wait3A_187 = arith.constant 0 : i32
    %dma_wait3A_188 = arith.constant 0 : i32
    %dma_wait3A_189 = tpu.memref_slice %arg8[%dma_wait3A_186, %dma_wait3A_187, %dma_wait3A_188] : memref<9x100x128xbf16, #tpu.memory_space<vmem>> -> memref<1x100x128xbf16, #tpu.memory_space<vmem>>
    %dma_wait3A_190 = tpu.memref_squeeze %dma_wait3A_189 : memref<1x100x128xbf16, #tpu.memory_space<vmem>> -> memref<100x128xbf16, #tpu.memory_space<vmem>>
    %dma_wait3A_191 = arith.constant 0 : i32
    %dma_wait3A_192 = arith.constant 0 : i32
    %dma_wait3A_193 = tpu.memref_slice %arg9[%dma_wait3A_191, %dma_wait3A_192] : memref<10000x128xbf16, #tpu.memory_space<vmem_shared>> -> memref<100x128xbf16, #tpu.memory_space<vmem_shared>>
    %dma_wait3A_194 = arith.constant 0 : i32
    %dma_wait3A_195 = arith.constant 0 : i32
    %dma_wait3A_196 = tpu.memref_slice %arg9[%dma_wait3A_194, %dma_wait3A_195] : memref<10000x128xbf16, #tpu.memory_space<vmem_shared>> -> memref<100x128xbf16, #tpu.memory_space<vmem_shared>>
    %dma_wait3A_197 = arith.constant 0 : i32
    %dma_wait3A_198 = arith.constant 0 : i32
    %dma_wait3A_199 = tpu.memref_slice %arg8[%dma_wait3A_186, %dma_wait3A_197, %dma_wait3A_198] : memref<9x100x128xbf16, #tpu.memory_space<vmem>> -> memref<1x100x128xbf16, #tpu.memory_space<vmem>>
    %dma_wait3A_200 = tpu.memref_squeeze %dma_wait3A_199 : memref<1x100x128xbf16, #tpu.memory_space<vmem>> -> memref<100x128xbf16, #tpu.memory_space<vmem>>
    tpu.wait_dma2 semaphore(%arg11 : memref<!tpu.dma_semaphore, #tpu.memory_space<semaphore_mem>>) src(%dma_wait3A_200 : memref<100x128xbf16, #tpu.memory_space<vmem>>) dst(%dma_wait3A_196 : memref<100x128xbf16, #tpu.memory_space<vmem_shared>>)
    %dma_wait3A_201 = arith.constant 0 : i32
    %dma_wait3A_202 = arith.constant 0 : i32
    %dma_wait3A_203 = arith.constant 0 : i32
    %dma_wait3A_204 = tpu.memref_slice %arg8[%dma_wait3A_201, %dma_wait3A_202, %dma_wait3A_203] : memref<9x100x128xbf16, #tpu.memory_space<vmem>> -> memref<1x25x128xbf16, #tpu.memory_space<vmem>>
    %dma_wait3A_205 = tpu.memref_squeeze %dma_wait3A_204 : memref<1x25x128xbf16, #tpu.memory_space<vmem>> -> memref<25x128xbf16, #tpu.memory_space<vmem>>
    %dma_wait3A_206 = arith.constant 0 : i32
    %dma_wait3A_207 = arith.constant 0 : i32
    %dma_wait3A_208 = tpu.memref_slice %arg9[%dma_wait3A_206, %dma_wait3A_207] : memref<10000x128xbf16, #tpu.memory_space<vmem_shared>> -> memref<25x128xbf16, #tpu.memory_space<vmem_shared>>
    %dma_wait3A_209 = arith.constant 0 : i32
    %dma_wait3A_210 = arith.constant 0 : i32
    %dma_wait3A_211 = tpu.memref_slice %arg9[%dma_wait3A_209, %dma_wait3A_210] : memref<10000x128xbf16, #tpu.memory_space<vmem_shared>> -> memref<25x128xbf16, #tpu.memory_space<vmem_shared>>
    %dma_wait3A_212 = arith.constant 0 : i32
    %dma_wait3A_213 = arith.constant 0 : i32
    %dma_wait3A_214 = tpu.memref_slice %arg8[%dma_wait3A_201, %dma_wait3A_212, %dma_wait3A_213] : memref<9x100x128xbf16, #tpu.memory_space<vmem>> -> memref<1x25x128xbf16, #tpu.memory_space<vmem>>
    %dma_wait3A_215 = tpu.memref_squeeze %dma_wait3A_214 : memref<1x25x128xbf16, #tpu.memory_space<vmem>> -> memref<25x128xbf16, #tpu.memory_space<vmem>>
    tpu.wait_dma2 semaphore(%arg11 : memref<!tpu.dma_semaphore, #tpu.memory_space<semaphore_mem>>) src(%dma_wait3A_215 : memref<25x128xbf16, #tpu.memory_space<vmem>>) dst(%dma_wait3A_211 : memref<25x128xbf16, #tpu.memory_space<vmem_shared>>)
    %barrier3A = arith.constant 0 : index
    tpu.barrier barrier_id(%barrier3A)
    %dma_start3A_216 = arith.constant 0 : i32
    %dma_start3A_217 = arith.constant 0 : i32
    %dma_start3A_218 = arith.constant 0 : i32
    %dma_start3A_219 = tpu.memref_slice %arg6[%dma_start3A_217, %dma_start3A_218] : memref<9x100xi32, #tpu.memory_space<vmem>> -> memref<1x100xi32, #tpu.memory_space<vmem>>
    %dma_start3A_220 = tpu.memref_squeeze %dma_start3A_219 : memref<1x100xi32, #tpu.memory_space<vmem>> -> memref<100xi32, #tpu.memory_space<vmem>>
    %dma_start3A_221 = arith.constant 0 : i32
    %dma_start3A_222 = tpu.memref_slice %arg3[%add3A, %dma_start3A_216, %dma_start3A_221] : memref<32x100x100xi32, #tpu.memory_space<hbm>> -> memref<1x1x100xi32, #tpu.memory_space<hbm>>
    %dma_start3A_223 = tpu.memref_squeeze %dma_start3A_222 : memref<1x1x100xi32, #tpu.memory_space<hbm>> -> memref<100xi32, #tpu.memory_space<hbm>>
    %dma_start3A_224 = arith.constant 0 : i32
    %dma_start3A_225 = tpu.memref_slice %arg6[%dma_start3A_217, %dma_start3A_224] : memref<9x100xi32, #tpu.memory_space<vmem>> -> memref<1x100xi32, #tpu.memory_space<vmem>>
    %dma_start3A_226 = tpu.memref_squeeze %dma_start3A_225 : memref<1x100xi32, #tpu.memory_space<vmem>> -> memref<100xi32, #tpu.memory_space<vmem>>
    %dma_start3A_227 = arith.constant 0 : i32
    %dma_start3A_228 = tpu.memref_slice %arg3[%add3A, %dma_start3A_216, %dma_start3A_227] : memref<32x100x100xi32, #tpu.memory_space<hbm>> -> memref<1x1x100xi32, #tpu.memory_space<hbm>>
    %dma_start3A_229 = tpu.memref_squeeze %dma_start3A_228 : memref<1x1x100xi32, #tpu.memory_space<hbm>> -> memref<100xi32, #tpu.memory_space<hbm>>
    tpu.enqueue_dma source(%dma_start3A_229 : memref<100xi32, #tpu.memory_space<hbm>>) target(%dma_start3A_226 : memref<100xi32, #tpu.memory_space<vmem>>) target_semaphore(%arg12 : memref<!tpu.dma_semaphore, #tpu.memory_space<semaphore_mem>>)
    %dma_start3A_230 = arith.constant 0 : i32
    %dma_start3A_231 = arith.constant 0 : i32
    %dma_start3A_232 = arith.constant 0 : i32
    %dma_start3A_233 = tpu.memref_slice %arg7[%dma_start3A_231, %dma_start3A_232] : memref<9x100xi32, #tpu.memory_space<vmem>> -> memref<1x100xi32, #tpu.memory_space<vmem>>
    %dma_start3A_234 = tpu.memref_squeeze %dma_start3A_233 : memref<1x100xi32, #tpu.memory_space<vmem>> -> memref<100xi32, #tpu.memory_space<vmem>>
    %dma_start3A_235 = arith.constant 0 : i32
    %dma_start3A_236 = tpu.memref_slice %arg4[%add3A, %dma_start3A_230, %dma_start3A_235] : memref<32x100x100xi32, #tpu.memory_space<hbm>> -> memref<1x1x100xi32, #tpu.memory_space<hbm>>
    %dma_start3A_237 = tpu.memref_squeeze %dma_start3A_236 : memref<1x1x100xi32, #tpu.memory_space<hbm>> -> memref<100xi32, #tpu.memory_space<hbm>>
    %dma_start3A_238 = arith.constant 0 : i32
    %dma_start3A_239 = tpu.memref_slice %arg7[%dma_start3A_231, %dma_start3A_238] : memref<9x100xi32, #tpu.memory_space<vmem>> -> memref<1x100xi32, #tpu.memory_space<vmem>>
    %dma_start3A_240 = tpu.memref_squeeze %dma_start3A_239 : memref<1x100xi32, #tpu.memory_space<vmem>> -> memref<100xi32, #tpu.memory_space<vmem>>
    %dma_start3A_241 = arith.constant 0 : i32
    %dma_start3A_242 = tpu.memref_slice %arg4[%add3A, %dma_start3A_230, %dma_start3A_241] : memref<32x100x100xi32, #tpu.memory_space<hbm>> -> memref<1x1x100xi32, #tpu.memory_space<hbm>>
    %dma_start3A_243 = tpu.memref_squeeze %dma_start3A_242 : memref<1x1x100xi32, #tpu.memory_space<hbm>> -> memref<100xi32, #tpu.memory_space<hbm>>
    tpu.enqueue_dma source(%dma_start3A_243 : memref<100xi32, #tpu.memory_space<hbm>>) target(%dma_start3A_240 : memref<100xi32, #tpu.memory_space<vmem>>) target_semaphore(%arg12 : memref<!tpu.dma_semaphore, #tpu.memory_space<semaphore_mem>>)
    %dma_start3A_244 = arith.constant 1 : i32
    %dma_start3A_245 = arith.constant 1 : i32
    %dma_start3A_246 = arith.constant 0 : i32
    %dma_start3A_247 = tpu.memref_slice %arg6[%dma_start3A_245, %dma_start3A_246] : memref<9x100xi32, #tpu.memory_space<vmem>> -> memref<1x100xi32, #tpu.memory_space<vmem>>
    %dma_start3A_248 = tpu.memref_squeeze %dma_start3A_247 : memref<1x100xi32, #tpu.memory_space<vmem>> -> memref<100xi32, #tpu.memory_space<vmem>>
    %dma_start3A_249 = arith.constant 0 : i32
    %dma_start3A_250 = tpu.memref_slice %arg3[%add3A, %dma_start3A_244, %dma_start3A_249] : memref<32x100x100xi32, #tpu.memory_space<hbm>> -> memref<1x1x100xi32, #tpu.memory_space<hbm>>
    %dma_start3A_251 = tpu.memref_squeeze %dma_start3A_250 : memref<1x1x100xi32, #tpu.memory_space<hbm>> -> memref<100xi32, #tpu.memory_space<hbm>>
    %dma_start3A_252 = arith.constant 0 : i32
    %dma_start3A_253 = tpu.memref_slice %arg6[%dma_start3A_245, %dma_start3A_252] : memref<9x100xi32, #tpu.memory_space<vmem>> -> memref<1x100xi32, #tpu.memory_space<vmem>>
    %dma_start3A_254 = tpu.memref_squeeze %dma_start3A_253 : memref<1x100xi32, #tpu.memory_space<vmem>> -> memref<100xi32, #tpu.memory_space<vmem>>
    %dma_start3A_255 = arith.constant 0 : i32
    %dma_start3A_256 = tpu.memref_slice %arg3[%add3A, %dma_start3A_244, %dma_start3A_255] : memref<32x100x100xi32, #tpu.memory_space<hbm>> -> memref<1x1x100xi32, #tpu.memory_space<hbm>>
    %dma_start3A_257 = tpu.memref_squeeze %dma_start3A_256 : memref<1x1x100xi32, #tpu.memory_space<hbm>> -> memref<100xi32, #tpu.memory_space<hbm>>
    tpu.enqueue_dma source(%dma_start3A_257 : memref<100xi32, #tpu.memory_space<hbm>>) target(%dma_start3A_254 : memref<100xi32, #tpu.memory_space<vmem>>) target_semaphore(%arg12 : memref<!tpu.dma_semaphore, #tpu.memory_space<semaphore_mem>>)
    %dma_start3A_258 = arith.constant 1 : i32
    %dma_start3A_259 = arith.constant 1 : i32
    %dma_start3A_260 = arith.constant 0 : i32
    %dma_start3A_261 = tpu.memref_slice %arg7[%dma_start3A_259, %dma_start3A_260] : memref<9x100xi32, #tpu.memory_space<vmem>> -> memref<1x100xi32, #tpu.memory_space<vmem>>
    %dma_start3A_262 = tpu.memref_squeeze %dma_start3A_261 : memref<1x100xi32, #tpu.memory_space<vmem>> -> memref<100xi32, #tpu.memory_space<vmem>>
    %dma_start3A_263 = arith.constant 0 : i32
    %dma_start3A_264 = tpu.memref_slice %arg4[%add3A, %dma_start3A_258, %dma_start3A_263] : memref<32x100x100xi32, #tpu.memory_space<hbm>> -> memref<1x1x100xi32, #tpu.memory_space<hbm>>
    %dma_start3A_265 = tpu.memref_squeeze %dma_start3A_264 : memref<1x1x100xi32, #tpu.memory_space<hbm>> -> memref<100xi32, #tpu.memory_space<hbm>>
    %dma_start3A_266 = arith.constant 0 : i32
    %dma_start3A_267 = tpu.memref_slice %arg7[%dma_start3A_259, %dma_start3A_266] : memref<9x100xi32, #tpu.memory_space<vmem>> -> memref<1x100xi32, #tpu.memory_space<vmem>>
    %dma_start3A_268 = tpu.memref_squeeze %dma_start3A_267 : memref<1x100xi32, #tpu.memory_space<vmem>> -> memref<100xi32, #tpu.memory_space<vmem>>
    %dma_start3A_269 = arith.constant 0 : i32
    %dma_start3A_270 = tpu.memref_slice %arg4[%add3A, %dma_start3A_258, %dma_start3A_269] : memref<32x100x100xi32, #tpu.memory_space<hbm>> -> memref<1x1x100xi32, #tpu.memory_space<hbm>>
    %dma_start3A_271 = tpu.memref_squeeze %dma_start3A_270 : memref<1x1x100xi32, #tpu.memory_space<hbm>> -> memref<100xi32, #tpu.memory_space<hbm>>
    tpu.enqueue_dma source(%dma_start3A_271 : memref<100xi32, #tpu.memory_space<hbm>>) target(%dma_start3A_268 : memref<100xi32, #tpu.memory_space<vmem>>) target_semaphore(%arg12 : memref<!tpu.dma_semaphore, #tpu.memory_space<semaphore_mem>>)
    %dma_start3A_272 = arith.constant 2 : i32
    %dma_start3A_273 = arith.constant 2 : i32
    %dma_start3A_274 = arith.constant 0 : i32
    %dma_start3A_275 = tpu.memref_slice %arg6[%dma_start3A_273, %dma_start3A_274] : memref<9x100xi32, #tpu.memory_space<vmem>> -> memref<1x100xi32, #tpu.memory_space<vmem>>
    %dma_start3A_276 = tpu.memref_squeeze %dma_start3A_275 : memref<1x100xi32, #tpu.memory_space<vmem>> -> memref<100xi32, #tpu.memory_space<vmem>>
    %dma_start3A_277 = arith.constant 0 : i32
    %dma_start3A_278 = tpu.memref_slice %arg3[%add3A, %dma_start3A_272, %dma_start3A_277] : memref<32x100x100xi32, #tpu.memory_space<hbm>> -> memref<1x1x100xi32, #tpu.memory_space<hbm>>
    %dma_start3A_279 = tpu.memref_squeeze %dma_start3A_278 : memref<1x1x100xi32, #tpu.memory_space<hbm>> -> memref<100xi32, #tpu.memory_space<hbm>>
    %dma_start3A_280 = arith.constant 0 : i32
    %dma_start3A_281 = tpu.memref_slice %arg6[%dma_start3A_273, %dma_start3A_280] : memref<9x100xi32, #tpu.memory_space<vmem>> -> memref<1x100xi32, #tpu.memory_space<vmem>>
    %dma_start3A_282 = tpu.memref_squeeze %dma_start3A_281 : memref<1x100xi32, #tpu.memory_space<vmem>> -> memref<100xi32, #tpu.memory_space<vmem>>
    %dma_start3A_283 = arith.constant 0 : i32
    %dma_start3A_284 = tpu.memref_slice %arg3[%add3A, %dma_start3A_272, %dma_start3A_283] : memref<32x100x100xi32, #tpu.memory_space<hbm>> -> memref<1x1x100xi32, #tpu.memory_space<hbm>>
    %dma_start3A_285 = tpu.memref_squeeze %dma_start3A_284 : memref<1x1x100xi32, #tpu.memory_space<hbm>> -> memref<100xi32, #tpu.memory_space<hbm>>
    tpu.enqueue_dma source(%dma_start3A_285 : memref<100xi32, #tpu.memory_space<hbm>>) target(%dma_start3A_282 : memref<100xi32, #tpu.memory_space<vmem>>) target_semaphore(%arg12 : memref<!tpu.dma_semaphore, #tpu.memory_space<semaphore_mem>>)
    %dma_start3A_286 = arith.constant 2 : i32
    %dma_start3A_287 = arith.constant 2 : i32
    %dma_start3A_288 = arith.constant 0 : i32
    %dma_start3A_289 = tpu.memref_slice %arg7[%dma_start3A_287, %dma_start3A_288] : memref<9x100xi32, #tpu.memory_space<vmem>> -> memref<1x100xi32, #tpu.memory_space<vmem>>
    %dma_start3A_290 = tpu.memref_squeeze %dma_start3A_289 : memref<1x100xi32, #tpu.memory_space<vmem>> -> memref<100xi32, #tpu.memory_space<vmem>>
    %dma_start3A_291 = arith.constant 0 : i32
    %dma_start3A_292 = tpu.memref_slice %arg4[%add3A, %dma_start3A_286, %dma_start3A_291] : memref<32x100x100xi32, #tpu.memory_space<hbm>> -> memref<1x1x100xi32, #tpu.memory_space<hbm>>
    %dma_start3A_293 = tpu.memref_squeeze %dma_start3A_292 : memref<1x1x100xi32, #tpu.memory_space<hbm>> -> memref<100xi32, #tpu.memory_space<hbm>>
    %dma_start3A_294 = arith.constant 0 : i32
    %dma_start3A_295 = tpu.memref_slice %arg7[%dma_start3A_287, %dma_start3A_294] : memref<9x100xi32, #tpu.memory_space<vmem>> -> memref<1x100xi32, #tpu.memory_space<vmem>>
    %dma_start3A_296 = tpu.memref_squeeze %dma_start3A_295 : memref<1x100xi32, #tpu.memory_space<vmem>> -> memref<100xi32, #tpu.memory_space<vmem>>
    %dma_start3A_297 = arith.constant 0 : i32
    %dma_start3A_298 = tpu.memref_slice %arg4[%add3A, %dma_start3A_286, %dma_start3A_297] : memref<32x100x100xi32, #tpu.memory_space<hbm>> -> memref<1x1x100xi32, #tpu.memory_space<hbm>>
    %dma_start3A_299 = tpu.memref_squeeze %dma_start3A_298 : memref<1x1x100xi32, #tpu.memory_space<hbm>> -> memref<100xi32, #tpu.memory_space<hbm>>
    tpu.enqueue_dma source(%dma_start3A_299 : memref<100xi32, #tpu.memory_space<hbm>>) target(%dma_start3A_296 : memref<100xi32, #tpu.memory_space<vmem>>) target_semaphore(%arg12 : memref<!tpu.dma_semaphore, #tpu.memory_space<semaphore_mem>>)
    %dma_wait3A_300 = arith.constant 0 : i32
    %dma_wait3A_301 = arith.constant 0 : i32
    %dma_wait3A_302 = arith.constant 0 : i32
    %dma_wait3A_303 = tpu.memref_slice %arg6[%dma_wait3A_301, %dma_wait3A_302] : memref<9x100xi32, #tpu.memory_space<vmem>> -> memref<1x100xi32, #tpu.memory_space<vmem>>
    %dma_wait3A_304 = tpu.memref_squeeze %dma_wait3A_303 : memref<1x100xi32, #tpu.memory_space<vmem>> -> memref<100xi32, #tpu.memory_space<vmem>>
    %dma_wait3A_305 = arith.constant 0 : i32
    %dma_wait3A_306 = tpu.memref_slice %arg3[%add3A, %dma_wait3A_300, %dma_wait3A_305] : memref<32x100x100xi32, #tpu.memory_space<hbm>> -> memref<1x1x100xi32, #tpu.memory_space<hbm>>
    %dma_wait3A_307 = tpu.memref_squeeze %dma_wait3A_306 : memref<1x1x100xi32, #tpu.memory_space<hbm>> -> memref<100xi32, #tpu.memory_space<hbm>>
    %dma_wait3A_308 = arith.constant 0 : i32
    %dma_wait3A_309 = tpu.memref_slice %arg6[%dma_wait3A_301, %dma_wait3A_308] : memref<9x100xi32, #tpu.memory_space<vmem>> -> memref<1x100xi32, #tpu.memory_space<vmem>>
    %dma_wait3A_310 = tpu.memref_squeeze %dma_wait3A_309 : memref<1x100xi32, #tpu.memory_space<vmem>> -> memref<100xi32, #tpu.memory_space<vmem>>
    %dma_wait3A_311 = arith.constant 0 : i32
    %dma_wait3A_312 = tpu.memref_slice %arg3[%add3A, %dma_wait3A_300, %dma_wait3A_311] : memref<32x100x100xi32, #tpu.memory_space<hbm>> -> memref<1x1x100xi32, #tpu.memory_space<hbm>>
    %dma_wait3A_313 = tpu.memref_squeeze %dma_wait3A_312 : memref<1x1x100xi32, #tpu.memory_space<hbm>> -> memref<100xi32, #tpu.memory_space<hbm>>
    tpu.wait_dma2 semaphore(%arg12 : memref<!tpu.dma_semaphore, #tpu.memory_space<semaphore_mem>>) src(%dma_wait3A_313 : memref<100xi32, #tpu.memory_space<hbm>>) dst(%dma_wait3A_310 : memref<100xi32, #tpu.memory_space<vmem>>)
    %dma_wait3A_314 = arith.constant 0 : i32
    %dma_wait3A_315 = arith.constant 0 : i32
    %dma_wait3A_316 = arith.constant 0 : i32
    %dma_wait3A_317 = tpu.memref_slice %arg7[%dma_wait3A_315, %dma_wait3A_316] : memref<9x100xi32, #tpu.memory_space<vmem>> -> memref<1x100xi32, #tpu.memory_space<vmem>>
    %dma_wait3A_318 = tpu.memref_squeeze %dma_wait3A_317 : memref<1x100xi32, #tpu.memory_space<vmem>> -> memref<100xi32, #tpu.memory_space<vmem>>
    %dma_wait3A_319 = arith.constant 0 : i32
    %dma_wait3A_320 = tpu.memref_slice %arg4[%add3A, %dma_wait3A_314, %dma_wait3A_319] : memref<32x100x100xi32, #tpu.memory_space<hbm>> -> memref<1x1x100xi32, #tpu.memory_space<hbm>>
    %dma_wait3A_321 = tpu.memref_squeeze %dma_wait3A_320 : memref<1x1x100xi32, #tpu.memory_space<hbm>> -> memref<100xi32, #tpu.memory_space<hbm>>
    %dma_wait3A_322 = arith.constant 0 : i32
    %dma_wait3A_323 = tpu.memref_slice %arg7[%dma_wait3A_315, %dma_wait3A_322] : memref<9x100xi32, #tpu.memory_space<vmem>> -> memref<1x100xi32, #tpu.memory_space<vmem>>
    %dma_wait3A_324 = tpu.memref_squeeze %dma_wait3A_323 : memref<1x100xi32, #tpu.memory_space<vmem>> -> memref<100xi32, #tpu.memory_space<vmem>>
    %dma_wait3A_325 = arith.constant 0 : i32
    %dma_wait3A_326 = tpu.memref_slice %arg4[%add3A, %dma_wait3A_314, %dma_wait3A_325] : memref<32x100x100xi32, #tpu.memory_space<hbm>> -> memref<1x1x100xi32, #tpu.memory_space<hbm>>
    %dma_wait3A_327 = tpu.memref_squeeze %dma_wait3A_326 : memref<1x1x100xi32, #tpu.memory_space<hbm>> -> memref<100xi32, #tpu.memory_space<hbm>>
    tpu.wait_dma2 semaphore(%arg12 : memref<!tpu.dma_semaphore, #tpu.memory_space<semaphore_mem>>) src(%dma_wait3A_327 : memref<100xi32, #tpu.memory_space<hbm>>) dst(%dma_wait3A_324 : memref<100xi32, #tpu.memory_space<vmem>>)
    %dma_start3A_328 = arith.constant 0 : i32
    %dma_start3A_329 = arith.constant 0 : i32
    %dma_start3A_330 = arith.constant 0 : i32
    %dma_start3A_331 = arith.constant 0 : i32
    %dma_start3A_332 = tpu.memref_slice %arg8[%dma_start3A_329, %dma_start3A_330, %dma_start3A_331] : memref<9x100x128xbf16, #tpu.memory_space<vmem>> -> memref<1x100x128xbf16, #tpu.memory_space<vmem>>
    %dma_start3A_333 = tpu.memref_squeeze %dma_start3A_332 : memref<1x100x128xbf16, #tpu.memory_space<vmem>> -> memref<100x128xbf16, #tpu.memory_space<vmem>>
    %dma_start3A_334 = arith.constant 0 : i32
    %dma_start3A_335 = tpu.memref_slice %arg6[%dma_start3A_328, %dma_start3A_334] : memref<9x100xi32, #tpu.memory_space<vmem>> -> memref<1x100xi32, #tpu.memory_space<vmem>>
    %dma_start3A_336 = tpu.memref_squeeze %dma_start3A_335 : memref<1x100xi32, #tpu.memory_space<vmem>> -> memref<100xi32, #tpu.memory_space<vmem>>
    %dma_start3A_337 = arith.constant 0 : i32
    %dma_start3A_338 = arith.constant 0 : i32
    %dma_start3A_339 = tpu.memref_slice %arg2[%dma_start3A_337, %dma_start3A_338] : memref<10000x128xbf16, #tpu.memory_space<hbm>> -> memref<10000x128xbf16, #tpu.memory_space<hbm>>
    tpu.enqueue_indirect_dma source(%dma_start3A_339 : memref<10000x128xbf16, #tpu.memory_space<hbm>>) target(%dma_start3A_333 : memref<100x128xbf16, #tpu.memory_space<vmem>>) offsets(%dma_start3A_336 : memref<100xi32, #tpu.memory_space<vmem>>) semaphore(%arg10 : memref<!tpu.dma_semaphore, #tpu.memory_space<semaphore_mem>>)
    %dma_wait3A_340 = arith.constant 0 : i32
    %dma_wait3A_341 = arith.constant 1 : i32
    %dma_wait3A_342 = arith.constant 0 : i32
    %dma_wait3A_343 = tpu.memref_slice %arg6[%dma_wait3A_341, %dma_wait3A_342] : memref<9x100xi32, #tpu.memory_space<vmem>> -> memref<1x100xi32, #tpu.memory_space<vmem>>
    %dma_wait3A_344 = tpu.memref_squeeze %dma_wait3A_343 : memref<1x100xi32, #tpu.memory_space<vmem>> -> memref<100xi32, #tpu.memory_space<vmem>>
    %dma_wait3A_345 = arith.constant 0 : i32
    %dma_wait3A_346 = tpu.memref_slice %arg3[%add3A, %dma_wait3A_340, %dma_wait3A_345] : memref<32x100x100xi32, #tpu.memory_space<hbm>> -> memref<1x1x100xi32, #tpu.memory_space<hbm>>
    %dma_wait3A_347 = tpu.memref_squeeze %dma_wait3A_346 : memref<1x1x100xi32, #tpu.memory_space<hbm>> -> memref<100xi32, #tpu.memory_space<hbm>>
    %dma_wait3A_348 = arith.constant 0 : i32
    %dma_wait3A_349 = tpu.memref_slice %arg6[%dma_wait3A_341, %dma_wait3A_348] : memref<9x100xi32, #tpu.memory_space<vmem>> -> memref<1x100xi32, #tpu.memory_space<vmem>>
    %dma_wait3A_350 = tpu.memref_squeeze %dma_wait3A_349 : memref<1x100xi32, #tpu.memory_space<vmem>> -> memref<100xi32, #tpu.memory_space<vmem>>
    %dma_wait3A_351 = arith.constant 0 : i32
    %dma_wait3A_352 = tpu.memref_slice %arg3[%add3A, %dma_wait3A_340, %dma_wait3A_351] : memref<32x100x100xi32, #tpu.memory_space<hbm>> -> memref<1x1x100xi32, #tpu.memory_space<hbm>>
    %dma_wait3A_353 = tpu.memref_squeeze %dma_wait3A_352 : memref<1x1x100xi32, #tpu.memory_space<hbm>> -> memref<100xi32, #tpu.memory_space<hbm>>
    tpu.wait_dma2 semaphore(%arg12 : memref<!tpu.dma_semaphore, #tpu.memory_space<semaphore_mem>>) src(%dma_wait3A_353 : memref<100xi32, #tpu.memory_space<hbm>>) dst(%dma_wait3A_350 : memref<100xi32, #tpu.memory_space<vmem>>)
    %dma_wait3A_354 = arith.constant 0 : i32
    %dma_wait3A_355 = arith.constant 1 : i32
    %dma_wait3A_356 = arith.constant 0 : i32
    %dma_wait3A_357 = tpu.memref_slice %arg7[%dma_wait3A_355, %dma_wait3A_356] : memref<9x100xi32, #tpu.memory_space<vmem>> -> memref<1x100xi32, #tpu.memory_space<vmem>>
    %dma_wait3A_358 = tpu.memref_squeeze %dma_wait3A_357 : memref<1x100xi32, #tpu.memory_space<vmem>> -> memref<100xi32, #tpu.memory_space<vmem>>
    %dma_wait3A_359 = arith.constant 0 : i32
    %dma_wait3A_360 = tpu.memref_slice %arg4[%add3A, %dma_wait3A_354, %dma_wait3A_359] : memref<32x100x100xi32, #tpu.memory_space<hbm>> -> memref<1x1x100xi32, #tpu.memory_space<hbm>>
    %dma_wait3A_361 = tpu.memref_squeeze %dma_wait3A_360 : memref<1x1x100xi32, #tpu.memory_space<hbm>> -> memref<100xi32, #tpu.memory_space<hbm>>
    %dma_wait3A_362 = arith.constant 0 : i32
    %dma_wait3A_363 = tpu.memref_slice %arg7[%dma_wait3A_355, %dma_wait3A_362] : memref<9x100xi32, #tpu.memory_space<vmem>> -> memref<1x100xi32, #tpu.memory_space<vmem>>
    %dma_wait3A_364 = tpu.memref_squeeze %dma_wait3A_363 : memref<1x100xi32, #tpu.memory_space<vmem>> -> memref<100xi32, #tpu.memory_space<vmem>>
    %dma_wait3A_365 = arith.constant 0 : i32
    %dma_wait3A_366 = tpu.memref_slice %arg4[%add3A, %dma_wait3A_354, %dma_wait3A_365] : memref<32x100x100xi32, #tpu.memory_space<hbm>> -> memref<1x1x100xi32, #tpu.memory_space<hbm>>
    %dma_wait3A_367 = tpu.memref_squeeze %dma_wait3A_366 : memref<1x1x100xi32, #tpu.memory_space<hbm>> -> memref<100xi32, #tpu.memory_space<hbm>>
    tpu.wait_dma2 semaphore(%arg12 : memref<!tpu.dma_semaphore, #tpu.memory_space<semaphore_mem>>) src(%dma_wait3A_367 : memref<100xi32, #tpu.memory_space<hbm>>) dst(%dma_wait3A_364 : memref<100xi32, #tpu.memory_space<vmem>>)
    %dma_start3A_368 = arith.constant 1 : i32
    %dma_start3A_369 = arith.constant 1 : i32
    %dma_start3A_370 = arith.constant 0 : i32
    %dma_start3A_371 = arith.constant 0 : i32
    %dma_start3A_372 = tpu.memref_slice %arg8[%dma_start3A_369, %dma_start3A_370, %dma_start3A_371] : memref<9x100x128xbf16, #tpu.memory_space<vmem>> -> memref<1x100x128xbf16, #tpu.memory_space<vmem>>
    %dma_start3A_373 = tpu.memref_squeeze %dma_start3A_372 : memref<1x100x128xbf16, #tpu.memory_space<vmem>> -> memref<100x128xbf16, #tpu.memory_space<vmem>>
    %dma_start3A_374 = arith.constant 0 : i32
    %dma_start3A_375 = tpu.memref_slice %arg6[%dma_start3A_368, %dma_start3A_374] : memref<9x100xi32, #tpu.memory_space<vmem>> -> memref<1x100xi32, #tpu.memory_space<vmem>>
    %dma_start3A_376 = tpu.memref_squeeze %dma_start3A_375 : memref<1x100xi32, #tpu.memory_space<vmem>> -> memref<100xi32, #tpu.memory_space<vmem>>
    %dma_start3A_377 = arith.constant 0 : i32
    %dma_start3A_378 = arith.constant 0 : i32
    %dma_start3A_379 = tpu.memref_slice %arg2[%dma_start3A_377, %dma_start3A_378] : memref<10000x128xbf16, #tpu.memory_space<hbm>> -> memref<10000x128xbf16, #tpu.memory_space<hbm>>
    tpu.enqueue_indirect_dma source(%dma_start3A_379 : memref<10000x128xbf16, #tpu.memory_space<hbm>>) target(%dma_start3A_373 : memref<100x128xbf16, #tpu.memory_space<vmem>>) offsets(%dma_start3A_376 : memref<100xi32, #tpu.memory_space<vmem>>) semaphore(%arg10 : memref<!tpu.dma_semaphore, #tpu.memory_space<semaphore_mem>>)
    %dma_wait3A_380 = arith.constant 0 : i32
    %dma_wait3A_381 = arith.constant 2 : i32
    %dma_wait3A_382 = arith.constant 0 : i32
    %dma_wait3A_383 = tpu.memref_slice %arg6[%dma_wait3A_381, %dma_wait3A_382] : memref<9x100xi32, #tpu.memory_space<vmem>> -> memref<1x100xi32, #tpu.memory_space<vmem>>
    %dma_wait3A_384 = tpu.memref_squeeze %dma_wait3A_383 : memref<1x100xi32, #tpu.memory_space<vmem>> -> memref<100xi32, #tpu.memory_space<vmem>>
    %dma_wait3A_385 = arith.constant 0 : i32
    %dma_wait3A_386 = tpu.memref_slice %arg3[%add3A, %dma_wait3A_380, %dma_wait3A_385] : memref<32x100x100xi32, #tpu.memory_space<hbm>> -> memref<1x1x100xi32, #tpu.memory_space<hbm>>
    %dma_wait3A_387 = tpu.memref_squeeze %dma_wait3A_386 : memref<1x1x100xi32, #tpu.memory_space<hbm>> -> memref<100xi32, #tpu.memory_space<hbm>>
    %dma_wait3A_388 = arith.constant 0 : i32
    %dma_wait3A_389 = tpu.memref_slice %arg6[%dma_wait3A_381, %dma_wait3A_388] : memref<9x100xi32, #tpu.memory_space<vmem>> -> memref<1x100xi32, #tpu.memory_space<vmem>>
    %dma_wait3A_390 = tpu.memref_squeeze %dma_wait3A_389 : memref<1x100xi32, #tpu.memory_space<vmem>> -> memref<100xi32, #tpu.memory_space<vmem>>
    %dma_wait3A_391 = arith.constant 0 : i32
    %dma_wait3A_392 = tpu.memref_slice %arg3[%add3A, %dma_wait3A_380, %dma_wait3A_391] : memref<32x100x100xi32, #tpu.memory_space<hbm>> -> memref<1x1x100xi32, #tpu.memory_space<hbm>>
    %dma_wait3A_393 = tpu.memref_squeeze %dma_wait3A_392 : memref<1x1x100xi32, #tpu.memory_space<hbm>> -> memref<100xi32, #tpu.memory_space<hbm>>
    tpu.wait_dma2 semaphore(%arg12 : memref<!tpu.dma_semaphore, #tpu.memory_space<semaphore_mem>>) src(%dma_wait3A_393 : memref<100xi32, #tpu.memory_space<hbm>>) dst(%dma_wait3A_390 : memref<100xi32, #tpu.memory_space<vmem>>)
    %dma_wait3A_394 = arith.constant 0 : i32
    %dma_wait3A_395 = arith.constant 2 : i32
    %dma_wait3A_396 = arith.constant 0 : i32
    %dma_wait3A_397 = tpu.memref_slice %arg7[%dma_wait3A_395, %dma_wait3A_396] : memref<9x100xi32, #tpu.memory_space<vmem>> -> memref<1x100xi32, #tpu.memory_space<vmem>>
    %dma_wait3A_398 = tpu.memref_squeeze %dma_wait3A_397 : memref<1x100xi32, #tpu.memory_space<vmem>> -> memref<100xi32, #tpu.memory_space<vmem>>
    %dma_wait3A_399 = arith.constant 0 : i32
    %dma_wait3A_400 = tpu.memref_slice %arg4[%add3A, %dma_wait3A_394, %dma_wait3A_399] : memref<32x100x100xi32, #tpu.memory_space<hbm>> -> memref<1x1x100xi32, #tpu.memory_space<hbm>>
    %dma_wait3A_401 = tpu.memref_squeeze %dma_wait3A_400 : memref<1x1x100xi32, #tpu.memory_space<hbm>> -> memref<100xi32, #tpu.memory_space<hbm>>
    %dma_wait3A_402 = arith.constant 0 : i32
    %dma_wait3A_403 = tpu.memref_slice %arg7[%dma_wait3A_395, %dma_wait3A_402] : memref<9x100xi32, #tpu.memory_space<vmem>> -> memref<1x100xi32, #tpu.memory_space<vmem>>
    %dma_wait3A_404 = tpu.memref_squeeze %dma_wait3A_403 : memref<1x100xi32, #tpu.memory_space<vmem>> -> memref<100xi32, #tpu.memory_space<vmem>>
    %dma_wait3A_405 = arith.constant 0 : i32
    %dma_wait3A_406 = tpu.memref_slice %arg4[%add3A, %dma_wait3A_394, %dma_wait3A_405] : memref<32x100x100xi32, #tpu.memory_space<hbm>> -> memref<1x1x100xi32, #tpu.memory_space<hbm>>
    %dma_wait3A_407 = tpu.memref_squeeze %dma_wait3A_406 : memref<1x1x100xi32, #tpu.memory_space<hbm>> -> memref<100xi32, #tpu.memory_space<hbm>>
    tpu.wait_dma2 semaphore(%arg12 : memref<!tpu.dma_semaphore, #tpu.memory_space<semaphore_mem>>) src(%dma_wait3A_407 : memref<100xi32, #tpu.memory_space<hbm>>) dst(%dma_wait3A_404 : memref<100xi32, #tpu.memory_space<vmem>>)
    %dma_start3A_408 = arith.constant 2 : i32
    %dma_start3A_409 = arith.constant 2 : i32
    %dma_start3A_410 = arith.constant 0 : i32
    %dma_start3A_411 = arith.constant 0 : i32
    %dma_start3A_412 = tpu.memref_slice %arg8[%dma_start3A_409, %dma_start3A_410, %dma_start3A_411] : memref<9x100x128xbf16, #tpu.memory_space<vmem>> -> memref<1x100x128xbf16, #tpu.memory_space<vmem>>
    %dma_start3A_413 = tpu.memref_squeeze %dma_start3A_412 : memref<1x100x128xbf16, #tpu.memory_space<vmem>> -> memref<100x128xbf16, #tpu.memory_space<vmem>>
    %dma_start3A_414 = arith.constant 0 : i32
    %dma_start3A_415 = tpu.memref_slice %arg6[%dma_start3A_408, %dma_start3A_414] : memref<9x100xi32, #tpu.memory_space<vmem>> -> memref<1x100xi32, #tpu.memory_space<vmem>>
    %dma_start3A_416 = tpu.memref_squeeze %dma_start3A_415 : memref<1x100xi32, #tpu.memory_space<vmem>> -> memref<100xi32, #tpu.memory_space<vmem>>
    %dma_start3A_417 = arith.constant 0 : i32
    %dma_start3A_418 = arith.constant 0 : i32
    %dma_start3A_419 = tpu.memref_slice %arg2[%dma_start3A_417, %dma_start3A_418] : memref<10000x128xbf16, #tpu.memory_space<hbm>> -> memref<10000x128xbf16, #tpu.memory_space<hbm>>
    tpu.enqueue_indirect_dma source(%dma_start3A_419 : memref<10000x128xbf16, #tpu.memory_space<hbm>>) target(%dma_start3A_413 : memref<100x128xbf16, #tpu.memory_space<vmem>>) offsets(%dma_start3A_416 : memref<100xi32, #tpu.memory_space<vmem>>) semaphore(%arg10 : memref<!tpu.dma_semaphore, #tpu.memory_space<semaphore_mem>>)
    %dma_start3A_420 = arith.constant 3 : i32
    %dma_start3A_421 = arith.constant 3 : i32
    %dma_start3A_422 = arith.constant 0 : i32
    %dma_start3A_423 = tpu.memref_slice %arg6[%dma_start3A_421, %dma_start3A_422] : memref<9x100xi32, #tpu.memory_space<vmem>> -> memref<1x100xi32, #tpu.memory_space<vmem>>
    %dma_start3A_424 = tpu.memref_squeeze %dma_start3A_423 : memref<1x100xi32, #tpu.memory_space<vmem>> -> memref<100xi32, #tpu.memory_space<vmem>>
    %dma_start3A_425 = arith.constant 0 : i32
    %dma_start3A_426 = tpu.memref_slice %arg3[%add3A, %dma_start3A_420, %dma_start3A_425] : memref<32x100x100xi32, #tpu.memory_space<hbm>> -> memref<1x1x100xi32, #tpu.memory_space<hbm>>
    %dma_start3A_427 = tpu.memref_squeeze %dma_start3A_426 : memref<1x1x100xi32, #tpu.memory_space<hbm>> -> memref<100xi32, #tpu.memory_space<hbm>>
    %dma_start3A_428 = arith.constant 0 : i32
    %dma_start3A_429 = tpu.memref_slice %arg6[%dma_start3A_421, %dma_start3A_428] : memref<9x100xi32, #tpu.memory_space<vmem>> -> memref<1x100xi32, #tpu.memory_space<vmem>>
    %dma_start3A_430 = tpu.memref_squeeze %dma_start3A_429 : memref<1x100xi32, #tpu.memory_space<vmem>> -> memref<100xi32, #tpu.memory_space<vmem>>
    %dma_start3A_431 = arith.constant 0 : i32
    %dma_start3A_432 = tpu.memref_slice %arg3[%add3A, %dma_start3A_420, %dma_start3A_431] : memref<32x100x100xi32, #tpu.memory_space<hbm>> -> memref<1x1x100xi32, #tpu.memory_space<hbm>>
    %dma_start3A_433 = tpu.memref_squeeze %dma_start3A_432 : memref<1x1x100xi32, #tpu.memory_space<hbm>> -> memref<100xi32, #tpu.memory_space<hbm>>
    tpu.enqueue_dma source(%dma_start3A_433 : memref<100xi32, #tpu.memory_space<hbm>>) target(%dma_start3A_430 : memref<100xi32, #tpu.memory_space<vmem>>) target_semaphore(%arg12 : memref<!tpu.dma_semaphore, #tpu.memory_space<semaphore_mem>>)
    %dma_start3A_434 = arith.constant 3 : i32
    %dma_start3A_435 = arith.constant 3 : i32
    %dma_start3A_436 = arith.constant 0 : i32
    %dma_start3A_437 = tpu.memref_slice %arg7[%dma_start3A_435, %dma_start3A_436] : memref<9x100xi32, #tpu.memory_space<vmem>> -> memref<1x100xi32, #tpu.memory_space<vmem>>
    %dma_start3A_438 = tpu.memref_squeeze %dma_start3A_437 : memref<1x100xi32, #tpu.memory_space<vmem>> -> memref<100xi32, #tpu.memory_space<vmem>>
    %dma_start3A_439 = arith.constant 0 : i32
    %dma_start3A_440 = tpu.memref_slice %arg4[%add3A, %dma_start3A_434, %dma_start3A_439] : memref<32x100x100xi32, #tpu.memory_space<hbm>> -> memref<1x1x100xi32, #tpu.memory_space<hbm>>
    %dma_start3A_441 = tpu.memref_squeeze %dma_start3A_440 : memref<1x1x100xi32, #tpu.memory_space<hbm>> -> memref<100xi32, #tpu.memory_space<hbm>>
    %dma_start3A_442 = arith.constant 0 : i32
    %dma_start3A_443 = tpu.memref_slice %arg7[%dma_start3A_435, %dma_start3A_442] : memref<9x100xi32, #tpu.memory_space<vmem>> -> memref<1x100xi32, #tpu.memory_space<vmem>>
    %dma_start3A_444 = tpu.memref_squeeze %dma_start3A_443 : memref<1x100xi32, #tpu.memory_space<vmem>> -> memref<100xi32, #tpu.memory_space<vmem>>
    %dma_start3A_445 = arith.constant 0 : i32
    %dma_start3A_446 = tpu.memref_slice %arg4[%add3A, %dma_start3A_434, %dma_start3A_445] : memref<32x100x100xi32, #tpu.memory_space<hbm>> -> memref<1x1x100xi32, #tpu.memory_space<hbm>>
    %dma_start3A_447 = tpu.memref_squeeze %dma_start3A_446 : memref<1x1x100xi32, #tpu.memory_space<hbm>> -> memref<100xi32, #tpu.memory_space<hbm>>
    tpu.enqueue_dma source(%dma_start3A_447 : memref<100xi32, #tpu.memory_space<hbm>>) target(%dma_start3A_444 : memref<100xi32, #tpu.memory_space<vmem>>) target_semaphore(%arg12 : memref<!tpu.dma_semaphore, #tpu.memory_space<semaphore_mem>>)
    %dma_start3A_448 = arith.constant 4 : i32
    %dma_start3A_449 = arith.constant 4 : i32
    %dma_start3A_450 = arith.constant 0 : i32
    %dma_start3A_451 = tpu.memref_slice %arg6[%dma_start3A_449, %dma_start3A_450] : memref<9x100xi32, #tpu.memory_space<vmem>> -> memref<1x100xi32, #tpu.memory_space<vmem>>
    %dma_start3A_452 = tpu.memref_squeeze %dma_start3A_451 : memref<1x100xi32, #tpu.memory_space<vmem>> -> memref<100xi32, #tpu.memory_space<vmem>>
    %dma_start3A_453 = arith.constant 0 : i32
    %dma_start3A_454 = tpu.memref_slice %arg3[%add3A, %dma_start3A_448, %dma_start3A_453] : memref<32x100x100xi32, #tpu.memory_space<hbm>> -> memref<1x1x100xi32, #tpu.memory_space<hbm>>
    %dma_start3A_455 = tpu.memref_squeeze %dma_start3A_454 : memref<1x1x100xi32, #tpu.memory_space<hbm>> -> memref<100xi32, #tpu.memory_space<hbm>>
    %dma_start3A_456 = arith.constant 0 : i32
    %dma_start3A_457 = tpu.memref_slice %arg6[%dma_start3A_449, %dma_start3A_456] : memref<9x100xi32, #tpu.memory_space<vmem>> -> memref<1x100xi32, #tpu.memory_space<vmem>>
    %dma_start3A_458 = tpu.memref_squeeze %dma_start3A_457 : memref<1x100xi32, #tpu.memory_space<vmem>> -> memref<100xi32, #tpu.memory_space<vmem>>
    %dma_start3A_459 = arith.constant 0 : i32
    %dma_start3A_460 = tpu.memref_slice %arg3[%add3A, %dma_start3A_448, %dma_start3A_459] : memref<32x100x100xi32, #tpu.memory_space<hbm>> -> memref<1x1x100xi32, #tpu.memory_space<hbm>>
    %dma_start3A_461 = tpu.memref_squeeze %dma_start3A_460 : memref<1x1x100xi32, #tpu.memory_space<hbm>> -> memref<100xi32, #tpu.memory_space<hbm>>
    tpu.enqueue_dma source(%dma_start3A_461 : memref<100xi32, #tpu.memory_space<hbm>>) target(%dma_start3A_458 : memref<100xi32, #tpu.memory_space<vmem>>) target_semaphore(%arg12 : memref<!tpu.dma_semaphore, #tpu.memory_space<semaphore_mem>>)
    %dma_start3A_462 = arith.constant 4 : i32
    %dma_start3A_463 = arith.constant 4 : i32
    %dma_start3A_464 = arith.constant 0 : i32
    %dma_start3A_465 = tpu.memref_slice %arg7[%dma_start3A_463, %dma_start3A_464] : memref<9x100xi32, #tpu.memory_space<vmem>> -> memref<1x100xi32, #tpu.memory_space<vmem>>
    %dma_start3A_466 = tpu.memref_squeeze %dma_start3A_465 : memref<1x100xi32, #tpu.memory_space<vmem>> -> memref<100xi32, #tpu.memory_space<vmem>>
    %dma_start3A_467 = arith.constant 0 : i32
    %dma_start3A_468 = tpu.memref_slice %arg4[%add3A, %dma_start3A_462, %dma_start3A_467] : memref<32x100x100xi32, #tpu.memory_space<hbm>> -> memref<1x1x100xi32, #tpu.memory_space<hbm>>
    %dma_start3A_469 = tpu.memref_squeeze %dma_start3A_468 : memref<1x1x100xi32, #tpu.memory_space<hbm>> -> memref<100xi32, #tpu.memory_space<hbm>>
    %dma_start3A_470 = arith.constant 0 : i32
    %dma_start3A_471 = tpu.memref_slice %arg7[%dma_start3A_463, %dma_start3A_470] : memref<9x100xi32, #tpu.memory_space<vmem>> -> memref<1x100xi32, #tpu.memory_space<vmem>>
    %dma_start3A_472 = tpu.memref_squeeze %dma_start3A_471 : memref<1x100xi32, #tpu.memory_space<vmem>> -> memref<100xi32, #tpu.memory_space<vmem>>
    %dma_start3A_473 = arith.constant 0 : i32
    %dma_start3A_474 = tpu.memref_slice %arg4[%add3A, %dma_start3A_462, %dma_start3A_473] : memref<32x100x100xi32, #tpu.memory_space<hbm>> -> memref<1x1x100xi32, #tpu.memory_space<hbm>>
    %dma_start3A_475 = tpu.memref_squeeze %dma_start3A_474 : memref<1x1x100xi32, #tpu.memory_space<hbm>> -> memref<100xi32, #tpu.memory_space<hbm>>
    tpu.enqueue_dma source(%dma_start3A_475 : memref<100xi32, #tpu.memory_space<hbm>>) target(%dma_start3A_472 : memref<100xi32, #tpu.memory_space<vmem>>) target_semaphore(%arg12 : memref<!tpu.dma_semaphore, #tpu.memory_space<semaphore_mem>>)
    %dma_start3A_476 = arith.constant 5 : i32
    %dma_start3A_477 = arith.constant 5 : i32
    %dma_start3A_478 = arith.constant 0 : i32
    %dma_start3A_479 = tpu.memref_slice %arg6[%dma_start3A_477, %dma_start3A_478] : memref<9x100xi32, #tpu.memory_space<vmem>> -> memref<1x100xi32, #tpu.memory_space<vmem>>
    %dma_start3A_480 = tpu.memref_squeeze %dma_start3A_479 : memref<1x100xi32, #tpu.memory_space<vmem>> -> memref<100xi32, #tpu.memory_space<vmem>>
    %dma_start3A_481 = arith.constant 0 : i32
    %dma_start3A_482 = tpu.memref_slice %arg3[%add3A, %dma_start3A_476, %dma_start3A_481] : memref<32x100x100xi32, #tpu.memory_space<hbm>> -> memref<1x1x100xi32, #tpu.memory_space<hbm>>
    %dma_start3A_483 = tpu.memref_squeeze %dma_start3A_482 : memref<1x1x100xi32, #tpu.memory_space<hbm>> -> memref<100xi32, #tpu.memory_space<hbm>>
    %dma_start3A_484 = arith.constant 0 : i32
    %dma_start3A_485 = tpu.memref_slice %arg6[%dma_start3A_477, %dma_start3A_484] : memref<9x100xi32, #tpu.memory_space<vmem>> -> memref<1x100xi32, #tpu.memory_space<vmem>>
    %dma_start3A_486 = tpu.memref_squeeze %dma_start3A_485 : memref<1x100xi32, #tpu.memory_space<vmem>> -> memref<100xi32, #tpu.memory_space<vmem>>
    %dma_start3A_487 = arith.constant 0 : i32
    %dma_start3A_488 = tpu.memref_slice %arg3[%add3A, %dma_start3A_476, %dma_start3A_487] : memref<32x100x100xi32, #tpu.memory_space<hbm>> -> memref<1x1x100xi32, #tpu.memory_space<hbm>>
    %dma_start3A_489 = tpu.memref_squeeze %dma_start3A_488 : memref<1x1x100xi32, #tpu.memory_space<hbm>> -> memref<100xi32, #tpu.memory_space<hbm>>
    tpu.enqueue_dma source(%dma_start3A_489 : memref<100xi32, #tpu.memory_space<hbm>>) target(%dma_start3A_486 : memref<100xi32, #tpu.memory_space<vmem>>) target_semaphore(%arg12 : memref<!tpu.dma_semaphore, #tpu.memory_space<semaphore_mem>>)
    %dma_start3A_490 = arith.constant 5 : i32
    %dma_start3A_491 = arith.constant 5 : i32
    %dma_start3A_492 = arith.constant 0 : i32
    %dma_start3A_493 = tpu.memref_slice %arg7[%dma_start3A_491, %dma_start3A_492] : memref<9x100xi32, #tpu.memory_space<vmem>> -> memref<1x100xi32, #tpu.memory_space<vmem>>
    %dma_start3A_494 = tpu.memref_squeeze %dma_start3A_493 : memref<1x100xi32, #tpu.memory_space<vmem>> -> memref<100xi32, #tpu.memory_space<vmem>>
    %dma_start3A_495 = arith.constant 0 : i32
    %dma_start3A_496 = tpu.memref_slice %arg4[%add3A, %dma_start3A_490, %dma_start3A_495] : memref<32x100x100xi32, #tpu.memory_space<hbm>> -> memref<1x1x100xi32, #tpu.memory_space<hbm>>
    %dma_start3A_497 = tpu.memref_squeeze %dma_start3A_496 : memref<1x1x100xi32, #tpu.memory_space<hbm>> -> memref<100xi32, #tpu.memory_space<hbm>>
    %dma_start3A_498 = arith.constant 0 : i32
    %dma_start3A_499 = tpu.memref_slice %arg7[%dma_start3A_491, %dma_start3A_498] : memref<9x100xi32, #tpu.memory_space<vmem>> -> memref<1x100xi32, #tpu.memory_space<vmem>>
    %dma_start3A_500 = tpu.memref_squeeze %dma_start3A_499 : memref<1x100xi32, #tpu.memory_space<vmem>> -> memref<100xi32, #tpu.memory_space<vmem>>
    %dma_start3A_501 = arith.constant 0 : i32
    %dma_start3A_502 = tpu.memref_slice %arg4[%add3A, %dma_start3A_490, %dma_start3A_501] : memref<32x100x100xi32, #tpu.memory_space<hbm>> -> memref<1x1x100xi32, #tpu.memory_space<hbm>>
    %dma_start3A_503 = tpu.memref_squeeze %dma_start3A_502 : memref<1x1x100xi32, #tpu.memory_space<hbm>> -> memref<100xi32, #tpu.memory_space<hbm>>
    tpu.enqueue_dma source(%dma_start3A_503 : memref<100xi32, #tpu.memory_space<hbm>>) target(%dma_start3A_500 : memref<100xi32, #tpu.memory_space<vmem>>) target_semaphore(%arg12 : memref<!tpu.dma_semaphore, #tpu.memory_space<semaphore_mem>>)
    %scan3A_504 = arith.constant 0 : i32
    %scan3A_505 = arith.constant 100 : i32
    %scan3A_506 = arith.addi %scan3A_504, %scan3A_505 : i32
    %scan3A_507 = arith.constant 1 : i32
    scf.for %scan3A_561 = %scan3A_504 to %scan3A_506 step %scan3A_507  : i32 {
      %mul3A_562 = arith.constant 1 : i32
      %mul3A_563 = arith.muli %scan3A_561, %mul3A_562 : i32
      %add3A_564 = arith.constant 0 : i32
      %add3A_565 = arith.addi %add3A_564, %mul3A_563 : i32
      %rem3A_566 = arith.constant 9 : i32
      %rem3A_567 = arith.remsi %add3A_565, %rem3A_566 : i32
      %add3A_568 = arith.constant 3 : i32
      %add3A_569 = arith.addi %add3A_565, %add3A_568 : i32
      %rem3A_570 = arith.constant 9 : i32
      %rem3A_571 = arith.remsi %add3A_569, %rem3A_570 : i32
      %add3A_572 = arith.constant 6 : i32
      %add3A_573 = arith.addi %add3A_565, %add3A_572 : i32
      %rem3A_574 = arith.constant 9 : i32
      %rem3A_575 = arith.remsi %add3A_573, %rem3A_574 : i32
      %gt3A = arith.constant 2 : i32
      %gt3A_576 = arith.cmpi sgt, %add3A_565, %gt3A : i32
      %convert_element_type3A = arith.extui %gt3A_576 : i1 to i32
      %cond3A = arith.constant 0 : i32
      %cond3A_577 = arith.cmpi ne, %convert_element_type3A, %cond3A : i32
      scf.if %cond3A_577 {
        %dma_wait3A_612 = arith.constant 0 : i32
        %dma_wait3A_613 = arith.constant 0 : i32
        %dma_wait3A_614 = arith.constant 0 : i32
        %dma_wait3A_615 = tpu.memref_slice %arg8[%rem3A_575, %dma_wait3A_613, %dma_wait3A_614] : memref<9x100x128xbf16, #tpu.memory_space<vmem>> -> memref<1x100x128xbf16, #tpu.memory_space<vmem>>
        %dma_wait3A_616 = tpu.memref_squeeze %dma_wait3A_615 : memref<1x100x128xbf16, #tpu.memory_space<vmem>> -> memref<100x128xbf16, #tpu.memory_space<vmem>>
        %dma_wait3A_617 = arith.constant 0 : i32
        %dma_wait3A_618 = tpu.memref_slice %arg6[%dma_wait3A_612, %dma_wait3A_617] : memref<9x100xi32, #tpu.memory_space<vmem>> -> memref<1x100xi32, #tpu.memory_space<vmem>>
        %dma_wait3A_619 = tpu.memref_squeeze %dma_wait3A_618 : memref<1x100xi32, #tpu.memory_space<vmem>> -> memref<100xi32, #tpu.memory_space<vmem>>
        %dma_wait3A_620 = arith.constant 0 : i32
        %dma_wait3A_621 = arith.constant 0 : i32
        %dma_wait3A_622 = tpu.memref_slice %arg2[%dma_wait3A_620, %dma_wait3A_621] : memref<10000x128xbf16, #tpu.memory_space<hbm>> -> memref<10000x128xbf16, #tpu.memory_space<hbm>>
        tpu.wait_indirect_dma semaphore(%arg11 : memref<!tpu.dma_semaphore, #tpu.memory_space<semaphore_mem>>) src(%dma_wait3A_622 : memref<10000x128xbf16, #tpu.memory_space<hbm>>) dst(%dma_wait3A_616 : memref<100x128xbf16, #tpu.memory_space<vmem>>)
      } else {
      }
      %add3A_578 = arith.constant 6 : i32
      %add3A_579 = arith.addi %add3A_565, %add3A_578 : i32
      %lt3A = arith.constant 100 : i32
      %lt3A_580 = arith.cmpi slt, %add3A_579, %lt3A : i32
      %convert_element_type3A_581 = arith.extui %lt3A_580 : i1 to i32
      %cond3A_582 = arith.constant 0 : i32
      %cond3A_583 = arith.cmpi ne, %convert_element_type3A_581, %cond3A_582 : i32
      scf.if %cond3A_583 {
        %add3A_612 = arith.constant 6 : i32
        %add3A_613 = arith.addi %add3A_565, %add3A_612 : i32
        %dma_start3A_614 = arith.constant 0 : i32
        %dma_start3A_615 = tpu.memref_slice %arg6[%rem3A_575, %dma_start3A_614] : memref<9x100xi32, #tpu.memory_space<vmem>> -> memref<1x100xi32, #tpu.memory_space<vmem>>
        %dma_start3A_616 = tpu.memref_squeeze %dma_start3A_615 : memref<1x100xi32, #tpu.memory_space<vmem>> -> memref<100xi32, #tpu.memory_space<vmem>>
        %dma_start3A_617 = arith.constant 0 : i32
        %dma_start3A_618 = tpu.memref_slice %arg3[%add3A, %add3A_613, %dma_start3A_617] : memref<32x100x100xi32, #tpu.memory_space<hbm>> -> memref<1x1x100xi32, #tpu.memory_space<hbm>>
        %dma_start3A_619 = tpu.memref_squeeze %dma_start3A_618 : memref<1x1x100xi32, #tpu.memory_space<hbm>> -> memref<100xi32, #tpu.memory_space<hbm>>
        %dma_start3A_620 = arith.constant 0 : i32
        %dma_start3A_621 = tpu.memref_slice %arg6[%rem3A_575, %dma_start3A_620] : memref<9x100xi32, #tpu.memory_space<vmem>> -> memref<1x100xi32, #tpu.memory_space<vmem>>
        %dma_start3A_622 = tpu.memref_squeeze %dma_start3A_621 : memref<1x100xi32, #tpu.memory_space<vmem>> -> memref<100xi32, #tpu.memory_space<vmem>>
        %dma_start3A_623 = arith.constant 0 : i32
        %dma_start3A_624 = tpu.memref_slice %arg3[%add3A, %add3A_613, %dma_start3A_623] : memref<32x100x100xi32, #tpu.memory_space<hbm>> -> memref<1x1x100xi32, #tpu.memory_space<hbm>>
        %dma_start3A_625 = tpu.memref_squeeze %dma_start3A_624 : memref<1x1x100xi32, #tpu.memory_space<hbm>> -> memref<100xi32, #tpu.memory_space<hbm>>
        tpu.enqueue_dma source(%dma_start3A_625 : memref<100xi32, #tpu.memory_space<hbm>>) target(%dma_start3A_622 : memref<100xi32, #tpu.memory_space<vmem>>) target_semaphore(%arg12 : memref<!tpu.dma_semaphore, #tpu.memory_space<semaphore_mem>>)
        %dma_start3A_626 = arith.constant 0 : i32
        %dma_start3A_627 = tpu.memref_slice %arg7[%rem3A_575, %dma_start3A_626] : memref<9x100xi32, #tpu.memory_space<vmem>> -> memref<1x100xi32, #tpu.memory_space<vmem>>
        %dma_start3A_628 = tpu.memref_squeeze %dma_start3A_627 : memref<1x100xi32, #tpu.memory_space<vmem>> -> memref<100xi32, #tpu.memory_space<vmem>>
        %dma_start3A_629 = arith.constant 0 : i32
        %dma_start3A_630 = tpu.memref_slice %arg4[%add3A, %add3A_613, %dma_start3A_629] : memref<32x100x100xi32, #tpu.memory_space<hbm>> -> memref<1x1x100xi32, #tpu.memory_space<hbm>>
        %dma_start3A_631 = tpu.memref_squeeze %dma_start3A_630 : memref<1x1x100xi32, #tpu.memory_space<hbm>> -> memref<100xi32, #tpu.memory_space<hbm>>
        %dma_start3A_632 = arith.constant 0 : i32
        %dma_start3A_633 = tpu.memref_slice %arg7[%rem3A_575, %dma_start3A_632] : memref<9x100xi32, #tpu.memory_space<vmem>> -> memref<1x100xi32, #tpu.memory_space<vmem>>
        %dma_start3A_634 = tpu.memref_squeeze %dma_start3A_633 : memref<1x100xi32, #tpu.memory_space<vmem>> -> memref<100xi32, #tpu.memory_space<vmem>>
        %dma_start3A_635 = arith.constant 0 : i32
        %dma_start3A_636 = tpu.memref_slice %arg4[%add3A, %add3A_613, %dma_start3A_635] : memref<32x100x100xi32, #tpu.memory_space<hbm>> -> memref<1x1x100xi32, #tpu.memory_space<hbm>>
        %dma_start3A_637 = tpu.memref_squeeze %dma_start3A_636 : memref<1x1x100xi32, #tpu.memory_space<hbm>> -> memref<100xi32, #tpu.memory_space<hbm>>
        tpu.enqueue_dma source(%dma_start3A_637 : memref<100xi32, #tpu.memory_space<hbm>>) target(%dma_start3A_634 : memref<100xi32, #tpu.memory_space<vmem>>) target_semaphore(%arg12 : memref<!tpu.dma_semaphore, #tpu.memory_space<semaphore_mem>>)
      } else {
      }
      %add3A_584 = arith.constant 3 : i32
      %add3A_585 = arith.addi %add3A_565, %add3A_584 : i32
      %lt3A_586 = arith.constant 100 : i32
      %lt3A_587 = arith.cmpi slt, %add3A_585, %lt3A_586 : i32
      %convert_element_type3A_588 = arith.extui %lt3A_587 : i1 to i32
      %cond3A_589 = arith.constant 0 : i32
      %cond3A_590 = arith.cmpi ne, %convert_element_type3A_588, %cond3A_589 : i32
      scf.if %cond3A_590 {
        %dma_wait3A_612 = arith.constant 0 : i32
        %dma_wait3A_613 = arith.constant 0 : i32
        %dma_wait3A_614 = tpu.memref_slice %arg6[%rem3A_571, %dma_wait3A_613] : memref<9x100xi32, #tpu.memory_space<vmem>> -> memref<1x100xi32, #tpu.memory_space<vmem>>
        %dma_wait3A_615 = tpu.memref_squeeze %dma_wait3A_614 : memref<1x100xi32, #tpu.memory_space<vmem>> -> memref<100xi32, #tpu.memory_space<vmem>>
        %dma_wait3A_616 = arith.constant 0 : i32
        %dma_wait3A_617 = tpu.memref_slice %arg3[%add3A, %dma_wait3A_612, %dma_wait3A_616] : memref<32x100x100xi32, #tpu.memory_space<hbm>> -> memref<1x1x100xi32, #tpu.memory_space<hbm>>
        %dma_wait3A_618 = tpu.memref_squeeze %dma_wait3A_617 : memref<1x1x100xi32, #tpu.memory_space<hbm>> -> memref<100xi32, #tpu.memory_space<hbm>>
        %dma_wait3A_619 = arith.constant 0 : i32
        %dma_wait3A_620 = tpu.memref_slice %arg6[%rem3A_571, %dma_wait3A_619] : memref<9x100xi32, #tpu.memory_space<vmem>> -> memref<1x100xi32, #tpu.memory_space<vmem>>
        %dma_wait3A_621 = tpu.memref_squeeze %dma_wait3A_620 : memref<1x100xi32, #tpu.memory_space<vmem>> -> memref<100xi32, #tpu.memory_space<vmem>>
        %dma_wait3A_622 = arith.constant 0 : i32
        %dma_wait3A_623 = tpu.memref_slice %arg3[%add3A, %dma_wait3A_612, %dma_wait3A_622] : memref<32x100x100xi32, #tpu.memory_space<hbm>> -> memref<1x1x100xi32, #tpu.memory_space<hbm>>
        %dma_wait3A_624 = tpu.memref_squeeze %dma_wait3A_623 : memref<1x1x100xi32, #tpu.memory_space<hbm>> -> memref<100xi32, #tpu.memory_space<hbm>>
        tpu.wait_dma2 semaphore(%arg12 : memref<!tpu.dma_semaphore, #tpu.memory_space<semaphore_mem>>) src(%dma_wait3A_624 : memref<100xi32, #tpu.memory_space<hbm>>) dst(%dma_wait3A_621 : memref<100xi32, #tpu.memory_space<vmem>>)
        %dma_wait3A_625 = arith.constant 0 : i32
        %dma_wait3A_626 = arith.constant 0 : i32
        %dma_wait3A_627 = tpu.memref_slice %arg7[%rem3A_571, %dma_wait3A_626] : memref<9x100xi32, #tpu.memory_space<vmem>> -> memref<1x100xi32, #tpu.memory_space<vmem>>
        %dma_wait3A_628 = tpu.memref_squeeze %dma_wait3A_627 : memref<1x100xi32, #tpu.memory_space<vmem>> -> memref<100xi32, #tpu.memory_space<vmem>>
        %dma_wait3A_629 = arith.constant 0 : i32
        %dma_wait3A_630 = tpu.memref_slice %arg4[%add3A, %dma_wait3A_625, %dma_wait3A_629] : memref<32x100x100xi32, #tpu.memory_space<hbm>> -> memref<1x1x100xi32, #tpu.memory_space<hbm>>
        %dma_wait3A_631 = tpu.memref_squeeze %dma_wait3A_630 : memref<1x1x100xi32, #tpu.memory_space<hbm>> -> memref<100xi32, #tpu.memory_space<hbm>>
        %dma_wait3A_632 = arith.constant 0 : i32
        %dma_wait3A_633 = tpu.memref_slice %arg7[%rem3A_571, %dma_wait3A_632] : memref<9x100xi32, #tpu.memory_space<vmem>> -> memref<1x100xi32, #tpu.memory_space<vmem>>
        %dma_wait3A_634 = tpu.memref_squeeze %dma_wait3A_633 : memref<1x100xi32, #tpu.memory_space<vmem>> -> memref<100xi32, #tpu.memory_space<vmem>>
        %dma_wait3A_635 = arith.constant 0 : i32
        %dma_wait3A_636 = tpu.memref_slice %arg4[%add3A, %dma_wait3A_625, %dma_wait3A_635] : memref<32x100x100xi32, #tpu.memory_space<hbm>> -> memref<1x1x100xi32, #tpu.memory_space<hbm>>
        %dma_wait3A_637 = tpu.memref_squeeze %dma_wait3A_636 : memref<1x1x100xi32, #tpu.memory_space<hbm>> -> memref<100xi32, #tpu.memory_space<hbm>>
        tpu.wait_dma2 semaphore(%arg12 : memref<!tpu.dma_semaphore, #tpu.memory_space<semaphore_mem>>) src(%dma_wait3A_637 : memref<100xi32, #tpu.memory_space<hbm>>) dst(%dma_wait3A_634 : memref<100xi32, #tpu.memory_space<vmem>>)
        %dma_start3A_638 = arith.constant 0 : i32
        %dma_start3A_639 = arith.constant 0 : i32
        %dma_start3A_640 = tpu.memref_slice %arg8[%rem3A_571, %dma_start3A_638, %dma_start3A_639] : memref<9x100x128xbf16, #tpu.memory_space<vmem>> -> memref<1x100x128xbf16, #tpu.memory_space<vmem>>
        %dma_start3A_641 = tpu.memref_squeeze %dma_start3A_640 : memref<1x100x128xbf16, #tpu.memory_space<vmem>> -> memref<100x128xbf16, #tpu.memory_space<vmem>>
        %dma_start3A_642 = arith.constant 0 : i32
        %dma_start3A_643 = tpu.memref_slice %arg6[%rem3A_571, %dma_start3A_642] : memref<9x100xi32, #tpu.memory_space<vmem>> -> memref<1x100xi32, #tpu.memory_space<vmem>>
        %dma_start3A_644 = tpu.memref_squeeze %dma_start3A_643 : memref<1x100xi32, #tpu.memory_space<vmem>> -> memref<100xi32, #tpu.memory_space<vmem>>
        %dma_start3A_645 = arith.constant 0 : i32
        %dma_start3A_646 = arith.constant 0 : i32
        %dma_start3A_647 = tpu.memref_slice %arg2[%dma_start3A_645, %dma_start3A_646] : memref<10000x128xbf16, #tpu.memory_space<hbm>> -> memref<10000x128xbf16, #tpu.memory_space<hbm>>
        tpu.enqueue_indirect_dma source(%dma_start3A_647 : memref<10000x128xbf16, #tpu.memory_space<hbm>>) target(%dma_start3A_641 : memref<100x128xbf16, #tpu.memory_space<vmem>>) offsets(%dma_start3A_644 : memref<100xi32, #tpu.memory_space<vmem>>) semaphore(%arg10 : memref<!tpu.dma_semaphore, #tpu.memory_space<semaphore_mem>>)
      } else {
      }
      %dma_wait3A_591 = arith.constant 0 : i32
      %dma_wait3A_592 = arith.constant 0 : i32
      %dma_wait3A_593 = arith.constant 0 : i32
      %dma_wait3A_594 = tpu.memref_slice %arg8[%rem3A_567, %dma_wait3A_592, %dma_wait3A_593] : memref<9x100x128xbf16, #tpu.memory_space<vmem>> -> memref<1x100x128xbf16, #tpu.memory_space<vmem>>
      %dma_wait3A_595 = tpu.memref_squeeze %dma_wait3A_594 : memref<1x100x128xbf16, #tpu.memory_space<vmem>> -> memref<100x128xbf16, #tpu.memory_space<vmem>>
      %dma_wait3A_596 = arith.constant 0 : i32
      %dma_wait3A_597 = tpu.memref_slice %arg6[%dma_wait3A_591, %dma_wait3A_596] : memref<9x100xi32, #tpu.memory_space<vmem>> -> memref<1x100xi32, #tpu.memory_space<vmem>>
      %dma_wait3A_598 = tpu.memref_squeeze %dma_wait3A_597 : memref<1x100xi32, #tpu.memory_space<vmem>> -> memref<100xi32, #tpu.memory_space<vmem>>
      %dma_wait3A_599 = arith.constant 0 : i32
      %dma_wait3A_600 = arith.constant 0 : i32
      %dma_wait3A_601 = tpu.memref_slice %arg2[%dma_wait3A_599, %dma_wait3A_600] : memref<10000x128xbf16, #tpu.memory_space<hbm>> -> memref<10000x128xbf16, #tpu.memory_space<hbm>>
      tpu.wait_indirect_dma semaphore(%arg10 : memref<!tpu.dma_semaphore, #tpu.memory_space<semaphore_mem>>) src(%dma_wait3A_601 : memref<10000x128xbf16, #tpu.memory_space<hbm>>) dst(%dma_wait3A_595 : memref<100x128xbf16, #tpu.memory_space<vmem>>)
      %dma_start3A_602 = arith.constant 0 : i32
      %dma_start3A_603 = arith.constant 0 : i32
      %dma_start3A_604 = tpu.memref_slice %arg8[%rem3A_567, %dma_start3A_602, %dma_start3A_603] : memref<9x100x128xbf16, #tpu.memory_space<vmem>> -> memref<1x100x128xbf16, #tpu.memory_space<vmem>>
      %dma_start3A_605 = tpu.memref_squeeze %dma_start3A_604 : memref<1x100x128xbf16, #tpu.memory_space<vmem>> -> memref<100x128xbf16, #tpu.memory_space<vmem>>
      %dma_start3A_606 = arith.constant 0 : i32
      %dma_start3A_607 = tpu.memref_slice %arg7[%rem3A_567, %dma_start3A_606] : memref<9x100xi32, #tpu.memory_space<vmem>> -> memref<1x100xi32, #tpu.memory_space<vmem>>
      %dma_start3A_608 = tpu.memref_squeeze %dma_start3A_607 : memref<1x100xi32, #tpu.memory_space<vmem>> -> memref<100xi32, #tpu.memory_space<vmem>>
      %dma_start3A_609 = arith.constant 0 : i32
      %dma_start3A_610 = arith.constant 0 : i32
      %dma_start3A_611 = tpu.memref_slice %arg9[%dma_start3A_609, %dma_start3A_610] : memref<10000x128xbf16, #tpu.memory_space<vmem_shared>> -> memref<10000x128xbf16, #tpu.memory_space<vmem_shared>>
      tpu.enqueue_indirect_dma source(%dma_start3A_605 : memref<100x128xbf16, #tpu.memory_space<vmem>>) target(%dma_start3A_611 : memref<10000x128xbf16, #tpu.memory_space<vmem_shared>>) offsets(%dma_start3A_608 : memref<100xi32, #tpu.memory_space<vmem>>) semaphore(%arg11 : memref<!tpu.dma_semaphore, #tpu.memory_space<semaphore_mem>>) {add = true}
    }
    %scan3A_508 = arith.constant 100 : i32
    %rem3A = arith.constant 97 : i32
    %rem3A_509 = arith.constant 9 : i32
    %rem3A_510 = arith.remsi %rem3A, %rem3A_509 : i32
    %dma_wait3A_511 = arith.constant 0 : i32
    %dma_wait3A_512 = arith.constant 0 : i32
    %dma_wait3A_513 = arith.constant 0 : i32
    %dma_wait3A_514 = tpu.memref_slice %arg8[%rem3A_510, %dma_wait3A_512, %dma_wait3A_513] : memref<9x100x128xbf16, #tpu.memory_space<vmem>> -> memref<1x100x128xbf16, #tpu.memory_space<vmem>>
    %dma_wait3A_515 = tpu.memref_squeeze %dma_wait3A_514 : memref<1x100x128xbf16, #tpu.memory_space<vmem>> -> memref<100x128xbf16, #tpu.memory_space<vmem>>
    %dma_wait3A_516 = arith.constant 0 : i32
    %dma_wait3A_517 = tpu.memref_slice %arg6[%dma_wait3A_511, %dma_wait3A_516] : memref<9x100xi32, #tpu.memory_space<vmem>> -> memref<1x100xi32, #tpu.memory_space<vmem>>
    %dma_wait3A_518 = tpu.memref_squeeze %dma_wait3A_517 : memref<1x100xi32, #tpu.memory_space<vmem>> -> memref<100xi32, #tpu.memory_space<vmem>>
    %dma_wait3A_519 = arith.constant 0 : i32
    %dma_wait3A_520 = arith.constant 0 : i32
    %dma_wait3A_521 = tpu.memref_slice %arg2[%dma_wait3A_519, %dma_wait3A_520] : memref<10000x128xbf16, #tpu.memory_space<hbm>> -> memref<10000x128xbf16, #tpu.memory_space<hbm>>
    tpu.wait_indirect_dma semaphore(%arg11 : memref<!tpu.dma_semaphore, #tpu.memory_space<semaphore_mem>>) src(%dma_wait3A_521 : memref<10000x128xbf16, #tpu.memory_space<hbm>>) dst(%dma_wait3A_515 : memref<100x128xbf16, #tpu.memory_space<vmem>>)
    %rem3A_522 = arith.constant 98 : i32
    %rem3A_523 = arith.constant 9 : i32
    %rem3A_524 = arith.remsi %rem3A_522, %rem3A_523 : i32
    %dma_wait3A_525 = arith.constant 0 : i32
    %dma_wait3A_526 = arith.constant 0 : i32
    %dma_wait3A_527 = arith.constant 0 : i32
    %dma_wait3A_528 = tpu.memref_slice %arg8[%rem3A_524, %dma_wait3A_526, %dma_wait3A_527] : memref<9x100x128xbf16, #tpu.memory_space<vmem>> -> memref<1x100x128xbf16, #tpu.memory_space<vmem>>
    %dma_wait3A_529 = tpu.memref_squeeze %dma_wait3A_528 : memref<1x100x128xbf16, #tpu.memory_space<vmem>> -> memref<100x128xbf16, #tpu.memory_space<vmem>>
    %dma_wait3A_530 = arith.constant 0 : i32
    %dma_wait3A_531 = tpu.memref_slice %arg6[%dma_wait3A_525, %dma_wait3A_530] : memref<9x100xi32, #tpu.memory_space<vmem>> -> memref<1x100xi32, #tpu.memory_space<vmem>>
    %dma_wait3A_532 = tpu.memref_squeeze %dma_wait3A_531 : memref<1x100xi32, #tpu.memory_space<vmem>> -> memref<100xi32, #tpu.memory_space<vmem>>
    %dma_wait3A_533 = arith.constant 0 : i32
    %dma_wait3A_534 = arith.constant 0 : i32
    %dma_wait3A_535 = tpu.memref_slice %arg2[%dma_wait3A_533, %dma_wait3A_534] : memref<10000x128xbf16, #tpu.memory_space<hbm>> -> memref<10000x128xbf16, #tpu.memory_space<hbm>>
    tpu.wait_indirect_dma semaphore(%arg11 : memref<!tpu.dma_semaphore, #tpu.memory_space<semaphore_mem>>) src(%dma_wait3A_535 : memref<10000x128xbf16, #tpu.memory_space<hbm>>) dst(%dma_wait3A_529 : memref<100x128xbf16, #tpu.memory_space<vmem>>)
    %rem3A_536 = arith.constant 99 : i32
    %rem3A_537 = arith.constant 9 : i32
    %rem3A_538 = arith.remsi %rem3A_536, %rem3A_537 : i32
    %dma_wait3A_539 = arith.constant 0 : i32
    %dma_wait3A_540 = arith.constant 0 : i32
    %dma_wait3A_541 = arith.constant 0 : i32
    %dma_wait3A_542 = tpu.memref_slice %arg8[%rem3A_538, %dma_wait3A_540, %dma_wait3A_541] : memref<9x100x128xbf16, #tpu.memory_space<vmem>> -> memref<1x100x128xbf16, #tpu.memory_space<vmem>>
    %dma_wait3A_543 = tpu.memref_squeeze %dma_wait3A_542 : memref<1x100x128xbf16, #tpu.memory_space<vmem>> -> memref<100x128xbf16, #tpu.memory_space<vmem>>
    %dma_wait3A_544 = arith.constant 0 : i32
    %dma_wait3A_545 = tpu.memref_slice %arg6[%dma_wait3A_539, %dma_wait3A_544] : memref<9x100xi32, #tpu.memory_space<vmem>> -> memref<1x100xi32, #tpu.memory_space<vmem>>
    %dma_wait3A_546 = tpu.memref_squeeze %dma_wait3A_545 : memref<1x100xi32, #tpu.memory_space<vmem>> -> memref<100xi32, #tpu.memory_space<vmem>>
    %dma_wait3A_547 = arith.constant 0 : i32
    %dma_wait3A_548 = arith.constant 0 : i32
    %dma_wait3A_549 = tpu.memref_slice %arg2[%dma_wait3A_547, %dma_wait3A_548] : memref<10000x128xbf16, #tpu.memory_space<hbm>> -> memref<10000x128xbf16, #tpu.memory_space<hbm>>
    tpu.wait_indirect_dma semaphore(%arg11 : memref<!tpu.dma_semaphore, #tpu.memory_space<semaphore_mem>>) src(%dma_wait3A_549 : memref<10000x128xbf16, #tpu.memory_space<hbm>>) dst(%dma_wait3A_543 : memref<100x128xbf16, #tpu.memory_space<vmem>>)
    %barrier3A_550 = arith.constant 0 : index
    tpu.barrier barrier_id(%barrier3A_550)
    %add3A_551 = arith.constant 0 : i32
    %add3A_552 = arith.addi %mul3A_7, %add3A_551 : i32
    "tpu.region"() ({
      %run_scoped3A = tpu.sem_alloc : memref<!tpu.dma_semaphore, #tpu.memory_space<semaphore_mem>>
      %dma_start3A_561 = arith.constant 0 : i32
      %dma_start3A_562 = tpu.memref_slice %arg5[%arg0, %add3A_552, %dma_start3A_561] : memref<2x10000x128xbf16, #tpu.memory_space<hbm>> -> memref<1x125x128xbf16, #tpu.memory_space<hbm>>
      %dma_start3A_563 = tpu.memref_squeeze %dma_start3A_562 : memref<1x125x128xbf16, #tpu.memory_space<hbm>> -> memref<125x128xbf16, #tpu.memory_space<hbm>>
      %dma_start3A_564 = arith.constant 0 : i32
      %dma_start3A_565 = tpu.memref_slice %arg9[%add3A_552, %dma_start3A_564] : memref<10000x128xbf16, #tpu.memory_space<vmem_shared>> -> memref<125x128xbf16, #tpu.memory_space<vmem_shared>>
      tpu.enqueue_dma source(%dma_start3A_565 : memref<125x128xbf16, #tpu.memory_space<vmem_shared>>) target(%dma_start3A_563 : memref<125x128xbf16, #tpu.memory_space<hbm>>) target_semaphore(%run_scoped3A : memref<!tpu.dma_semaphore, #tpu.memory_space<semaphore_mem>>)
      %dma_wait3A_566 = arith.constant 0 : i32
      %dma_wait3A_567 = tpu.memref_slice %arg5[%arg0, %add3A_552, %dma_wait3A_566] : memref<2x10000x128xbf16, #tpu.memory_space<hbm>> -> memref<1x125x128xbf16, #tpu.memory_space<hbm>>
      %dma_wait3A_568 = tpu.memref_squeeze %dma_wait3A_567 : memref<1x125x128xbf16, #tpu.memory_space<hbm>> -> memref<125x128xbf16, #tpu.memory_space<hbm>>
      %dma_wait3A_569 = arith.constant 0 : i32
      %dma_wait3A_570 = tpu.memref_slice %arg9[%add3A_552, %dma_wait3A_569] : memref<10000x128xbf16, #tpu.memory_space<vmem_shared>> -> memref<125x128xbf16, #tpu.memory_space<vmem_shared>>
      tpu.wait_dma2 semaphore(%run_scoped3A : memref<!tpu.dma_semaphore, #tpu.memory_space<semaphore_mem>>) src(%dma_wait3A_570 : memref<125x128xbf16, #tpu.memory_space<vmem_shared>>) dst(%dma_wait3A_568 : memref<125x128xbf16, #tpu.memory_space<hbm>>)
      tpu.yield
    }) : () -> ()
    %add3A_553 = arith.constant 125 : i32
    %add3A_554 = arith.addi %mul3A_7, %add3A_553 : i32
    "tpu.region"() ({
      %run_scoped3A = tpu.sem_alloc : memref<!tpu.dma_semaphore, #tpu.memory_space<semaphore_mem>>
      %dma_start3A_561 = arith.constant 0 : i32
      %dma_start3A_562 = tpu.memref_slice %arg5[%arg0, %add3A_554, %dma_start3A_561] : memref<2x10000x128xbf16, #tpu.memory_space<hbm>> -> memref<1x125x128xbf16, #tpu.memory_space<hbm>>
      %dma_start3A_563 = tpu.memref_squeeze %dma_start3A_562 : memref<1x125x128xbf16, #tpu.memory_space<hbm>> -> memref<125x128xbf16, #tpu.memory_space<hbm>>
      %dma_start3A_564 = arith.constant 0 : i32
      %dma_start3A_565 = tpu.memref_slice %arg9[%add3A_554, %dma_start3A_564] : memref<10000x128xbf16, #tpu.memory_space<vmem_shared>> -> memref<125x128xbf16, #tpu.memory_space<vmem_shared>>
      tpu.enqueue_dma source(%dma_start3A_565 : memref<125x128xbf16, #tpu.memory_space<vmem_shared>>) target(%dma_start3A_563 : memref<125x128xbf16, #tpu.memory_space<hbm>>) target_semaphore(%run_scoped3A : memref<!tpu.dma_semaphore, #tpu.memory_space<semaphore_mem>>)
      %dma_wait3A_566 = arith.constant 0 : i32
      %dma_wait3A_567 = tpu.memref_slice %arg5[%arg0, %add3A_554, %dma_wait3A_566] : memref<2x10000x128xbf16, #tpu.memory_space<hbm>> -> memref<1x125x128xbf16, #tpu.memory_space<hbm>>
      %dma_wait3A_568 = tpu.memref_squeeze %dma_wait3A_567 : memref<1x125x128xbf16, #tpu.memory_space<hbm>> -> memref<125x128xbf16, #tpu.memory_space<hbm>>
      %dma_wait3A_569 = arith.constant 0 : i32
      %dma_wait3A_570 = tpu.memref_slice %arg9[%add3A_554, %dma_wait3A_569] : memref<10000x128xbf16, #tpu.memory_space<vmem_shared>> -> memref<125x128xbf16, #tpu.memory_space<vmem_shared>>
      tpu.wait_dma2 semaphore(%run_scoped3A : memref<!tpu.dma_semaphore, #tpu.memory_space<semaphore_mem>>) src(%dma_wait3A_570 : memref<125x128xbf16, #tpu.memory_space<vmem_shared>>) dst(%dma_wait3A_568 : memref<125x128xbf16, #tpu.memory_space<hbm>>)
      tpu.yield
    }) : () -> ()
    %add3A_555 = arith.constant 250 : i32
    %add3A_556 = arith.addi %mul3A_7, %add3A_555 : i32
    "tpu.region"() ({
      %run_scoped3A = tpu.sem_alloc : memref<!tpu.dma_semaphore, #tpu.memory_space<semaphore_mem>>
      %dma_start3A_561 = arith.constant 0 : i32
      %dma_start3A_562 = tpu.memref_slice %arg5[%arg0, %add3A_556, %dma_start3A_561] : memref<2x10000x128xbf16, #tpu.memory_space<hbm>> -> memref<1x125x128xbf16, #tpu.memory_space<hbm>>
      %dma_start3A_563 = tpu.memref_squeeze %dma_start3A_562 : memref<1x125x128xbf16, #tpu.memory_space<hbm>> -> memref<125x128xbf16, #tpu.memory_space<hbm>>
      %dma_start3A_564 = arith.constant 0 : i32
      %dma_start3A_565 = tpu.memref_slice %arg9[%add3A_556, %dma_start3A_564] : memref<10000x128xbf16, #tpu.memory_space<vmem_shared>> -> memref<125x128xbf16, #tpu.memory_space<vmem_shared>>
      tpu.enqueue_dma source(%dma_start3A_565 : memref<125x128xbf16, #tpu.memory_space<vmem_shared>>) target(%dma_start3A_563 : memref<125x128xbf16, #tpu.memory_space<hbm>>) target_semaphore(%run_scoped3A : memref<!tpu.dma_semaphore, #tpu.memory_space<semaphore_mem>>)
      %dma_wait3A_566 = arith.constant 0 : i32
      %dma_wait3A_567 = tpu.memref_slice %arg5[%arg0, %add3A_556, %dma_wait3A_566] : memref<2x10000x128xbf16, #tpu.memory_space<hbm>> -> memref<1x125x128xbf16, #tpu.memory_space<hbm>>
      %dma_wait3A_568 = tpu.memref_squeeze %dma_wait3A_567 : memref<1x125x128xbf16, #tpu.memory_space<hbm>> -> memref<125x128xbf16, #tpu.memory_space<hbm>>
      %dma_wait3A_569 = arith.constant 0 : i32
      %dma_wait3A_570 = tpu.memref_slice %arg9[%add3A_556, %dma_wait3A_569] : memref<10000x128xbf16, #tpu.memory_space<vmem_shared>> -> memref<125x128xbf16, #tpu.memory_space<vmem_shared>>
      tpu.wait_dma2 semaphore(%run_scoped3A : memref<!tpu.dma_semaphore, #tpu.memory_space<semaphore_mem>>) src(%dma_wait3A_570 : memref<125x128xbf16, #tpu.memory_space<vmem_shared>>) dst(%dma_wait3A_568 : memref<125x128xbf16, #tpu.memory_space<hbm>>)
      tpu.yield
    }) : () -> ()
    %add3A_557 = arith.constant 375 : i32
    %add3A_558 = arith.addi %mul3A_7, %add3A_557 : i32
    "tpu.region"() ({
      %run_scoped3A = tpu.sem_alloc : memref<!tpu.dma_semaphore, #tpu.memory_space<semaphore_mem>>
      %dma_start3A_561 = arith.constant 0 : i32
      %dma_start3A_562 = tpu.memref_slice %arg5[%arg0, %add3A_558, %dma_start3A_561] : memref<2x10000x128xbf16, #tpu.memory_space<hbm>> -> memref<1x125x128xbf16, #tpu.memory_space<hbm>>
      %dma_start3A_563 = tpu.memref_squeeze %dma_start3A_562 : memref<1x125x128xbf16, #tpu.memory_space<hbm>> -> memref<125x128xbf16, #tpu.memory_space<hbm>>
      %dma_start3A_564 = arith.constant 0 : i32
      %dma_start3A_565 = tpu.memref_slice %arg9[%add3A_558, %dma_start3A_564] : memref<10000x128xbf16, #tpu.memory_space<vmem_shared>> -> memref<125x128xbf16, #tpu.memory_space<vmem_shared>>
      tpu.enqueue_dma source(%dma_start3A_565 : memref<125x128xbf16, #tpu.memory_space<vmem_shared>>) target(%dma_start3A_563 : memref<125x128xbf16, #tpu.memory_space<hbm>>) target_semaphore(%run_scoped3A : memref<!tpu.dma_semaphore, #tpu.memory_space<semaphore_mem>>)
      %dma_wait3A_566 = arith.constant 0 : i32
      %dma_wait3A_567 = tpu.memref_slice %arg5[%arg0, %add3A_558, %dma_wait3A_566] : memref<2x10000x128xbf16, #tpu.memory_space<hbm>> -> memref<1x125x128xbf16, #tpu.memory_space<hbm>>
      %dma_wait3A_568 = tpu.memref_squeeze %dma_wait3A_567 : memref<1x125x128xbf16, #tpu.memory_space<hbm>> -> memref<125x128xbf16, #tpu.memory_space<hbm>>
      %dma_wait3A_569 = arith.constant 0 : i32
      %dma_wait3A_570 = tpu.memref_slice %arg9[%add3A_558, %dma_wait3A_569] : memref<10000x128xbf16, #tpu.memory_space<vmem_shared>> -> memref<125x128xbf16, #tpu.memory_space<vmem_shared>>
      tpu.wait_dma2 semaphore(%run_scoped3A : memref<!tpu.dma_semaphore, #tpu.memory_space<semaphore_mem>>) src(%dma_wait3A_570 : memref<125x128xbf16, #tpu.memory_space<vmem_shared>>) dst(%dma_wait3A_568 : memref<125x128xbf16, #tpu.memory_space<hbm>>)
      tpu.yield
    }) : () -> ()
    %add3A_559 = arith.constant 500 : i32
    %add3A_560 = arith.addi %mul3A_7, %add3A_559 : i32
    "tpu.region"() ({
      %run_scoped3A = tpu.sem_alloc : memref<!tpu.dma_semaphore, #tpu.memory_space<semaphore_mem>>
      %dma_start3A_561 = arith.constant 0 : i32
      %dma_start3A_562 = tpu.memref_slice %arg5[%arg0, %add3A_560, %dma_start3A_561] : memref<2x10000x128xbf16, #tpu.memory_space<hbm>> -> memref<1x125x128xbf16, #tpu.memory_space<hbm>>
      %dma_start3A_563 = tpu.memref_squeeze %dma_start3A_562 : memref<1x125x128xbf16, #tpu.memory_space<hbm>> -> memref<125x128xbf16, #tpu.memory_space<hbm>>
      %dma_start3A_564 = arith.constant 0 : i32
      %dma_start3A_565 = tpu.memref_slice %arg9[%add3A_560, %dma_start3A_564] : memref<10000x128xbf16, #tpu.memory_space<vmem_shared>> -> memref<125x128xbf16, #tpu.memory_space<vmem_shared>>
      tpu.enqueue_dma source(%dma_start3A_565 : memref<125x128xbf16, #tpu.memory_space<vmem_shared>>) target(%dma_start3A_563 : memref<125x128xbf16, #tpu.memory_space<hbm>>) target_semaphore(%run_scoped3A : memref<!tpu.dma_semaphore, #tpu.memory_space<semaphore_mem>>)
      %dma_wait3A_566 = arith.constant 0 : i32
      %dma_wait3A_567 = tpu.memref_slice %arg5[%arg0, %add3A_560, %dma_wait3A_566] : memref<2x10000x128xbf16, #tpu.memory_space<hbm>> -> memref<1x125x128xbf16, #tpu.memory_space<hbm>>
      %dma_wait3A_568 = tpu.memref_squeeze %dma_wait3A_567 : memref<1x125x128xbf16, #tpu.memory_space<hbm>> -> memref<125x128xbf16, #tpu.memory_space<hbm>>
      %dma_wait3A_569 = arith.constant 0 : i32
      %dma_wait3A_570 = tpu.memref_slice %arg9[%add3A_560, %dma_wait3A_569] : memref<10000x128xbf16, #tpu.memory_space<vmem_shared>> -> memref<125x128xbf16, #tpu.memory_space<vmem_shared>>
      tpu.wait_dma2 semaphore(%run_scoped3A : memref<!tpu.dma_semaphore, #tpu.memory_space<semaphore_mem>>) src(%dma_wait3A_570 : memref<125x128xbf16, #tpu.memory_space<vmem_shared>>) dst(%dma_wait3A_568 : memref<125x128xbf16, #tpu.memory_space<hbm>>)
      tpu.yield
    }) : () -> ()
    return
  }
}

#map = affine_map<(d0, d1) -> (0, 0, 0)>
#map1 = affine_map<(d0, d1) -> (0, 0)>
module attributes {stable_mosaic.version = 14 : i64} {
  func.func @_deg_kernel(%arg0: i32, %arg1: i32, %arg2: memref<32x625x16xi32, #tpu.memory_space<hbm>>, %arg3: memref<32x625x16xi32, #tpu.memory_space<hbm>>, %arg4: memref<32x10000xf32, #tpu.memory_space<hbm>>, %arg5: memref<32x10000xf32, #tpu.memory_space<hbm>>, %arg6: memref<625x16xi32, #tpu.memory_space<vmem>>, %arg7: memref<625x16xi32, #tpu.memory_space<vmem>>, %arg8: memref<10000xf32, #tpu.memory_space<vmem>>, %arg9: memref<10000xf32, #tpu.memory_space<vmem>>) attributes {dimension_semantics = [#tpu.dimension_semantics<core_parallel>, #tpu.dimension_semantics<subcore_parallel>], iteration_bounds = array<i64: 2, 16>, scalar_prefetch = 0 : i64, scratch_operands = 4 : i64, tpu.core_type = #tpu.core_type<sc_vector_subcore>, window_params = [{transform_indices = #map}, {transform_indices = #map}, {transform_indices = #map1}, {transform_indices = #map1}]} {
    %mul3A = arith.constant 2 : i32
    %mul3A_0 = arith.muli %arg1, %mul3A : i32
    %add3A = arith.addi %mul3A_0, %arg0 : i32
    "tpu.region"() ({
      %run_scoped3A = tpu.sem_alloc : memref<!tpu.dma_semaphore, #tpu.memory_space<semaphore_mem>>
      %dma_start3A = arith.constant 0 : i32
      %dma_start3A_13 = arith.constant 0 : i32
      %dma_start3A_14 = tpu.memref_slice %arg2[%add3A, %dma_start3A, %dma_start3A_13] : memref<32x625x16xi32, #tpu.memory_space<hbm>> -> memref<1x625x16xi32, #tpu.memory_space<hbm>>
      %dma_start3A_15 = tpu.memref_squeeze %dma_start3A_14 : memref<1x625x16xi32, #tpu.memory_space<hbm>> -> memref<625x16xi32, #tpu.memory_space<hbm>>
      %dma_start3A_16 = arith.constant 0 : i32
      %dma_start3A_17 = arith.constant 0 : i32
      %dma_start3A_18 = tpu.memref_slice %arg2[%add3A, %dma_start3A_16, %dma_start3A_17] : memref<32x625x16xi32, #tpu.memory_space<hbm>> -> memref<1x625x16xi32, #tpu.memory_space<hbm>>
      %dma_start3A_19 = tpu.memref_squeeze %dma_start3A_18 : memref<1x625x16xi32, #tpu.memory_space<hbm>> -> memref<625x16xi32, #tpu.memory_space<hbm>>
      tpu.enqueue_dma source(%dma_start3A_19 : memref<625x16xi32, #tpu.memory_space<hbm>>) target(%arg6 : memref<625x16xi32, #tpu.memory_space<vmem>>) target_semaphore(%run_scoped3A : memref<!tpu.dma_semaphore, #tpu.memory_space<semaphore_mem>>)
      %dma_wait3A = arith.constant 0 : i32
      %dma_wait3A_20 = arith.constant 0 : i32
      %dma_wait3A_21 = tpu.memref_slice %arg2[%add3A, %dma_wait3A, %dma_wait3A_20] : memref<32x625x16xi32, #tpu.memory_space<hbm>> -> memref<1x625x16xi32, #tpu.memory_space<hbm>>
      %dma_wait3A_22 = tpu.memref_squeeze %dma_wait3A_21 : memref<1x625x16xi32, #tpu.memory_space<hbm>> -> memref<625x16xi32, #tpu.memory_space<hbm>>
      %dma_wait3A_23 = arith.constant 0 : i32
      %dma_wait3A_24 = arith.constant 0 : i32
      %dma_wait3A_25 = tpu.memref_slice %arg2[%add3A, %dma_wait3A_23, %dma_wait3A_24] : memref<32x625x16xi32, #tpu.memory_space<hbm>> -> memref<1x625x16xi32, #tpu.memory_space<hbm>>
      %dma_wait3A_26 = tpu.memref_squeeze %dma_wait3A_25 : memref<1x625x16xi32, #tpu.memory_space<hbm>> -> memref<625x16xi32, #tpu.memory_space<hbm>>
      tpu.wait_dma2 semaphore(%run_scoped3A : memref<!tpu.dma_semaphore, #tpu.memory_space<semaphore_mem>>) src(%dma_wait3A_26 : memref<625x16xi32, #tpu.memory_space<hbm>>) dst(%arg6 : memref<625x16xi32, #tpu.memory_space<vmem>>)
      tpu.yield
    }) : () -> ()
    "tpu.region"() ({
      %run_scoped3A = tpu.sem_alloc : memref<!tpu.dma_semaphore, #tpu.memory_space<semaphore_mem>>
      %dma_start3A = arith.constant 0 : i32
      %dma_start3A_13 = arith.constant 0 : i32
      %dma_start3A_14 = tpu.memref_slice %arg3[%add3A, %dma_start3A, %dma_start3A_13] : memref<32x625x16xi32, #tpu.memory_space<hbm>> -> memref<1x625x16xi32, #tpu.memory_space<hbm>>
      %dma_start3A_15 = tpu.memref_squeeze %dma_start3A_14 : memref<1x625x16xi32, #tpu.memory_space<hbm>> -> memref<625x16xi32, #tpu.memory_space<hbm>>
      %dma_start3A_16 = arith.constant 0 : i32
      %dma_start3A_17 = arith.constant 0 : i32
      %dma_start3A_18 = tpu.memref_slice %arg3[%add3A, %dma_start3A_16, %dma_start3A_17] : memref<32x625x16xi32, #tpu.memory_space<hbm>> -> memref<1x625x16xi32, #tpu.memory_space<hbm>>
      %dma_start3A_19 = tpu.memref_squeeze %dma_start3A_18 : memref<1x625x16xi32, #tpu.memory_space<hbm>> -> memref<625x16xi32, #tpu.memory_space<hbm>>
      tpu.enqueue_dma source(%dma_start3A_19 : memref<625x16xi32, #tpu.memory_space<hbm>>) target(%arg7 : memref<625x16xi32, #tpu.memory_space<vmem>>) target_semaphore(%run_scoped3A : memref<!tpu.dma_semaphore, #tpu.memory_space<semaphore_mem>>)
      %dma_wait3A = arith.constant 0 : i32
      %dma_wait3A_20 = arith.constant 0 : i32
      %dma_wait3A_21 = tpu.memref_slice %arg3[%add3A, %dma_wait3A, %dma_wait3A_20] : memref<32x625x16xi32, #tpu.memory_space<hbm>> -> memref<1x625x16xi32, #tpu.memory_space<hbm>>
      %dma_wait3A_22 = tpu.memref_squeeze %dma_wait3A_21 : memref<1x625x16xi32, #tpu.memory_space<hbm>> -> memref<625x16xi32, #tpu.memory_space<hbm>>
      %dma_wait3A_23 = arith.constant 0 : i32
      %dma_wait3A_24 = arith.constant 0 : i32
      %dma_wait3A_25 = tpu.memref_slice %arg3[%add3A, %dma_wait3A_23, %dma_wait3A_24] : memref<32x625x16xi32, #tpu.memory_space<hbm>> -> memref<1x625x16xi32, #tpu.memory_space<hbm>>
      %dma_wait3A_26 = tpu.memref_squeeze %dma_wait3A_25 : memref<1x625x16xi32, #tpu.memory_space<hbm>> -> memref<625x16xi32, #tpu.memory_space<hbm>>
      tpu.wait_dma2 semaphore(%run_scoped3A : memref<!tpu.dma_semaphore, #tpu.memory_space<semaphore_mem>>) src(%dma_wait3A_26 : memref<625x16xi32, #tpu.memory_space<hbm>>) dst(%arg7 : memref<625x16xi32, #tpu.memory_space<vmem>>)
      tpu.yield
    }) : () -> ()
    %broadcast_in_dim3A = arith.constant 0.000000e+00 : f32
    %broadcast_in_dim3A_1 = vector.broadcast %broadcast_in_dim3A : f32 to vector<16xf32>
    %scan3A = arith.constant 0 : i32
    %scan3A_2 = arith.constant 625 : i32
    %scan3A_3 = arith.addi %scan3A, %scan3A_2 : i32
    %scan3A_4 = arith.constant 1 : i32
    scf.for %scan3A_13 = %scan3A to %scan3A_3 step %scan3A_4  : i32 {
      %mul3A_14 = arith.constant 1 : i32
      %mul3A_15 = arith.muli %scan3A_13, %mul3A_14 : i32
      %add3A_16 = arith.constant 0 : i32
      %add3A_17 = arith.addi %add3A_16, %mul3A_15 : i32
      %mul3A_18 = arith.constant 16 : i32
      %mul3A_19 = arith.muli %add3A_17, %mul3A_18 : i32
      %swap3A = arith.index_cast %mul3A_19 : i32 to index
      %swap3A_20 = tpu.vector_load %arg8[%swap3A] {strides = array<i32>} : memref<10000xf32, #tpu.memory_space<vmem>>, vector<16xf32>,
      tpu.vector_store %arg8[%swap3A], %broadcast_in_dim3A_1 {strides = array<i32>} : memref<10000xf32, #tpu.memory_space<vmem>>, vector<16xf32>,
      %mul3A_21 = arith.constant 16 : i32
      %mul3A_22 = arith.muli %add3A_17, %mul3A_21 : i32
      %swap3A_23 = arith.index_cast %mul3A_22 : i32 to index
      %swap3A_24 = tpu.vector_load %arg9[%swap3A_23] {strides = array<i32>} : memref<10000xf32, #tpu.memory_space<vmem>>, vector<16xf32>,
      tpu.vector_store %arg9[%swap3A_23], %broadcast_in_dim3A_1 {strides = array<i32>} : memref<10000xf32, #tpu.memory_space<vmem>>, vector<16xf32>,
    }
    %scan3A_5 = arith.constant 625 : i32
    %broadcast_in_dim3A_6 = arith.constant 1.000000e+00 : f32
    %broadcast_in_dim3A_7 = vector.broadcast %broadcast_in_dim3A_6 : f32 to vector<16xf32>
    %scan3A_8 = arith.constant 0 : i32
    %scan3A_9 = arith.constant 625 : i32
    %scan3A_10 = arith.addi %scan3A_8, %scan3A_9 : i32
    %scan3A_11 = arith.constant 1 : i32
    scf.for %scan3A_13 = %scan3A_8 to %scan3A_10 step %scan3A_11  : i32 {
      %mul3A_14 = arith.constant 1 : i32
      %mul3A_15 = arith.muli %scan3A_13, %mul3A_14 : i32
      %add3A_16 = arith.constant 0 : i32
      %add3A_17 = arith.addi %add3A_16, %mul3A_15 : i32
      %get3A = arith.index_cast %add3A_17 : i32 to index
      %get3A_18 = arith.constant 0 : index
      %get3A_19 = tpu.vector_load %arg6[%get3A, %get3A_18] {strides = array<i32>} : memref<625x16xi32, #tpu.memory_space<vmem>>, vector<16xi32>,
      tpu.vector_store_idx %arg8[%get3A_19], %broadcast_in_dim3A_7 {add = true} : memref<10000xf32, #tpu.memory_space<vmem>>[vector<16xi32>], vector<16xf32>,
      %get3A_20 = arith.index_cast %add3A_17 : i32 to index
      %get3A_21 = arith.constant 0 : index
      %get3A_22 = tpu.vector_load %arg7[%get3A_20, %get3A_21] {strides = array<i32>} : memref<625x16xi32, #tpu.memory_space<vmem>>, vector<16xi32>,
      tpu.vector_store_idx %arg9[%get3A_22], %broadcast_in_dim3A_7 {add = true} : memref<10000xf32, #tpu.memory_space<vmem>>[vector<16xi32>], vector<16xf32>,
    }
    %scan3A_12 = arith.constant 625 : i32
    "tpu.region"() ({
      %run_scoped3A = tpu.sem_alloc : memref<!tpu.dma_semaphore, #tpu.memory_space<semaphore_mem>>
      %dma_start3A = arith.constant 0 : i32
      %dma_start3A_13 = tpu.memref_slice %arg4[%add3A, %dma_start3A] : memref<32x10000xf32, #tpu.memory_space<hbm>> -> memref<1x10000xf32, #tpu.memory_space<hbm>>
      %dma_start3A_14 = tpu.memref_squeeze %dma_start3A_13 : memref<1x10000xf32, #tpu.memory_space<hbm>> -> memref<10000xf32, #tpu.memory_space<hbm>>
      %dma_start3A_15 = arith.constant 0 : i32
      %dma_start3A_16 = tpu.memref_slice %arg4[%add3A, %dma_start3A_15] : memref<32x10000xf32, #tpu.memory_space<hbm>> -> memref<1x10000xf32, #tpu.memory_space<hbm>>
      %dma_start3A_17 = tpu.memref_squeeze %dma_start3A_16 : memref<1x10000xf32, #tpu.memory_space<hbm>> -> memref<10000xf32, #tpu.memory_space<hbm>>
      tpu.enqueue_dma source(%arg8 : memref<10000xf32, #tpu.memory_space<vmem>>) target(%dma_start3A_17 : memref<10000xf32, #tpu.memory_space<hbm>>) target_semaphore(%run_scoped3A : memref<!tpu.dma_semaphore, #tpu.memory_space<semaphore_mem>>)
      %dma_wait3A = arith.constant 0 : i32
      %dma_wait3A_18 = tpu.memref_slice %arg4[%add3A, %dma_wait3A] : memref<32x10000xf32, #tpu.memory_space<hbm>> -> memref<1x10000xf32, #tpu.memory_space<hbm>>
      %dma_wait3A_19 = tpu.memref_squeeze %dma_wait3A_18 : memref<1x10000xf32, #tpu.memory_space<hbm>> -> memref<10000xf32, #tpu.memory_space<hbm>>
      %dma_wait3A_20 = arith.constant 0 : i32
      %dma_wait3A_21 = tpu.memref_slice %arg4[%add3A, %dma_wait3A_20] : memref<32x10000xf32, #tpu.memory_space<hbm>> -> memref<1x10000xf32, #tpu.memory_space<hbm>>
      %dma_wait3A_22 = tpu.memref_squeeze %dma_wait3A_21 : memref<1x10000xf32, #tpu.memory_space<hbm>> -> memref<10000xf32, #tpu.memory_space<hbm>>
      tpu.wait_dma2 semaphore(%run_scoped3A : memref<!tpu.dma_semaphore, #tpu.memory_space<semaphore_mem>>) src(%arg8 : memref<10000xf32, #tpu.memory_space<vmem>>) dst(%dma_wait3A_22 : memref<10000xf32, #tpu.memory_space<hbm>>)
      tpu.yield
    }) : () -> ()
    "tpu.region"() ({
      %run_scoped3A = tpu.sem_alloc : memref<!tpu.dma_semaphore, #tpu.memory_space<semaphore_mem>>
      %dma_start3A = arith.constant 0 : i32
      %dma_start3A_13 = tpu.memref_slice %arg5[%add3A, %dma_start3A] : memref<32x10000xf32, #tpu.memory_space<hbm>> -> memref<1x10000xf32, #tpu.memory_space<hbm>>
      %dma_start3A_14 = tpu.memref_squeeze %dma_start3A_13 : memref<1x10000xf32, #tpu.memory_space<hbm>> -> memref<10000xf32, #tpu.memory_space<hbm>>
      %dma_start3A_15 = arith.constant 0 : i32
      %dma_start3A_16 = tpu.memref_slice %arg5[%add3A, %dma_start3A_15] : memref<32x10000xf32, #tpu.memory_space<hbm>> -> memref<1x10000xf32, #tpu.memory_space<hbm>>
      %dma_start3A_17 = tpu.memref_squeeze %dma_start3A_16 : memref<1x10000xf32, #tpu.memory_space<hbm>> -> memref<10000xf32, #tpu.memory_space<hbm>>
      tpu.enqueue_dma source(%arg9 : memref<10000xf32, #tpu.memory_space<vmem>>) target(%dma_start3A_17 : memref<10000xf32, #tpu.memory_space<hbm>>) target_semaphore(%run_scoped3A : memref<!tpu.dma_semaphore, #tpu.memory_space<semaphore_mem>>)
      %dma_wait3A = arith.constant 0 : i32
      %dma_wait3A_18 = tpu.memref_slice %arg5[%add3A, %dma_wait3A] : memref<32x10000xf32, #tpu.memory_space<hbm>> -> memref<1x10000xf32, #tpu.memory_space<hbm>>
      %dma_wait3A_19 = tpu.memref_squeeze %dma_wait3A_18 : memref<1x10000xf32, #tpu.memory_space<hbm>> -> memref<10000xf32, #tpu.memory_space<hbm>>
      %dma_wait3A_20 = arith.constant 0 : i32
      %dma_wait3A_21 = tpu.memref_slice %arg5[%add3A, %dma_wait3A_20] : memref<32x10000xf32, #tpu.memory_space<hbm>> -> memref<1x10000xf32, #tpu.memory_space<hbm>>
      %dma_wait3A_22 = tpu.memref_squeeze %dma_wait3A_21 : memref<1x10000xf32, #tpu.memory_space<hbm>> -> memref<10000xf32, #tpu.memory_space<hbm>>
      tpu.wait_dma2 semaphore(%run_scoped3A : memref<!tpu.dma_semaphore, #tpu.memory_space<semaphore_mem>>) src(%arg9 : memref<10000xf32, #tpu.memory_space<vmem>>) dst(%dma_wait3A_22 : memref<10000xf32, #tpu.memory_space<hbm>>)
      tpu.yield
    }) : () -> ()
    return
  }
}

#map = affine_map<(d0, d1) -> (0, 0)>
#map1 = affine_map<(d0, d1) -> (0, 0, 0)>
module attributes {stable_mosaic.version = 14 : i64} {
  func.func @_spmm_kernel(%arg0: i32, %arg1: i32, %arg2: memref<10000x128xbf16, #tpu.memory_space<hbm>>, %arg3: memref<32x100x100xi32, #tpu.memory_space<hbm>>, %arg4: memref<32x100x100xi32, #tpu.memory_space<hbm>>, %arg5: memref<2x10000x128xbf16, #tpu.memory_space<hbm>>, %arg6: memref<9x100xi32, #tpu.memory_space<vmem>>, %arg7: memref<9x100xi32, #tpu.memory_space<vmem>>, %arg8: memref<9x100x128xbf16, #tpu.memory_space<vmem>>, %arg9: memref<10000x128xbf16, #tpu.memory_space<vmem_shared>>, %arg10: memref<!tpu.dma_semaphore, #tpu.memory_space<semaphore_mem>>, %arg11: memref<!tpu.dma_semaphore, #tpu.memory_space<semaphore_mem>>, %arg12: memref<!tpu.dma_semaphore, #tpu.memory_space<semaphore_mem>>) attributes {dimension_semantics = [#tpu.dimension_semantics<core_parallel>, #tpu.dimension_semantics<subcore_parallel>], iteration_bounds = array<i64: 2, 16>, scalar_prefetch = 0 : i64, scratch_operands = 7 : i64, tpu.core_type = #tpu.core_type<sc_vector_subcore>, window_params = [{transform_indices = #map}, {transform_indices = #map1}, {transform_indices = #map1}, {transform_indices = #map1}]} {
    %mul3A = arith.constant 2 : i32
    %mul3A_0 = arith.muli %arg1, %mul3A : i32
    %add3A = arith.addi %mul3A_0, %arg0 : i32
    %broadcast_in_dim3A = arith.constant 0.000000e+00 : bf16
    %broadcast_in_dim3A_1 = vector.broadcast %broadcast_in_dim3A : bf16 to vector<32xbf16>
    %scan3A = arith.constant 0 : i32
    %scan3A_2 = arith.constant 100 : i32
    %scan3A_3 = arith.addi %scan3A, %scan3A_2 : i32
    %scan3A_4 = arith.constant 1 : i32
    scf.for %scan3A_561 = %scan3A to %scan3A_3 step %scan3A_4  : i32 {
      %mul3A_562 = arith.constant 1 : i32
      %mul3A_563 = arith.muli %scan3A_561, %mul3A_562 : i32
      %add3A_564 = arith.constant 0 : i32
      %add3A_565 = arith.addi %add3A_564, %mul3A_563 : i32
      %swap3A = arith.constant 0 : i32
      %swap3A_566 = arith.index_cast %swap3A : i32 to index
      %swap3A_567 = arith.index_cast %add3A_565 : i32 to index
      %swap3A_568 = arith.constant 0 : index
      %swap3A_569 = tpu.vector_load %arg8[%swap3A_566, %swap3A_567, %swap3A_568] {strides = array<i32>} : memref<9x100x128xbf16, #tpu.memory_space<vmem>>, vector<32xbf16>,
      tpu.vector_store %arg8[%swap3A_566, %swap3A_567, %swap3A_568], %broadcast_in_dim3A_1 {strides = array<i32>} : memref<9x100x128xbf16, #tpu.memory_space<vmem>>, vector<32xbf16>,
      %swap3A_570 = arith.constant 0 : i32
      %swap3A_571 = arith.index_cast %swap3A_570 : i32 to index
      %swap3A_572 = arith.index_cast %add3A_565 : i32 to index
      %swap3A_573 = arith.constant 32 : index
      %swap3A_574 = tpu.vector_load %arg8[%swap3A_571, %swap3A_572, %swap3A_573] {strides = array<i32>} : memref<9x100x128xbf16, #tpu.memory_space<vmem>>, vector<32xbf16>,
      tpu.vector_store %arg8[%swap3A_571, %swap3A_572, %swap3A_573], %broadcast_in_dim3A_1 {strides = array<i32>} : memref<9x100x128xbf16, #tpu.memory_space<vmem>>, vector<32xbf16>,
      %swap3A_575 = arith.constant 0 : i32
      %swap3A_576 = arith.index_cast %swap3A_575 : i32 to index
      %swap3A_577 = arith.index_cast %add3A_565 : i32 to index
      %swap3A_578 = arith.constant 64 : index
      %swap3A_579 = tpu.vector_load %arg8[%swap3A_576, %swap3A_577, %swap3A_578] {strides = array<i32>} : memref<9x100x128xbf16, #tpu.memory_space<vmem>>, vector<32xbf16>,
      tpu.vector_store %arg8[%swap3A_576, %swap3A_577, %swap3A_578], %broadcast_in_dim3A_1 {strides = array<i32>} : memref<9x100x128xbf16, #tpu.memory_space<vmem>>, vector<32xbf16>,
      %swap3A_580 = arith.constant 0 : i32
      %swap3A_581 = arith.index_cast %swap3A_580 : i32 to index
      %swap3A_582 = arith.index_cast %add3A_565 : i32 to index
      %swap3A_583 = arith.constant 96 : index
      %swap3A_584 = tpu.vector_load %arg8[%swap3A_581, %swap3A_582, %swap3A_583] {strides = array<i32>} : memref<9x100x128xbf16, #tpu.memory_space<vmem>>, vector<32xbf16>,
      tpu.vector_store %arg8[%swap3A_581, %swap3A_582, %swap3A_583], %broadcast_in_dim3A_1 {strides = array<i32>} : memref<9x100x128xbf16, #tpu.memory_space<vmem>>, vector<32xbf16>,
    }
    %scan3A_5 = arith.constant 100 : i32
    %mul3A_6 = arith.constant 625 : i32
    %mul3A_7 = arith.muli %arg1, %mul3A_6 : i32
    %add3A_8 = arith.constant 0 : i32
    %add3A_9 = arith.addi %mul3A_7, %add3A_8 : i32
    %dma_start3A = arith.constant 0 : i32
    %dma_start3A_10 = arith.constant 0 : i32
    %dma_start3A_11 = arith.constant 0 : i32
    %dma_start3A_12 = tpu.memref_slice %arg8[%dma_start3A, %dma_start3A_10, %dma_start3A_11] : memref<9x100x128xbf16, #tpu.memory_space<vmem>> -> memref<1x100x128xbf16, #tpu.memory_space<vmem>>
    %dma_start3A_13 = tpu.memref_squeeze %dma_start3A_12 : memref<1x100x128xbf16, #tpu.memory_space<vmem>> -> memref<100x128xbf16, #tpu.memory_space<vmem>>
    %dma_start3A_14 = arith.constant 0 : i32
    %dma_start3A_15 = tpu.memref_slice %arg9[%add3A_9, %dma_start3A_14] : memref<10000x128xbf16, #tpu.memory_space<vmem_shared>> -> memref<100x128xbf16, #tpu.memory_space<vmem_shared>>
    %dma_start3A_16 = arith.constant 0 : i32
    %dma_start3A_17 = tpu.memref_slice %arg9[%add3A_9, %dma_start3A_16] : memref<10000x128xbf16, #tpu.memory_space<vmem_shared>> -> memref<100x128xbf16, #tpu.memory_space<vmem_shared>>
    %dma_start3A_18 = arith.constant 0 : i32
    %dma_start3A_19 = arith.constant 0 : i32
    %dma_start3A_20 = tpu.memref_slice %arg8[%dma_start3A, %dma_start3A_18, %dma_start3A_19] : memref<9x100x128xbf16, #tpu.memory_space<vmem>> -> memref<1x100x128xbf16, #tpu.memory_space<vmem>>
    %dma_start3A_21 = tpu.memref_squeeze %dma_start3A_20 : memref<1x100x128xbf16, #tpu.memory_space<vmem>> -> memref<100x128xbf16, #tpu.memory_space<vmem>>
    tpu.enqueue_dma source(%dma_start3A_21 : memref<100x128xbf16, #tpu.memory_space<vmem>>) target(%dma_start3A_17 : memref<100x128xbf16, #tpu.memory_space<vmem_shared>>) target_semaphore(%arg11 : memref<!tpu.dma_semaphore, #tpu.memory_space<semaphore_mem>>)
    %add3A_22 = arith.constant 100 : i32
    %add3A_23 = arith.addi %mul3A_7, %add3A_22 : i32
    %dma_start3A_24 = arith.constant 0 : i32
    %dma_start3A_25 = arith.constant 0 : i32
    %dma_start3A_26 = arith.constant 0 : i32
    %dma_start3A_27 = tpu.memref_slice %arg8[%dma_start3A_24, %dma_start3A_25, %dma_start3A_26] : memref<9x100x128xbf16, #tpu.memory_space<vmem>> -> memref<1x100x128xbf16, #tpu.memory_space<vmem>>
    %dma_start3A_28 = tpu.memref_squeeze %dma_start3A_27 : memref<1x100x128xbf16, #tpu.memory_space<vmem>> -> memref<100x128xbf16, #tpu.memory_space<vmem>>
    %dma_start3A_29 = arith.constant 0 : i32
    %dma_start3A_30 = tpu.memref_slice %arg9[%add3A_23, %dma_start3A_29] : memref<10000x128xbf16, #tpu.memory_space<vmem_shared>> -> memref<100x128xbf16, #tpu.memory_space<vmem_shared>>
    %dma_start3A_31 = arith.constant 0 : i32
    %dma_start3A_32 = tpu.memref_slice %arg9[%add3A_23, %dma_start3A_31] : memref<10000x128xbf16, #tpu.memory_space<vmem_shared>> -> memref<100x128xbf16, #tpu.memory_space<vmem_shared>>
    %dma_start3A_33 = arith.constant 0 : i32
    %dma_start3A_34 = arith.constant 0 : i32
    %dma_start3A_35 = tpu.memref_slice %arg8[%dma_start3A_24, %dma_start3A_33, %dma_start3A_34] : memref<9x100x128xbf16, #tpu.memory_space<vmem>> -> memref<1x100x128xbf16, #tpu.memory_space<vmem>>
    %dma_start3A_36 = tpu.memref_squeeze %dma_start3A_35 : memref<1x100x128xbf16, #tpu.memory_space<vmem>> -> memref<100x128xbf16, #tpu.memory_space<vmem>>
    tpu.enqueue_dma source(%dma_start3A_36 : memref<100x128xbf16, #tpu.memory_space<vmem>>) target(%dma_start3A_32 : memref<100x128xbf16, #tpu.memory_space<vmem_shared>>) target_semaphore(%arg11 : memref<!tpu.dma_semaphore, #tpu.memory_space<semaphore_mem>>)
    %add3A_37 = arith.constant 200 : i32
    %add3A_38 = arith.addi %mul3A_7, %add3A_37 : i32
    %dma_start3A_39 = arith.constant 0 : i32
    %dma_start3A_40 = arith.constant 0 : i32
    %dma_start3A_41 = arith.constant 0 : i32
    %dma_start3A_42 = tpu.memref_slice %arg8[%dma_start3A_39, %dma_start3A_40, %dma_start3A_41] : memref<9x100x128xbf16, #tpu.memory_space<vmem>> -> memref<1x100x128xbf16, #tpu.memory_space<vmem>>
    %dma_start3A_43 = tpu.memref_squeeze %dma_start3A_42 : memref<1x100x128xbf16, #tpu.memory_space<vmem>> -> memref<100x128xbf16, #tpu.memory_space<vmem>>
    %dma_start3A_44 = arith.constant 0 : i32
    %dma_start3A_45 = tpu.memref_slice %arg9[%add3A_38, %dma_start3A_44] : memref<10000x128xbf16, #tpu.memory_space<vmem_shared>> -> memref<100x128xbf16, #tpu.memory_space<vmem_shared>>
    %dma_start3A_46 = arith.constant 0 : i32
    %dma_start3A_47 = tpu.memref_slice %arg9[%add3A_38, %dma_start3A_46] : memref<10000x128xbf16, #tpu.memory_space<vmem_shared>> -> memref<100x128xbf16, #tpu.memory_space<vmem_shared>>
    %dma_start3A_48 = arith.constant 0 : i32
    %dma_start3A_49 = arith.constant 0 : i32
    %dma_start3A_50 = tpu.memref_slice %arg8[%dma_start3A_39, %dma_start3A_48, %dma_start3A_49] : memref<9x100x128xbf16, #tpu.memory_space<vmem>> -> memref<1x100x128xbf16, #tpu.memory_space<vmem>>
    %dma_start3A_51 = tpu.memref_squeeze %dma_start3A_50 : memref<1x100x128xbf16, #tpu.memory_space<vmem>> -> memref<100x128xbf16, #tpu.memory_space<vmem>>
    tpu.enqueue_dma source(%dma_start3A_51 : memref<100x128xbf16, #tpu.memory_space<vmem>>) target(%dma_start3A_47 : memref<100x128xbf16, #tpu.memory_space<vmem_shared>>) target_semaphore(%arg11 : memref<!tpu.dma_semaphore, #tpu.memory_space<semaphore_mem>>)
    %add3A_52 = arith.constant 300 : i32
    %add3A_53 = arith.addi %mul3A_7, %add3A_52 : i32
    %dma_start3A_54 = arith.constant 0 : i32
    %dma_start3A_55 = arith.constant 0 : i32
    %dma_start3A_56 = arith.constant 0 : i32
    %dma_start3A_57 = tpu.memref_slice %arg8[%dma_start3A_54, %dma_start3A_55, %dma_start3A_56] : memref<9x100x128xbf16, #tpu.memory_space<vmem>> -> memref<1x100x128xbf16, #tpu.memory_space<vmem>>
    %dma_start3A_58 = tpu.memref_squeeze %dma_start3A_57 : memref<1x100x128xbf16, #tpu.memory_space<vmem>> -> memref<100x128xbf16, #tpu.memory_space<vmem>>
    %dma_start3A_59 = arith.constant 0 : i32
    %dma_start3A_60 = tpu.memref_slice %arg9[%add3A_53, %dma_start3A_59] : memref<10000x128xbf16, #tpu.memory_space<vmem_shared>> -> memref<100x128xbf16, #tpu.memory_space<vmem_shared>>
    %dma_start3A_61 = arith.constant 0 : i32
    %dma_start3A_62 = tpu.memref_slice %arg9[%add3A_53, %dma_start3A_61] : memref<10000x128xbf16, #tpu.memory_space<vmem_shared>> -> memref<100x128xbf16, #tpu.memory_space<vmem_shared>>
    %dma_start3A_63 = arith.constant 0 : i32
    %dma_start3A_64 = arith.constant 0 : i32
    %dma_start3A_65 = tpu.memref_slice %arg8[%dma_start3A_54, %dma_start3A_63, %dma_start3A_64] : memref<9x100x128xbf16, #tpu.memory_space<vmem>> -> memref<1x100x128xbf16, #tpu.memory_space<vmem>>
    %dma_start3A_66 = tpu.memref_squeeze %dma_start3A_65 : memref<1x100x128xbf16, #tpu.memory_space<vmem>> -> memref<100x128xbf16, #tpu.memory_space<vmem>>
    tpu.enqueue_dma source(%dma_start3A_66 : memref<100x128xbf16, #tpu.memory_space<vmem>>) target(%dma_start3A_62 : memref<100x128xbf16, #tpu.memory_space<vmem_shared>>) target_semaphore(%arg11 : memref<!tpu.dma_semaphore, #tpu.memory_space<semaphore_mem>>)
    %add3A_67 = arith.constant 400 : i32
    %add3A_68 = arith.addi %mul3A_7, %add3A_67 : i32
    %dma_start3A_69 = arith.constant 0 : i32
    %dma_start3A_70 = arith.constant 0 : i32
    %dma_start3A_71 = arith.constant 0 : i32
    %dma_start3A_72 = tpu.memref_slice %arg8[%dma_start3A_69, %dma_start3A_70, %dma_start3A_71] : memref<9x100x128xbf16, #tpu.memory_space<vmem>> -> memref<1x100x128xbf16, #tpu.memory_space<vmem>>
    %dma_start3A_73 = tpu.memref_squeeze %dma_start3A_72 : memref<1x100x128xbf16, #tpu.memory_space<vmem>> -> memref<100x128xbf16, #tpu.memory_space<vmem>>
    %dma_start3A_74 = arith.constant 0 : i32
    %dma_start3A_75 = tpu.memref_slice %arg9[%add3A_68, %dma_start3A_74] : memref<10000x128xbf16, #tpu.memory_space<vmem_shared>> -> memref<100x128xbf16, #tpu.memory_space<vmem_shared>>
    %dma_start3A_76 = arith.constant 0 : i32
    %dma_start3A_77 = tpu.memref_slice %arg9[%add3A_68, %dma_start3A_76] : memref<10000x128xbf16, #tpu.memory_space<vmem_shared>> -> memref<100x128xbf16, #tpu.memory_space<vmem_shared>>
    %dma_start3A_78 = arith.constant 0 : i32
    %dma_start3A_79 = arith.constant 0 : i32
    %dma_start3A_80 = tpu.memref_slice %arg8[%dma_start3A_69, %dma_start3A_78, %dma_start3A_79] : memref<9x100x128xbf16, #tpu.memory_space<vmem>> -> memref<1x100x128xbf16, #tpu.memory_space<vmem>>
    %dma_start3A_81 = tpu.memref_squeeze %dma_start3A_80 : memref<1x100x128xbf16, #tpu.memory_space<vmem>> -> memref<100x128xbf16, #tpu.memory_space<vmem>>
    tpu.enqueue_dma source(%dma_start3A_81 : memref<100x128xbf16, #tpu.memory_space<vmem>>) target(%dma_start3A_77 : memref<100x128xbf16, #tpu.memory_space<vmem_shared>>) target_semaphore(%arg11 : memref<!tpu.dma_semaphore, #tpu.memory_space<semaphore_mem>>)
    %add3A_82 = arith.constant 500 : i32
    %add3A_83 = arith.addi %mul3A_7, %add3A_82 : i32
    %dma_start3A_84 = arith.constant 0 : i32
    %dma_start3A_85 = arith.constant 0 : i32
    %dma_start3A_86 = arith.constant 0 : i32
    %dma_start3A_87 = tpu.memref_slice %arg8[%dma_start3A_84, %dma_start3A_85, %dma_start3A_86] : memref<9x100x128xbf16, #tpu.memory_space<vmem>> -> memref<1x100x128xbf16, #tpu.memory_space<vmem>>
    %dma_start3A_88 = tpu.memref_squeeze %dma_start3A_87 : memref<1x100x128xbf16, #tpu.memory_space<vmem>> -> memref<100x128xbf16, #tpu.memory_space<vmem>>
    %dma_start3A_89 = arith.constant 0 : i32
    %dma_start3A_90 = tpu.memref_slice %arg9[%add3A_83, %dma_start3A_89] : memref<10000x128xbf16, #tpu.memory_space<vmem_shared>> -> memref<100x128xbf16, #tpu.memory_space<vmem_shared>>
    %dma_start3A_91 = arith.constant 0 : i32
    %dma_start3A_92 = tpu.memref_slice %arg9[%add3A_83, %dma_start3A_91] : memref<10000x128xbf16, #tpu.memory_space<vmem_shared>> -> memref<100x128xbf16, #tpu.memory_space<vmem_shared>>
    %dma_start3A_93 = arith.constant 0 : i32
    %dma_start3A_94 = arith.constant 0 : i32
    %dma_start3A_95 = tpu.memref_slice %arg8[%dma_start3A_84, %dma_start3A_93, %dma_start3A_94] : memref<9x100x128xbf16, #tpu.memory_space<vmem>> -> memref<1x100x128xbf16, #tpu.memory_space<vmem>>
    %dma_start3A_96 = tpu.memref_squeeze %dma_start3A_95 : memref<1x100x128xbf16, #tpu.memory_space<vmem>> -> memref<100x128xbf16, #tpu.memory_space<vmem>>
    tpu.enqueue_dma source(%dma_start3A_96 : memref<100x128xbf16, #tpu.memory_space<vmem>>) target(%dma_start3A_92 : memref<100x128xbf16, #tpu.memory_space<vmem_shared>>) target_semaphore(%arg11 : memref<!tpu.dma_semaphore, #tpu.memory_space<semaphore_mem>>)
    %add3A_97 = arith.constant 600 : i32
    %add3A_98 = arith.addi %mul3A_7, %add3A_97 : i32
    %dma_start3A_99 = arith.constant 0 : i32
    %dma_start3A_100 = arith.constant 0 : i32
    %dma_start3A_101 = arith.constant 0 : i32
    %dma_start3A_102 = tpu.memref_slice %arg8[%dma_start3A_99, %dma_start3A_100, %dma_start3A_101] : memref<9x100x128xbf16, #tpu.memory_space<vmem>> -> memref<1x25x128xbf16, #tpu.memory_space<vmem>>
    %dma_start3A_103 = tpu.memref_squeeze %dma_start3A_102 : memref<1x25x128xbf16, #tpu.memory_space<vmem>> -> memref<25x128xbf16, #tpu.memory_space<vmem>>
    %dma_start3A_104 = arith.constant 0 : i32
    %dma_start3A_105 = tpu.memref_slice %arg9[%add3A_98, %dma_start3A_104] : memref<10000x128xbf16, #tpu.memory_space<vmem_shared>> -> memref<25x128xbf16, #tpu.memory_space<vmem_shared>>
    %dma_start3A_106 = arith.constant 0 : i32
    %dma_start3A_107 = tpu.memref_slice %arg9[%add3A_98, %dma_start3A_106] : memref<10000x128xbf16, #tpu.memory_space<vmem_shared>> -> memref<25x128xbf16, #tpu.memory_space<vmem_shared>>
    %dma_start3A_108 = arith.constant 0 : i32
    %dma_start3A_109 = arith.constant 0 : i32
    %dma_start3A_110 = tpu.memref_slice %arg8[%dma_start3A_99, %dma_start3A_108, %dma_start3A_109] : memref<9x100x128xbf16, #tpu.memory_space<vmem>> -> memref<1x25x128xbf16, #tpu.memory_space<vmem>>
    %dma_start3A_111 = tpu.memref_squeeze %dma_start3A_110 : memref<1x25x128xbf16, #tpu.memory_space<vmem>> -> memref<25x128xbf16, #tpu.memory_space<vmem>>
    tpu.enqueue_dma source(%dma_start3A_111 : memref<25x128xbf16, #tpu.memory_space<vmem>>) target(%dma_start3A_107 : memref<25x128xbf16, #tpu.memory_space<vmem_shared>>) target_semaphore(%arg11 : memref<!tpu.dma_semaphore, #tpu.memory_space<semaphore_mem>>)
    %dma_wait3A = arith.constant 0 : i32
    %dma_wait3A_112 = arith.constant 0 : i32
    %dma_wait3A_113 = arith.constant 0 : i32
    %dma_wait3A_114 = tpu.memref_slice %arg8[%dma_wait3A, %dma_wait3A_112, %dma_wait3A_113] : memref<9x100x128xbf16, #tpu.memory_space<vmem>> -> memref<1x100x128xbf16, #tpu.memory_space<vmem>>
    %dma_wait3A_115 = tpu.memref_squeeze %dma_wait3A_114 : memref<1x100x128xbf16, #tpu.memory_space<vmem>> -> memref<100x128xbf16, #tpu.memory_space<vmem>>
    %dma_wait3A_116 = arith.constant 0 : i32
    %dma_wait3A_117 = arith.constant 0 : i32
    %dma_wait3A_118 = tpu.memref_slice %arg9[%dma_wait3A_116, %dma_wait3A_117] : memref<10000x128xbf16, #tpu.memory_space<vmem_shared>> -> memref<100x128xbf16, #tpu.memory_space<vmem_shared>>
    %dma_wait3A_119 = arith.constant 0 : i32
    %dma_wait3A_120 = arith.constant 0 : i32
    %dma_wait3A_121 = tpu.memref_slice %arg9[%dma_wait3A_119, %dma_wait3A_120] : memref<10000x128xbf16, #tpu.memory_space<vmem_shared>> -> memref<100x128xbf16, #tpu.memory_space<vmem_shared>>
    %dma_wait3A_122 = arith.constant 0 : i32
    %dma_wait3A_123 = arith.constant 0 : i32
    %dma_wait3A_124 = tpu.memref_slice %arg8[%dma_wait3A, %dma_wait3A_122, %dma_wait3A_123] : memref<9x100x128xbf16, #tpu.memory_space<vmem>> -> memref<1x100x128xbf16, #tpu.memory_space<vmem>>
    %dma_wait3A_125 = tpu.memref_squeeze %dma_wait3A_124 : memref<1x100x128xbf16, #tpu.memory_space<vmem>> -> memref<100x128xbf16, #tpu.memory_space<vmem>>
    tpu.wait_dma2 semaphore(%arg11 : memref<!tpu.dma_semaphore, #tpu.memory_space<semaphore_mem>>) src(%dma_wait3A_125 : memref<100x128xbf16, #tpu.memory_space<vmem>>) dst(%dma_wait3A_121 : memref<100x128xbf16, #tpu.memory_space<vmem_shared>>)
    %dma_wait3A_126 = arith.constant 0 : i32
    %dma_wait3A_127 = arith.constant 0 : i32
    %dma_wait3A_128 = arith.constant 0 : i32
    %dma_wait3A_129 = tpu.memref_slice %arg8[%dma_wait3A_126, %dma_wait3A_127, %dma_wait3A_128] : memref<9x100x128xbf16, #tpu.memory_space<vmem>> -> memref<1x100x128xbf16, #tpu.memory_space<vmem>>
    %dma_wait3A_130 = tpu.memref_squeeze %dma_wait3A_129 : memref<1x100x128xbf16, #tpu.memory_space<vmem>> -> memref<100x128xbf16, #tpu.memory_space<vmem>>
    %dma_wait3A_131 = arith.constant 0 : i32
    %dma_wait3A_132 = arith.constant 0 : i32
    %dma_wait3A_133 = tpu.memref_slice %arg9[%dma_wait3A_131, %dma_wait3A_132] : memref<10000x128xbf16, #tpu.memory_space<vmem_shared>> -> memref<100x128xbf16, #tpu.memory_space<vmem_shared>>
    %dma_wait3A_134 = arith.constant 0 : i32
    %dma_wait3A_135 = arith.constant 0 : i32
    %dma_wait3A_136 = tpu.memref_slice %arg9[%dma_wait3A_134, %dma_wait3A_135] : memref<10000x128xbf16, #tpu.memory_space<vmem_shared>> -> memref<100x128xbf16, #tpu.memory_space<vmem_shared>>
    %dma_wait3A_137 = arith.constant 0 : i32
    %dma_wait3A_138 = arith.constant 0 : i32
    %dma_wait3A_139 = tpu.memref_slice %arg8[%dma_wait3A_126, %dma_wait3A_137, %dma_wait3A_138] : memref<9x100x128xbf16, #tpu.memory_space<vmem>> -> memref<1x100x128xbf16, #tpu.memory_space<vmem>>
    %dma_wait3A_140 = tpu.memref_squeeze %dma_wait3A_139 : memref<1x100x128xbf16, #tpu.memory_space<vmem>> -> memref<100x128xbf16, #tpu.memory_space<vmem>>
    tpu.wait_dma2 semaphore(%arg11 : memref<!tpu.dma_semaphore, #tpu.memory_space<semaphore_mem>>) src(%dma_wait3A_140 : memref<100x128xbf16, #tpu.memory_space<vmem>>) dst(%dma_wait3A_136 : memref<100x128xbf16, #tpu.memory_space<vmem_shared>>)
    %dma_wait3A_141 = arith.constant 0 : i32
    %dma_wait3A_142 = arith.constant 0 : i32
    %dma_wait3A_143 = arith.constant 0 : i32
    %dma_wait3A_144 = tpu.memref_slice %arg8[%dma_wait3A_141, %dma_wait3A_142, %dma_wait3A_143] : memref<9x100x128xbf16, #tpu.memory_space<vmem>> -> memref<1x100x128xbf16, #tpu.memory_space<vmem>>
    %dma_wait3A_145 = tpu.memref_squeeze %dma_wait3A_144 : memref<1x100x128xbf16, #tpu.memory_space<vmem>> -> memref<100x128xbf16, #tpu.memory_space<vmem>>
    %dma_wait3A_146 = arith.constant 0 : i32
    %dma_wait3A_147 = arith.constant 0 : i32
    %dma_wait3A_148 = tpu.memref_slice %arg9[%dma_wait3A_146, %dma_wait3A_147] : memref<10000x128xbf16, #tpu.memory_space<vmem_shared>> -> memref<100x128xbf16, #tpu.memory_space<vmem_shared>>
    %dma_wait3A_149 = arith.constant 0 : i32
    %dma_wait3A_150 = arith.constant 0 : i32
    %dma_wait3A_151 = tpu.memref_slice %arg9[%dma_wait3A_149, %dma_wait3A_150] : memref<10000x128xbf16, #tpu.memory_space<vmem_shared>> -> memref<100x128xbf16, #tpu.memory_space<vmem_shared>>
    %dma_wait3A_152 = arith.constant 0 : i32
    %dma_wait3A_153 = arith.constant 0 : i32
    %dma_wait3A_154 = tpu.memref_slice %arg8[%dma_wait3A_141, %dma_wait3A_152, %dma_wait3A_153] : memref<9x100x128xbf16, #tpu.memory_space<vmem>> -> memref<1x100x128xbf16, #tpu.memory_space<vmem>>
    %dma_wait3A_155 = tpu.memref_squeeze %dma_wait3A_154 : memref<1x100x128xbf16, #tpu.memory_space<vmem>> -> memref<100x128xbf16, #tpu.memory_space<vmem>>
    tpu.wait_dma2 semaphore(%arg11 : memref<!tpu.dma_semaphore, #tpu.memory_space<semaphore_mem>>) src(%dma_wait3A_155 : memref<100x128xbf16, #tpu.memory_space<vmem>>) dst(%dma_wait3A_151 : memref<100x128xbf16, #tpu.memory_space<vmem_shared>>)
    %dma_wait3A_156 = arith.constant 0 : i32
    %dma_wait3A_157 = arith.constant 0 : i32
    %dma_wait3A_158 = arith.constant 0 : i32
    %dma_wait3A_159 = tpu.memref_slice %arg8[%dma_wait3A_156, %dma_wait3A_157, %dma_wait3A_158] : memref<9x100x128xbf16, #tpu.memory_space<vmem>> -> memref<1x100x128xbf16, #tpu.memory_space<vmem>>
    %dma_wait3A_160 = tpu.memref_squeeze %dma_wait3A_159 : memref<1x100x128xbf16, #tpu.memory_space<vmem>> -> memref<100x128xbf16, #tpu.memory_space<vmem>>
    %dma_wait3A_161 = arith.constant 0 : i32
    %dma_wait3A_162 = arith.constant 0 : i32
    %dma_wait3A_163 = tpu.memref_slice %arg9[%dma_wait3A_161, %dma_wait3A_162] : memref<10000x128xbf16, #tpu.memory_space<vmem_shared>> -> memref<100x128xbf16, #tpu.memory_space<vmem_shared>>
    %dma_wait3A_164 = arith.constant 0 : i32
    %dma_wait3A_165 = arith.constant 0 : i32
    %dma_wait3A_166 = tpu.memref_slice %arg9[%dma_wait3A_164, %dma_wait3A_165] : memref<10000x128xbf16, #tpu.memory_space<vmem_shared>> -> memref<100x128xbf16, #tpu.memory_space<vmem_shared>>
    %dma_wait3A_167 = arith.constant 0 : i32
    %dma_wait3A_168 = arith.constant 0 : i32
    %dma_wait3A_169 = tpu.memref_slice %arg8[%dma_wait3A_156, %dma_wait3A_167, %dma_wait3A_168] : memref<9x100x128xbf16, #tpu.memory_space<vmem>> -> memref<1x100x128xbf16, #tpu.memory_space<vmem>>
    %dma_wait3A_170 = tpu.memref_squeeze %dma_wait3A_169 : memref<1x100x128xbf16, #tpu.memory_space<vmem>> -> memref<100x128xbf16, #tpu.memory_space<vmem>>
    tpu.wait_dma2 semaphore(%arg11 : memref<!tpu.dma_semaphore, #tpu.memory_space<semaphore_mem>>) src(%dma_wait3A_170 : memref<100x128xbf16, #tpu.memory_space<vmem>>) dst(%dma_wait3A_166 : memref<100x128xbf16, #tpu.memory_space<vmem_shared>>)
    %dma_wait3A_171 = arith.constant 0 : i32
    %dma_wait3A_172 = arith.constant 0 : i32
    %dma_wait3A_173 = arith.constant 0 : i32
    %dma_wait3A_174 = tpu.memref_slice %arg8[%dma_wait3A_171, %dma_wait3A_172, %dma_wait3A_173] : memref<9x100x128xbf16, #tpu.memory_space<vmem>> -> memref<1x100x128xbf16, #tpu.memory_space<vmem>>
    %dma_wait3A_175 = tpu.memref_squeeze %dma_wait3A_174 : memref<1x100x128xbf16, #tpu.memory_space<vmem>> -> memref<100x128xbf16, #tpu.memory_space<vmem>>
    %dma_wait3A_176 = arith.constant 0 : i32
    %dma_wait3A_177 = arith.constant 0 : i32
    %dma_wait3A_178 = tpu.memref_slice %arg9[%dma_wait3A_176, %dma_wait3A_177] : memref<10000x128xbf16, #tpu.memory_space<vmem_shared>> -> memref<100x128xbf16, #tpu.memory_space<vmem_shared>>
    %dma_wait3A_179 = arith.constant 0 : i32
    %dma_wait3A_180 = arith.constant 0 : i32
    %dma_wait3A_181 = tpu.memref_slice %arg9[%dma_wait3A_179, %dma_wait3A_180] : memref<10000x128xbf16, #tpu.memory_space<vmem_shared>> -> memref<100x128xbf16, #tpu.memory_space<vmem_shared>>
    %dma_wait3A_182 = arith.constant 0 : i32
    %dma_wait3A_183 = arith.constant 0 : i32
    %dma_wait3A_184 = tpu.memref_slice %arg8[%dma_wait3A_171, %dma_wait3A_182, %dma_wait3A_183] : memref<9x100x128xbf16, #tpu.memory_space<vmem>> -> memref<1x100x128xbf16, #tpu.memory_space<vmem>>
    %dma_wait3A_185 = tpu.memref_squeeze %dma_wait3A_184 : memref<1x100x128xbf16, #tpu.memory_space<vmem>> -> memref<100x128xbf16, #tpu.memory_space<vmem>>
    tpu.wait_dma2 semaphore(%arg11 : memref<!tpu.dma_semaphore, #tpu.memory_space<semaphore_mem>>) src(%dma_wait3A_185 : memref<100x128xbf16, #tpu.memory_space<vmem>>) dst(%dma_wait3A_181 : memref<100x128xbf16, #tpu.memory_space<vmem_shared>>)
    %dma_wait3A_186 = arith.constant 0 : i32
    %dma_wait3A_187 = arith.constant 0 : i32
    %dma_wait3A_188 = arith.constant 0 : i32
    %dma_wait3A_189 = tpu.memref_slice %arg8[%dma_wait3A_186, %dma_wait3A_187, %dma_wait3A_188] : memref<9x100x128xbf16, #tpu.memory_space<vmem>> -> memref<1x100x128xbf16, #tpu.memory_space<vmem>>
    %dma_wait3A_190 = tpu.memref_squeeze %dma_wait3A_189 : memref<1x100x128xbf16, #tpu.memory_space<vmem>> -> memref<100x128xbf16, #tpu.memory_space<vmem>>
    %dma_wait3A_191 = arith.constant 0 : i32
    %dma_wait3A_192 = arith.constant 0 : i32
    %dma_wait3A_193 = tpu.memref_slice %arg9[%dma_wait3A_191, %dma_wait3A_192] : memref<10000x128xbf16, #tpu.memory_space<vmem_shared>> -> memref<100x128xbf16, #tpu.memory_space<vmem_shared>>
    %dma_wait3A_194 = arith.constant 0 : i32
    %dma_wait3A_195 = arith.constant 0 : i32
    %dma_wait3A_196 = tpu.memref_slice %arg9[%dma_wait3A_194, %dma_wait3A_195] : memref<10000x128xbf16, #tpu.memory_space<vmem_shared>> -> memref<100x128xbf16, #tpu.memory_space<vmem_shared>>
    %dma_wait3A_197 = arith.constant 0 : i32
    %dma_wait3A_198 = arith.constant 0 : i32
    %dma_wait3A_199 = tpu.memref_slice %arg8[%dma_wait3A_186, %dma_wait3A_197, %dma_wait3A_198] : memref<9x100x128xbf16, #tpu.memory_space<vmem>> -> memref<1x100x128xbf16, #tpu.memory_space<vmem>>
    %dma_wait3A_200 = tpu.memref_squeeze %dma_wait3A_199 : memref<1x100x128xbf16, #tpu.memory_space<vmem>> -> memref<100x128xbf16, #tpu.memory_space<vmem>>
    tpu.wait_dma2 semaphore(%arg11 : memref<!tpu.dma_semaphore, #tpu.memory_space<semaphore_mem>>) src(%dma_wait3A_200 : memref<100x128xbf16, #tpu.memory_space<vmem>>) dst(%dma_wait3A_196 : memref<100x128xbf16, #tpu.memory_space<vmem_shared>>)
    %dma_wait3A_201 = arith.constant 0 : i32
    %dma_wait3A_202 = arith.constant 0 : i32
    %dma_wait3A_203 = arith.constant 0 : i32
    %dma_wait3A_204 = tpu.memref_slice %arg8[%dma_wait3A_201, %dma_wait3A_202, %dma_wait3A_203] : memref<9x100x128xbf16, #tpu.memory_space<vmem>> -> memref<1x25x128xbf16, #tpu.memory_space<vmem>>
    %dma_wait3A_205 = tpu.memref_squeeze %dma_wait3A_204 : memref<1x25x128xbf16, #tpu.memory_space<vmem>> -> memref<25x128xbf16, #tpu.memory_space<vmem>>
    %dma_wait3A_206 = arith.constant 0 : i32
    %dma_wait3A_207 = arith.constant 0 : i32
    %dma_wait3A_208 = tpu.memref_slice %arg9[%dma_wait3A_206, %dma_wait3A_207] : memref<10000x128xbf16, #tpu.memory_space<vmem_shared>> -> memref<25x128xbf16, #tpu.memory_space<vmem_shared>>
    %dma_wait3A_209 = arith.constant 0 : i32
    %dma_wait3A_210 = arith.constant 0 : i32
    %dma_wait3A_211 = tpu.memref_slice %arg9[%dma_wait3A_209, %dma_wait3A_210] : memref<10000x128xbf16, #tpu.memory_space<vmem_shared>> -> memref<25x128xbf16, #tpu.memory_space<vmem_shared>>
    %dma_wait3A_212 = arith.constant 0 : i32
    %dma_wait3A_213 = arith.constant 0 : i32
    %dma_wait3A_214 = tpu.memref_slice %arg8[%dma_wait3A_201, %dma_wait3A_212, %dma_wait3A_213] : memref<9x100x128xbf16, #tpu.memory_space<vmem>> -> memref<1x25x128xbf16, #tpu.memory_space<vmem>>
    %dma_wait3A_215 = tpu.memref_squeeze %dma_wait3A_214 : memref<1x25x128xbf16, #tpu.memory_space<vmem>> -> memref<25x128xbf16, #tpu.memory_space<vmem>>
    tpu.wait_dma2 semaphore(%arg11 : memref<!tpu.dma_semaphore, #tpu.memory_space<semaphore_mem>>) src(%dma_wait3A_215 : memref<25x128xbf16, #tpu.memory_space<vmem>>) dst(%dma_wait3A_211 : memref<25x128xbf16, #tpu.memory_space<vmem_shared>>)
    %barrier3A = arith.constant 0 : index
    tpu.barrier barrier_id(%barrier3A)
    %dma_start3A_216 = arith.constant 0 : i32
    %dma_start3A_217 = arith.constant 0 : i32
    %dma_start3A_218 = arith.constant 0 : i32
    %dma_start3A_219 = tpu.memref_slice %arg6[%dma_start3A_217, %dma_start3A_218] : memref<9x100xi32, #tpu.memory_space<vmem>> -> memref<1x100xi32, #tpu.memory_space<vmem>>
    %dma_start3A_220 = tpu.memref_squeeze %dma_start3A_219 : memref<1x100xi32, #tpu.memory_space<vmem>> -> memref<100xi32, #tpu.memory_space<vmem>>
    %dma_start3A_221 = arith.constant 0 : i32
    %dma_start3A_222 = tpu.memref_slice %arg3[%add3A, %dma_start3A_216, %dma_start3A_221] : memref<32x100x100xi32, #tpu.memory_space<hbm>> -> memref<1x1x100xi32, #tpu.memory_space<hbm>>
    %dma_start3A_223 = tpu.memref_squeeze %dma_start3A_222 : memref<1x1x100xi32, #tpu.memory_space<hbm>> -> memref<100xi32, #tpu.memory_space<hbm>>
    %dma_start3A_224 = arith.constant 0 : i32
    %dma_start3A_225 = tpu.memref_slice %arg6[%dma_start3A_217, %dma_start3A_224] : memref<9x100xi32, #tpu.memory_space<vmem>> -> memref<1x100xi32, #tpu.memory_space<vmem>>
    %dma_start3A_226 = tpu.memref_squeeze %dma_start3A_225 : memref<1x100xi32, #tpu.memory_space<vmem>> -> memref<100xi32, #tpu.memory_space<vmem>>
    %dma_start3A_227 = arith.constant 0 : i32
    %dma_start3A_228 = tpu.memref_slice %arg3[%add3A, %dma_start3A_216, %dma_start3A_227] : memref<32x100x100xi32, #tpu.memory_space<hbm>> -> memref<1x1x100xi32, #tpu.memory_space<hbm>>
    %dma_start3A_229 = tpu.memref_squeeze %dma_start3A_228 : memref<1x1x100xi32, #tpu.memory_space<hbm>> -> memref<100xi32, #tpu.memory_space<hbm>>
    tpu.enqueue_dma source(%dma_start3A_229 : memref<100xi32, #tpu.memory_space<hbm>>) target(%dma_start3A_226 : memref<100xi32, #tpu.memory_space<vmem>>) target_semaphore(%arg12 : memref<!tpu.dma_semaphore, #tpu.memory_space<semaphore_mem>>)
    %dma_start3A_230 = arith.constant 0 : i32
    %dma_start3A_231 = arith.constant 0 : i32
    %dma_start3A_232 = arith.constant 0 : i32
    %dma_start3A_233 = tpu.memref_slice %arg7[%dma_start3A_231, %dma_start3A_232] : memref<9x100xi32, #tpu.memory_space<vmem>> -> memref<1x100xi32, #tpu.memory_space<vmem>>
    %dma_start3A_234 = tpu.memref_squeeze %dma_start3A_233 : memref<1x100xi32, #tpu.memory_space<vmem>> -> memref<100xi32, #tpu.memory_space<vmem>>
    %dma_start3A_235 = arith.constant 0 : i32
    %dma_start3A_236 = tpu.memref_slice %arg4[%add3A, %dma_start3A_230, %dma_start3A_235] : memref<32x100x100xi32, #tpu.memory_space<hbm>> -> memref<1x1x100xi32, #tpu.memory_space<hbm>>
    %dma_start3A_237 = tpu.memref_squeeze %dma_start3A_236 : memref<1x1x100xi32, #tpu.memory_space<hbm>> -> memref<100xi32, #tpu.memory_space<hbm>>
    %dma_start3A_238 = arith.constant 0 : i32
    %dma_start3A_239 = tpu.memref_slice %arg7[%dma_start3A_231, %dma_start3A_238] : memref<9x100xi32, #tpu.memory_space<vmem>> -> memref<1x100xi32, #tpu.memory_space<vmem>>
    %dma_start3A_240 = tpu.memref_squeeze %dma_start3A_239 : memref<1x100xi32, #tpu.memory_space<vmem>> -> memref<100xi32, #tpu.memory_space<vmem>>
    %dma_start3A_241 = arith.constant 0 : i32
    %dma_start3A_242 = tpu.memref_slice %arg4[%add3A, %dma_start3A_230, %dma_start3A_241] : memref<32x100x100xi32, #tpu.memory_space<hbm>> -> memref<1x1x100xi32, #tpu.memory_space<hbm>>
    %dma_start3A_243 = tpu.memref_squeeze %dma_start3A_242 : memref<1x1x100xi32, #tpu.memory_space<hbm>> -> memref<100xi32, #tpu.memory_space<hbm>>
    tpu.enqueue_dma source(%dma_start3A_243 : memref<100xi32, #tpu.memory_space<hbm>>) target(%dma_start3A_240 : memref<100xi32, #tpu.memory_space<vmem>>) target_semaphore(%arg12 : memref<!tpu.dma_semaphore, #tpu.memory_space<semaphore_mem>>)
    %dma_start3A_244 = arith.constant 1 : i32
    %dma_start3A_245 = arith.constant 1 : i32
    %dma_start3A_246 = arith.constant 0 : i32
    %dma_start3A_247 = tpu.memref_slice %arg6[%dma_start3A_245, %dma_start3A_246] : memref<9x100xi32, #tpu.memory_space<vmem>> -> memref<1x100xi32, #tpu.memory_space<vmem>>
    %dma_start3A_248 = tpu.memref_squeeze %dma_start3A_247 : memref<1x100xi32, #tpu.memory_space<vmem>> -> memref<100xi32, #tpu.memory_space<vmem>>
    %dma_start3A_249 = arith.constant 0 : i32
    %dma_start3A_250 = tpu.memref_slice %arg3[%add3A, %dma_start3A_244, %dma_start3A_249] : memref<32x100x100xi32, #tpu.memory_space<hbm>> -> memref<1x1x100xi32, #tpu.memory_space<hbm>>
    %dma_start3A_251 = tpu.memref_squeeze %dma_start3A_250 : memref<1x1x100xi32, #tpu.memory_space<hbm>> -> memref<100xi32, #tpu.memory_space<hbm>>
    %dma_start3A_252 = arith.constant 0 : i32
    %dma_start3A_253 = tpu.memref_slice %arg6[%dma_start3A_245, %dma_start3A_252] : memref<9x100xi32, #tpu.memory_space<vmem>> -> memref<1x100xi32, #tpu.memory_space<vmem>>
    %dma_start3A_254 = tpu.memref_squeeze %dma_start3A_253 : memref<1x100xi32, #tpu.memory_space<vmem>> -> memref<100xi32, #tpu.memory_space<vmem>>
    %dma_start3A_255 = arith.constant 0 : i32
    %dma_start3A_256 = tpu.memref_slice %arg3[%add3A, %dma_start3A_244, %dma_start3A_255] : memref<32x100x100xi32, #tpu.memory_space<hbm>> -> memref<1x1x100xi32, #tpu.memory_space<hbm>>
    %dma_start3A_257 = tpu.memref_squeeze %dma_start3A_256 : memref<1x1x100xi32, #tpu.memory_space<hbm>> -> memref<100xi32, #tpu.memory_space<hbm>>
    tpu.enqueue_dma source(%dma_start3A_257 : memref<100xi32, #tpu.memory_space<hbm>>) target(%dma_start3A_254 : memref<100xi32, #tpu.memory_space<vmem>>) target_semaphore(%arg12 : memref<!tpu.dma_semaphore, #tpu.memory_space<semaphore_mem>>)
    %dma_start3A_258 = arith.constant 1 : i32
    %dma_start3A_259 = arith.constant 1 : i32
    %dma_start3A_260 = arith.constant 0 : i32
    %dma_start3A_261 = tpu.memref_slice %arg7[%dma_start3A_259, %dma_start3A_260] : memref<9x100xi32, #tpu.memory_space<vmem>> -> memref<1x100xi32, #tpu.memory_space<vmem>>
    %dma_start3A_262 = tpu.memref_squeeze %dma_start3A_261 : memref<1x100xi32, #tpu.memory_space<vmem>> -> memref<100xi32, #tpu.memory_space<vmem>>
    %dma_start3A_263 = arith.constant 0 : i32
    %dma_start3A_264 = tpu.memref_slice %arg4[%add3A, %dma_start3A_258, %dma_start3A_263] : memref<32x100x100xi32, #tpu.memory_space<hbm>> -> memref<1x1x100xi32, #tpu.memory_space<hbm>>
    %dma_start3A_265 = tpu.memref_squeeze %dma_start3A_264 : memref<1x1x100xi32, #tpu.memory_space<hbm>> -> memref<100xi32, #tpu.memory_space<hbm>>
    %dma_start3A_266 = arith.constant 0 : i32
    %dma_start3A_267 = tpu.memref_slice %arg7[%dma_start3A_259, %dma_start3A_266] : memref<9x100xi32, #tpu.memory_space<vmem>> -> memref<1x100xi32, #tpu.memory_space<vmem>>
    %dma_start3A_268 = tpu.memref_squeeze %dma_start3A_267 : memref<1x100xi32, #tpu.memory_space<vmem>> -> memref<100xi32, #tpu.memory_space<vmem>>
    %dma_start3A_269 = arith.constant 0 : i32
    %dma_start3A_270 = tpu.memref_slice %arg4[%add3A, %dma_start3A_258, %dma_start3A_269] : memref<32x100x100xi32, #tpu.memory_space<hbm>> -> memref<1x1x100xi32, #tpu.memory_space<hbm>>
    %dma_start3A_271 = tpu.memref_squeeze %dma_start3A_270 : memref<1x1x100xi32, #tpu.memory_space<hbm>> -> memref<100xi32, #tpu.memory_space<hbm>>
    tpu.enqueue_dma source(%dma_start3A_271 : memref<100xi32, #tpu.memory_space<hbm>>) target(%dma_start3A_268 : memref<100xi32, #tpu.memory_space<vmem>>) target_semaphore(%arg12 : memref<!tpu.dma_semaphore, #tpu.memory_space<semaphore_mem>>)
    %dma_start3A_272 = arith.constant 2 : i32
    %dma_start3A_273 = arith.constant 2 : i32
    %dma_start3A_274 = arith.constant 0 : i32
    %dma_start3A_275 = tpu.memref_slice %arg6[%dma_start3A_273, %dma_start3A_274] : memref<9x100xi32, #tpu.memory_space<vmem>> -> memref<1x100xi32, #tpu.memory_space<vmem>>
    %dma_start3A_276 = tpu.memref_squeeze %dma_start3A_275 : memref<1x100xi32, #tpu.memory_space<vmem>> -> memref<100xi32, #tpu.memory_space<vmem>>
    %dma_start3A_277 = arith.constant 0 : i32
    %dma_start3A_278 = tpu.memref_slice %arg3[%add3A, %dma_start3A_272, %dma_start3A_277] : memref<32x100x100xi32, #tpu.memory_space<hbm>> -> memref<1x1x100xi32, #tpu.memory_space<hbm>>
    %dma_start3A_279 = tpu.memref_squeeze %dma_start3A_278 : memref<1x1x100xi32, #tpu.memory_space<hbm>> -> memref<100xi32, #tpu.memory_space<hbm>>
    %dma_start3A_280 = arith.constant 0 : i32
    %dma_start3A_281 = tpu.memref_slice %arg6[%dma_start3A_273, %dma_start3A_280] : memref<9x100xi32, #tpu.memory_space<vmem>> -> memref<1x100xi32, #tpu.memory_space<vmem>>
    %dma_start3A_282 = tpu.memref_squeeze %dma_start3A_281 : memref<1x100xi32, #tpu.memory_space<vmem>> -> memref<100xi32, #tpu.memory_space<vmem>>
    %dma_start3A_283 = arith.constant 0 : i32
    %dma_start3A_284 = tpu.memref_slice %arg3[%add3A, %dma_start3A_272, %dma_start3A_283] : memref<32x100x100xi32, #tpu.memory_space<hbm>> -> memref<1x1x100xi32, #tpu.memory_space<hbm>>
    %dma_start3A_285 = tpu.memref_squeeze %dma_start3A_284 : memref<1x1x100xi32, #tpu.memory_space<hbm>> -> memref<100xi32, #tpu.memory_space<hbm>>
    tpu.enqueue_dma source(%dma_start3A_285 : memref<100xi32, #tpu.memory_space<hbm>>) target(%dma_start3A_282 : memref<100xi32, #tpu.memory_space<vmem>>) target_semaphore(%arg12 : memref<!tpu.dma_semaphore, #tpu.memory_space<semaphore_mem>>)
    %dma_start3A_286 = arith.constant 2 : i32
    %dma_start3A_287 = arith.constant 2 : i32
    %dma_start3A_288 = arith.constant 0 : i32
    %dma_start3A_289 = tpu.memref_slice %arg7[%dma_start3A_287, %dma_start3A_288] : memref<9x100xi32, #tpu.memory_space<vmem>> -> memref<1x100xi32, #tpu.memory_space<vmem>>
    %dma_start3A_290 = tpu.memref_squeeze %dma_start3A_289 : memref<1x100xi32, #tpu.memory_space<vmem>> -> memref<100xi32, #tpu.memory_space<vmem>>
    %dma_start3A_291 = arith.constant 0 : i32
    %dma_start3A_292 = tpu.memref_slice %arg4[%add3A, %dma_start3A_286, %dma_start3A_291] : memref<32x100x100xi32, #tpu.memory_space<hbm>> -> memref<1x1x100xi32, #tpu.memory_space<hbm>>
    %dma_start3A_293 = tpu.memref_squeeze %dma_start3A_292 : memref<1x1x100xi32, #tpu.memory_space<hbm>> -> memref<100xi32, #tpu.memory_space<hbm>>
    %dma_start3A_294 = arith.constant 0 : i32
    %dma_start3A_295 = tpu.memref_slice %arg7[%dma_start3A_287, %dma_start3A_294] : memref<9x100xi32, #tpu.memory_space<vmem>> -> memref<1x100xi32, #tpu.memory_space<vmem>>
    %dma_start3A_296 = tpu.memref_squeeze %dma_start3A_295 : memref<1x100xi32, #tpu.memory_space<vmem>> -> memref<100xi32, #tpu.memory_space<vmem>>
    %dma_start3A_297 = arith.constant 0 : i32
    %dma_start3A_298 = tpu.memref_slice %arg4[%add3A, %dma_start3A_286, %dma_start3A_297] : memref<32x100x100xi32, #tpu.memory_space<hbm>> -> memref<1x1x100xi32, #tpu.memory_space<hbm>>
    %dma_start3A_299 = tpu.memref_squeeze %dma_start3A_298 : memref<1x1x100xi32, #tpu.memory_space<hbm>> -> memref<100xi32, #tpu.memory_space<hbm>>
    tpu.enqueue_dma source(%dma_start3A_299 : memref<100xi32, #tpu.memory_space<hbm>>) target(%dma_start3A_296 : memref<100xi32, #tpu.memory_space<vmem>>) target_semaphore(%arg12 : memref<!tpu.dma_semaphore, #tpu.memory_space<semaphore_mem>>)
    %dma_wait3A_300 = arith.constant 0 : i32
    %dma_wait3A_301 = arith.constant 0 : i32
    %dma_wait3A_302 = arith.constant 0 : i32
    %dma_wait3A_303 = tpu.memref_slice %arg6[%dma_wait3A_301, %dma_wait3A_302] : memref<9x100xi32, #tpu.memory_space<vmem>> -> memref<1x100xi32, #tpu.memory_space<vmem>>
    %dma_wait3A_304 = tpu.memref_squeeze %dma_wait3A_303 : memref<1x100xi32, #tpu.memory_space<vmem>> -> memref<100xi32, #tpu.memory_space<vmem>>
    %dma_wait3A_305 = arith.constant 0 : i32
    %dma_wait3A_306 = tpu.memref_slice %arg3[%add3A, %dma_wait3A_300, %dma_wait3A_305] : memref<32x100x100xi32, #tpu.memory_space<hbm>> -> memref<1x1x100xi32, #tpu.memory_space<hbm>>
    %dma_wait3A_307 = tpu.memref_squeeze %dma_wait3A_306 : memref<1x1x100xi32, #tpu.memory_space<hbm>> -> memref<100xi32, #tpu.memory_space<hbm>>
    %dma_wait3A_308 = arith.constant 0 : i32
    %dma_wait3A_309 = tpu.memref_slice %arg6[%dma_wait3A_301, %dma_wait3A_308] : memref<9x100xi32, #tpu.memory_space<vmem>> -> memref<1x100xi32, #tpu.memory_space<vmem>>
    %dma_wait3A_310 = tpu.memref_squeeze %dma_wait3A_309 : memref<1x100xi32, #tpu.memory_space<vmem>> -> memref<100xi32, #tpu.memory_space<vmem>>
    %dma_wait3A_311 = arith.constant 0 : i32
    %dma_wait3A_312 = tpu.memref_slice %arg3[%add3A, %dma_wait3A_300, %dma_wait3A_311] : memref<32x100x100xi32, #tpu.memory_space<hbm>> -> memref<1x1x100xi32, #tpu.memory_space<hbm>>
    %dma_wait3A_313 = tpu.memref_squeeze %dma_wait3A_312 : memref<1x1x100xi32, #tpu.memory_space<hbm>> -> memref<100xi32, #tpu.memory_space<hbm>>
    tpu.wait_dma2 semaphore(%arg12 : memref<!tpu.dma_semaphore, #tpu.memory_space<semaphore_mem>>) src(%dma_wait3A_313 : memref<100xi32, #tpu.memory_space<hbm>>) dst(%dma_wait3A_310 : memref<100xi32, #tpu.memory_space<vmem>>)
    %dma_wait3A_314 = arith.constant 0 : i32
    %dma_wait3A_315 = arith.constant 0 : i32
    %dma_wait3A_316 = arith.constant 0 : i32
    %dma_wait3A_317 = tpu.memref_slice %arg7[%dma_wait3A_315, %dma_wait3A_316] : memref<9x100xi32, #tpu.memory_space<vmem>> -> memref<1x100xi32, #tpu.memory_space<vmem>>
    %dma_wait3A_318 = tpu.memref_squeeze %dma_wait3A_317 : memref<1x100xi32, #tpu.memory_space<vmem>> -> memref<100xi32, #tpu.memory_space<vmem>>
    %dma_wait3A_319 = arith.constant 0 : i32
    %dma_wait3A_320 = tpu.memref_slice %arg4[%add3A, %dma_wait3A_314, %dma_wait3A_319] : memref<32x100x100xi32, #tpu.memory_space<hbm>> -> memref<1x1x100xi32, #tpu.memory_space<hbm>>
    %dma_wait3A_321 = tpu.memref_squeeze %dma_wait3A_320 : memref<1x1x100xi32, #tpu.memory_space<hbm>> -> memref<100xi32, #tpu.memory_space<hbm>>
    %dma_wait3A_322 = arith.constant 0 : i32
    %dma_wait3A_323 = tpu.memref_slice %arg7[%dma_wait3A_315, %dma_wait3A_322] : memref<9x100xi32, #tpu.memory_space<vmem>> -> memref<1x100xi32, #tpu.memory_space<vmem>>
    %dma_wait3A_324 = tpu.memref_squeeze %dma_wait3A_323 : memref<1x100xi32, #tpu.memory_space<vmem>> -> memref<100xi32, #tpu.memory_space<vmem>>
    %dma_wait3A_325 = arith.constant 0 : i32
    %dma_wait3A_326 = tpu.memref_slice %arg4[%add3A, %dma_wait3A_314, %dma_wait3A_325] : memref<32x100x100xi32, #tpu.memory_space<hbm>> -> memref<1x1x100xi32, #tpu.memory_space<hbm>>
    %dma_wait3A_327 = tpu.memref_squeeze %dma_wait3A_326 : memref<1x1x100xi32, #tpu.memory_space<hbm>> -> memref<100xi32, #tpu.memory_space<hbm>>
    tpu.wait_dma2 semaphore(%arg12 : memref<!tpu.dma_semaphore, #tpu.memory_space<semaphore_mem>>) src(%dma_wait3A_327 : memref<100xi32, #tpu.memory_space<hbm>>) dst(%dma_wait3A_324 : memref<100xi32, #tpu.memory_space<vmem>>)
    %dma_start3A_328 = arith.constant 0 : i32
    %dma_start3A_329 = arith.constant 0 : i32
    %dma_start3A_330 = arith.constant 0 : i32
    %dma_start3A_331 = arith.constant 0 : i32
    %dma_start3A_332 = tpu.memref_slice %arg8[%dma_start3A_329, %dma_start3A_330, %dma_start3A_331] : memref<9x100x128xbf16, #tpu.memory_space<vmem>> -> memref<1x100x128xbf16, #tpu.memory_space<vmem>>
    %dma_start3A_333 = tpu.memref_squeeze %dma_start3A_332 : memref<1x100x128xbf16, #tpu.memory_space<vmem>> -> memref<100x128xbf16, #tpu.memory_space<vmem>>
    %dma_start3A_334 = arith.constant 0 : i32
    %dma_start3A_335 = tpu.memref_slice %arg6[%dma_start3A_328, %dma_start3A_334] : memref<9x100xi32, #tpu.memory_space<vmem>> -> memref<1x100xi32, #tpu.memory_space<vmem>>
    %dma_start3A_336 = tpu.memref_squeeze %dma_start3A_335 : memref<1x100xi32, #tpu.memory_space<vmem>> -> memref<100xi32, #tpu.memory_space<vmem>>
    %dma_start3A_337 = arith.constant 0 : i32
    %dma_start3A_338 = arith.constant 0 : i32
    %dma_start3A_339 = tpu.memref_slice %arg2[%dma_start3A_337, %dma_start3A_338] : memref<10000x128xbf16, #tpu.memory_space<hbm>> -> memref<10000x128xbf16, #tpu.memory_space<hbm>>
    tpu.enqueue_indirect_dma source(%dma_start3A_339 : memref<10000x128xbf16, #tpu.memory_space<hbm>>) target(%dma_start3A_333 : memref<100x128xbf16, #tpu.memory_space<vmem>>) offsets(%dma_start3A_336 : memref<100xi32, #tpu.memory_space<vmem>>) semaphore(%arg10 : memref<!tpu.dma_semaphore, #tpu.memory_space<semaphore_mem>>)
    %dma_wait3A_340 = arith.constant 0 : i32
    %dma_wait3A_341 = arith.constant 1 : i32
    %dma_wait3A_342 = arith.constant 0 : i32
    %dma_wait3A_343 = tpu.memref_slice %arg6[%dma_wait3A_341, %dma_wait3A_342] : memref<9x100xi32, #tpu.memory_space<vmem>> -> memref<1x100xi32, #tpu.memory_space<vmem>>
    %dma_wait3A_344 = tpu.memref_squeeze %dma_wait3A_343 : memref<1x100xi32, #tpu.memory_space<vmem>> -> memref<100xi32, #tpu.memory_space<vmem>>
    %dma_wait3A_345 = arith.constant 0 : i32
    %dma_wait3A_346 = tpu.memref_slice %arg3[%add3A, %dma_wait3A_340, %dma_wait3A_345] : memref<32x100x100xi32, #tpu.memory_space<hbm>> -> memref<1x1x100xi32, #tpu.memory_space<hbm>>
    %dma_wait3A_347 = tpu.memref_squeeze %dma_wait3A_346 : memref<1x1x100xi32, #tpu.memory_space<hbm>> -> memref<100xi32, #tpu.memory_space<hbm>>
    %dma_wait3A_348 = arith.constant 0 : i32
    %dma_wait3A_349 = tpu.memref_slice %arg6[%dma_wait3A_341, %dma_wait3A_348] : memref<9x100xi32, #tpu.memory_space<vmem>> -> memref<1x100xi32, #tpu.memory_space<vmem>>
    %dma_wait3A_350 = tpu.memref_squeeze %dma_wait3A_349 : memref<1x100xi32, #tpu.memory_space<vmem>> -> memref<100xi32, #tpu.memory_space<vmem>>
    %dma_wait3A_351 = arith.constant 0 : i32
    %dma_wait3A_352 = tpu.memref_slice %arg3[%add3A, %dma_wait3A_340, %dma_wait3A_351] : memref<32x100x100xi32, #tpu.memory_space<hbm>> -> memref<1x1x100xi32, #tpu.memory_space<hbm>>
    %dma_wait3A_353 = tpu.memref_squeeze %dma_wait3A_352 : memref<1x1x100xi32, #tpu.memory_space<hbm>> -> memref<100xi32, #tpu.memory_space<hbm>>
    tpu.wait_dma2 semaphore(%arg12 : memref<!tpu.dma_semaphore, #tpu.memory_space<semaphore_mem>>) src(%dma_wait3A_353 : memref<100xi32, #tpu.memory_space<hbm>>) dst(%dma_wait3A_350 : memref<100xi32, #tpu.memory_space<vmem>>)
    %dma_wait3A_354 = arith.constant 0 : i32
    %dma_wait3A_355 = arith.constant 1 : i32
    %dma_wait3A_356 = arith.constant 0 : i32
    %dma_wait3A_357 = tpu.memref_slice %arg7[%dma_wait3A_355, %dma_wait3A_356] : memref<9x100xi32, #tpu.memory_space<vmem>> -> memref<1x100xi32, #tpu.memory_space<vmem>>
    %dma_wait3A_358 = tpu.memref_squeeze %dma_wait3A_357 : memref<1x100xi32, #tpu.memory_space<vmem>> -> memref<100xi32, #tpu.memory_space<vmem>>
    %dma_wait3A_359 = arith.constant 0 : i32
    %dma_wait3A_360 = tpu.memref_slice %arg4[%add3A, %dma_wait3A_354, %dma_wait3A_359] : memref<32x100x100xi32, #tpu.memory_space<hbm>> -> memref<1x1x100xi32, #tpu.memory_space<hbm>>
    %dma_wait3A_361 = tpu.memref_squeeze %dma_wait3A_360 : memref<1x1x100xi32, #tpu.memory_space<hbm>> -> memref<100xi32, #tpu.memory_space<hbm>>
    %dma_wait3A_362 = arith.constant 0 : i32
    %dma_wait3A_363 = tpu.memref_slice %arg7[%dma_wait3A_355, %dma_wait3A_362] : memref<9x100xi32, #tpu.memory_space<vmem>> -> memref<1x100xi32, #tpu.memory_space<vmem>>
    %dma_wait3A_364 = tpu.memref_squeeze %dma_wait3A_363 : memref<1x100xi32, #tpu.memory_space<vmem>> -> memref<100xi32, #tpu.memory_space<vmem>>
    %dma_wait3A_365 = arith.constant 0 : i32
    %dma_wait3A_366 = tpu.memref_slice %arg4[%add3A, %dma_wait3A_354, %dma_wait3A_365] : memref<32x100x100xi32, #tpu.memory_space<hbm>> -> memref<1x1x100xi32, #tpu.memory_space<hbm>>
    %dma_wait3A_367 = tpu.memref_squeeze %dma_wait3A_366 : memref<1x1x100xi32, #tpu.memory_space<hbm>> -> memref<100xi32, #tpu.memory_space<hbm>>
    tpu.wait_dma2 semaphore(%arg12 : memref<!tpu.dma_semaphore, #tpu.memory_space<semaphore_mem>>) src(%dma_wait3A_367 : memref<100xi32, #tpu.memory_space<hbm>>) dst(%dma_wait3A_364 : memref<100xi32, #tpu.memory_space<vmem>>)
    %dma_start3A_368 = arith.constant 1 : i32
    %dma_start3A_369 = arith.constant 1 : i32
    %dma_start3A_370 = arith.constant 0 : i32
    %dma_start3A_371 = arith.constant 0 : i32
    %dma_start3A_372 = tpu.memref_slice %arg8[%dma_start3A_369, %dma_start3A_370, %dma_start3A_371] : memref<9x100x128xbf16, #tpu.memory_space<vmem>> -> memref<1x100x128xbf16, #tpu.memory_space<vmem>>
    %dma_start3A_373 = tpu.memref_squeeze %dma_start3A_372 : memref<1x100x128xbf16, #tpu.memory_space<vmem>> -> memref<100x128xbf16, #tpu.memory_space<vmem>>
    %dma_start3A_374 = arith.constant 0 : i32
    %dma_start3A_375 = tpu.memref_slice %arg6[%dma_start3A_368, %dma_start3A_374] : memref<9x100xi32, #tpu.memory_space<vmem>> -> memref<1x100xi32, #tpu.memory_space<vmem>>
    %dma_start3A_376 = tpu.memref_squeeze %dma_start3A_375 : memref<1x100xi32, #tpu.memory_space<vmem>> -> memref<100xi32, #tpu.memory_space<vmem>>
    %dma_start3A_377 = arith.constant 0 : i32
    %dma_start3A_378 = arith.constant 0 : i32
    %dma_start3A_379 = tpu.memref_slice %arg2[%dma_start3A_377, %dma_start3A_378] : memref<10000x128xbf16, #tpu.memory_space<hbm>> -> memref<10000x128xbf16, #tpu.memory_space<hbm>>
    tpu.enqueue_indirect_dma source(%dma_start3A_379 : memref<10000x128xbf16, #tpu.memory_space<hbm>>) target(%dma_start3A_373 : memref<100x128xbf16, #tpu.memory_space<vmem>>) offsets(%dma_start3A_376 : memref<100xi32, #tpu.memory_space<vmem>>) semaphore(%arg10 : memref<!tpu.dma_semaphore, #tpu.memory_space<semaphore_mem>>)
    %dma_wait3A_380 = arith.constant 0 : i32
    %dma_wait3A_381 = arith.constant 2 : i32
    %dma_wait3A_382 = arith.constant 0 : i32
    %dma_wait3A_383 = tpu.memref_slice %arg6[%dma_wait3A_381, %dma_wait3A_382] : memref<9x100xi32, #tpu.memory_space<vmem>> -> memref<1x100xi32, #tpu.memory_space<vmem>>
    %dma_wait3A_384 = tpu.memref_squeeze %dma_wait3A_383 : memref<1x100xi32, #tpu.memory_space<vmem>> -> memref<100xi32, #tpu.memory_space<vmem>>
    %dma_wait3A_385 = arith.constant 0 : i32
    %dma_wait3A_386 = tpu.memref_slice %arg3[%add3A, %dma_wait3A_380, %dma_wait3A_385] : memref<32x100x100xi32, #tpu.memory_space<hbm>> -> memref<1x1x100xi32, #tpu.memory_space<hbm>>
    %dma_wait3A_387 = tpu.memref_squeeze %dma_wait3A_386 : memref<1x1x100xi32, #tpu.memory_space<hbm>> -> memref<100xi32, #tpu.memory_space<hbm>>
    %dma_wait3A_388 = arith.constant 0 : i32
    %dma_wait3A_389 = tpu.memref_slice %arg6[%dma_wait3A_381, %dma_wait3A_388] : memref<9x100xi32, #tpu.memory_space<vmem>> -> memref<1x100xi32, #tpu.memory_space<vmem>>
    %dma_wait3A_390 = tpu.memref_squeeze %dma_wait3A_389 : memref<1x100xi32, #tpu.memory_space<vmem>> -> memref<100xi32, #tpu.memory_space<vmem>>
    %dma_wait3A_391 = arith.constant 0 : i32
    %dma_wait3A_392 = tpu.memref_slice %arg3[%add3A, %dma_wait3A_380, %dma_wait3A_391] : memref<32x100x100xi32, #tpu.memory_space<hbm>> -> memref<1x1x100xi32, #tpu.memory_space<hbm>>
    %dma_wait3A_393 = tpu.memref_squeeze %dma_wait3A_392 : memref<1x1x100xi32, #tpu.memory_space<hbm>> -> memref<100xi32, #tpu.memory_space<hbm>>
    tpu.wait_dma2 semaphore(%arg12 : memref<!tpu.dma_semaphore, #tpu.memory_space<semaphore_mem>>) src(%dma_wait3A_393 : memref<100xi32, #tpu.memory_space<hbm>>) dst(%dma_wait3A_390 : memref<100xi32, #tpu.memory_space<vmem>>)
    %dma_wait3A_394 = arith.constant 0 : i32
    %dma_wait3A_395 = arith.constant 2 : i32
    %dma_wait3A_396 = arith.constant 0 : i32
    %dma_wait3A_397 = tpu.memref_slice %arg7[%dma_wait3A_395, %dma_wait3A_396] : memref<9x100xi32, #tpu.memory_space<vmem>> -> memref<1x100xi32, #tpu.memory_space<vmem>>
    %dma_wait3A_398 = tpu.memref_squeeze %dma_wait3A_397 : memref<1x100xi32, #tpu.memory_space<vmem>> -> memref<100xi32, #tpu.memory_space<vmem>>
    %dma_wait3A_399 = arith.constant 0 : i32
    %dma_wait3A_400 = tpu.memref_slice %arg4[%add3A, %dma_wait3A_394, %dma_wait3A_399] : memref<32x100x100xi32, #tpu.memory_space<hbm>> -> memref<1x1x100xi32, #tpu.memory_space<hbm>>
    %dma_wait3A_401 = tpu.memref_squeeze %dma_wait3A_400 : memref<1x1x100xi32, #tpu.memory_space<hbm>> -> memref<100xi32, #tpu.memory_space<hbm>>
    %dma_wait3A_402 = arith.constant 0 : i32
    %dma_wait3A_403 = tpu.memref_slice %arg7[%dma_wait3A_395, %dma_wait3A_402] : memref<9x100xi32, #tpu.memory_space<vmem>> -> memref<1x100xi32, #tpu.memory_space<vmem>>
    %dma_wait3A_404 = tpu.memref_squeeze %dma_wait3A_403 : memref<1x100xi32, #tpu.memory_space<vmem>> -> memref<100xi32, #tpu.memory_space<vmem>>
    %dma_wait3A_405 = arith.constant 0 : i32
    %dma_wait3A_406 = tpu.memref_slice %arg4[%add3A, %dma_wait3A_394, %dma_wait3A_405] : memref<32x100x100xi32, #tpu.memory_space<hbm>> -> memref<1x1x100xi32, #tpu.memory_space<hbm>>
    %dma_wait3A_407 = tpu.memref_squeeze %dma_wait3A_406 : memref<1x1x100xi32, #tpu.memory_space<hbm>> -> memref<100xi32, #tpu.memory_space<hbm>>
    tpu.wait_dma2 semaphore(%arg12 : memref<!tpu.dma_semaphore, #tpu.memory_space<semaphore_mem>>) src(%dma_wait3A_407 : memref<100xi32, #tpu.memory_space<hbm>>) dst(%dma_wait3A_404 : memref<100xi32, #tpu.memory_space<vmem>>)
    %dma_start3A_408 = arith.constant 2 : i32
    %dma_start3A_409 = arith.constant 2 : i32
    %dma_start3A_410 = arith.constant 0 : i32
    %dma_start3A_411 = arith.constant 0 : i32
    %dma_start3A_412 = tpu.memref_slice %arg8[%dma_start3A_409, %dma_start3A_410, %dma_start3A_411] : memref<9x100x128xbf16, #tpu.memory_space<vmem>> -> memref<1x100x128xbf16, #tpu.memory_space<vmem>>
    %dma_start3A_413 = tpu.memref_squeeze %dma_start3A_412 : memref<1x100x128xbf16, #tpu.memory_space<vmem>> -> memref<100x128xbf16, #tpu.memory_space<vmem>>
    %dma_start3A_414 = arith.constant 0 : i32
    %dma_start3A_415 = tpu.memref_slice %arg6[%dma_start3A_408, %dma_start3A_414] : memref<9x100xi32, #tpu.memory_space<vmem>> -> memref<1x100xi32, #tpu.memory_space<vmem>>
    %dma_start3A_416 = tpu.memref_squeeze %dma_start3A_415 : memref<1x100xi32, #tpu.memory_space<vmem>> -> memref<100xi32, #tpu.memory_space<vmem>>
    %dma_start3A_417 = arith.constant 0 : i32
    %dma_start3A_418 = arith.constant 0 : i32
    %dma_start3A_419 = tpu.memref_slice %arg2[%dma_start3A_417, %dma_start3A_418] : memref<10000x128xbf16, #tpu.memory_space<hbm>> -> memref<10000x128xbf16, #tpu.memory_space<hbm>>
    tpu.enqueue_indirect_dma source(%dma_start3A_419 : memref<10000x128xbf16, #tpu.memory_space<hbm>>) target(%dma_start3A_413 : memref<100x128xbf16, #tpu.memory_space<vmem>>) offsets(%dma_start3A_416 : memref<100xi32, #tpu.memory_space<vmem>>) semaphore(%arg10 : memref<!tpu.dma_semaphore, #tpu.memory_space<semaphore_mem>>)
    %dma_start3A_420 = arith.constant 3 : i32
    %dma_start3A_421 = arith.constant 3 : i32
    %dma_start3A_422 = arith.constant 0 : i32
    %dma_start3A_423 = tpu.memref_slice %arg6[%dma_start3A_421, %dma_start3A_422] : memref<9x100xi32, #tpu.memory_space<vmem>> -> memref<1x100xi32, #tpu.memory_space<vmem>>
    %dma_start3A_424 = tpu.memref_squeeze %dma_start3A_423 : memref<1x100xi32, #tpu.memory_space<vmem>> -> memref<100xi32, #tpu.memory_space<vmem>>
    %dma_start3A_425 = arith.constant 0 : i32
    %dma_start3A_426 = tpu.memref_slice %arg3[%add3A, %dma_start3A_420, %dma_start3A_425] : memref<32x100x100xi32, #tpu.memory_space<hbm>> -> memref<1x1x100xi32, #tpu.memory_space<hbm>>
    %dma_start3A_427 = tpu.memref_squeeze %dma_start3A_426 : memref<1x1x100xi32, #tpu.memory_space<hbm>> -> memref<100xi32, #tpu.memory_space<hbm>>
    %dma_start3A_428 = arith.constant 0 : i32
    %dma_start3A_429 = tpu.memref_slice %arg6[%dma_start3A_421, %dma_start3A_428] : memref<9x100xi32, #tpu.memory_space<vmem>> -> memref<1x100xi32, #tpu.memory_space<vmem>>
    %dma_start3A_430 = tpu.memref_squeeze %dma_start3A_429 : memref<1x100xi32, #tpu.memory_space<vmem>> -> memref<100xi32, #tpu.memory_space<vmem>>
    %dma_start3A_431 = arith.constant 0 : i32
    %dma_start3A_432 = tpu.memref_slice %arg3[%add3A, %dma_start3A_420, %dma_start3A_431] : memref<32x100x100xi32, #tpu.memory_space<hbm>> -> memref<1x1x100xi32, #tpu.memory_space<hbm>>
    %dma_start3A_433 = tpu.memref_squeeze %dma_start3A_432 : memref<1x1x100xi32, #tpu.memory_space<hbm>> -> memref<100xi32, #tpu.memory_space<hbm>>
    tpu.enqueue_dma source(%dma_start3A_433 : memref<100xi32, #tpu.memory_space<hbm>>) target(%dma_start3A_430 : memref<100xi32, #tpu.memory_space<vmem>>) target_semaphore(%arg12 : memref<!tpu.dma_semaphore, #tpu.memory_space<semaphore_mem>>)
    %dma_start3A_434 = arith.constant 3 : i32
    %dma_start3A_435 = arith.constant 3 : i32
    %dma_start3A_436 = arith.constant 0 : i32
    %dma_start3A_437 = tpu.memref_slice %arg7[%dma_start3A_435, %dma_start3A_436] : memref<9x100xi32, #tpu.memory_space<vmem>> -> memref<1x100xi32, #tpu.memory_space<vmem>>
    %dma_start3A_438 = tpu.memref_squeeze %dma_start3A_437 : memref<1x100xi32, #tpu.memory_space<vmem>> -> memref<100xi32, #tpu.memory_space<vmem>>
    %dma_start3A_439 = arith.constant 0 : i32
    %dma_start3A_440 = tpu.memref_slice %arg4[%add3A, %dma_start3A_434, %dma_start3A_439] : memref<32x100x100xi32, #tpu.memory_space<hbm>> -> memref<1x1x100xi32, #tpu.memory_space<hbm>>
    %dma_start3A_441 = tpu.memref_squeeze %dma_start3A_440 : memref<1x1x100xi32, #tpu.memory_space<hbm>> -> memref<100xi32, #tpu.memory_space<hbm>>
    %dma_start3A_442 = arith.constant 0 : i32
    %dma_start3A_443 = tpu.memref_slice %arg7[%dma_start3A_435, %dma_start3A_442] : memref<9x100xi32, #tpu.memory_space<vmem>> -> memref<1x100xi32, #tpu.memory_space<vmem>>
    %dma_start3A_444 = tpu.memref_squeeze %dma_start3A_443 : memref<1x100xi32, #tpu.memory_space<vmem>> -> memref<100xi32, #tpu.memory_space<vmem>>
    %dma_start3A_445 = arith.constant 0 : i32
    %dma_start3A_446 = tpu.memref_slice %arg4[%add3A, %dma_start3A_434, %dma_start3A_445] : memref<32x100x100xi32, #tpu.memory_space<hbm>> -> memref<1x1x100xi32, #tpu.memory_space<hbm>>
    %dma_start3A_447 = tpu.memref_squeeze %dma_start3A_446 : memref<1x1x100xi32, #tpu.memory_space<hbm>> -> memref<100xi32, #tpu.memory_space<hbm>>
    tpu.enqueue_dma source(%dma_start3A_447 : memref<100xi32, #tpu.memory_space<hbm>>) target(%dma_start3A_444 : memref<100xi32, #tpu.memory_space<vmem>>) target_semaphore(%arg12 : memref<!tpu.dma_semaphore, #tpu.memory_space<semaphore_mem>>)
    %dma_start3A_448 = arith.constant 4 : i32
    %dma_start3A_449 = arith.constant 4 : i32
    %dma_start3A_450 = arith.constant 0 : i32
    %dma_start3A_451 = tpu.memref_slice %arg6[%dma_start3A_449, %dma_start3A_450] : memref<9x100xi32, #tpu.memory_space<vmem>> -> memref<1x100xi32, #tpu.memory_space<vmem>>
    %dma_start3A_452 = tpu.memref_squeeze %dma_start3A_451 : memref<1x100xi32, #tpu.memory_space<vmem>> -> memref<100xi32, #tpu.memory_space<vmem>>
    %dma_start3A_453 = arith.constant 0 : i32
    %dma_start3A_454 = tpu.memref_slice %arg3[%add3A, %dma_start3A_448, %dma_start3A_453] : memref<32x100x100xi32, #tpu.memory_space<hbm>> -> memref<1x1x100xi32, #tpu.memory_space<hbm>>
    %dma_start3A_455 = tpu.memref_squeeze %dma_start3A_454 : memref<1x1x100xi32, #tpu.memory_space<hbm>> -> memref<100xi32, #tpu.memory_space<hbm>>
    %dma_start3A_456 = arith.constant 0 : i32
    %dma_start3A_457 = tpu.memref_slice %arg6[%dma_start3A_449, %dma_start3A_456] : memref<9x100xi32, #tpu.memory_space<vmem>> -> memref<1x100xi32, #tpu.memory_space<vmem>>
    %dma_start3A_458 = tpu.memref_squeeze %dma_start3A_457 : memref<1x100xi32, #tpu.memory_space<vmem>> -> memref<100xi32, #tpu.memory_space<vmem>>
    %dma_start3A_459 = arith.constant 0 : i32
    %dma_start3A_460 = tpu.memref_slice %arg3[%add3A, %dma_start3A_448, %dma_start3A_459] : memref<32x100x100xi32, #tpu.memory_space<hbm>> -> memref<1x1x100xi32, #tpu.memory_space<hbm>>
    %dma_start3A_461 = tpu.memref_squeeze %dma_start3A_460 : memref<1x1x100xi32, #tpu.memory_space<hbm>> -> memref<100xi32, #tpu.memory_space<hbm>>
    tpu.enqueue_dma source(%dma_start3A_461 : memref<100xi32, #tpu.memory_space<hbm>>) target(%dma_start3A_458 : memref<100xi32, #tpu.memory_space<vmem>>) target_semaphore(%arg12 : memref<!tpu.dma_semaphore, #tpu.memory_space<semaphore_mem>>)
    %dma_start3A_462 = arith.constant 4 : i32
    %dma_start3A_463 = arith.constant 4 : i32
    %dma_start3A_464 = arith.constant 0 : i32
    %dma_start3A_465 = tpu.memref_slice %arg7[%dma_start3A_463, %dma_start3A_464] : memref<9x100xi32, #tpu.memory_space<vmem>> -> memref<1x100xi32, #tpu.memory_space<vmem>>
    %dma_start3A_466 = tpu.memref_squeeze %dma_start3A_465 : memref<1x100xi32, #tpu.memory_space<vmem>> -> memref<100xi32, #tpu.memory_space<vmem>>
    %dma_start3A_467 = arith.constant 0 : i32
    %dma_start3A_468 = tpu.memref_slice %arg4[%add3A, %dma_start3A_462, %dma_start3A_467] : memref<32x100x100xi32, #tpu.memory_space<hbm>> -> memref<1x1x100xi32, #tpu.memory_space<hbm>>
    %dma_start3A_469 = tpu.memref_squeeze %dma_start3A_468 : memref<1x1x100xi32, #tpu.memory_space<hbm>> -> memref<100xi32, #tpu.memory_space<hbm>>
    %dma_start3A_470 = arith.constant 0 : i32
    %dma_start3A_471 = tpu.memref_slice %arg7[%dma_start3A_463, %dma_start3A_470] : memref<9x100xi32, #tpu.memory_space<vmem>> -> memref<1x100xi32, #tpu.memory_space<vmem>>
    %dma_start3A_472 = tpu.memref_squeeze %dma_start3A_471 : memref<1x100xi32, #tpu.memory_space<vmem>> -> memref<100xi32, #tpu.memory_space<vmem>>
    %dma_start3A_473 = arith.constant 0 : i32
    %dma_start3A_474 = tpu.memref_slice %arg4[%add3A, %dma_start3A_462, %dma_start3A_473] : memref<32x100x100xi32, #tpu.memory_space<hbm>> -> memref<1x1x100xi32, #tpu.memory_space<hbm>>
    %dma_start3A_475 = tpu.memref_squeeze %dma_start3A_474 : memref<1x1x100xi32, #tpu.memory_space<hbm>> -> memref<100xi32, #tpu.memory_space<hbm>>
    tpu.enqueue_dma source(%dma_start3A_475 : memref<100xi32, #tpu.memory_space<hbm>>) target(%dma_start3A_472 : memref<100xi32, #tpu.memory_space<vmem>>) target_semaphore(%arg12 : memref<!tpu.dma_semaphore, #tpu.memory_space<semaphore_mem>>)
    %dma_start3A_476 = arith.constant 5 : i32
    %dma_start3A_477 = arith.constant 5 : i32
    %dma_start3A_478 = arith.constant 0 : i32
    %dma_start3A_479 = tpu.memref_slice %arg6[%dma_start3A_477, %dma_start3A_478] : memref<9x100xi32, #tpu.memory_space<vmem>> -> memref<1x100xi32, #tpu.memory_space<vmem>>
    %dma_start3A_480 = tpu.memref_squeeze %dma_start3A_479 : memref<1x100xi32, #tpu.memory_space<vmem>> -> memref<100xi32, #tpu.memory_space<vmem>>
    %dma_start3A_481 = arith.constant 0 : i32
    %dma_start3A_482 = tpu.memref_slice %arg3[%add3A, %dma_start3A_476, %dma_start3A_481] : memref<32x100x100xi32, #tpu.memory_space<hbm>> -> memref<1x1x100xi32, #tpu.memory_space<hbm>>
    %dma_start3A_483 = tpu.memref_squeeze %dma_start3A_482 : memref<1x1x100xi32, #tpu.memory_space<hbm>> -> memref<100xi32, #tpu.memory_space<hbm>>
    %dma_start3A_484 = arith.constant 0 : i32
    %dma_start3A_485 = tpu.memref_slice %arg6[%dma_start3A_477, %dma_start3A_484] : memref<9x100xi32, #tpu.memory_space<vmem>> -> memref<1x100xi32, #tpu.memory_space<vmem>>
    %dma_start3A_486 = tpu.memref_squeeze %dma_start3A_485 : memref<1x100xi32, #tpu.memory_space<vmem>> -> memref<100xi32, #tpu.memory_space<vmem>>
    %dma_start3A_487 = arith.constant 0 : i32
    %dma_start3A_488 = tpu.memref_slice %arg3[%add3A, %dma_start3A_476, %dma_start3A_487] : memref<32x100x100xi32, #tpu.memory_space<hbm>> -> memref<1x1x100xi32, #tpu.memory_space<hbm>>
    %dma_start3A_489 = tpu.memref_squeeze %dma_start3A_488 : memref<1x1x100xi32, #tpu.memory_space<hbm>> -> memref<100xi32, #tpu.memory_space<hbm>>
    tpu.enqueue_dma source(%dma_start3A_489 : memref<100xi32, #tpu.memory_space<hbm>>) target(%dma_start3A_486 : memref<100xi32, #tpu.memory_space<vmem>>) target_semaphore(%arg12 : memref<!tpu.dma_semaphore, #tpu.memory_space<semaphore_mem>>)
    %dma_start3A_490 = arith.constant 5 : i32
    %dma_start3A_491 = arith.constant 5 : i32
    %dma_start3A_492 = arith.constant 0 : i32
    %dma_start3A_493 = tpu.memref_slice %arg7[%dma_start3A_491, %dma_start3A_492] : memref<9x100xi32, #tpu.memory_space<vmem>> -> memref<1x100xi32, #tpu.memory_space<vmem>>
    %dma_start3A_494 = tpu.memref_squeeze %dma_start3A_493 : memref<1x100xi32, #tpu.memory_space<vmem>> -> memref<100xi32, #tpu.memory_space<vmem>>
    %dma_start3A_495 = arith.constant 0 : i32
    %dma_start3A_496 = tpu.memref_slice %arg4[%add3A, %dma_start3A_490, %dma_start3A_495] : memref<32x100x100xi32, #tpu.memory_space<hbm>> -> memref<1x1x100xi32, #tpu.memory_space<hbm>>
    %dma_start3A_497 = tpu.memref_squeeze %dma_start3A_496 : memref<1x1x100xi32, #tpu.memory_space<hbm>> -> memref<100xi32, #tpu.memory_space<hbm>>
    %dma_start3A_498 = arith.constant 0 : i32
    %dma_start3A_499 = tpu.memref_slice %arg7[%dma_start3A_491, %dma_start3A_498] : memref<9x100xi32, #tpu.memory_space<vmem>> -> memref<1x100xi32, #tpu.memory_space<vmem>>
    %dma_start3A_500 = tpu.memref_squeeze %dma_start3A_499 : memref<1x100xi32, #tpu.memory_space<vmem>> -> memref<100xi32, #tpu.memory_space<vmem>>
    %dma_start3A_501 = arith.constant 0 : i32
    %dma_start3A_502 = tpu.memref_slice %arg4[%add3A, %dma_start3A_490, %dma_start3A_501] : memref<32x100x100xi32, #tpu.memory_space<hbm>> -> memref<1x1x100xi32, #tpu.memory_space<hbm>>
    %dma_start3A_503 = tpu.memref_squeeze %dma_start3A_502 : memref<1x1x100xi32, #tpu.memory_space<hbm>> -> memref<100xi32, #tpu.memory_space<hbm>>
    tpu.enqueue_dma source(%dma_start3A_503 : memref<100xi32, #tpu.memory_space<hbm>>) target(%dma_start3A_500 : memref<100xi32, #tpu.memory_space<vmem>>) target_semaphore(%arg12 : memref<!tpu.dma_semaphore, #tpu.memory_space<semaphore_mem>>)
    %scan3A_504 = arith.constant 0 : i32
    %scan3A_505 = arith.constant 100 : i32
    %scan3A_506 = arith.addi %scan3A_504, %scan3A_505 : i32
    %scan3A_507 = arith.constant 1 : i32
    scf.for %scan3A_561 = %scan3A_504 to %scan3A_506 step %scan3A_507  : i32 {
      %mul3A_562 = arith.constant 1 : i32
      %mul3A_563 = arith.muli %scan3A_561, %mul3A_562 : i32
      %add3A_564 = arith.constant 0 : i32
      %add3A_565 = arith.addi %add3A_564, %mul3A_563 : i32
      %rem3A_566 = arith.constant 9 : i32
      %rem3A_567 = arith.remsi %add3A_565, %rem3A_566 : i32
      %add3A_568 = arith.constant 3 : i32
      %add3A_569 = arith.addi %add3A_565, %add3A_568 : i32
      %rem3A_570 = arith.constant 9 : i32
      %rem3A_571 = arith.remsi %add3A_569, %rem3A_570 : i32
      %add3A_572 = arith.constant 6 : i32
      %add3A_573 = arith.addi %add3A_565, %add3A_572 : i32
      %rem3A_574 = arith.constant 9 : i32
      %rem3A_575 = arith.remsi %add3A_573, %rem3A_574 : i32
      %gt3A = arith.constant 2 : i32
      %gt3A_576 = arith.cmpi sgt, %add3A_565, %gt3A : i32
      %convert_element_type3A = arith.extui %gt3A_576 : i1 to i32
      %cond3A = arith.constant 0 : i32
      %cond3A_577 = arith.cmpi ne, %convert_element_type3A, %cond3A : i32
      scf.if %cond3A_577 {
        %dma_wait3A_612 = arith.constant 0 : i32
        %dma_wait3A_613 = arith.constant 0 : i32
        %dma_wait3A_614 = arith.constant 0 : i32
        %dma_wait3A_615 = tpu.memref_slice %arg8[%rem3A_575, %dma_wait3A_613, %dma_wait3A_614] : memref<9x100x128xbf16, #tpu.memory_space<vmem>> -> memref<1x100x128xbf16, #tpu.memory_space<vmem>>
        %dma_wait3A_616 = tpu.memref_squeeze %dma_wait3A_615 : memref<1x100x128xbf16, #tpu.memory_space<vmem>> -> memref<100x128xbf16, #tpu.memory_space<vmem>>
        %dma_wait3A_617 = arith.constant 0 : i32
        %dma_wait3A_618 = tpu.memref_slice %arg6[%dma_wait3A_612, %dma_wait3A_617] : memref<9x100xi32, #tpu.memory_space<vmem>> -> memref<1x100xi32, #tpu.memory_space<vmem>>
        %dma_wait3A_619 = tpu.memref_squeeze %dma_wait3A_618 : memref<1x100xi32, #tpu.memory_space<vmem>> -> memref<100xi32, #tpu.memory_space<vmem>>
        %dma_wait3A_620 = arith.constant 0 : i32
        %dma_wait3A_621 = arith.constant 0 : i32
        %dma_wait3A_622 = tpu.memref_slice %arg2[%dma_wait3A_620, %dma_wait3A_621] : memref<10000x128xbf16, #tpu.memory_space<hbm>> -> memref<10000x128xbf16, #tpu.memory_space<hbm>>
        tpu.wait_indirect_dma semaphore(%arg11 : memref<!tpu.dma_semaphore, #tpu.memory_space<semaphore_mem>>) src(%dma_wait3A_622 : memref<10000x128xbf16, #tpu.memory_space<hbm>>) dst(%dma_wait3A_616 : memref<100x128xbf16, #tpu.memory_space<vmem>>)
      } else {
      }
      %add3A_578 = arith.constant 6 : i32
      %add3A_579 = arith.addi %add3A_565, %add3A_578 : i32
      %lt3A = arith.constant 100 : i32
      %lt3A_580 = arith.cmpi slt, %add3A_579, %lt3A : i32
      %convert_element_type3A_581 = arith.extui %lt3A_580 : i1 to i32
      %cond3A_582 = arith.constant 0 : i32
      %cond3A_583 = arith.cmpi ne, %convert_element_type3A_581, %cond3A_582 : i32
      scf.if %cond3A_583 {
        %add3A_612 = arith.constant 6 : i32
        %add3A_613 = arith.addi %add3A_565, %add3A_612 : i32
        %dma_start3A_614 = arith.constant 0 : i32
        %dma_start3A_615 = tpu.memref_slice %arg6[%rem3A_575, %dma_start3A_614] : memref<9x100xi32, #tpu.memory_space<vmem>> -> memref<1x100xi32, #tpu.memory_space<vmem>>
        %dma_start3A_616 = tpu.memref_squeeze %dma_start3A_615 : memref<1x100xi32, #tpu.memory_space<vmem>> -> memref<100xi32, #tpu.memory_space<vmem>>
        %dma_start3A_617 = arith.constant 0 : i32
        %dma_start3A_618 = tpu.memref_slice %arg3[%add3A, %add3A_613, %dma_start3A_617] : memref<32x100x100xi32, #tpu.memory_space<hbm>> -> memref<1x1x100xi32, #tpu.memory_space<hbm>>
        %dma_start3A_619 = tpu.memref_squeeze %dma_start3A_618 : memref<1x1x100xi32, #tpu.memory_space<hbm>> -> memref<100xi32, #tpu.memory_space<hbm>>
        %dma_start3A_620 = arith.constant 0 : i32
        %dma_start3A_621 = tpu.memref_slice %arg6[%rem3A_575, %dma_start3A_620] : memref<9x100xi32, #tpu.memory_space<vmem>> -> memref<1x100xi32, #tpu.memory_space<vmem>>
        %dma_start3A_622 = tpu.memref_squeeze %dma_start3A_621 : memref<1x100xi32, #tpu.memory_space<vmem>> -> memref<100xi32, #tpu.memory_space<vmem>>
        %dma_start3A_623 = arith.constant 0 : i32
        %dma_start3A_624 = tpu.memref_slice %arg3[%add3A, %add3A_613, %dma_start3A_623] : memref<32x100x100xi32, #tpu.memory_space<hbm>> -> memref<1x1x100xi32, #tpu.memory_space<hbm>>
        %dma_start3A_625 = tpu.memref_squeeze %dma_start3A_624 : memref<1x1x100xi32, #tpu.memory_space<hbm>> -> memref<100xi32, #tpu.memory_space<hbm>>
        tpu.enqueue_dma source(%dma_start3A_625 : memref<100xi32, #tpu.memory_space<hbm>>) target(%dma_start3A_622 : memref<100xi32, #tpu.memory_space<vmem>>) target_semaphore(%arg12 : memref<!tpu.dma_semaphore, #tpu.memory_space<semaphore_mem>>)
        %dma_start3A_626 = arith.constant 0 : i32
        %dma_start3A_627 = tpu.memref_slice %arg7[%rem3A_575, %dma_start3A_626] : memref<9x100xi32, #tpu.memory_space<vmem>> -> memref<1x100xi32, #tpu.memory_space<vmem>>
        %dma_start3A_628 = tpu.memref_squeeze %dma_start3A_627 : memref<1x100xi32, #tpu.memory_space<vmem>> -> memref<100xi32, #tpu.memory_space<vmem>>
        %dma_start3A_629 = arith.constant 0 : i32
        %dma_start3A_630 = tpu.memref_slice %arg4[%add3A, %add3A_613, %dma_start3A_629] : memref<32x100x100xi32, #tpu.memory_space<hbm>> -> memref<1x1x100xi32, #tpu.memory_space<hbm>>
        %dma_start3A_631 = tpu.memref_squeeze %dma_start3A_630 : memref<1x1x100xi32, #tpu.memory_space<hbm>> -> memref<100xi32, #tpu.memory_space<hbm>>
        %dma_start3A_632 = arith.constant 0 : i32
        %dma_start3A_633 = tpu.memref_slice %arg7[%rem3A_575, %dma_start3A_632] : memref<9x100xi32, #tpu.memory_space<vmem>> -> memref<1x100xi32, #tpu.memory_space<vmem>>
        %dma_start3A_634 = tpu.memref_squeeze %dma_start3A_633 : memref<1x100xi32, #tpu.memory_space<vmem>> -> memref<100xi32, #tpu.memory_space<vmem>>
        %dma_start3A_635 = arith.constant 0 : i32
        %dma_start3A_636 = tpu.memref_slice %arg4[%add3A, %add3A_613, %dma_start3A_635] : memref<32x100x100xi32, #tpu.memory_space<hbm>> -> memref<1x1x100xi32, #tpu.memory_space<hbm>>
        %dma_start3A_637 = tpu.memref_squeeze %dma_start3A_636 : memref<1x1x100xi32, #tpu.memory_space<hbm>> -> memref<100xi32, #tpu.memory_space<hbm>>
        tpu.enqueue_dma source(%dma_start3A_637 : memref<100xi32, #tpu.memory_space<hbm>>) target(%dma_start3A_634 : memref<100xi32, #tpu.memory_space<vmem>>) target_semaphore(%arg12 : memref<!tpu.dma_semaphore, #tpu.memory_space<semaphore_mem>>)
      } else {
      }
      %add3A_584 = arith.constant 3 : i32
      %add3A_585 = arith.addi %add3A_565, %add3A_584 : i32
      %lt3A_586 = arith.constant 100 : i32
      %lt3A_587 = arith.cmpi slt, %add3A_585, %lt3A_586 : i32
      %convert_element_type3A_588 = arith.extui %lt3A_587 : i1 to i32
      %cond3A_589 = arith.constant 0 : i32
      %cond3A_590 = arith.cmpi ne, %convert_element_type3A_588, %cond3A_589 : i32
      scf.if %cond3A_590 {
        %dma_wait3A_612 = arith.constant 0 : i32
        %dma_wait3A_613 = arith.constant 0 : i32
        %dma_wait3A_614 = tpu.memref_slice %arg6[%rem3A_571, %dma_wait3A_613] : memref<9x100xi32, #tpu.memory_space<vmem>> -> memref<1x100xi32, #tpu.memory_space<vmem>>
        %dma_wait3A_615 = tpu.memref_squeeze %dma_wait3A_614 : memref<1x100xi32, #tpu.memory_space<vmem>> -> memref<100xi32, #tpu.memory_space<vmem>>
        %dma_wait3A_616 = arith.constant 0 : i32
        %dma_wait3A_617 = tpu.memref_slice %arg3[%add3A, %dma_wait3A_612, %dma_wait3A_616] : memref<32x100x100xi32, #tpu.memory_space<hbm>> -> memref<1x1x100xi32, #tpu.memory_space<hbm>>
        %dma_wait3A_618 = tpu.memref_squeeze %dma_wait3A_617 : memref<1x1x100xi32, #tpu.memory_space<hbm>> -> memref<100xi32, #tpu.memory_space<hbm>>
        %dma_wait3A_619 = arith.constant 0 : i32
        %dma_wait3A_620 = tpu.memref_slice %arg6[%rem3A_571, %dma_wait3A_619] : memref<9x100xi32, #tpu.memory_space<vmem>> -> memref<1x100xi32, #tpu.memory_space<vmem>>
        %dma_wait3A_621 = tpu.memref_squeeze %dma_wait3A_620 : memref<1x100xi32, #tpu.memory_space<vmem>> -> memref<100xi32, #tpu.memory_space<vmem>>
        %dma_wait3A_622 = arith.constant 0 : i32
        %dma_wait3A_623 = tpu.memref_slice %arg3[%add3A, %dma_wait3A_612, %dma_wait3A_622] : memref<32x100x100xi32, #tpu.memory_space<hbm>> -> memref<1x1x100xi32, #tpu.memory_space<hbm>>
        %dma_wait3A_624 = tpu.memref_squeeze %dma_wait3A_623 : memref<1x1x100xi32, #tpu.memory_space<hbm>> -> memref<100xi32, #tpu.memory_space<hbm>>
        tpu.wait_dma2 semaphore(%arg12 : memref<!tpu.dma_semaphore, #tpu.memory_space<semaphore_mem>>) src(%dma_wait3A_624 : memref<100xi32, #tpu.memory_space<hbm>>) dst(%dma_wait3A_621 : memref<100xi32, #tpu.memory_space<vmem>>)
        %dma_wait3A_625 = arith.constant 0 : i32
        %dma_wait3A_626 = arith.constant 0 : i32
        %dma_wait3A_627 = tpu.memref_slice %arg7[%rem3A_571, %dma_wait3A_626] : memref<9x100xi32, #tpu.memory_space<vmem>> -> memref<1x100xi32, #tpu.memory_space<vmem>>
        %dma_wait3A_628 = tpu.memref_squeeze %dma_wait3A_627 : memref<1x100xi32, #tpu.memory_space<vmem>> -> memref<100xi32, #tpu.memory_space<vmem>>
        %dma_wait3A_629 = arith.constant 0 : i32
        %dma_wait3A_630 = tpu.memref_slice %arg4[%add3A, %dma_wait3A_625, %dma_wait3A_629] : memref<32x100x100xi32, #tpu.memory_space<hbm>> -> memref<1x1x100xi32, #tpu.memory_space<hbm>>
        %dma_wait3A_631 = tpu.memref_squeeze %dma_wait3A_630 : memref<1x1x100xi32, #tpu.memory_space<hbm>> -> memref<100xi32, #tpu.memory_space<hbm>>
        %dma_wait3A_632 = arith.constant 0 : i32
        %dma_wait3A_633 = tpu.memref_slice %arg7[%rem3A_571, %dma_wait3A_632] : memref<9x100xi32, #tpu.memory_space<vmem>> -> memref<1x100xi32, #tpu.memory_space<vmem>>
        %dma_wait3A_634 = tpu.memref_squeeze %dma_wait3A_633 : memref<1x100xi32, #tpu.memory_space<vmem>> -> memref<100xi32, #tpu.memory_space<vmem>>
        %dma_wait3A_635 = arith.constant 0 : i32
        %dma_wait3A_636 = tpu.memref_slice %arg4[%add3A, %dma_wait3A_625, %dma_wait3A_635] : memref<32x100x100xi32, #tpu.memory_space<hbm>> -> memref<1x1x100xi32, #tpu.memory_space<hbm>>
        %dma_wait3A_637 = tpu.memref_squeeze %dma_wait3A_636 : memref<1x1x100xi32, #tpu.memory_space<hbm>> -> memref<100xi32, #tpu.memory_space<hbm>>
        tpu.wait_dma2 semaphore(%arg12 : memref<!tpu.dma_semaphore, #tpu.memory_space<semaphore_mem>>) src(%dma_wait3A_637 : memref<100xi32, #tpu.memory_space<hbm>>) dst(%dma_wait3A_634 : memref<100xi32, #tpu.memory_space<vmem>>)
        %dma_start3A_638 = arith.constant 0 : i32
        %dma_start3A_639 = arith.constant 0 : i32
        %dma_start3A_640 = tpu.memref_slice %arg8[%rem3A_571, %dma_start3A_638, %dma_start3A_639] : memref<9x100x128xbf16, #tpu.memory_space<vmem>> -> memref<1x100x128xbf16, #tpu.memory_space<vmem>>
        %dma_start3A_641 = tpu.memref_squeeze %dma_start3A_640 : memref<1x100x128xbf16, #tpu.memory_space<vmem>> -> memref<100x128xbf16, #tpu.memory_space<vmem>>
        %dma_start3A_642 = arith.constant 0 : i32
        %dma_start3A_643 = tpu.memref_slice %arg6[%rem3A_571, %dma_start3A_642] : memref<9x100xi32, #tpu.memory_space<vmem>> -> memref<1x100xi32, #tpu.memory_space<vmem>>
        %dma_start3A_644 = tpu.memref_squeeze %dma_start3A_643 : memref<1x100xi32, #tpu.memory_space<vmem>> -> memref<100xi32, #tpu.memory_space<vmem>>
        %dma_start3A_645 = arith.constant 0 : i32
        %dma_start3A_646 = arith.constant 0 : i32
        %dma_start3A_647 = tpu.memref_slice %arg2[%dma_start3A_645, %dma_start3A_646] : memref<10000x128xbf16, #tpu.memory_space<hbm>> -> memref<10000x128xbf16, #tpu.memory_space<hbm>>
        tpu.enqueue_indirect_dma source(%dma_start3A_647 : memref<10000x128xbf16, #tpu.memory_space<hbm>>) target(%dma_start3A_641 : memref<100x128xbf16, #tpu.memory_space<vmem>>) offsets(%dma_start3A_644 : memref<100xi32, #tpu.memory_space<vmem>>) semaphore(%arg10 : memref<!tpu.dma_semaphore, #tpu.memory_space<semaphore_mem>>)
      } else {
      }
      %dma_wait3A_591 = arith.constant 0 : i32
      %dma_wait3A_592 = arith.constant 0 : i32
      %dma_wait3A_593 = arith.constant 0 : i32
      %dma_wait3A_594 = tpu.memref_slice %arg8[%rem3A_567, %dma_wait3A_592, %dma_wait3A_593] : memref<9x100x128xbf16, #tpu.memory_space<vmem>> -> memref<1x100x128xbf16, #tpu.memory_space<vmem>>
      %dma_wait3A_595 = tpu.memref_squeeze %dma_wait3A_594 : memref<1x100x128xbf16, #tpu.memory_space<vmem>> -> memref<100x128xbf16, #tpu.memory_space<vmem>>
      %dma_wait3A_596 = arith.constant 0 : i32
      %dma_wait3A_597 = tpu.memref_slice %arg6[%dma_wait3A_591, %dma_wait3A_596] : memref<9x100xi32, #tpu.memory_space<vmem>> -> memref<1x100xi32, #tpu.memory_space<vmem>>
      %dma_wait3A_598 = tpu.memref_squeeze %dma_wait3A_597 : memref<1x100xi32, #tpu.memory_space<vmem>> -> memref<100xi32, #tpu.memory_space<vmem>>
      %dma_wait3A_599 = arith.constant 0 : i32
      %dma_wait3A_600 = arith.constant 0 : i32
      %dma_wait3A_601 = tpu.memref_slice %arg2[%dma_wait3A_599, %dma_wait3A_600] : memref<10000x128xbf16, #tpu.memory_space<hbm>> -> memref<10000x128xbf16, #tpu.memory_space<hbm>>
      tpu.wait_indirect_dma semaphore(%arg10 : memref<!tpu.dma_semaphore, #tpu.memory_space<semaphore_mem>>) src(%dma_wait3A_601 : memref<10000x128xbf16, #tpu.memory_space<hbm>>) dst(%dma_wait3A_595 : memref<100x128xbf16, #tpu.memory_space<vmem>>)
      %dma_start3A_602 = arith.constant 0 : i32
      %dma_start3A_603 = arith.constant 0 : i32
      %dma_start3A_604 = tpu.memref_slice %arg8[%rem3A_567, %dma_start3A_602, %dma_start3A_603] : memref<9x100x128xbf16, #tpu.memory_space<vmem>> -> memref<1x100x128xbf16, #tpu.memory_space<vmem>>
      %dma_start3A_605 = tpu.memref_squeeze %dma_start3A_604 : memref<1x100x128xbf16, #tpu.memory_space<vmem>> -> memref<100x128xbf16, #tpu.memory_space<vmem>>
      %dma_start3A_606 = arith.constant 0 : i32
      %dma_start3A_607 = tpu.memref_slice %arg7[%rem3A_567, %dma_start3A_606] : memref<9x100xi32, #tpu.memory_space<vmem>> -> memref<1x100xi32, #tpu.memory_space<vmem>>
      %dma_start3A_608 = tpu.memref_squeeze %dma_start3A_607 : memref<1x100xi32, #tpu.memory_space<vmem>> -> memref<100xi32, #tpu.memory_space<vmem>>
      %dma_start3A_609 = arith.constant 0 : i32
      %dma_start3A_610 = arith.constant 0 : i32
      %dma_start3A_611 = tpu.memref_slice %arg9[%dma_start3A_609, %dma_start3A_610] : memref<10000x128xbf16, #tpu.memory_space<vmem_shared>> -> memref<10000x128xbf16, #tpu.memory_space<vmem_shared>>
      tpu.enqueue_indirect_dma source(%dma_start3A_605 : memref<100x128xbf16, #tpu.memory_space<vmem>>) target(%dma_start3A_611 : memref<10000x128xbf16, #tpu.memory_space<vmem_shared>>) offsets(%dma_start3A_608 : memref<100xi32, #tpu.memory_space<vmem>>) semaphore(%arg11 : memref<!tpu.dma_semaphore, #tpu.memory_space<semaphore_mem>>) {add = true}
    }
    %scan3A_508 = arith.constant 100 : i32
    %rem3A = arith.constant 97 : i32
    %rem3A_509 = arith.constant 9 : i32
    %rem3A_510 = arith.remsi %rem3A, %rem3A_509 : i32
    %dma_wait3A_511 = arith.constant 0 : i32
    %dma_wait3A_512 = arith.constant 0 : i32
    %dma_wait3A_513 = arith.constant 0 : i32
    %dma_wait3A_514 = tpu.memref_slice %arg8[%rem3A_510, %dma_wait3A_512, %dma_wait3A_513] : memref<9x100x128xbf16, #tpu.memory_space<vmem>> -> memref<1x100x128xbf16, #tpu.memory_space<vmem>>
    %dma_wait3A_515 = tpu.memref_squeeze %dma_wait3A_514 : memref<1x100x128xbf16, #tpu.memory_space<vmem>> -> memref<100x128xbf16, #tpu.memory_space<vmem>>
    %dma_wait3A_516 = arith.constant 0 : i32
    %dma_wait3A_517 = tpu.memref_slice %arg6[%dma_wait3A_511, %dma_wait3A_516] : memref<9x100xi32, #tpu.memory_space<vmem>> -> memref<1x100xi32, #tpu.memory_space<vmem>>
    %dma_wait3A_518 = tpu.memref_squeeze %dma_wait3A_517 : memref<1x100xi32, #tpu.memory_space<vmem>> -> memref<100xi32, #tpu.memory_space<vmem>>
    %dma_wait3A_519 = arith.constant 0 : i32
    %dma_wait3A_520 = arith.constant 0 : i32
    %dma_wait3A_521 = tpu.memref_slice %arg2[%dma_wait3A_519, %dma_wait3A_520] : memref<10000x128xbf16, #tpu.memory_space<hbm>> -> memref<10000x128xbf16, #tpu.memory_space<hbm>>
    tpu.wait_indirect_dma semaphore(%arg11 : memref<!tpu.dma_semaphore, #tpu.memory_space<semaphore_mem>>) src(%dma_wait3A_521 : memref<10000x128xbf16, #tpu.memory_space<hbm>>) dst(%dma_wait3A_515 : memref<100x128xbf16, #tpu.memory_space<vmem>>)
    %rem3A_522 = arith.constant 98 : i32
    %rem3A_523 = arith.constant 9 : i32
    %rem3A_524 = arith.remsi %rem3A_522, %rem3A_523 : i32
    %dma_wait3A_525 = arith.constant 0 : i32
    %dma_wait3A_526 = arith.constant 0 : i32
    %dma_wait3A_527 = arith.constant 0 : i32
    %dma_wait3A_528 = tpu.memref_slice %arg8[%rem3A_524, %dma_wait3A_526, %dma_wait3A_527] : memref<9x100x128xbf16, #tpu.memory_space<vmem>> -> memref<1x100x128xbf16, #tpu.memory_space<vmem>>
    %dma_wait3A_529 = tpu.memref_squeeze %dma_wait3A_528 : memref<1x100x128xbf16, #tpu.memory_space<vmem>> -> memref<100x128xbf16, #tpu.memory_space<vmem>>
    %dma_wait3A_530 = arith.constant 0 : i32
    %dma_wait3A_531 = tpu.memref_slice %arg6[%dma_wait3A_525, %dma_wait3A_530] : memref<9x100xi32, #tpu.memory_space<vmem>> -> memref<1x100xi32, #tpu.memory_space<vmem>>
    %dma_wait3A_532 = tpu.memref_squeeze %dma_wait3A_531 : memref<1x100xi32, #tpu.memory_space<vmem>> -> memref<100xi32, #tpu.memory_space<vmem>>
    %dma_wait3A_533 = arith.constant 0 : i32
    %dma_wait3A_534 = arith.constant 0 : i32
    %dma_wait3A_535 = tpu.memref_slice %arg2[%dma_wait3A_533, %dma_wait3A_534] : memref<10000x128xbf16, #tpu.memory_space<hbm>> -> memref<10000x128xbf16, #tpu.memory_space<hbm>>
    tpu.wait_indirect_dma semaphore(%arg11 : memref<!tpu.dma_semaphore, #tpu.memory_space<semaphore_mem>>) src(%dma_wait3A_535 : memref<10000x128xbf16, #tpu.memory_space<hbm>>) dst(%dma_wait3A_529 : memref<100x128xbf16, #tpu.memory_space<vmem>>)
    %rem3A_536 = arith.constant 99 : i32
    %rem3A_537 = arith.constant 9 : i32
    %rem3A_538 = arith.remsi %rem3A_536, %rem3A_537 : i32
    %dma_wait3A_539 = arith.constant 0 : i32
    %dma_wait3A_540 = arith.constant 0 : i32
    %dma_wait3A_541 = arith.constant 0 : i32
    %dma_wait3A_542 = tpu.memref_slice %arg8[%rem3A_538, %dma_wait3A_540, %dma_wait3A_541] : memref<9x100x128xbf16, #tpu.memory_space<vmem>> -> memref<1x100x128xbf16, #tpu.memory_space<vmem>>
    %dma_wait3A_543 = tpu.memref_squeeze %dma_wait3A_542 : memref<1x100x128xbf16, #tpu.memory_space<vmem>> -> memref<100x128xbf16, #tpu.memory_space<vmem>>
    %dma_wait3A_544 = arith.constant 0 : i32
    %dma_wait3A_545 = tpu.memref_slice %arg6[%dma_wait3A_539, %dma_wait3A_544] : memref<9x100xi32, #tpu.memory_space<vmem>> -> memref<1x100xi32, #tpu.memory_space<vmem>>
    %dma_wait3A_546 = tpu.memref_squeeze %dma_wait3A_545 : memref<1x100xi32, #tpu.memory_space<vmem>> -> memref<100xi32, #tpu.memory_space<vmem>>
    %dma_wait3A_547 = arith.constant 0 : i32
    %dma_wait3A_548 = arith.constant 0 : i32
    %dma_wait3A_549 = tpu.memref_slice %arg2[%dma_wait3A_547, %dma_wait3A_548] : memref<10000x128xbf16, #tpu.memory_space<hbm>> -> memref<10000x128xbf16, #tpu.memory_space<hbm>>
    tpu.wait_indirect_dma semaphore(%arg11 : memref<!tpu.dma_semaphore, #tpu.memory_space<semaphore_mem>>) src(%dma_wait3A_549 : memref<10000x128xbf16, #tpu.memory_space<hbm>>) dst(%dma_wait3A_543 : memref<100x128xbf16, #tpu.memory_space<vmem>>)
    %barrier3A_550 = arith.constant 0 : index
    tpu.barrier barrier_id(%barrier3A_550)
    %add3A_551 = arith.constant 0 : i32
    %add3A_552 = arith.addi %mul3A_7, %add3A_551 : i32
    "tpu.region"() ({
      %run_scoped3A = tpu.sem_alloc : memref<!tpu.dma_semaphore, #tpu.memory_space<semaphore_mem>>
      %dma_start3A_561 = arith.constant 0 : i32
      %dma_start3A_562 = tpu.memref_slice %arg5[%arg0, %add3A_552, %dma_start3A_561] : memref<2x10000x128xbf16, #tpu.memory_space<hbm>> -> memref<1x125x128xbf16, #tpu.memory_space<hbm>>
      %dma_start3A_563 = tpu.memref_squeeze %dma_start3A_562 : memref<1x125x128xbf16, #tpu.memory_space<hbm>> -> memref<125x128xbf16, #tpu.memory_space<hbm>>
      %dma_start3A_564 = arith.constant 0 : i32
      %dma_start3A_565 = tpu.memref_slice %arg9[%add3A_552, %dma_start3A_564] : memref<10000x128xbf16, #tpu.memory_space<vmem_shared>> -> memref<125x128xbf16, #tpu.memory_space<vmem_shared>>
      tpu.enqueue_dma source(%dma_start3A_565 : memref<125x128xbf16, #tpu.memory_space<vmem_shared>>) target(%dma_start3A_563 : memref<125x128xbf16, #tpu.memory_space<hbm>>) target_semaphore(%run_scoped3A : memref<!tpu.dma_semaphore, #tpu.memory_space<semaphore_mem>>)
      %dma_wait3A_566 = arith.constant 0 : i32
      %dma_wait3A_567 = tpu.memref_slice %arg5[%arg0, %add3A_552, %dma_wait3A_566] : memref<2x10000x128xbf16, #tpu.memory_space<hbm>> -> memref<1x125x128xbf16, #tpu.memory_space<hbm>>
      %dma_wait3A_568 = tpu.memref_squeeze %dma_wait3A_567 : memref<1x125x128xbf16, #tpu.memory_space<hbm>> -> memref<125x128xbf16, #tpu.memory_space<hbm>>
      %dma_wait3A_569 = arith.constant 0 : i32
      %dma_wait3A_570 = tpu.memref_slice %arg9[%add3A_552, %dma_wait3A_569] : memref<10000x128xbf16, #tpu.memory_space<vmem_shared>> -> memref<125x128xbf16, #tpu.memory_space<vmem_shared>>
      tpu.wait_dma2 semaphore(%run_scoped3A : memref<!tpu.dma_semaphore, #tpu.memory_space<semaphore_mem>>) src(%dma_wait3A_570 : memref<125x128xbf16, #tpu.memory_space<vmem_shared>>) dst(%dma_wait3A_568 : memref<125x128xbf16, #tpu.memory_space<hbm>>)
      tpu.yield
    }) : () -> ()
    %add3A_553 = arith.constant 125 : i32
    %add3A_554 = arith.addi %mul3A_7, %add3A_553 : i32
    "tpu.region"() ({
      %run_scoped3A = tpu.sem_alloc : memref<!tpu.dma_semaphore, #tpu.memory_space<semaphore_mem>>
      %dma_start3A_561 = arith.constant 0 : i32
      %dma_start3A_562 = tpu.memref_slice %arg5[%arg0, %add3A_554, %dma_start3A_561] : memref<2x10000x128xbf16, #tpu.memory_space<hbm>> -> memref<1x125x128xbf16, #tpu.memory_space<hbm>>
      %dma_start3A_563 = tpu.memref_squeeze %dma_start3A_562 : memref<1x125x128xbf16, #tpu.memory_space<hbm>> -> memref<125x128xbf16, #tpu.memory_space<hbm>>
      %dma_start3A_564 = arith.constant 0 : i32
      %dma_start3A_565 = tpu.memref_slice %arg9[%add3A_554, %dma_start3A_564] : memref<10000x128xbf16, #tpu.memory_space<vmem_shared>> -> memref<125x128xbf16, #tpu.memory_space<vmem_shared>>
      tpu.enqueue_dma source(%dma_start3A_565 : memref<125x128xbf16, #tpu.memory_space<vmem_shared>>) target(%dma_start3A_563 : memref<125x128xbf16, #tpu.memory_space<hbm>>) target_semaphore(%run_scoped3A : memref<!tpu.dma_semaphore, #tpu.memory_space<semaphore_mem>>)
      %dma_wait3A_566 = arith.constant 0 : i32
      %dma_wait3A_567 = tpu.memref_slice %arg5[%arg0, %add3A_554, %dma_wait3A_566] : memref<2x10000x128xbf16, #tpu.memory_space<hbm>> -> memref<1x125x128xbf16, #tpu.memory_space<hbm>>
      %dma_wait3A_568 = tpu.memref_squeeze %dma_wait3A_567 : memref<1x125x128xbf16, #tpu.memory_space<hbm>> -> memref<125x128xbf16, #tpu.memory_space<hbm>>
      %dma_wait3A_569 = arith.constant 0 : i32
      %dma_wait3A_570 = tpu.memref_slice %arg9[%add3A_554, %dma_wait3A_569] : memref<10000x128xbf16, #tpu.memory_space<vmem_shared>> -> memref<125x128xbf16, #tpu.memory_space<vmem_shared>>
      tpu.wait_dma2 semaphore(%run_scoped3A : memref<!tpu.dma_semaphore, #tpu.memory_space<semaphore_mem>>) src(%dma_wait3A_570 : memref<125x128xbf16, #tpu.memory_space<vmem_shared>>) dst(%dma_wait3A_568 : memref<125x128xbf16, #tpu.memory_space<hbm>>)
      tpu.yield
    }) : () -> ()
    %add3A_555 = arith.constant 250 : i32
    %add3A_556 = arith.addi %mul3A_7, %add3A_555 : i32
    "tpu.region"() ({
      %run_scoped3A = tpu.sem_alloc : memref<!tpu.dma_semaphore, #tpu.memory_space<semaphore_mem>>
      %dma_start3A_561 = arith.constant 0 : i32
      %dma_start3A_562 = tpu.memref_slice %arg5[%arg0, %add3A_556, %dma_start3A_561] : memref<2x10000x128xbf16, #tpu.memory_space<hbm>> -> memref<1x125x128xbf16, #tpu.memory_space<hbm>>
      %dma_start3A_563 = tpu.memref_squeeze %dma_start3A_562 : memref<1x125x128xbf16, #tpu.memory_space<hbm>> -> memref<125x128xbf16, #tpu.memory_space<hbm>>
      %dma_start3A_564 = arith.constant 0 : i32
      %dma_start3A_565 = tpu.memref_slice %arg9[%add3A_556, %dma_start3A_564] : memref<10000x128xbf16, #tpu.memory_space<vmem_shared>> -> memref<125x128xbf16, #tpu.memory_space<vmem_shared>>
      tpu.enqueue_dma source(%dma_start3A_565 : memref<125x128xbf16, #tpu.memory_space<vmem_shared>>) target(%dma_start3A_563 : memref<125x128xbf16, #tpu.memory_space<hbm>>) target_semaphore(%run_scoped3A : memref<!tpu.dma_semaphore, #tpu.memory_space<semaphore_mem>>)
      %dma_wait3A_566 = arith.constant 0 : i32
      %dma_wait3A_567 = tpu.memref_slice %arg5[%arg0, %add3A_556, %dma_wait3A_566] : memref<2x10000x128xbf16, #tpu.memory_space<hbm>> -> memref<1x125x128xbf16, #tpu.memory_space<hbm>>
      %dma_wait3A_568 = tpu.memref_squeeze %dma_wait3A_567 : memref<1x125x128xbf16, #tpu.memory_space<hbm>> -> memref<125x128xbf16, #tpu.memory_space<hbm>>
      %dma_wait3A_569 = arith.constant 0 : i32
      %dma_wait3A_570 = tpu.memref_slice %arg9[%add3A_556, %dma_wait3A_569] : memref<10000x128xbf16, #tpu.memory_space<vmem_shared>> -> memref<125x128xbf16, #tpu.memory_space<vmem_shared>>
      tpu.wait_dma2 semaphore(%run_scoped3A : memref<!tpu.dma_semaphore, #tpu.memory_space<semaphore_mem>>) src(%dma_wait3A_570 : memref<125x128xbf16, #tpu.memory_space<vmem_shared>>) dst(%dma_wait3A_568 : memref<125x128xbf16, #tpu.memory_space<hbm>>)
      tpu.yield
    }) : () -> ()
    %add3A_557 = arith.constant 375 : i32
    %add3A_558 = arith.addi %mul3A_7, %add3A_557 : i32
    "tpu.region"() ({
      %run_scoped3A = tpu.sem_alloc : memref<!tpu.dma_semaphore, #tpu.memory_space<semaphore_mem>>
      %dma_start3A_561 = arith.constant 0 : i32
      %dma_start3A_562 = tpu.memref_slice %arg5[%arg0, %add3A_558, %dma_start3A_561] : memref<2x10000x128xbf16, #tpu.memory_space<hbm>> -> memref<1x125x128xbf16, #tpu.memory_space<hbm>>
      %dma_start3A_563 = tpu.memref_squeeze %dma_start3A_562 : memref<1x125x128xbf16, #tpu.memory_space<hbm>> -> memref<125x128xbf16, #tpu.memory_space<hbm>>
      %dma_start3A_564 = arith.constant 0 : i32
      %dma_start3A_565 = tpu.memref_slice %arg9[%add3A_558, %dma_start3A_564] : memref<10000x128xbf16, #tpu.memory_space<vmem_shared>> -> memref<125x128xbf16, #tpu.memory_space<vmem_shared>>
      tpu.enqueue_dma source(%dma_start3A_565 : memref<125x128xbf16, #tpu.memory_space<vmem_shared>>) target(%dma_start3A_563 : memref<125x128xbf16, #tpu.memory_space<hbm>>) target_semaphore(%run_scoped3A : memref<!tpu.dma_semaphore, #tpu.memory_space<semaphore_mem>>)
      %dma_wait3A_566 = arith.constant 0 : i32
      %dma_wait3A_567 = tpu.memref_slice %arg5[%arg0, %add3A_558, %dma_wait3A_566] : memref<2x10000x128xbf16, #tpu.memory_space<hbm>> -> memref<1x125x128xbf16, #tpu.memory_space<hbm>>
      %dma_wait3A_568 = tpu.memref_squeeze %dma_wait3A_567 : memref<1x125x128xbf16, #tpu.memory_space<hbm>> -> memref<125x128xbf16, #tpu.memory_space<hbm>>
      %dma_wait3A_569 = arith.constant 0 : i32
      %dma_wait3A_570 = tpu.memref_slice %arg9[%add3A_558, %dma_wait3A_569] : memref<10000x128xbf16, #tpu.memory_space<vmem_shared>> -> memref<125x128xbf16, #tpu.memory_space<vmem_shared>>
      tpu.wait_dma2 semaphore(%run_scoped3A : memref<!tpu.dma_semaphore, #tpu.memory_space<semaphore_mem>>) src(%dma_wait3A_570 : memref<125x128xbf16, #tpu.memory_space<vmem_shared>>) dst(%dma_wait3A_568 : memref<125x128xbf16, #tpu.memory_space<hbm>>)
      tpu.yield
    }) : () -> ()
    %add3A_559 = arith.constant 500 : i32
    %add3A_560 = arith.addi %mul3A_7, %add3A_559 : i32
    "tpu.region"() ({
      %run_scoped3A = tpu.sem_alloc : memref<!tpu.dma_semaphore, #tpu.memory_space<semaphore_mem>>
      %dma_start3A_561 = arith.constant 0 : i32
      %dma_start3A_562 = tpu.memref_slice %arg5[%arg0, %add3A_560, %dma_start3A_561] : memref<2x10000x128xbf16, #tpu.memory_space<hbm>> -> memref<1x125x128xbf16, #tpu.memory_space<hbm>>
      %dma_start3A_563 = tpu.memref_squeeze %dma_start3A_562 : memref<1x125x128xbf16, #tpu.memory_space<hbm>> -> memref<125x128xbf16, #tpu.memory_space<hbm>>
      %dma_start3A_564 = arith.constant 0 : i32
      %dma_start3A_565 = tpu.memref_slice %arg9[%add3A_560, %dma_start3A_564] : memref<10000x128xbf16, #tpu.memory_space<vmem_shared>> -> memref<125x128xbf16, #tpu.memory_space<vmem_shared>>
      tpu.enqueue_dma source(%dma_start3A_565 : memref<125x128xbf16, #tpu.memory_space<vmem_shared>>) target(%dma_start3A_563 : memref<125x128xbf16, #tpu.memory_space<hbm>>) target_semaphore(%run_scoped3A : memref<!tpu.dma_semaphore, #tpu.memory_space<semaphore_mem>>)
      %dma_wait3A_566 = arith.constant 0 : i32
      %dma_wait3A_567 = tpu.memref_slice %arg5[%arg0, %add3A_560, %dma_wait3A_566] : memref<2x10000x128xbf16, #tpu.memory_space<hbm>> -> memref<1x125x128xbf16, #tpu.memory_space<hbm>>
      %dma_wait3A_568 = tpu.memref_squeeze %dma_wait3A_567 : memref<1x125x128xbf16, #tpu.memory_space<hbm>> -> memref<125x128xbf16, #tpu.memory_space<hbm>>
      %dma_wait3A_569 = arith.constant 0 : i32
      %dma_wait3A_570 = tpu.memref_slice %arg9[%add3A_560, %dma_wait3A_569] : memref<10000x128xbf16, #tpu.memory_space<vmem_shared>> -> memref<125x128xbf16, #tpu.memory_space<vmem_shared>>
      tpu.wait_dma2 semaphore(%run_scoped3A : memref<!tpu.dma_semaphore, #tpu.memory_space<semaphore_mem>>) src(%dma_wait3A_570 : memref<125x128xbf16, #tpu.memory_space<vmem_shared>>) dst(%dma_wait3A_568 : memref<125x128xbf16, #tpu.memory_space<hbm>>)
      tpu.yield
    }) : () -> ()
    return
  }
}

#map = affine_map<(d0, d1) -> (0, 0)>
#map1 = affine_map<(d0, d1) -> (0, 0, 0)>
module attributes {stable_mosaic.version = 14 : i64} {
  func.func @_spmm_kernel(%arg0: i32, %arg1: i32, %arg2: memref<10000x128xbf16, #tpu.memory_space<hbm>>, %arg3: memref<32x100x100xi32, #tpu.memory_space<hbm>>, %arg4: memref<32x100x100xi32, #tpu.memory_space<hbm>>, %arg5: memref<2x10000x128xbf16, #tpu.memory_space<hbm>>, %arg6: memref<9x100xi32, #tpu.memory_space<vmem>>, %arg7: memref<9x100xi32, #tpu.memory_space<vmem>>, %arg8: memref<9x100x128xbf16, #tpu.memory_space<vmem>>, %arg9: memref<10000x128xbf16, #tpu.memory_space<vmem_shared>>, %arg10: memref<!tpu.dma_semaphore, #tpu.memory_space<semaphore_mem>>, %arg11: memref<!tpu.dma_semaphore, #tpu.memory_space<semaphore_mem>>, %arg12: memref<!tpu.dma_semaphore, #tpu.memory_space<semaphore_mem>>) attributes {dimension_semantics = [#tpu.dimension_semantics<core_parallel>, #tpu.dimension_semantics<subcore_parallel>], iteration_bounds = array<i64: 2, 16>, scalar_prefetch = 0 : i64, scratch_operands = 7 : i64, tpu.core_type = #tpu.core_type<sc_vector_subcore>, window_params = [{transform_indices = #map}, {transform_indices = #map1}, {transform_indices = #map1}, {transform_indices = #map1}]} {
    %mul3A = arith.constant 2 : i32
    %mul3A_0 = arith.muli %arg1, %mul3A : i32
    %add3A = arith.addi %mul3A_0, %arg0 : i32
    %broadcast_in_dim3A = arith.constant 0.000000e+00 : bf16
    %broadcast_in_dim3A_1 = vector.broadcast %broadcast_in_dim3A : bf16 to vector<32xbf16>
    %scan3A = arith.constant 0 : i32
    %scan3A_2 = arith.constant 100 : i32
    %scan3A_3 = arith.addi %scan3A, %scan3A_2 : i32
    %scan3A_4 = arith.constant 1 : i32
    scf.for %scan3A_561 = %scan3A to %scan3A_3 step %scan3A_4  : i32 {
      %mul3A_562 = arith.constant 1 : i32
      %mul3A_563 = arith.muli %scan3A_561, %mul3A_562 : i32
      %add3A_564 = arith.constant 0 : i32
      %add3A_565 = arith.addi %add3A_564, %mul3A_563 : i32
      %swap3A = arith.constant 0 : i32
      %swap3A_566 = arith.index_cast %swap3A : i32 to index
      %swap3A_567 = arith.index_cast %add3A_565 : i32 to index
      %swap3A_568 = arith.constant 0 : index
      %swap3A_569 = tpu.vector_load %arg8[%swap3A_566, %swap3A_567, %swap3A_568] {strides = array<i32>} : memref<9x100x128xbf16, #tpu.memory_space<vmem>>, vector<32xbf16>,
      tpu.vector_store %arg8[%swap3A_566, %swap3A_567, %swap3A_568], %broadcast_in_dim3A_1 {strides = array<i32>} : memref<9x100x128xbf16, #tpu.memory_space<vmem>>, vector<32xbf16>,
      %swap3A_570 = arith.constant 0 : i32
      %swap3A_571 = arith.index_cast %swap3A_570 : i32 to index
      %swap3A_572 = arith.index_cast %add3A_565 : i32 to index
      %swap3A_573 = arith.constant 32 : index
      %swap3A_574 = tpu.vector_load %arg8[%swap3A_571, %swap3A_572, %swap3A_573] {strides = array<i32>} : memref<9x100x128xbf16, #tpu.memory_space<vmem>>, vector<32xbf16>,
      tpu.vector_store %arg8[%swap3A_571, %swap3A_572, %swap3A_573], %broadcast_in_dim3A_1 {strides = array<i32>} : memref<9x100x128xbf16, #tpu.memory_space<vmem>>, vector<32xbf16>,
      %swap3A_575 = arith.constant 0 : i32
      %swap3A_576 = arith.index_cast %swap3A_575 : i32 to index
      %swap3A_577 = arith.index_cast %add3A_565 : i32 to index
      %swap3A_578 = arith.constant 64 : index
      %swap3A_579 = tpu.vector_load %arg8[%swap3A_576, %swap3A_577, %swap3A_578] {strides = array<i32>} : memref<9x100x128xbf16, #tpu.memory_space<vmem>>, vector<32xbf16>,
      tpu.vector_store %arg8[%swap3A_576, %swap3A_577, %swap3A_578], %broadcast_in_dim3A_1 {strides = array<i32>} : memref<9x100x128xbf16, #tpu.memory_space<vmem>>, vector<32xbf16>,
      %swap3A_580 = arith.constant 0 : i32
      %swap3A_581 = arith.index_cast %swap3A_580 : i32 to index
      %swap3A_582 = arith.index_cast %add3A_565 : i32 to index
      %swap3A_583 = arith.constant 96 : index
      %swap3A_584 = tpu.vector_load %arg8[%swap3A_581, %swap3A_582, %swap3A_583] {strides = array<i32>} : memref<9x100x128xbf16, #tpu.memory_space<vmem>>, vector<32xbf16>,
      tpu.vector_store %arg8[%swap3A_581, %swap3A_582, %swap3A_583], %broadcast_in_dim3A_1 {strides = array<i32>} : memref<9x100x128xbf16, #tpu.memory_space<vmem>>, vector<32xbf16>,
    }
    %scan3A_5 = arith.constant 100 : i32
    %mul3A_6 = arith.constant 625 : i32
    %mul3A_7 = arith.muli %arg1, %mul3A_6 : i32
    %add3A_8 = arith.constant 0 : i32
    %add3A_9 = arith.addi %mul3A_7, %add3A_8 : i32
    %dma_start3A = arith.constant 0 : i32
    %dma_start3A_10 = arith.constant 0 : i32
    %dma_start3A_11 = arith.constant 0 : i32
    %dma_start3A_12 = tpu.memref_slice %arg8[%dma_start3A, %dma_start3A_10, %dma_start3A_11] : memref<9x100x128xbf16, #tpu.memory_space<vmem>> -> memref<1x100x128xbf16, #tpu.memory_space<vmem>>
    %dma_start3A_13 = tpu.memref_squeeze %dma_start3A_12 : memref<1x100x128xbf16, #tpu.memory_space<vmem>> -> memref<100x128xbf16, #tpu.memory_space<vmem>>
    %dma_start3A_14 = arith.constant 0 : i32
    %dma_start3A_15 = tpu.memref_slice %arg9[%add3A_9, %dma_start3A_14] : memref<10000x128xbf16, #tpu.memory_space<vmem_shared>> -> memref<100x128xbf16, #tpu.memory_space<vmem_shared>>
    %dma_start3A_16 = arith.constant 0 : i32
    %dma_start3A_17 = tpu.memref_slice %arg9[%add3A_9, %dma_start3A_16] : memref<10000x128xbf16, #tpu.memory_space<vmem_shared>> -> memref<100x128xbf16, #tpu.memory_space<vmem_shared>>
    %dma_start3A_18 = arith.constant 0 : i32
    %dma_start3A_19 = arith.constant 0 : i32
    %dma_start3A_20 = tpu.memref_slice %arg8[%dma_start3A, %dma_start3A_18, %dma_start3A_19] : memref<9x100x128xbf16, #tpu.memory_space<vmem>> -> memref<1x100x128xbf16, #tpu.memory_space<vmem>>
    %dma_start3A_21 = tpu.memref_squeeze %dma_start3A_20 : memref<1x100x128xbf16, #tpu.memory_space<vmem>> -> memref<100x128xbf16, #tpu.memory_space<vmem>>
    tpu.enqueue_dma source(%dma_start3A_21 : memref<100x128xbf16, #tpu.memory_space<vmem>>) target(%dma_start3A_17 : memref<100x128xbf16, #tpu.memory_space<vmem_shared>>) target_semaphore(%arg11 : memref<!tpu.dma_semaphore, #tpu.memory_space<semaphore_mem>>)
    %add3A_22 = arith.constant 100 : i32
    %add3A_23 = arith.addi %mul3A_7, %add3A_22 : i32
    %dma_start3A_24 = arith.constant 0 : i32
    %dma_start3A_25 = arith.constant 0 : i32
    %dma_start3A_26 = arith.constant 0 : i32
    %dma_start3A_27 = tpu.memref_slice %arg8[%dma_start3A_24, %dma_start3A_25, %dma_start3A_26] : memref<9x100x128xbf16, #tpu.memory_space<vmem>> -> memref<1x100x128xbf16, #tpu.memory_space<vmem>>
    %dma_start3A_28 = tpu.memref_squeeze %dma_start3A_27 : memref<1x100x128xbf16, #tpu.memory_space<vmem>> -> memref<100x128xbf16, #tpu.memory_space<vmem>>
    %dma_start3A_29 = arith.constant 0 : i32
    %dma_start3A_30 = tpu.memref_slice %arg9[%add3A_23, %dma_start3A_29] : memref<10000x128xbf16, #tpu.memory_space<vmem_shared>> -> memref<100x128xbf16, #tpu.memory_space<vmem_shared>>
    %dma_start3A_31 = arith.constant 0 : i32
    %dma_start3A_32 = tpu.memref_slice %arg9[%add3A_23, %dma_start3A_31] : memref<10000x128xbf16, #tpu.memory_space<vmem_shared>> -> memref<100x128xbf16, #tpu.memory_space<vmem_shared>>
    %dma_start3A_33 = arith.constant 0 : i32
    %dma_start3A_34 = arith.constant 0 : i32
    %dma_start3A_35 = tpu.memref_slice %arg8[%dma_start3A_24, %dma_start3A_33, %dma_start3A_34] : memref<9x100x128xbf16, #tpu.memory_space<vmem>> -> memref<1x100x128xbf16, #tpu.memory_space<vmem>>
    %dma_start3A_36 = tpu.memref_squeeze %dma_start3A_35 : memref<1x100x128xbf16, #tpu.memory_space<vmem>> -> memref<100x128xbf16, #tpu.memory_space<vmem>>
    tpu.enqueue_dma source(%dma_start3A_36 : memref<100x128xbf16, #tpu.memory_space<vmem>>) target(%dma_start3A_32 : memref<100x128xbf16, #tpu.memory_space<vmem_shared>>) target_semaphore(%arg11 : memref<!tpu.dma_semaphore, #tpu.memory_space<semaphore_mem>>)
    %add3A_37 = arith.constant 200 : i32
    %add3A_38 = arith.addi %mul3A_7, %add3A_37 : i32
    %dma_start3A_39 = arith.constant 0 : i32
    %dma_start3A_40 = arith.constant 0 : i32
    %dma_start3A_41 = arith.constant 0 : i32
    %dma_start3A_42 = tpu.memref_slice %arg8[%dma_start3A_39, %dma_start3A_40, %dma_start3A_41] : memref<9x100x128xbf16, #tpu.memory_space<vmem>> -> memref<1x100x128xbf16, #tpu.memory_space<vmem>>
    %dma_start3A_43 = tpu.memref_squeeze %dma_start3A_42 : memref<1x100x128xbf16, #tpu.memory_space<vmem>> -> memref<100x128xbf16, #tpu.memory_space<vmem>>
    %dma_start3A_44 = arith.constant 0 : i32
    %dma_start3A_45 = tpu.memref_slice %arg9[%add3A_38, %dma_start3A_44] : memref<10000x128xbf16, #tpu.memory_space<vmem_shared>> -> memref<100x128xbf16, #tpu.memory_space<vmem_shared>>
    %dma_start3A_46 = arith.constant 0 : i32
    %dma_start3A_47 = tpu.memref_slice %arg9[%add3A_38, %dma_start3A_46] : memref<10000x128xbf16, #tpu.memory_space<vmem_shared>> -> memref<100x128xbf16, #tpu.memory_space<vmem_shared>>
    %dma_start3A_48 = arith.constant 0 : i32
    %dma_start3A_49 = arith.constant 0 : i32
    %dma_start3A_50 = tpu.memref_slice %arg8[%dma_start3A_39, %dma_start3A_48, %dma_start3A_49] : memref<9x100x128xbf16, #tpu.memory_space<vmem>> -> memref<1x100x128xbf16, #tpu.memory_space<vmem>>
    %dma_start3A_51 = tpu.memref_squeeze %dma_start3A_50 : memref<1x100x128xbf16, #tpu.memory_space<vmem>> -> memref<100x128xbf16, #tpu.memory_space<vmem>>
    tpu.enqueue_dma source(%dma_start3A_51 : memref<100x128xbf16, #tpu.memory_space<vmem>>) target(%dma_start3A_47 : memref<100x128xbf16, #tpu.memory_space<vmem_shared>>) target_semaphore(%arg11 : memref<!tpu.dma_semaphore, #tpu.memory_space<semaphore_mem>>)
    %add3A_52 = arith.constant 300 : i32
    %add3A_53 = arith.addi %mul3A_7, %add3A_52 : i32
    %dma_start3A_54 = arith.constant 0 : i32
    %dma_start3A_55 = arith.constant 0 : i32
    %dma_start3A_56 = arith.constant 0 : i32
    %dma_start3A_57 = tpu.memref_slice %arg8[%dma_start3A_54, %dma_start3A_55, %dma_start3A_56] : memref<9x100x128xbf16, #tpu.memory_space<vmem>> -> memref<1x100x128xbf16, #tpu.memory_space<vmem>>
    %dma_start3A_58 = tpu.memref_squeeze %dma_start3A_57 : memref<1x100x128xbf16, #tpu.memory_space<vmem>> -> memref<100x128xbf16, #tpu.memory_space<vmem>>
    %dma_start3A_59 = arith.constant 0 : i32
    %dma_start3A_60 = tpu.memref_slice %arg9[%add3A_53, %dma_start3A_59] : memref<10000x128xbf16, #tpu.memory_space<vmem_shared>> -> memref<100x128xbf16, #tpu.memory_space<vmem_shared>>
    %dma_start3A_61 = arith.constant 0 : i32
    %dma_start3A_62 = tpu.memref_slice %arg9[%add3A_53, %dma_start3A_61] : memref<10000x128xbf16, #tpu.memory_space<vmem_shared>> -> memref<100x128xbf16, #tpu.memory_space<vmem_shared>>
    %dma_start3A_63 = arith.constant 0 : i32
    %dma_start3A_64 = arith.constant 0 : i32
    %dma_start3A_65 = tpu.memref_slice %arg8[%dma_start3A_54, %dma_start3A_63, %dma_start3A_64] : memref<9x100x128xbf16, #tpu.memory_space<vmem>> -> memref<1x100x128xbf16, #tpu.memory_space<vmem>>
    %dma_start3A_66 = tpu.memref_squeeze %dma_start3A_65 : memref<1x100x128xbf16, #tpu.memory_space<vmem>> -> memref<100x128xbf16, #tpu.memory_space<vmem>>
    tpu.enqueue_dma source(%dma_start3A_66 : memref<100x128xbf16, #tpu.memory_space<vmem>>) target(%dma_start3A_62 : memref<100x128xbf16, #tpu.memory_space<vmem_shared>>) target_semaphore(%arg11 : memref<!tpu.dma_semaphore, #tpu.memory_space<semaphore_mem>>)
    %add3A_67 = arith.constant 400 : i32
    %add3A_68 = arith.addi %mul3A_7, %add3A_67 : i32
    %dma_start3A_69 = arith.constant 0 : i32
    %dma_start3A_70 = arith.constant 0 : i32
    %dma_start3A_71 = arith.constant 0 : i32
    %dma_start3A_72 = tpu.memref_slice %arg8[%dma_start3A_69, %dma_start3A_70, %dma_start3A_71] : memref<9x100x128xbf16, #tpu.memory_space<vmem>> -> memref<1x100x128xbf16, #tpu.memory_space<vmem>>
    %dma_start3A_73 = tpu.memref_squeeze %dma_start3A_72 : memref<1x100x128xbf16, #tpu.memory_space<vmem>> -> memref<100x128xbf16, #tpu.memory_space<vmem>>
    %dma_start3A_74 = arith.constant 0 : i32
    %dma_start3A_75 = tpu.memref_slice %arg9[%add3A_68, %dma_start3A_74] : memref<10000x128xbf16, #tpu.memory_space<vmem_shared>> -> memref<100x128xbf16, #tpu.memory_space<vmem_shared>>
    %dma_start3A_76 = arith.constant 0 : i32
    %dma_start3A_77 = tpu.memref_slice %arg9[%add3A_68, %dma_start3A_76] : memref<10000x128xbf16, #tpu.memory_space<vmem_shared>> -> memref<100x128xbf16, #tpu.memory_space<vmem_shared>>
    %dma_start3A_78 = arith.constant 0 : i32
    %dma_start3A_79 = arith.constant 0 : i32
    %dma_start3A_80 = tpu.memref_slice %arg8[%dma_start3A_69, %dma_start3A_78, %dma_start3A_79] : memref<9x100x128xbf16, #tpu.memory_space<vmem>> -> memref<1x100x128xbf16, #tpu.memory_space<vmem>>
    %dma_start3A_81 = tpu.memref_squeeze %dma_start3A_80 : memref<1x100x128xbf16, #tpu.memory_space<vmem>> -> memref<100x128xbf16, #tpu.memory_space<vmem>>
    tpu.enqueue_dma source(%dma_start3A_81 : memref<100x128xbf16, #tpu.memory_space<vmem>>) target(%dma_start3A_77 : memref<100x128xbf16, #tpu.memory_space<vmem_shared>>) target_semaphore(%arg11 : memref<!tpu.dma_semaphore, #tpu.memory_space<semaphore_mem>>)
    %add3A_82 = arith.constant 500 : i32
    %add3A_83 = arith.addi %mul3A_7, %add3A_82 : i32
    %dma_start3A_84 = arith.constant 0 : i32
    %dma_start3A_85 = arith.constant 0 : i32
    %dma_start3A_86 = arith.constant 0 : i32
    %dma_start3A_87 = tpu.memref_slice %arg8[%dma_start3A_84, %dma_start3A_85, %dma_start3A_86] : memref<9x100x128xbf16, #tpu.memory_space<vmem>> -> memref<1x100x128xbf16, #tpu.memory_space<vmem>>
    %dma_start3A_88 = tpu.memref_squeeze %dma_start3A_87 : memref<1x100x128xbf16, #tpu.memory_space<vmem>> -> memref<100x128xbf16, #tpu.memory_space<vmem>>
    %dma_start3A_89 = arith.constant 0 : i32
    %dma_start3A_90 = tpu.memref_slice %arg9[%add3A_83, %dma_start3A_89] : memref<10000x128xbf16, #tpu.memory_space<vmem_shared>> -> memref<100x128xbf16, #tpu.memory_space<vmem_shared>>
    %dma_start3A_91 = arith.constant 0 : i32
    %dma_start3A_92 = tpu.memref_slice %arg9[%add3A_83, %dma_start3A_91] : memref<10000x128xbf16, #tpu.memory_space<vmem_shared>> -> memref<100x128xbf16, #tpu.memory_space<vmem_shared>>
    %dma_start3A_93 = arith.constant 0 : i32
    %dma_start3A_94 = arith.constant 0 : i32
    %dma_start3A_95 = tpu.memref_slice %arg8[%dma_start3A_84, %dma_start3A_93, %dma_start3A_94] : memref<9x100x128xbf16, #tpu.memory_space<vmem>> -> memref<1x100x128xbf16, #tpu.memory_space<vmem>>
    %dma_start3A_96 = tpu.memref_squeeze %dma_start3A_95 : memref<1x100x128xbf16, #tpu.memory_space<vmem>> -> memref<100x128xbf16, #tpu.memory_space<vmem>>
    tpu.enqueue_dma source(%dma_start3A_96 : memref<100x128xbf16, #tpu.memory_space<vmem>>) target(%dma_start3A_92 : memref<100x128xbf16, #tpu.memory_space<vmem_shared>>) target_semaphore(%arg11 : memref<!tpu.dma_semaphore, #tpu.memory_space<semaphore_mem>>)
    %add3A_97 = arith.constant 600 : i32
    %add3A_98 = arith.addi %mul3A_7, %add3A_97 : i32
    %dma_start3A_99 = arith.constant 0 : i32
    %dma_start3A_100 = arith.constant 0 : i32
    %dma_start3A_101 = arith.constant 0 : i32
    %dma_start3A_102 = tpu.memref_slice %arg8[%dma_start3A_99, %dma_start3A_100, %dma_start3A_101] : memref<9x100x128xbf16, #tpu.memory_space<vmem>> -> memref<1x25x128xbf16, #tpu.memory_space<vmem>>
    %dma_start3A_103 = tpu.memref_squeeze %dma_start3A_102 : memref<1x25x128xbf16, #tpu.memory_space<vmem>> -> memref<25x128xbf16, #tpu.memory_space<vmem>>
    %dma_start3A_104 = arith.constant 0 : i32
    %dma_start3A_105 = tpu.memref_slice %arg9[%add3A_98, %dma_start3A_104] : memref<10000x128xbf16, #tpu.memory_space<vmem_shared>> -> memref<25x128xbf16, #tpu.memory_space<vmem_shared>>
    %dma_start3A_106 = arith.constant 0 : i32
    %dma_start3A_107 = tpu.memref_slice %arg9[%add3A_98, %dma_start3A_106] : memref<10000x128xbf16, #tpu.memory_space<vmem_shared>> -> memref<25x128xbf16, #tpu.memory_space<vmem_shared>>
    %dma_start3A_108 = arith.constant 0 : i32
    %dma_start3A_109 = arith.constant 0 : i32
    %dma_start3A_110 = tpu.memref_slice %arg8[%dma_start3A_99, %dma_start3A_108, %dma_start3A_109] : memref<9x100x128xbf16, #tpu.memory_space<vmem>> -> memref<1x25x128xbf16, #tpu.memory_space<vmem>>
    %dma_start3A_111 = tpu.memref_squeeze %dma_start3A_110 : memref<1x25x128xbf16, #tpu.memory_space<vmem>> -> memref<25x128xbf16, #tpu.memory_space<vmem>>
    tpu.enqueue_dma source(%dma_start3A_111 : memref<25x128xbf16, #tpu.memory_space<vmem>>) target(%dma_start3A_107 : memref<25x128xbf16, #tpu.memory_space<vmem_shared>>) target_semaphore(%arg11 : memref<!tpu.dma_semaphore, #tpu.memory_space<semaphore_mem>>)
    %dma_wait3A = arith.constant 0 : i32
    %dma_wait3A_112 = arith.constant 0 : i32
    %dma_wait3A_113 = arith.constant 0 : i32
    %dma_wait3A_114 = tpu.memref_slice %arg8[%dma_wait3A, %dma_wait3A_112, %dma_wait3A_113] : memref<9x100x128xbf16, #tpu.memory_space<vmem>> -> memref<1x100x128xbf16, #tpu.memory_space<vmem>>
    %dma_wait3A_115 = tpu.memref_squeeze %dma_wait3A_114 : memref<1x100x128xbf16, #tpu.memory_space<vmem>> -> memref<100x128xbf16, #tpu.memory_space<vmem>>
    %dma_wait3A_116 = arith.constant 0 : i32
    %dma_wait3A_117 = arith.constant 0 : i32
    %dma_wait3A_118 = tpu.memref_slice %arg9[%dma_wait3A_116, %dma_wait3A_117] : memref<10000x128xbf16, #tpu.memory_space<vmem_shared>> -> memref<100x128xbf16, #tpu.memory_space<vmem_shared>>
    %dma_wait3A_119 = arith.constant 0 : i32
    %dma_wait3A_120 = arith.constant 0 : i32
    %dma_wait3A_121 = tpu.memref_slice %arg9[%dma_wait3A_119, %dma_wait3A_120] : memref<10000x128xbf16, #tpu.memory_space<vmem_shared>> -> memref<100x128xbf16, #tpu.memory_space<vmem_shared>>
    %dma_wait3A_122 = arith.constant 0 : i32
    %dma_wait3A_123 = arith.constant 0 : i32
    %dma_wait3A_124 = tpu.memref_slice %arg8[%dma_wait3A, %dma_wait3A_122, %dma_wait3A_123] : memref<9x100x128xbf16, #tpu.memory_space<vmem>> -> memref<1x100x128xbf16, #tpu.memory_space<vmem>>
    %dma_wait3A_125 = tpu.memref_squeeze %dma_wait3A_124 : memref<1x100x128xbf16, #tpu.memory_space<vmem>> -> memref<100x128xbf16, #tpu.memory_space<vmem>>
    tpu.wait_dma2 semaphore(%arg11 : memref<!tpu.dma_semaphore, #tpu.memory_space<semaphore_mem>>) src(%dma_wait3A_125 : memref<100x128xbf16, #tpu.memory_space<vmem>>) dst(%dma_wait3A_121 : memref<100x128xbf16, #tpu.memory_space<vmem_shared>>)
    %dma_wait3A_126 = arith.constant 0 : i32
    %dma_wait3A_127 = arith.constant 0 : i32
    %dma_wait3A_128 = arith.constant 0 : i32
    %dma_wait3A_129 = tpu.memref_slice %arg8[%dma_wait3A_126, %dma_wait3A_127, %dma_wait3A_128] : memref<9x100x128xbf16, #tpu.memory_space<vmem>> -> memref<1x100x128xbf16, #tpu.memory_space<vmem>>
    %dma_wait3A_130 = tpu.memref_squeeze %dma_wait3A_129 : memref<1x100x128xbf16, #tpu.memory_space<vmem>> -> memref<100x128xbf16, #tpu.memory_space<vmem>>
    %dma_wait3A_131 = arith.constant 0 : i32
    %dma_wait3A_132 = arith.constant 0 : i32
    %dma_wait3A_133 = tpu.memref_slice %arg9[%dma_wait3A_131, %dma_wait3A_132] : memref<10000x128xbf16, #tpu.memory_space<vmem_shared>> -> memref<100x128xbf16, #tpu.memory_space<vmem_shared>>
    %dma_wait3A_134 = arith.constant 0 : i32
    %dma_wait3A_135 = arith.constant 0 : i32
    %dma_wait3A_136 = tpu.memref_slice %arg9[%dma_wait3A_134, %dma_wait3A_135] : memref<10000x128xbf16, #tpu.memory_space<vmem_shared>> -> memref<100x128xbf16, #tpu.memory_space<vmem_shared>>
    %dma_wait3A_137 = arith.constant 0 : i32
    %dma_wait3A_138 = arith.constant 0 : i32
    %dma_wait3A_139 = tpu.memref_slice %arg8[%dma_wait3A_126, %dma_wait3A_137, %dma_wait3A_138] : memref<9x100x128xbf16, #tpu.memory_space<vmem>> -> memref<1x100x128xbf16, #tpu.memory_space<vmem>>
    %dma_wait3A_140 = tpu.memref_squeeze %dma_wait3A_139 : memref<1x100x128xbf16, #tpu.memory_space<vmem>> -> memref<100x128xbf16, #tpu.memory_space<vmem>>
    tpu.wait_dma2 semaphore(%arg11 : memref<!tpu.dma_semaphore, #tpu.memory_space<semaphore_mem>>) src(%dma_wait3A_140 : memref<100x128xbf16, #tpu.memory_space<vmem>>) dst(%dma_wait3A_136 : memref<100x128xbf16, #tpu.memory_space<vmem_shared>>)
    %dma_wait3A_141 = arith.constant 0 : i32
    %dma_wait3A_142 = arith.constant 0 : i32
    %dma_wait3A_143 = arith.constant 0 : i32
    %dma_wait3A_144 = tpu.memref_slice %arg8[%dma_wait3A_141, %dma_wait3A_142, %dma_wait3A_143] : memref<9x100x128xbf16, #tpu.memory_space<vmem>> -> memref<1x100x128xbf16, #tpu.memory_space<vmem>>
    %dma_wait3A_145 = tpu.memref_squeeze %dma_wait3A_144 : memref<1x100x128xbf16, #tpu.memory_space<vmem>> -> memref<100x128xbf16, #tpu.memory_space<vmem>>
    %dma_wait3A_146 = arith.constant 0 : i32
    %dma_wait3A_147 = arith.constant 0 : i32
    %dma_wait3A_148 = tpu.memref_slice %arg9[%dma_wait3A_146, %dma_wait3A_147] : memref<10000x128xbf16, #tpu.memory_space<vmem_shared>> -> memref<100x128xbf16, #tpu.memory_space<vmem_shared>>
    %dma_wait3A_149 = arith.constant 0 : i32
    %dma_wait3A_150 = arith.constant 0 : i32
    %dma_wait3A_151 = tpu.memref_slice %arg9[%dma_wait3A_149, %dma_wait3A_150] : memref<10000x128xbf16, #tpu.memory_space<vmem_shared>> -> memref<100x128xbf16, #tpu.memory_space<vmem_shared>>
    %dma_wait3A_152 = arith.constant 0 : i32
    %dma_wait3A_153 = arith.constant 0 : i32
    %dma_wait3A_154 = tpu.memref_slice %arg8[%dma_wait3A_141, %dma_wait3A_152, %dma_wait3A_153] : memref<9x100x128xbf16, #tpu.memory_space<vmem>> -> memref<1x100x128xbf16, #tpu.memory_space<vmem>>
    %dma_wait3A_155 = tpu.memref_squeeze %dma_wait3A_154 : memref<1x100x128xbf16, #tpu.memory_space<vmem>> -> memref<100x128xbf16, #tpu.memory_space<vmem>>
    tpu.wait_dma2 semaphore(%arg11 : memref<!tpu.dma_semaphore, #tpu.memory_space<semaphore_mem>>) src(%dma_wait3A_155 : memref<100x128xbf16, #tpu.memory_space<vmem>>) dst(%dma_wait3A_151 : memref<100x128xbf16, #tpu.memory_space<vmem_shared>>)
    %dma_wait3A_156 = arith.constant 0 : i32
    %dma_wait3A_157 = arith.constant 0 : i32
    %dma_wait3A_158 = arith.constant 0 : i32
    %dma_wait3A_159 = tpu.memref_slice %arg8[%dma_wait3A_156, %dma_wait3A_157, %dma_wait3A_158] : memref<9x100x128xbf16, #tpu.memory_space<vmem>> -> memref<1x100x128xbf16, #tpu.memory_space<vmem>>
    %dma_wait3A_160 = tpu.memref_squeeze %dma_wait3A_159 : memref<1x100x128xbf16, #tpu.memory_space<vmem>> -> memref<100x128xbf16, #tpu.memory_space<vmem>>
    %dma_wait3A_161 = arith.constant 0 : i32
    %dma_wait3A_162 = arith.constant 0 : i32
    %dma_wait3A_163 = tpu.memref_slice %arg9[%dma_wait3A_161, %dma_wait3A_162] : memref<10000x128xbf16, #tpu.memory_space<vmem_shared>> -> memref<100x128xbf16, #tpu.memory_space<vmem_shared>>
    %dma_wait3A_164 = arith.constant 0 : i32
    %dma_wait3A_165 = arith.constant 0 : i32
    %dma_wait3A_166 = tpu.memref_slice %arg9[%dma_wait3A_164, %dma_wait3A_165] : memref<10000x128xbf16, #tpu.memory_space<vmem_shared>> -> memref<100x128xbf16, #tpu.memory_space<vmem_shared>>
    %dma_wait3A_167 = arith.constant 0 : i32
    %dma_wait3A_168 = arith.constant 0 : i32
    %dma_wait3A_169 = tpu.memref_slice %arg8[%dma_wait3A_156, %dma_wait3A_167, %dma_wait3A_168] : memref<9x100x128xbf16, #tpu.memory_space<vmem>> -> memref<1x100x128xbf16, #tpu.memory_space<vmem>>
    %dma_wait3A_170 = tpu.memref_squeeze %dma_wait3A_169 : memref<1x100x128xbf16, #tpu.memory_space<vmem>> -> memref<100x128xbf16, #tpu.memory_space<vmem>>
    tpu.wait_dma2 semaphore(%arg11 : memref<!tpu.dma_semaphore, #tpu.memory_space<semaphore_mem>>) src(%dma_wait3A_170 : memref<100x128xbf16, #tpu.memory_space<vmem>>) dst(%dma_wait3A_166 : memref<100x128xbf16, #tpu.memory_space<vmem_shared>>)
    %dma_wait3A_171 = arith.constant 0 : i32
    %dma_wait3A_172 = arith.constant 0 : i32
    %dma_wait3A_173 = arith.constant 0 : i32
    %dma_wait3A_174 = tpu.memref_slice %arg8[%dma_wait3A_171, %dma_wait3A_172, %dma_wait3A_173] : memref<9x100x128xbf16, #tpu.memory_space<vmem>> -> memref<1x100x128xbf16, #tpu.memory_space<vmem>>
    %dma_wait3A_175 = tpu.memref_squeeze %dma_wait3A_174 : memref<1x100x128xbf16, #tpu.memory_space<vmem>> -> memref<100x128xbf16, #tpu.memory_space<vmem>>
    %dma_wait3A_176 = arith.constant 0 : i32
    %dma_wait3A_177 = arith.constant 0 : i32
    %dma_wait3A_178 = tpu.memref_slice %arg9[%dma_wait3A_176, %dma_wait3A_177] : memref<10000x128xbf16, #tpu.memory_space<vmem_shared>> -> memref<100x128xbf16, #tpu.memory_space<vmem_shared>>
    %dma_wait3A_179 = arith.constant 0 : i32
    %dma_wait3A_180 = arith.constant 0 : i32
    %dma_wait3A_181 = tpu.memref_slice %arg9[%dma_wait3A_179, %dma_wait3A_180] : memref<10000x128xbf16, #tpu.memory_space<vmem_shared>> -> memref<100x128xbf16, #tpu.memory_space<vmem_shared>>
    %dma_wait3A_182 = arith.constant 0 : i32
    %dma_wait3A_183 = arith.constant 0 : i32
    %dma_wait3A_184 = tpu.memref_slice %arg8[%dma_wait3A_171, %dma_wait3A_182, %dma_wait3A_183] : memref<9x100x128xbf16, #tpu.memory_space<vmem>> -> memref<1x100x128xbf16, #tpu.memory_space<vmem>>
    %dma_wait3A_185 = tpu.memref_squeeze %dma_wait3A_184 : memref<1x100x128xbf16, #tpu.memory_space<vmem>> -> memref<100x128xbf16, #tpu.memory_space<vmem>>
    tpu.wait_dma2 semaphore(%arg11 : memref<!tpu.dma_semaphore, #tpu.memory_space<semaphore_mem>>) src(%dma_wait3A_185 : memref<100x128xbf16, #tpu.memory_space<vmem>>) dst(%dma_wait3A_181 : memref<100x128xbf16, #tpu.memory_space<vmem_shared>>)
    %dma_wait3A_186 = arith.constant 0 : i32
    %dma_wait3A_187 = arith.constant 0 : i32
    %dma_wait3A_188 = arith.constant 0 : i32
    %dma_wait3A_189 = tpu.memref_slice %arg8[%dma_wait3A_186, %dma_wait3A_187, %dma_wait3A_188] : memref<9x100x128xbf16, #tpu.memory_space<vmem>> -> memref<1x100x128xbf16, #tpu.memory_space<vmem>>
    %dma_wait3A_190 = tpu.memref_squeeze %dma_wait3A_189 : memref<1x100x128xbf16, #tpu.memory_space<vmem>> -> memref<100x128xbf16, #tpu.memory_space<vmem>>
    %dma_wait3A_191 = arith.constant 0 : i32
    %dma_wait3A_192 = arith.constant 0 : i32
    %dma_wait3A_193 = tpu.memref_slice %arg9[%dma_wait3A_191, %dma_wait3A_192] : memref<10000x128xbf16, #tpu.memory_space<vmem_shared>> -> memref<100x128xbf16, #tpu.memory_space<vmem_shared>>
    %dma_wait3A_194 = arith.constant 0 : i32
    %dma_wait3A_195 = arith.constant 0 : i32
    %dma_wait3A_196 = tpu.memref_slice %arg9[%dma_wait3A_194, %dma_wait3A_195] : memref<10000x128xbf16, #tpu.memory_space<vmem_shared>> -> memref<100x128xbf16, #tpu.memory_space<vmem_shared>>
    %dma_wait3A_197 = arith.constant 0 : i32
    %dma_wait3A_198 = arith.constant 0 : i32
    %dma_wait3A_199 = tpu.memref_slice %arg8[%dma_wait3A_186, %dma_wait3A_197, %dma_wait3A_198] : memref<9x100x128xbf16, #tpu.memory_space<vmem>> -> memref<1x100x128xbf16, #tpu.memory_space<vmem>>
    %dma_wait3A_200 = tpu.memref_squeeze %dma_wait3A_199 : memref<1x100x128xbf16, #tpu.memory_space<vmem>> -> memref<100x128xbf16, #tpu.memory_space<vmem>>
    tpu.wait_dma2 semaphore(%arg11 : memref<!tpu.dma_semaphore, #tpu.memory_space<semaphore_mem>>) src(%dma_wait3A_200 : memref<100x128xbf16, #tpu.memory_space<vmem>>) dst(%dma_wait3A_196 : memref<100x128xbf16, #tpu.memory_space<vmem_shared>>)
    %dma_wait3A_201 = arith.constant 0 : i32
    %dma_wait3A_202 = arith.constant 0 : i32
    %dma_wait3A_203 = arith.constant 0 : i32
    %dma_wait3A_204 = tpu.memref_slice %arg8[%dma_wait3A_201, %dma_wait3A_202, %dma_wait3A_203] : memref<9x100x128xbf16, #tpu.memory_space<vmem>> -> memref<1x25x128xbf16, #tpu.memory_space<vmem>>
    %dma_wait3A_205 = tpu.memref_squeeze %dma_wait3A_204 : memref<1x25x128xbf16, #tpu.memory_space<vmem>> -> memref<25x128xbf16, #tpu.memory_space<vmem>>
    %dma_wait3A_206 = arith.constant 0 : i32
    %dma_wait3A_207 = arith.constant 0 : i32
    %dma_wait3A_208 = tpu.memref_slice %arg9[%dma_wait3A_206, %dma_wait3A_207] : memref<10000x128xbf16, #tpu.memory_space<vmem_shared>> -> memref<25x128xbf16, #tpu.memory_space<vmem_shared>>
    %dma_wait3A_209 = arith.constant 0 : i32
    %dma_wait3A_210 = arith.constant 0 : i32
    %dma_wait3A_211 = tpu.memref_slice %arg9[%dma_wait3A_209, %dma_wait3A_210] : memref<10000x128xbf16, #tpu.memory_space<vmem_shared>> -> memref<25x128xbf16, #tpu.memory_space<vmem_shared>>
    %dma_wait3A_212 = arith.constant 0 : i32
    %dma_wait3A_213 = arith.constant 0 : i32
    %dma_wait3A_214 = tpu.memref_slice %arg8[%dma_wait3A_201, %dma_wait3A_212, %dma_wait3A_213] : memref<9x100x128xbf16, #tpu.memory_space<vmem>> -> memref<1x25x128xbf16, #tpu.memory_space<vmem>>
    %dma_wait3A_215 = tpu.memref_squeeze %dma_wait3A_214 : memref<1x25x128xbf16, #tpu.memory_space<vmem>> -> memref<25x128xbf16, #tpu.memory_space<vmem>>
    tpu.wait_dma2 semaphore(%arg11 : memref<!tpu.dma_semaphore, #tpu.memory_space<semaphore_mem>>) src(%dma_wait3A_215 : memref<25x128xbf16, #tpu.memory_space<vmem>>) dst(%dma_wait3A_211 : memref<25x128xbf16, #tpu.memory_space<vmem_shared>>)
    %barrier3A = arith.constant 0 : index
    tpu.barrier barrier_id(%barrier3A)
    %dma_start3A_216 = arith.constant 0 : i32
    %dma_start3A_217 = arith.constant 0 : i32
    %dma_start3A_218 = arith.constant 0 : i32
    %dma_start3A_219 = tpu.memref_slice %arg6[%dma_start3A_217, %dma_start3A_218] : memref<9x100xi32, #tpu.memory_space<vmem>> -> memref<1x100xi32, #tpu.memory_space<vmem>>
    %dma_start3A_220 = tpu.memref_squeeze %dma_start3A_219 : memref<1x100xi32, #tpu.memory_space<vmem>> -> memref<100xi32, #tpu.memory_space<vmem>>
    %dma_start3A_221 = arith.constant 0 : i32
    %dma_start3A_222 = tpu.memref_slice %arg3[%add3A, %dma_start3A_216, %dma_start3A_221] : memref<32x100x100xi32, #tpu.memory_space<hbm>> -> memref<1x1x100xi32, #tpu.memory_space<hbm>>
    %dma_start3A_223 = tpu.memref_squeeze %dma_start3A_222 : memref<1x1x100xi32, #tpu.memory_space<hbm>> -> memref<100xi32, #tpu.memory_space<hbm>>
    %dma_start3A_224 = arith.constant 0 : i32
    %dma_start3A_225 = tpu.memref_slice %arg6[%dma_start3A_217, %dma_start3A_224] : memref<9x100xi32, #tpu.memory_space<vmem>> -> memref<1x100xi32, #tpu.memory_space<vmem>>
    %dma_start3A_226 = tpu.memref_squeeze %dma_start3A_225 : memref<1x100xi32, #tpu.memory_space<vmem>> -> memref<100xi32, #tpu.memory_space<vmem>>
    %dma_start3A_227 = arith.constant 0 : i32
    %dma_start3A_228 = tpu.memref_slice %arg3[%add3A, %dma_start3A_216, %dma_start3A_227] : memref<32x100x100xi32, #tpu.memory_space<hbm>> -> memref<1x1x100xi32, #tpu.memory_space<hbm>>
    %dma_start3A_229 = tpu.memref_squeeze %dma_start3A_228 : memref<1x1x100xi32, #tpu.memory_space<hbm>> -> memref<100xi32, #tpu.memory_space<hbm>>
    tpu.enqueue_dma source(%dma_start3A_229 : memref<100xi32, #tpu.memory_space<hbm>>) target(%dma_start3A_226 : memref<100xi32, #tpu.memory_space<vmem>>) target_semaphore(%arg12 : memref<!tpu.dma_semaphore, #tpu.memory_space<semaphore_mem>>)
    %dma_start3A_230 = arith.constant 0 : i32
    %dma_start3A_231 = arith.constant 0 : i32
    %dma_start3A_232 = arith.constant 0 : i32
    %dma_start3A_233 = tpu.memref_slice %arg7[%dma_start3A_231, %dma_start3A_232] : memref<9x100xi32, #tpu.memory_space<vmem>> -> memref<1x100xi32, #tpu.memory_space<vmem>>
    %dma_start3A_234 = tpu.memref_squeeze %dma_start3A_233 : memref<1x100xi32, #tpu.memory_space<vmem>> -> memref<100xi32, #tpu.memory_space<vmem>>
    %dma_start3A_235 = arith.constant 0 : i32
    %dma_start3A_236 = tpu.memref_slice %arg4[%add3A, %dma_start3A_230, %dma_start3A_235] : memref<32x100x100xi32, #tpu.memory_space<hbm>> -> memref<1x1x100xi32, #tpu.memory_space<hbm>>
    %dma_start3A_237 = tpu.memref_squeeze %dma_start3A_236 : memref<1x1x100xi32, #tpu.memory_space<hbm>> -> memref<100xi32, #tpu.memory_space<hbm>>
    %dma_start3A_238 = arith.constant 0 : i32
    %dma_start3A_239 = tpu.memref_slice %arg7[%dma_start3A_231, %dma_start3A_238] : memref<9x100xi32, #tpu.memory_space<vmem>> -> memref<1x100xi32, #tpu.memory_space<vmem>>
    %dma_start3A_240 = tpu.memref_squeeze %dma_start3A_239 : memref<1x100xi32, #tpu.memory_space<vmem>> -> memref<100xi32, #tpu.memory_space<vmem>>
    %dma_start3A_241 = arith.constant 0 : i32
    %dma_start3A_242 = tpu.memref_slice %arg4[%add3A, %dma_start3A_230, %dma_start3A_241] : memref<32x100x100xi32, #tpu.memory_space<hbm>> -> memref<1x1x100xi32, #tpu.memory_space<hbm>>
    %dma_start3A_243 = tpu.memref_squeeze %dma_start3A_242 : memref<1x1x100xi32, #tpu.memory_space<hbm>> -> memref<100xi32, #tpu.memory_space<hbm>>
    tpu.enqueue_dma source(%dma_start3A_243 : memref<100xi32, #tpu.memory_space<hbm>>) target(%dma_start3A_240 : memref<100xi32, #tpu.memory_space<vmem>>) target_semaphore(%arg12 : memref<!tpu.dma_semaphore, #tpu.memory_space<semaphore_mem>>)
    %dma_start3A_244 = arith.constant 1 : i32
    %dma_start3A_245 = arith.constant 1 : i32
    %dma_start3A_246 = arith.constant 0 : i32
    %dma_start3A_247 = tpu.memref_slice %arg6[%dma_start3A_245, %dma_start3A_246] : memref<9x100xi32, #tpu.memory_space<vmem>> -> memref<1x100xi32, #tpu.memory_space<vmem>>
    %dma_start3A_248 = tpu.memref_squeeze %dma_start3A_247 : memref<1x100xi32, #tpu.memory_space<vmem>> -> memref<100xi32, #tpu.memory_space<vmem>>
    %dma_start3A_249 = arith.constant 0 : i32
    %dma_start3A_250 = tpu.memref_slice %arg3[%add3A, %dma_start3A_244, %dma_start3A_249] : memref<32x100x100xi32, #tpu.memory_space<hbm>> -> memref<1x1x100xi32, #tpu.memory_space<hbm>>
    %dma_start3A_251 = tpu.memref_squeeze %dma_start3A_250 : memref<1x1x100xi32, #tpu.memory_space<hbm>> -> memref<100xi32, #tpu.memory_space<hbm>>
    %dma_start3A_252 = arith.constant 0 : i32
    %dma_start3A_253 = tpu.memref_slice %arg6[%dma_start3A_245, %dma_start3A_252] : memref<9x100xi32, #tpu.memory_space<vmem>> -> memref<1x100xi32, #tpu.memory_space<vmem>>
    %dma_start3A_254 = tpu.memref_squeeze %dma_start3A_253 : memref<1x100xi32, #tpu.memory_space<vmem>> -> memref<100xi32, #tpu.memory_space<vmem>>
    %dma_start3A_255 = arith.constant 0 : i32
    %dma_start3A_256 = tpu.memref_slice %arg3[%add3A, %dma_start3A_244, %dma_start3A_255] : memref<32x100x100xi32, #tpu.memory_space<hbm>> -> memref<1x1x100xi32, #tpu.memory_space<hbm>>
    %dma_start3A_257 = tpu.memref_squeeze %dma_start3A_256 : memref<1x1x100xi32, #tpu.memory_space<hbm>> -> memref<100xi32, #tpu.memory_space<hbm>>
    tpu.enqueue_dma source(%dma_start3A_257 : memref<100xi32, #tpu.memory_space<hbm>>) target(%dma_start3A_254 : memref<100xi32, #tpu.memory_space<vmem>>) target_semaphore(%arg12 : memref<!tpu.dma_semaphore, #tpu.memory_space<semaphore_mem>>)
    %dma_start3A_258 = arith.constant 1 : i32
    %dma_start3A_259 = arith.constant 1 : i32
    %dma_start3A_260 = arith.constant 0 : i32
    %dma_start3A_261 = tpu.memref_slice %arg7[%dma_start3A_259, %dma_start3A_260] : memref<9x100xi32, #tpu.memory_space<vmem>> -> memref<1x100xi32, #tpu.memory_space<vmem>>
    %dma_start3A_262 = tpu.memref_squeeze %dma_start3A_261 : memref<1x100xi32, #tpu.memory_space<vmem>> -> memref<100xi32, #tpu.memory_space<vmem>>
    %dma_start3A_263 = arith.constant 0 : i32
    %dma_start3A_264 = tpu.memref_slice %arg4[%add3A, %dma_start3A_258, %dma_start3A_263] : memref<32x100x100xi32, #tpu.memory_space<hbm>> -> memref<1x1x100xi32, #tpu.memory_space<hbm>>
    %dma_start3A_265 = tpu.memref_squeeze %dma_start3A_264 : memref<1x1x100xi32, #tpu.memory_space<hbm>> -> memref<100xi32, #tpu.memory_space<hbm>>
    %dma_start3A_266 = arith.constant 0 : i32
    %dma_start3A_267 = tpu.memref_slice %arg7[%dma_start3A_259, %dma_start3A_266] : memref<9x100xi32, #tpu.memory_space<vmem>> -> memref<1x100xi32, #tpu.memory_space<vmem>>
    %dma_start3A_268 = tpu.memref_squeeze %dma_start3A_267 : memref<1x100xi32, #tpu.memory_space<vmem>> -> memref<100xi32, #tpu.memory_space<vmem>>
    %dma_start3A_269 = arith.constant 0 : i32
    %dma_start3A_270 = tpu.memref_slice %arg4[%add3A, %dma_start3A_258, %dma_start3A_269] : memref<32x100x100xi32, #tpu.memory_space<hbm>> -> memref<1x1x100xi32, #tpu.memory_space<hbm>>
    %dma_start3A_271 = tpu.memref_squeeze %dma_start3A_270 : memref<1x1x100xi32, #tpu.memory_space<hbm>> -> memref<100xi32, #tpu.memory_space<hbm>>
    tpu.enqueue_dma source(%dma_start3A_271 : memref<100xi32, #tpu.memory_space<hbm>>) target(%dma_start3A_268 : memref<100xi32, #tpu.memory_space<vmem>>) target_semaphore(%arg12 : memref<!tpu.dma_semaphore, #tpu.memory_space<semaphore_mem>>)
    %dma_start3A_272 = arith.constant 2 : i32
    %dma_start3A_273 = arith.constant 2 : i32
    %dma_start3A_274 = arith.constant 0 : i32
    %dma_start3A_275 = tpu.memref_slice %arg6[%dma_start3A_273, %dma_start3A_274] : memref<9x100xi32, #tpu.memory_space<vmem>> -> memref<1x100xi32, #tpu.memory_space<vmem>>
    %dma_start3A_276 = tpu.memref_squeeze %dma_start3A_275 : memref<1x100xi32, #tpu.memory_space<vmem>> -> memref<100xi32, #tpu.memory_space<vmem>>
    %dma_start3A_277 = arith.constant 0 : i32
    %dma_start3A_278 = tpu.memref_slice %arg3[%add3A, %dma_start3A_272, %dma_start3A_277] : memref<32x100x100xi32, #tpu.memory_space<hbm>> -> memref<1x1x100xi32, #tpu.memory_space<hbm>>
    %dma_start3A_279 = tpu.memref_squeeze %dma_start3A_278 : memref<1x1x100xi32, #tpu.memory_space<hbm>> -> memref<100xi32, #tpu.memory_space<hbm>>
    %dma_start3A_280 = arith.constant 0 : i32
    %dma_start3A_281 = tpu.memref_slice %arg6[%dma_start3A_273, %dma_start3A_280] : memref<9x100xi32, #tpu.memory_space<vmem>> -> memref<1x100xi32, #tpu.memory_space<vmem>>
    %dma_start3A_282 = tpu.memref_squeeze %dma_start3A_281 : memref<1x100xi32, #tpu.memory_space<vmem>> -> memref<100xi32, #tpu.memory_space<vmem>>
    %dma_start3A_283 = arith.constant 0 : i32
    %dma_start3A_284 = tpu.memref_slice %arg3[%add3A, %dma_start3A_272, %dma_start3A_283] : memref<32x100x100xi32, #tpu.memory_space<hbm>> -> memref<1x1x100xi32, #tpu.memory_space<hbm>>
    %dma_start3A_285 = tpu.memref_squeeze %dma_start3A_284 : memref<1x1x100xi32, #tpu.memory_space<hbm>> -> memref<100xi32, #tpu.memory_space<hbm>>
    tpu.enqueue_dma source(%dma_start3A_285 : memref<100xi32, #tpu.memory_space<hbm>>) target(%dma_start3A_282 : memref<100xi32, #tpu.memory_space<vmem>>) target_semaphore(%arg12 : memref<!tpu.dma_semaphore, #tpu.memory_space<semaphore_mem>>)
    %dma_start3A_286 = arith.constant 2 : i32
    %dma_start3A_287 = arith.constant 2 : i32
    %dma_start3A_288 = arith.constant 0 : i32
    %dma_start3A_289 = tpu.memref_slice %arg7[%dma_start3A_287, %dma_start3A_288] : memref<9x100xi32, #tpu.memory_space<vmem>> -> memref<1x100xi32, #tpu.memory_space<vmem>>
    %dma_start3A_290 = tpu.memref_squeeze %dma_start3A_289 : memref<1x100xi32, #tpu.memory_space<vmem>> -> memref<100xi32, #tpu.memory_space<vmem>>
    %dma_start3A_291 = arith.constant 0 : i32
    %dma_start3A_292 = tpu.memref_slice %arg4[%add3A, %dma_start3A_286, %dma_start3A_291] : memref<32x100x100xi32, #tpu.memory_space<hbm>> -> memref<1x1x100xi32, #tpu.memory_space<hbm>>
    %dma_start3A_293 = tpu.memref_squeeze %dma_start3A_292 : memref<1x1x100xi32, #tpu.memory_space<hbm>> -> memref<100xi32, #tpu.memory_space<hbm>>
    %dma_start3A_294 = arith.constant 0 : i32
    %dma_start3A_295 = tpu.memref_slice %arg7[%dma_start3A_287, %dma_start3A_294] : memref<9x100xi32, #tpu.memory_space<vmem>> -> memref<1x100xi32, #tpu.memory_space<vmem>>
    %dma_start3A_296 = tpu.memref_squeeze %dma_start3A_295 : memref<1x100xi32, #tpu.memory_space<vmem>> -> memref<100xi32, #tpu.memory_space<vmem>>
    %dma_start3A_297 = arith.constant 0 : i32
    %dma_start3A_298 = tpu.memref_slice %arg4[%add3A, %dma_start3A_286, %dma_start3A_297] : memref<32x100x100xi32, #tpu.memory_space<hbm>> -> memref<1x1x100xi32, #tpu.memory_space<hbm>>
    %dma_start3A_299 = tpu.memref_squeeze %dma_start3A_298 : memref<1x1x100xi32, #tpu.memory_space<hbm>> -> memref<100xi32, #tpu.memory_space<hbm>>
    tpu.enqueue_dma source(%dma_start3A_299 : memref<100xi32, #tpu.memory_space<hbm>>) target(%dma_start3A_296 : memref<100xi32, #tpu.memory_space<vmem>>) target_semaphore(%arg12 : memref<!tpu.dma_semaphore, #tpu.memory_space<semaphore_mem>>)
    %dma_wait3A_300 = arith.constant 0 : i32
    %dma_wait3A_301 = arith.constant 0 : i32
    %dma_wait3A_302 = arith.constant 0 : i32
    %dma_wait3A_303 = tpu.memref_slice %arg6[%dma_wait3A_301, %dma_wait3A_302] : memref<9x100xi32, #tpu.memory_space<vmem>> -> memref<1x100xi32, #tpu.memory_space<vmem>>
    %dma_wait3A_304 = tpu.memref_squeeze %dma_wait3A_303 : memref<1x100xi32, #tpu.memory_space<vmem>> -> memref<100xi32, #tpu.memory_space<vmem>>
    %dma_wait3A_305 = arith.constant 0 : i32
    %dma_wait3A_306 = tpu.memref_slice %arg3[%add3A, %dma_wait3A_300, %dma_wait3A_305] : memref<32x100x100xi32, #tpu.memory_space<hbm>> -> memref<1x1x100xi32, #tpu.memory_space<hbm>>
    %dma_wait3A_307 = tpu.memref_squeeze %dma_wait3A_306 : memref<1x1x100xi32, #tpu.memory_space<hbm>> -> memref<100xi32, #tpu.memory_space<hbm>>
    %dma_wait3A_308 = arith.constant 0 : i32
    %dma_wait3A_309 = tpu.memref_slice %arg6[%dma_wait3A_301, %dma_wait3A_308] : memref<9x100xi32, #tpu.memory_space<vmem>> -> memref<1x100xi32, #tpu.memory_space<vmem>>
    %dma_wait3A_310 = tpu.memref_squeeze %dma_wait3A_309 : memref<1x100xi32, #tpu.memory_space<vmem>> -> memref<100xi32, #tpu.memory_space<vmem>>
    %dma_wait3A_311 = arith.constant 0 : i32
    %dma_wait3A_312 = tpu.memref_slice %arg3[%add3A, %dma_wait3A_300, %dma_wait3A_311] : memref<32x100x100xi32, #tpu.memory_space<hbm>> -> memref<1x1x100xi32, #tpu.memory_space<hbm>>
    %dma_wait3A_313 = tpu.memref_squeeze %dma_wait3A_312 : memref<1x1x100xi32, #tpu.memory_space<hbm>> -> memref<100xi32, #tpu.memory_space<hbm>>
    tpu.wait_dma2 semaphore(%arg12 : memref<!tpu.dma_semaphore, #tpu.memory_space<semaphore_mem>>) src(%dma_wait3A_313 : memref<100xi32, #tpu.memory_space<hbm>>) dst(%dma_wait3A_310 : memref<100xi32, #tpu.memory_space<vmem>>)
    %dma_wait3A_314 = arith.constant 0 : i32
    %dma_wait3A_315 = arith.constant 0 : i32
    %dma_wait3A_316 = arith.constant 0 : i32
    %dma_wait3A_317 = tpu.memref_slice %arg7[%dma_wait3A_315, %dma_wait3A_316] : memref<9x100xi32, #tpu.memory_space<vmem>> -> memref<1x100xi32, #tpu.memory_space<vmem>>
    %dma_wait3A_318 = tpu.memref_squeeze %dma_wait3A_317 : memref<1x100xi32, #tpu.memory_space<vmem>> -> memref<100xi32, #tpu.memory_space<vmem>>
    %dma_wait3A_319 = arith.constant 0 : i32
    %dma_wait3A_320 = tpu.memref_slice %arg4[%add3A, %dma_wait3A_314, %dma_wait3A_319] : memref<32x100x100xi32, #tpu.memory_space<hbm>> -> memref<1x1x100xi32, #tpu.memory_space<hbm>>
    %dma_wait3A_321 = tpu.memref_squeeze %dma_wait3A_320 : memref<1x1x100xi32, #tpu.memory_space<hbm>> -> memref<100xi32, #tpu.memory_space<hbm>>
    %dma_wait3A_322 = arith.constant 0 : i32
    %dma_wait3A_323 = tpu.memref_slice %arg7[%dma_wait3A_315, %dma_wait3A_322] : memref<9x100xi32, #tpu.memory_space<vmem>> -> memref<1x100xi32, #tpu.memory_space<vmem>>
    %dma_wait3A_324 = tpu.memref_squeeze %dma_wait3A_323 : memref<1x100xi32, #tpu.memory_space<vmem>> -> memref<100xi32, #tpu.memory_space<vmem>>
    %dma_wait3A_325 = arith.constant 0 : i32
    %dma_wait3A_326 = tpu.memref_slice %arg4[%add3A, %dma_wait3A_314, %dma_wait3A_325] : memref<32x100x100xi32, #tpu.memory_space<hbm>> -> memref<1x1x100xi32, #tpu.memory_space<hbm>>
    %dma_wait3A_327 = tpu.memref_squeeze %dma_wait3A_326 : memref<1x1x100xi32, #tpu.memory_space<hbm>> -> memref<100xi32, #tpu.memory_space<hbm>>
    tpu.wait_dma2 semaphore(%arg12 : memref<!tpu.dma_semaphore, #tpu.memory_space<semaphore_mem>>) src(%dma_wait3A_327 : memref<100xi32, #tpu.memory_space<hbm>>) dst(%dma_wait3A_324 : memref<100xi32, #tpu.memory_space<vmem>>)
    %dma_start3A_328 = arith.constant 0 : i32
    %dma_start3A_329 = arith.constant 0 : i32
    %dma_start3A_330 = arith.constant 0 : i32
    %dma_start3A_331 = arith.constant 0 : i32
    %dma_start3A_332 = tpu.memref_slice %arg8[%dma_start3A_329, %dma_start3A_330, %dma_start3A_331] : memref<9x100x128xbf16, #tpu.memory_space<vmem>> -> memref<1x100x128xbf16, #tpu.memory_space<vmem>>
    %dma_start3A_333 = tpu.memref_squeeze %dma_start3A_332 : memref<1x100x128xbf16, #tpu.memory_space<vmem>> -> memref<100x128xbf16, #tpu.memory_space<vmem>>
    %dma_start3A_334 = arith.constant 0 : i32
    %dma_start3A_335 = tpu.memref_slice %arg6[%dma_start3A_328, %dma_start3A_334] : memref<9x100xi32, #tpu.memory_space<vmem>> -> memref<1x100xi32, #tpu.memory_space<vmem>>
    %dma_start3A_336 = tpu.memref_squeeze %dma_start3A_335 : memref<1x100xi32, #tpu.memory_space<vmem>> -> memref<100xi32, #tpu.memory_space<vmem>>
    %dma_start3A_337 = arith.constant 0 : i32
    %dma_start3A_338 = arith.constant 0 : i32
    %dma_start3A_339 = tpu.memref_slice %arg2[%dma_start3A_337, %dma_start3A_338] : memref<10000x128xbf16, #tpu.memory_space<hbm>> -> memref<10000x128xbf16, #tpu.memory_space<hbm>>
    tpu.enqueue_indirect_dma source(%dma_start3A_339 : memref<10000x128xbf16, #tpu.memory_space<hbm>>) target(%dma_start3A_333 : memref<100x128xbf16, #tpu.memory_space<vmem>>) offsets(%dma_start3A_336 : memref<100xi32, #tpu.memory_space<vmem>>) semaphore(%arg10 : memref<!tpu.dma_semaphore, #tpu.memory_space<semaphore_mem>>)
    %dma_wait3A_340 = arith.constant 0 : i32
    %dma_wait3A_341 = arith.constant 1 : i32
    %dma_wait3A_342 = arith.constant 0 : i32
    %dma_wait3A_343 = tpu.memref_slice %arg6[%dma_wait3A_341, %dma_wait3A_342] : memref<9x100xi32, #tpu.memory_space<vmem>> -> memref<1x100xi32, #tpu.memory_space<vmem>>
    %dma_wait3A_344 = tpu.memref_squeeze %dma_wait3A_343 : memref<1x100xi32, #tpu.memory_space<vmem>> -> memref<100xi32, #tpu.memory_space<vmem>>
    %dma_wait3A_345 = arith.constant 0 : i32
    %dma_wait3A_346 = tpu.memref_slice %arg3[%add3A, %dma_wait3A_340, %dma_wait3A_345] : memref<32x100x100xi32, #tpu.memory_space<hbm>> -> memref<1x1x100xi32, #tpu.memory_space<hbm>>
    %dma_wait3A_347 = tpu.memref_squeeze %dma_wait3A_346 : memref<1x1x100xi32, #tpu.memory_space<hbm>> -> memref<100xi32, #tpu.memory_space<hbm>>
    %dma_wait3A_348 = arith.constant 0 : i32
    %dma_wait3A_349 = tpu.memref_slice %arg6[%dma_wait3A_341, %dma_wait3A_348] : memref<9x100xi32, #tpu.memory_space<vmem>> -> memref<1x100xi32, #tpu.memory_space<vmem>>
    %dma_wait3A_350 = tpu.memref_squeeze %dma_wait3A_349 : memref<1x100xi32, #tpu.memory_space<vmem>> -> memref<100xi32, #tpu.memory_space<vmem>>
    %dma_wait3A_351 = arith.constant 0 : i32
    %dma_wait3A_352 = tpu.memref_slice %arg3[%add3A, %dma_wait3A_340, %dma_wait3A_351] : memref<32x100x100xi32, #tpu.memory_space<hbm>> -> memref<1x1x100xi32, #tpu.memory_space<hbm>>
    %dma_wait3A_353 = tpu.memref_squeeze %dma_wait3A_352 : memref<1x1x100xi32, #tpu.memory_space<hbm>> -> memref<100xi32, #tpu.memory_space<hbm>>
    tpu.wait_dma2 semaphore(%arg12 : memref<!tpu.dma_semaphore, #tpu.memory_space<semaphore_mem>>) src(%dma_wait3A_353 : memref<100xi32, #tpu.memory_space<hbm>>) dst(%dma_wait3A_350 : memref<100xi32, #tpu.memory_space<vmem>>)
    %dma_wait3A_354 = arith.constant 0 : i32
    %dma_wait3A_355 = arith.constant 1 : i32
    %dma_wait3A_356 = arith.constant 0 : i32
    %dma_wait3A_357 = tpu.memref_slice %arg7[%dma_wait3A_355, %dma_wait3A_356] : memref<9x100xi32, #tpu.memory_space<vmem>> -> memref<1x100xi32, #tpu.memory_space<vmem>>
    %dma_wait3A_358 = tpu.memref_squeeze %dma_wait3A_357 : memref<1x100xi32, #tpu.memory_space<vmem>> -> memref<100xi32, #tpu.memory_space<vmem>>
    %dma_wait3A_359 = arith.constant 0 : i32
    %dma_wait3A_360 = tpu.memref_slice %arg4[%add3A, %dma_wait3A_354, %dma_wait3A_359] : memref<32x100x100xi32, #tpu.memory_space<hbm>> -> memref<1x1x100xi32, #tpu.memory_space<hbm>>
    %dma_wait3A_361 = tpu.memref_squeeze %dma_wait3A_360 : memref<1x1x100xi32, #tpu.memory_space<hbm>> -> memref<100xi32, #tpu.memory_space<hbm>>
    %dma_wait3A_362 = arith.constant 0 : i32
    %dma_wait3A_363 = tpu.memref_slice %arg7[%dma_wait3A_355, %dma_wait3A_362] : memref<9x100xi32, #tpu.memory_space<vmem>> -> memref<1x100xi32, #tpu.memory_space<vmem>>
    %dma_wait3A_364 = tpu.memref_squeeze %dma_wait3A_363 : memref<1x100xi32, #tpu.memory_space<vmem>> -> memref<100xi32, #tpu.memory_space<vmem>>
    %dma_wait3A_365 = arith.constant 0 : i32
    %dma_wait3A_366 = tpu.memref_slice %arg4[%add3A, %dma_wait3A_354, %dma_wait3A_365] : memref<32x100x100xi32, #tpu.memory_space<hbm>> -> memref<1x1x100xi32, #tpu.memory_space<hbm>>
    %dma_wait3A_367 = tpu.memref_squeeze %dma_wait3A_366 : memref<1x1x100xi32, #tpu.memory_space<hbm>> -> memref<100xi32, #tpu.memory_space<hbm>>
    tpu.wait_dma2 semaphore(%arg12 : memref<!tpu.dma_semaphore, #tpu.memory_space<semaphore_mem>>) src(%dma_wait3A_367 : memref<100xi32, #tpu.memory_space<hbm>>) dst(%dma_wait3A_364 : memref<100xi32, #tpu.memory_space<vmem>>)
    %dma_start3A_368 = arith.constant 1 : i32
    %dma_start3A_369 = arith.constant 1 : i32
    %dma_start3A_370 = arith.constant 0 : i32
    %dma_start3A_371 = arith.constant 0 : i32
    %dma_start3A_372 = tpu.memref_slice %arg8[%dma_start3A_369, %dma_start3A_370, %dma_start3A_371] : memref<9x100x128xbf16, #tpu.memory_space<vmem>> -> memref<1x100x128xbf16, #tpu.memory_space<vmem>>
    %dma_start3A_373 = tpu.memref_squeeze %dma_start3A_372 : memref<1x100x128xbf16, #tpu.memory_space<vmem>> -> memref<100x128xbf16, #tpu.memory_space<vmem>>
    %dma_start3A_374 = arith.constant 0 : i32
    %dma_start3A_375 = tpu.memref_slice %arg6[%dma_start3A_368, %dma_start3A_374] : memref<9x100xi32, #tpu.memory_space<vmem>> -> memref<1x100xi32, #tpu.memory_space<vmem>>
    %dma_start3A_376 = tpu.memref_squeeze %dma_start3A_375 : memref<1x100xi32, #tpu.memory_space<vmem>> -> memref<100xi32, #tpu.memory_space<vmem>>
    %dma_start3A_377 = arith.constant 0 : i32
    %dma_start3A_378 = arith.constant 0 : i32
    %dma_start3A_379 = tpu.memref_slice %arg2[%dma_start3A_377, %dma_start3A_378] : memref<10000x128xbf16, #tpu.memory_space<hbm>> -> memref<10000x128xbf16, #tpu.memory_space<hbm>>
    tpu.enqueue_indirect_dma source(%dma_start3A_379 : memref<10000x128xbf16, #tpu.memory_space<hbm>>) target(%dma_start3A_373 : memref<100x128xbf16, #tpu.memory_space<vmem>>) offsets(%dma_start3A_376 : memref<100xi32, #tpu.memory_space<vmem>>) semaphore(%arg10 : memref<!tpu.dma_semaphore, #tpu.memory_space<semaphore_mem>>)
    %dma_wait3A_380 = arith.constant 0 : i32
    %dma_wait3A_381 = arith.constant 2 : i32
    %dma_wait3A_382 = arith.constant 0 : i32
    %dma_wait3A_383 = tpu.memref_slice %arg6[%dma_wait3A_381, %dma_wait3A_382] : memref<9x100xi32, #tpu.memory_space<vmem>> -> memref<1x100xi32, #tpu.memory_space<vmem>>
    %dma_wait3A_384 = tpu.memref_squeeze %dma_wait3A_383 : memref<1x100xi32, #tpu.memory_space<vmem>> -> memref<100xi32, #tpu.memory_space<vmem>>
    %dma_wait3A_385 = arith.constant 0 : i32
    %dma_wait3A_386 = tpu.memref_slice %arg3[%add3A, %dma_wait3A_380, %dma_wait3A_385] : memref<32x100x100xi32, #tpu.memory_space<hbm>> -> memref<1x1x100xi32, #tpu.memory_space<hbm>>
    %dma_wait3A_387 = tpu.memref_squeeze %dma_wait3A_386 : memref<1x1x100xi32, #tpu.memory_space<hbm>> -> memref<100xi32, #tpu.memory_space<hbm>>
    %dma_wait3A_388 = arith.constant 0 : i32
    %dma_wait3A_389 = tpu.memref_slice %arg6[%dma_wait3A_381, %dma_wait3A_388] : memref<9x100xi32, #tpu.memory_space<vmem>> -> memref<1x100xi32, #tpu.memory_space<vmem>>
    %dma_wait3A_390 = tpu.memref_squeeze %dma_wait3A_389 : memref<1x100xi32, #tpu.memory_space<vmem>> -> memref<100xi32, #tpu.memory_space<vmem>>
    %dma_wait3A_391 = arith.constant 0 : i32
    %dma_wait3A_392 = tpu.memref_slice %arg3[%add3A, %dma_wait3A_380, %dma_wait3A_391] : memref<32x100x100xi32, #tpu.memory_space<hbm>> -> memref<1x1x100xi32, #tpu.memory_space<hbm>>
    %dma_wait3A_393 = tpu.memref_squeeze %dma_wait3A_392 : memref<1x1x100xi32, #tpu.memory_space<hbm>> -> memref<100xi32, #tpu.memory_space<hbm>>
    tpu.wait_dma2 semaphore(%arg12 : memref<!tpu.dma_semaphore, #tpu.memory_space<semaphore_mem>>) src(%dma_wait3A_393 : memref<100xi32, #tpu.memory_space<hbm>>) dst(%dma_wait3A_390 : memref<100xi32, #tpu.memory_space<vmem>>)
    %dma_wait3A_394 = arith.constant 0 : i32
    %dma_wait3A_395 = arith.constant 2 : i32
    %dma_wait3A_396 = arith.constant 0 : i32
    %dma_wait3A_397 = tpu.memref_slice %arg7[%dma_wait3A_395, %dma_wait3A_396] : memref<9x100xi32, #tpu.memory_space<vmem>> -> memref<1x100xi32, #tpu.memory_space<vmem>>
    %dma_wait3A_398 = tpu.memref_squeeze %dma_wait3A_397 : memref<1x100xi32, #tpu.memory_space<vmem>> -> memref<100xi32, #tpu.memory_space<vmem>>
    %dma_wait3A_399 = arith.constant 0 : i32
    %dma_wait3A_400 = tpu.memref_slice %arg4[%add3A, %dma_wait3A_394, %dma_wait3A_399] : memref<32x100x100xi32, #tpu.memory_space<hbm>> -> memref<1x1x100xi32, #tpu.memory_space<hbm>>
    %dma_wait3A_401 = tpu.memref_squeeze %dma_wait3A_400 : memref<1x1x100xi32, #tpu.memory_space<hbm>> -> memref<100xi32, #tpu.memory_space<hbm>>
    %dma_wait3A_402 = arith.constant 0 : i32
    %dma_wait3A_403 = tpu.memref_slice %arg7[%dma_wait3A_395, %dma_wait3A_402] : memref<9x100xi32, #tpu.memory_space<vmem>> -> memref<1x100xi32, #tpu.memory_space<vmem>>
    %dma_wait3A_404 = tpu.memref_squeeze %dma_wait3A_403 : memref<1x100xi32, #tpu.memory_space<vmem>> -> memref<100xi32, #tpu.memory_space<vmem>>
    %dma_wait3A_405 = arith.constant 0 : i32
    %dma_wait3A_406 = tpu.memref_slice %arg4[%add3A, %dma_wait3A_394, %dma_wait3A_405] : memref<32x100x100xi32, #tpu.memory_space<hbm>> -> memref<1x1x100xi32, #tpu.memory_space<hbm>>
    %dma_wait3A_407 = tpu.memref_squeeze %dma_wait3A_406 : memref<1x1x100xi32, #tpu.memory_space<hbm>> -> memref<100xi32, #tpu.memory_space<hbm>>
    tpu.wait_dma2 semaphore(%arg12 : memref<!tpu.dma_semaphore, #tpu.memory_space<semaphore_mem>>) src(%dma_wait3A_407 : memref<100xi32, #tpu.memory_space<hbm>>) dst(%dma_wait3A_404 : memref<100xi32, #tpu.memory_space<vmem>>)
    %dma_start3A_408 = arith.constant 2 : i32
    %dma_start3A_409 = arith.constant 2 : i32
    %dma_start3A_410 = arith.constant 0 : i32
    %dma_start3A_411 = arith.constant 0 : i32
    %dma_start3A_412 = tpu.memref_slice %arg8[%dma_start3A_409, %dma_start3A_410, %dma_start3A_411] : memref<9x100x128xbf16, #tpu.memory_space<vmem>> -> memref<1x100x128xbf16, #tpu.memory_space<vmem>>
    %dma_start3A_413 = tpu.memref_squeeze %dma_start3A_412 : memref<1x100x128xbf16, #tpu.memory_space<vmem>> -> memref<100x128xbf16, #tpu.memory_space<vmem>>
    %dma_start3A_414 = arith.constant 0 : i32
    %dma_start3A_415 = tpu.memref_slice %arg6[%dma_start3A_408, %dma_start3A_414] : memref<9x100xi32, #tpu.memory_space<vmem>> -> memref<1x100xi32, #tpu.memory_space<vmem>>
    %dma_start3A_416 = tpu.memref_squeeze %dma_start3A_415 : memref<1x100xi32, #tpu.memory_space<vmem>> -> memref<100xi32, #tpu.memory_space<vmem>>
    %dma_start3A_417 = arith.constant 0 : i32
    %dma_start3A_418 = arith.constant 0 : i32
    %dma_start3A_419 = tpu.memref_slice %arg2[%dma_start3A_417, %dma_start3A_418] : memref<10000x128xbf16, #tpu.memory_space<hbm>> -> memref<10000x128xbf16, #tpu.memory_space<hbm>>
    tpu.enqueue_indirect_dma source(%dma_start3A_419 : memref<10000x128xbf16, #tpu.memory_space<hbm>>) target(%dma_start3A_413 : memref<100x128xbf16, #tpu.memory_space<vmem>>) offsets(%dma_start3A_416 : memref<100xi32, #tpu.memory_space<vmem>>) semaphore(%arg10 : memref<!tpu.dma_semaphore, #tpu.memory_space<semaphore_mem>>)
    %dma_start3A_420 = arith.constant 3 : i32
    %dma_start3A_421 = arith.constant 3 : i32
    %dma_start3A_422 = arith.constant 0 : i32
    %dma_start3A_423 = tpu.memref_slice %arg6[%dma_start3A_421, %dma_start3A_422] : memref<9x100xi32, #tpu.memory_space<vmem>> -> memref<1x100xi32, #tpu.memory_space<vmem>>
    %dma_start3A_424 = tpu.memref_squeeze %dma_start3A_423 : memref<1x100xi32, #tpu.memory_space<vmem>> -> memref<100xi32, #tpu.memory_space<vmem>>
    %dma_start3A_425 = arith.constant 0 : i32
    %dma_start3A_426 = tpu.memref_slice %arg3[%add3A, %dma_start3A_420, %dma_start3A_425] : memref<32x100x100xi32, #tpu.memory_space<hbm>> -> memref<1x1x100xi32, #tpu.memory_space<hbm>>
    %dma_start3A_427 = tpu.memref_squeeze %dma_start3A_426 : memref<1x1x100xi32, #tpu.memory_space<hbm>> -> memref<100xi32, #tpu.memory_space<hbm>>
    %dma_start3A_428 = arith.constant 0 : i32
    %dma_start3A_429 = tpu.memref_slice %arg6[%dma_start3A_421, %dma_start3A_428] : memref<9x100xi32, #tpu.memory_space<vmem>> -> memref<1x100xi32, #tpu.memory_space<vmem>>
    %dma_start3A_430 = tpu.memref_squeeze %dma_start3A_429 : memref<1x100xi32, #tpu.memory_space<vmem>> -> memref<100xi32, #tpu.memory_space<vmem>>
    %dma_start3A_431 = arith.constant 0 : i32
    %dma_start3A_432 = tpu.memref_slice %arg3[%add3A, %dma_start3A_420, %dma_start3A_431] : memref<32x100x100xi32, #tpu.memory_space<hbm>> -> memref<1x1x100xi32, #tpu.memory_space<hbm>>
    %dma_start3A_433 = tpu.memref_squeeze %dma_start3A_432 : memref<1x1x100xi32, #tpu.memory_space<hbm>> -> memref<100xi32, #tpu.memory_space<hbm>>
    tpu.enqueue_dma source(%dma_start3A_433 : memref<100xi32, #tpu.memory_space<hbm>>) target(%dma_start3A_430 : memref<100xi32, #tpu.memory_space<vmem>>) target_semaphore(%arg12 : memref<!tpu.dma_semaphore, #tpu.memory_space<semaphore_mem>>)
    %dma_start3A_434 = arith.constant 3 : i32
    %dma_start3A_435 = arith.constant 3 : i32
    %dma_start3A_436 = arith.constant 0 : i32
    %dma_start3A_437 = tpu.memref_slice %arg7[%dma_start3A_435, %dma_start3A_436] : memref<9x100xi32, #tpu.memory_space<vmem>> -> memref<1x100xi32, #tpu.memory_space<vmem>>
    %dma_start3A_438 = tpu.memref_squeeze %dma_start3A_437 : memref<1x100xi32, #tpu.memory_space<vmem>> -> memref<100xi32, #tpu.memory_space<vmem>>
    %dma_start3A_439 = arith.constant 0 : i32
    %dma_start3A_440 = tpu.memref_slice %arg4[%add3A, %dma_start3A_434, %dma_start3A_439] : memref<32x100x100xi32, #tpu.memory_space<hbm>> -> memref<1x1x100xi32, #tpu.memory_space<hbm>>
    %dma_start3A_441 = tpu.memref_squeeze %dma_start3A_440 : memref<1x1x100xi32, #tpu.memory_space<hbm>> -> memref<100xi32, #tpu.memory_space<hbm>>
    %dma_start3A_442 = arith.constant 0 : i32
    %dma_start3A_443 = tpu.memref_slice %arg7[%dma_start3A_435, %dma_start3A_442] : memref<9x100xi32, #tpu.memory_space<vmem>> -> memref<1x100xi32, #tpu.memory_space<vmem>>
    %dma_start3A_444 = tpu.memref_squeeze %dma_start3A_443 : memref<1x100xi32, #tpu.memory_space<vmem>> -> memref<100xi32, #tpu.memory_space<vmem>>
    %dma_start3A_445 = arith.constant 0 : i32
    %dma_start3A_446 = tpu.memref_slice %arg4[%add3A, %dma_start3A_434, %dma_start3A_445] : memref<32x100x100xi32, #tpu.memory_space<hbm>> -> memref<1x1x100xi32, #tpu.memory_space<hbm>>
    %dma_start3A_447 = tpu.memref_squeeze %dma_start3A_446 : memref<1x1x100xi32, #tpu.memory_space<hbm>> -> memref<100xi32, #tpu.memory_space<hbm>>
    tpu.enqueue_dma source(%dma_start3A_447 : memref<100xi32, #tpu.memory_space<hbm>>) target(%dma_start3A_444 : memref<100xi32, #tpu.memory_space<vmem>>) target_semaphore(%arg12 : memref<!tpu.dma_semaphore, #tpu.memory_space<semaphore_mem>>)
    %dma_start3A_448 = arith.constant 4 : i32
    %dma_start3A_449 = arith.constant 4 : i32
    %dma_start3A_450 = arith.constant 0 : i32
    %dma_start3A_451 = tpu.memref_slice %arg6[%dma_start3A_449, %dma_start3A_450] : memref<9x100xi32, #tpu.memory_space<vmem>> -> memref<1x100xi32, #tpu.memory_space<vmem>>
    %dma_start3A_452 = tpu.memref_squeeze %dma_start3A_451 : memref<1x100xi32, #tpu.memory_space<vmem>> -> memref<100xi32, #tpu.memory_space<vmem>>
    %dma_start3A_453 = arith.constant 0 : i32
    %dma_start3A_454 = tpu.memref_slice %arg3[%add3A, %dma_start3A_448, %dma_start3A_453] : memref<32x100x100xi32, #tpu.memory_space<hbm>> -> memref<1x1x100xi32, #tpu.memory_space<hbm>>
    %dma_start3A_455 = tpu.memref_squeeze %dma_start3A_454 : memref<1x1x100xi32, #tpu.memory_space<hbm>> -> memref<100xi32, #tpu.memory_space<hbm>>
    %dma_start3A_456 = arith.constant 0 : i32
    %dma_start3A_457 = tpu.memref_slice %arg6[%dma_start3A_449, %dma_start3A_456] : memref<9x100xi32, #tpu.memory_space<vmem>> -> memref<1x100xi32, #tpu.memory_space<vmem>>
    %dma_start3A_458 = tpu.memref_squeeze %dma_start3A_457 : memref<1x100xi32, #tpu.memory_space<vmem>> -> memref<100xi32, #tpu.memory_space<vmem>>
    %dma_start3A_459 = arith.constant 0 : i32
    %dma_start3A_460 = tpu.memref_slice %arg3[%add3A, %dma_start3A_448, %dma_start3A_459] : memref<32x100x100xi32, #tpu.memory_space<hbm>> -> memref<1x1x100xi32, #tpu.memory_space<hbm>>
    %dma_start3A_461 = tpu.memref_squeeze %dma_start3A_460 : memref<1x1x100xi32, #tpu.memory_space<hbm>> -> memref<100xi32, #tpu.memory_space<hbm>>
    tpu.enqueue_dma source(%dma_start3A_461 : memref<100xi32, #tpu.memory_space<hbm>>) target(%dma_start3A_458 : memref<100xi32, #tpu.memory_space<vmem>>) target_semaphore(%arg12 : memref<!tpu.dma_semaphore, #tpu.memory_space<semaphore_mem>>)
    %dma_start3A_462 = arith.constant 4 : i32
    %dma_start3A_463 = arith.constant 4 : i32
    %dma_start3A_464 = arith.constant 0 : i32
    %dma_start3A_465 = tpu.memref_slice %arg7[%dma_start3A_463, %dma_start3A_464] : memref<9x100xi32, #tpu.memory_space<vmem>> -> memref<1x100xi32, #tpu.memory_space<vmem>>
    %dma_start3A_466 = tpu.memref_squeeze %dma_start3A_465 : memref<1x100xi32, #tpu.memory_space<vmem>> -> memref<100xi32, #tpu.memory_space<vmem>>
    %dma_start3A_467 = arith.constant 0 : i32
    %dma_start3A_468 = tpu.memref_slice %arg4[%add3A, %dma_start3A_462, %dma_start3A_467] : memref<32x100x100xi32, #tpu.memory_space<hbm>> -> memref<1x1x100xi32, #tpu.memory_space<hbm>>
    %dma_start3A_469 = tpu.memref_squeeze %dma_start3A_468 : memref<1x1x100xi32, #tpu.memory_space<hbm>> -> memref<100xi32, #tpu.memory_space<hbm>>
    %dma_start3A_470 = arith.constant 0 : i32
    %dma_start3A_471 = tpu.memref_slice %arg7[%dma_start3A_463, %dma_start3A_470] : memref<9x100xi32, #tpu.memory_space<vmem>> -> memref<1x100xi32, #tpu.memory_space<vmem>>
    %dma_start3A_472 = tpu.memref_squeeze %dma_start3A_471 : memref<1x100xi32, #tpu.memory_space<vmem>> -> memref<100xi32, #tpu.memory_space<vmem>>
    %dma_start3A_473 = arith.constant 0 : i32
    %dma_start3A_474 = tpu.memref_slice %arg4[%add3A, %dma_start3A_462, %dma_start3A_473] : memref<32x100x100xi32, #tpu.memory_space<hbm>> -> memref<1x1x100xi32, #tpu.memory_space<hbm>>
    %dma_start3A_475 = tpu.memref_squeeze %dma_start3A_474 : memref<1x1x100xi32, #tpu.memory_space<hbm>> -> memref<100xi32, #tpu.memory_space<hbm>>
    tpu.enqueue_dma source(%dma_start3A_475 : memref<100xi32, #tpu.memory_space<hbm>>) target(%dma_start3A_472 : memref<100xi32, #tpu.memory_space<vmem>>) target_semaphore(%arg12 : memref<!tpu.dma_semaphore, #tpu.memory_space<semaphore_mem>>)
    %dma_start3A_476 = arith.constant 5 : i32
    %dma_start3A_477 = arith.constant 5 : i32
    %dma_start3A_478 = arith.constant 0 : i32
    %dma_start3A_479 = tpu.memref_slice %arg6[%dma_start3A_477, %dma_start3A_478] : memref<9x100xi32, #tpu.memory_space<vmem>> -> memref<1x100xi32, #tpu.memory_space<vmem>>
    %dma_start3A_480 = tpu.memref_squeeze %dma_start3A_479 : memref<1x100xi32, #tpu.memory_space<vmem>> -> memref<100xi32, #tpu.memory_space<vmem>>
    %dma_start3A_481 = arith.constant 0 : i32
    %dma_start3A_482 = tpu.memref_slice %arg3[%add3A, %dma_start3A_476, %dma_start3A_481] : memref<32x100x100xi32, #tpu.memory_space<hbm>> -> memref<1x1x100xi32, #tpu.memory_space<hbm>>
    %dma_start3A_483 = tpu.memref_squeeze %dma_start3A_482 : memref<1x1x100xi32, #tpu.memory_space<hbm>> -> memref<100xi32, #tpu.memory_space<hbm>>
    %dma_start3A_484 = arith.constant 0 : i32
    %dma_start3A_485 = tpu.memref_slice %arg6[%dma_start3A_477, %dma_start3A_484] : memref<9x100xi32, #tpu.memory_space<vmem>> -> memref<1x100xi32, #tpu.memory_space<vmem>>
    %dma_start3A_486 = tpu.memref_squeeze %dma_start3A_485 : memref<1x100xi32, #tpu.memory_space<vmem>> -> memref<100xi32, #tpu.memory_space<vmem>>
    %dma_start3A_487 = arith.constant 0 : i32
    %dma_start3A_488 = tpu.memref_slice %arg3[%add3A, %dma_start3A_476, %dma_start3A_487] : memref<32x100x100xi32, #tpu.memory_space<hbm>> -> memref<1x1x100xi32, #tpu.memory_space<hbm>>
    %dma_start3A_489 = tpu.memref_squeeze %dma_start3A_488 : memref<1x1x100xi32, #tpu.memory_space<hbm>> -> memref<100xi32, #tpu.memory_space<hbm>>
    tpu.enqueue_dma source(%dma_start3A_489 : memref<100xi32, #tpu.memory_space<hbm>>) target(%dma_start3A_486 : memref<100xi32, #tpu.memory_space<vmem>>) target_semaphore(%arg12 : memref<!tpu.dma_semaphore, #tpu.memory_space<semaphore_mem>>)
    %dma_start3A_490 = arith.constant 5 : i32
    %dma_start3A_491 = arith.constant 5 : i32
    %dma_start3A_492 = arith.constant 0 : i32
    %dma_start3A_493 = tpu.memref_slice %arg7[%dma_start3A_491, %dma_start3A_492] : memref<9x100xi32, #tpu.memory_space<vmem>> -> memref<1x100xi32, #tpu.memory_space<vmem>>
    %dma_start3A_494 = tpu.memref_squeeze %dma_start3A_493 : memref<1x100xi32, #tpu.memory_space<vmem>> -> memref<100xi32, #tpu.memory_space<vmem>>
    %dma_start3A_495 = arith.constant 0 : i32
    %dma_start3A_496 = tpu.memref_slice %arg4[%add3A, %dma_start3A_490, %dma_start3A_495] : memref<32x100x100xi32, #tpu.memory_space<hbm>> -> memref<1x1x100xi32, #tpu.memory_space<hbm>>
    %dma_start3A_497 = tpu.memref_squeeze %dma_start3A_496 : memref<1x1x100xi32, #tpu.memory_space<hbm>> -> memref<100xi32, #tpu.memory_space<hbm>>
    %dma_start3A_498 = arith.constant 0 : i32
    %dma_start3A_499 = tpu.memref_slice %arg7[%dma_start3A_491, %dma_start3A_498] : memref<9x100xi32, #tpu.memory_space<vmem>> -> memref<1x100xi32, #tpu.memory_space<vmem>>
    %dma_start3A_500 = tpu.memref_squeeze %dma_start3A_499 : memref<1x100xi32, #tpu.memory_space<vmem>> -> memref<100xi32, #tpu.memory_space<vmem>>
    %dma_start3A_501 = arith.constant 0 : i32
    %dma_start3A_502 = tpu.memref_slice %arg4[%add3A, %dma_start3A_490, %dma_start3A_501] : memref<32x100x100xi32, #tpu.memory_space<hbm>> -> memref<1x1x100xi32, #tpu.memory_space<hbm>>
    %dma_start3A_503 = tpu.memref_squeeze %dma_start3A_502 : memref<1x1x100xi32, #tpu.memory_space<hbm>> -> memref<100xi32, #tpu.memory_space<hbm>>
    tpu.enqueue_dma source(%dma_start3A_503 : memref<100xi32, #tpu.memory_space<hbm>>) target(%dma_start3A_500 : memref<100xi32, #tpu.memory_space<vmem>>) target_semaphore(%arg12 : memref<!tpu.dma_semaphore, #tpu.memory_space<semaphore_mem>>)
    %scan3A_504 = arith.constant 0 : i32
    %scan3A_505 = arith.constant 100 : i32
    %scan3A_506 = arith.addi %scan3A_504, %scan3A_505 : i32
    %scan3A_507 = arith.constant 1 : i32
    scf.for %scan3A_561 = %scan3A_504 to %scan3A_506 step %scan3A_507  : i32 {
      %mul3A_562 = arith.constant 1 : i32
      %mul3A_563 = arith.muli %scan3A_561, %mul3A_562 : i32
      %add3A_564 = arith.constant 0 : i32
      %add3A_565 = arith.addi %add3A_564, %mul3A_563 : i32
      %rem3A_566 = arith.constant 9 : i32
      %rem3A_567 = arith.remsi %add3A_565, %rem3A_566 : i32
      %add3A_568 = arith.constant 3 : i32
      %add3A_569 = arith.addi %add3A_565, %add3A_568 : i32
      %rem3A_570 = arith.constant 9 : i32
      %rem3A_571 = arith.remsi %add3A_569, %rem3A_570 : i32
      %add3A_572 = arith.constant 6 : i32
      %add3A_573 = arith.addi %add3A_565, %add3A_572 : i32
      %rem3A_574 = arith.constant 9 : i32
      %rem3A_575 = arith.remsi %add3A_573, %rem3A_574 : i32
      %gt3A = arith.constant 2 : i32
      %gt3A_576 = arith.cmpi sgt, %add3A_565, %gt3A : i32
      %convert_element_type3A = arith.extui %gt3A_576 : i1 to i32
      %cond3A = arith.constant 0 : i32
      %cond3A_577 = arith.cmpi ne, %convert_element_type3A, %cond3A : i32
      scf.if %cond3A_577 {
        %dma_wait3A_612 = arith.constant 0 : i32
        %dma_wait3A_613 = arith.constant 0 : i32
        %dma_wait3A_614 = arith.constant 0 : i32
        %dma_wait3A_615 = tpu.memref_slice %arg8[%rem3A_575, %dma_wait3A_613, %dma_wait3A_614] : memref<9x100x128xbf16, #tpu.memory_space<vmem>> -> memref<1x100x128xbf16, #tpu.memory_space<vmem>>
        %dma_wait3A_616 = tpu.memref_squeeze %dma_wait3A_615 : memref<1x100x128xbf16, #tpu.memory_space<vmem>> -> memref<100x128xbf16, #tpu.memory_space<vmem>>
        %dma_wait3A_617 = arith.constant 0 : i32
        %dma_wait3A_618 = tpu.memref_slice %arg6[%dma_wait3A_612, %dma_wait3A_617] : memref<9x100xi32, #tpu.memory_space<vmem>> -> memref<1x100xi32, #tpu.memory_space<vmem>>
        %dma_wait3A_619 = tpu.memref_squeeze %dma_wait3A_618 : memref<1x100xi32, #tpu.memory_space<vmem>> -> memref<100xi32, #tpu.memory_space<vmem>>
        %dma_wait3A_620 = arith.constant 0 : i32
        %dma_wait3A_621 = arith.constant 0 : i32
        %dma_wait3A_622 = tpu.memref_slice %arg2[%dma_wait3A_620, %dma_wait3A_621] : memref<10000x128xbf16, #tpu.memory_space<hbm>> -> memref<10000x128xbf16, #tpu.memory_space<hbm>>
        tpu.wait_indirect_dma semaphore(%arg11 : memref<!tpu.dma_semaphore, #tpu.memory_space<semaphore_mem>>) src(%dma_wait3A_622 : memref<10000x128xbf16, #tpu.memory_space<hbm>>) dst(%dma_wait3A_616 : memref<100x128xbf16, #tpu.memory_space<vmem>>)
      } else {
      }
      %add3A_578 = arith.constant 6 : i32
      %add3A_579 = arith.addi %add3A_565, %add3A_578 : i32
      %lt3A = arith.constant 100 : i32
      %lt3A_580 = arith.cmpi slt, %add3A_579, %lt3A : i32
      %convert_element_type3A_581 = arith.extui %lt3A_580 : i1 to i32
      %cond3A_582 = arith.constant 0 : i32
      %cond3A_583 = arith.cmpi ne, %convert_element_type3A_581, %cond3A_582 : i32
      scf.if %cond3A_583 {
        %add3A_612 = arith.constant 6 : i32
        %add3A_613 = arith.addi %add3A_565, %add3A_612 : i32
        %dma_start3A_614 = arith.constant 0 : i32
        %dma_start3A_615 = tpu.memref_slice %arg6[%rem3A_575, %dma_start3A_614] : memref<9x100xi32, #tpu.memory_space<vmem>> -> memref<1x100xi32, #tpu.memory_space<vmem>>
        %dma_start3A_616 = tpu.memref_squeeze %dma_start3A_615 : memref<1x100xi32, #tpu.memory_space<vmem>> -> memref<100xi32, #tpu.memory_space<vmem>>
        %dma_start3A_617 = arith.constant 0 : i32
        %dma_start3A_618 = tpu.memref_slice %arg3[%add3A, %add3A_613, %dma_start3A_617] : memref<32x100x100xi32, #tpu.memory_space<hbm>> -> memref<1x1x100xi32, #tpu.memory_space<hbm>>
        %dma_start3A_619 = tpu.memref_squeeze %dma_start3A_618 : memref<1x1x100xi32, #tpu.memory_space<hbm>> -> memref<100xi32, #tpu.memory_space<hbm>>
        %dma_start3A_620 = arith.constant 0 : i32
        %dma_start3A_621 = tpu.memref_slice %arg6[%rem3A_575, %dma_start3A_620] : memref<9x100xi32, #tpu.memory_space<vmem>> -> memref<1x100xi32, #tpu.memory_space<vmem>>
        %dma_start3A_622 = tpu.memref_squeeze %dma_start3A_621 : memref<1x100xi32, #tpu.memory_space<vmem>> -> memref<100xi32, #tpu.memory_space<vmem>>
        %dma_start3A_623 = arith.constant 0 : i32
        %dma_start3A_624 = tpu.memref_slice %arg3[%add3A, %add3A_613, %dma_start3A_623] : memref<32x100x100xi32, #tpu.memory_space<hbm>> -> memref<1x1x100xi32, #tpu.memory_space<hbm>>
        %dma_start3A_625 = tpu.memref_squeeze %dma_start3A_624 : memref<1x1x100xi32, #tpu.memory_space<hbm>> -> memref<100xi32, #tpu.memory_space<hbm>>
        tpu.enqueue_dma source(%dma_start3A_625 : memref<100xi32, #tpu.memory_space<hbm>>) target(%dma_start3A_622 : memref<100xi32, #tpu.memory_space<vmem>>) target_semaphore(%arg12 : memref<!tpu.dma_semaphore, #tpu.memory_space<semaphore_mem>>)
        %dma_start3A_626 = arith.constant 0 : i32
        %dma_start3A_627 = tpu.memref_slice %arg7[%rem3A_575, %dma_start3A_626] : memref<9x100xi32, #tpu.memory_space<vmem>> -> memref<1x100xi32, #tpu.memory_space<vmem>>
        %dma_start3A_628 = tpu.memref_squeeze %dma_start3A_627 : memref<1x100xi32, #tpu.memory_space<vmem>> -> memref<100xi32, #tpu.memory_space<vmem>>
        %dma_start3A_629 = arith.constant 0 : i32
        %dma_start3A_630 = tpu.memref_slice %arg4[%add3A, %add3A_613, %dma_start3A_629] : memref<32x100x100xi32, #tpu.memory_space<hbm>> -> memref<1x1x100xi32, #tpu.memory_space<hbm>>
        %dma_start3A_631 = tpu.memref_squeeze %dma_start3A_630 : memref<1x1x100xi32, #tpu.memory_space<hbm>> -> memref<100xi32, #tpu.memory_space<hbm>>
        %dma_start3A_632 = arith.constant 0 : i32
        %dma_start3A_633 = tpu.memref_slice %arg7[%rem3A_575, %dma_start3A_632] : memref<9x100xi32, #tpu.memory_space<vmem>> -> memref<1x100xi32, #tpu.memory_space<vmem>>
        %dma_start3A_634 = tpu.memref_squeeze %dma_start3A_633 : memref<1x100xi32, #tpu.memory_space<vmem>> -> memref<100xi32, #tpu.memory_space<vmem>>
        %dma_start3A_635 = arith.constant 0 : i32
        %dma_start3A_636 = tpu.memref_slice %arg4[%add3A, %add3A_613, %dma_start3A_635] : memref<32x100x100xi32, #tpu.memory_space<hbm>> -> memref<1x1x100xi32, #tpu.memory_space<hbm>>
        %dma_start3A_637 = tpu.memref_squeeze %dma_start3A_636 : memref<1x1x100xi32, #tpu.memory_space<hbm>> -> memref<100xi32, #tpu.memory_space<hbm>>
        tpu.enqueue_dma source(%dma_start3A_637 : memref<100xi32, #tpu.memory_space<hbm>>) target(%dma_start3A_634 : memref<100xi32, #tpu.memory_space<vmem>>) target_semaphore(%arg12 : memref<!tpu.dma_semaphore, #tpu.memory_space<semaphore_mem>>)
      } else {
      }
      %add3A_584 = arith.constant 3 : i32
      %add3A_585 = arith.addi %add3A_565, %add3A_584 : i32
      %lt3A_586 = arith.constant 100 : i32
      %lt3A_587 = arith.cmpi slt, %add3A_585, %lt3A_586 : i32
      %convert_element_type3A_588 = arith.extui %lt3A_587 : i1 to i32
      %cond3A_589 = arith.constant 0 : i32
      %cond3A_590 = arith.cmpi ne, %convert_element_type3A_588, %cond3A_589 : i32
      scf.if %cond3A_590 {
        %dma_wait3A_612 = arith.constant 0 : i32
        %dma_wait3A_613 = arith.constant 0 : i32
        %dma_wait3A_614 = tpu.memref_slice %arg6[%rem3A_571, %dma_wait3A_613] : memref<9x100xi32, #tpu.memory_space<vmem>> -> memref<1x100xi32, #tpu.memory_space<vmem>>
        %dma_wait3A_615 = tpu.memref_squeeze %dma_wait3A_614 : memref<1x100xi32, #tpu.memory_space<vmem>> -> memref<100xi32, #tpu.memory_space<vmem>>
        %dma_wait3A_616 = arith.constant 0 : i32
        %dma_wait3A_617 = tpu.memref_slice %arg3[%add3A, %dma_wait3A_612, %dma_wait3A_616] : memref<32x100x100xi32, #tpu.memory_space<hbm>> -> memref<1x1x100xi32, #tpu.memory_space<hbm>>
        %dma_wait3A_618 = tpu.memref_squeeze %dma_wait3A_617 : memref<1x1x100xi32, #tpu.memory_space<hbm>> -> memref<100xi32, #tpu.memory_space<hbm>>
        %dma_wait3A_619 = arith.constant 0 : i32
        %dma_wait3A_620 = tpu.memref_slice %arg6[%rem3A_571, %dma_wait3A_619] : memref<9x100xi32, #tpu.memory_space<vmem>> -> memref<1x100xi32, #tpu.memory_space<vmem>>
        %dma_wait3A_621 = tpu.memref_squeeze %dma_wait3A_620 : memref<1x100xi32, #tpu.memory_space<vmem>> -> memref<100xi32, #tpu.memory_space<vmem>>
        %dma_wait3A_622 = arith.constant 0 : i32
        %dma_wait3A_623 = tpu.memref_slice %arg3[%add3A, %dma_wait3A_612, %dma_wait3A_622] : memref<32x100x100xi32, #tpu.memory_space<hbm>> -> memref<1x1x100xi32, #tpu.memory_space<hbm>>
        %dma_wait3A_624 = tpu.memref_squeeze %dma_wait3A_623 : memref<1x1x100xi32, #tpu.memory_space<hbm>> -> memref<100xi32, #tpu.memory_space<hbm>>
        tpu.wait_dma2 semaphore(%arg12 : memref<!tpu.dma_semaphore, #tpu.memory_space<semaphore_mem>>) src(%dma_wait3A_624 : memref<100xi32, #tpu.memory_space<hbm>>) dst(%dma_wait3A_621 : memref<100xi32, #tpu.memory_space<vmem>>)
        %dma_wait3A_625 = arith.constant 0 : i32
        %dma_wait3A_626 = arith.constant 0 : i32
        %dma_wait3A_627 = tpu.memref_slice %arg7[%rem3A_571, %dma_wait3A_626] : memref<9x100xi32, #tpu.memory_space<vmem>> -> memref<1x100xi32, #tpu.memory_space<vmem>>
        %dma_wait3A_628 = tpu.memref_squeeze %dma_wait3A_627 : memref<1x100xi32, #tpu.memory_space<vmem>> -> memref<100xi32, #tpu.memory_space<vmem>>
        %dma_wait3A_629 = arith.constant 0 : i32
        %dma_wait3A_630 = tpu.memref_slice %arg4[%add3A, %dma_wait3A_625, %dma_wait3A_629] : memref<32x100x100xi32, #tpu.memory_space<hbm>> -> memref<1x1x100xi32, #tpu.memory_space<hbm>>
        %dma_wait3A_631 = tpu.memref_squeeze %dma_wait3A_630 : memref<1x1x100xi32, #tpu.memory_space<hbm>> -> memref<100xi32, #tpu.memory_space<hbm>>
        %dma_wait3A_632 = arith.constant 0 : i32
        %dma_wait3A_633 = tpu.memref_slice %arg7[%rem3A_571, %dma_wait3A_632] : memref<9x100xi32, #tpu.memory_space<vmem>> -> memref<1x100xi32, #tpu.memory_space<vmem>>
        %dma_wait3A_634 = tpu.memref_squeeze %dma_wait3A_633 : memref<1x100xi32, #tpu.memory_space<vmem>> -> memref<100xi32, #tpu.memory_space<vmem>>
        %dma_wait3A_635 = arith.constant 0 : i32
        %dma_wait3A_636 = tpu.memref_slice %arg4[%add3A, %dma_wait3A_625, %dma_wait3A_635] : memref<32x100x100xi32, #tpu.memory_space<hbm>> -> memref<1x1x100xi32, #tpu.memory_space<hbm>>
        %dma_wait3A_637 = tpu.memref_squeeze %dma_wait3A_636 : memref<1x1x100xi32, #tpu.memory_space<hbm>> -> memref<100xi32, #tpu.memory_space<hbm>>
        tpu.wait_dma2 semaphore(%arg12 : memref<!tpu.dma_semaphore, #tpu.memory_space<semaphore_mem>>) src(%dma_wait3A_637 : memref<100xi32, #tpu.memory_space<hbm>>) dst(%dma_wait3A_634 : memref<100xi32, #tpu.memory_space<vmem>>)
        %dma_start3A_638 = arith.constant 0 : i32
        %dma_start3A_639 = arith.constant 0 : i32
        %dma_start3A_640 = tpu.memref_slice %arg8[%rem3A_571, %dma_start3A_638, %dma_start3A_639] : memref<9x100x128xbf16, #tpu.memory_space<vmem>> -> memref<1x100x128xbf16, #tpu.memory_space<vmem>>
        %dma_start3A_641 = tpu.memref_squeeze %dma_start3A_640 : memref<1x100x128xbf16, #tpu.memory_space<vmem>> -> memref<100x128xbf16, #tpu.memory_space<vmem>>
        %dma_start3A_642 = arith.constant 0 : i32
        %dma_start3A_643 = tpu.memref_slice %arg6[%rem3A_571, %dma_start3A_642] : memref<9x100xi32, #tpu.memory_space<vmem>> -> memref<1x100xi32, #tpu.memory_space<vmem>>
        %dma_start3A_644 = tpu.memref_squeeze %dma_start3A_643 : memref<1x100xi32, #tpu.memory_space<vmem>> -> memref<100xi32, #tpu.memory_space<vmem>>
        %dma_start3A_645 = arith.constant 0 : i32
        %dma_start3A_646 = arith.constant 0 : i32
        %dma_start3A_647 = tpu.memref_slice %arg2[%dma_start3A_645, %dma_start3A_646] : memref<10000x128xbf16, #tpu.memory_space<hbm>> -> memref<10000x128xbf16, #tpu.memory_space<hbm>>
        tpu.enqueue_indirect_dma source(%dma_start3A_647 : memref<10000x128xbf16, #tpu.memory_space<hbm>>) target(%dma_start3A_641 : memref<100x128xbf16, #tpu.memory_space<vmem>>) offsets(%dma_start3A_644 : memref<100xi32, #tpu.memory_space<vmem>>) semaphore(%arg10 : memref<!tpu.dma_semaphore, #tpu.memory_space<semaphore_mem>>)
      } else {
      }
      %dma_wait3A_591 = arith.constant 0 : i32
      %dma_wait3A_592 = arith.constant 0 : i32
      %dma_wait3A_593 = arith.constant 0 : i32
      %dma_wait3A_594 = tpu.memref_slice %arg8[%rem3A_567, %dma_wait3A_592, %dma_wait3A_593] : memref<9x100x128xbf16, #tpu.memory_space<vmem>> -> memref<1x100x128xbf16, #tpu.memory_space<vmem>>
      %dma_wait3A_595 = tpu.memref_squeeze %dma_wait3A_594 : memref<1x100x128xbf16, #tpu.memory_space<vmem>> -> memref<100x128xbf16, #tpu.memory_space<vmem>>
      %dma_wait3A_596 = arith.constant 0 : i32
      %dma_wait3A_597 = tpu.memref_slice %arg6[%dma_wait3A_591, %dma_wait3A_596] : memref<9x100xi32, #tpu.memory_space<vmem>> -> memref<1x100xi32, #tpu.memory_space<vmem>>
      %dma_wait3A_598 = tpu.memref_squeeze %dma_wait3A_597 : memref<1x100xi32, #tpu.memory_space<vmem>> -> memref<100xi32, #tpu.memory_space<vmem>>
      %dma_wait3A_599 = arith.constant 0 : i32
      %dma_wait3A_600 = arith.constant 0 : i32
      %dma_wait3A_601 = tpu.memref_slice %arg2[%dma_wait3A_599, %dma_wait3A_600] : memref<10000x128xbf16, #tpu.memory_space<hbm>> -> memref<10000x128xbf16, #tpu.memory_space<hbm>>
      tpu.wait_indirect_dma semaphore(%arg10 : memref<!tpu.dma_semaphore, #tpu.memory_space<semaphore_mem>>) src(%dma_wait3A_601 : memref<10000x128xbf16, #tpu.memory_space<hbm>>) dst(%dma_wait3A_595 : memref<100x128xbf16, #tpu.memory_space<vmem>>)
      %dma_start3A_602 = arith.constant 0 : i32
      %dma_start3A_603 = arith.constant 0 : i32
      %dma_start3A_604 = tpu.memref_slice %arg8[%rem3A_567, %dma_start3A_602, %dma_start3A_603] : memref<9x100x128xbf16, #tpu.memory_space<vmem>> -> memref<1x100x128xbf16, #tpu.memory_space<vmem>>
      %dma_start3A_605 = tpu.memref_squeeze %dma_start3A_604 : memref<1x100x128xbf16, #tpu.memory_space<vmem>> -> memref<100x128xbf16, #tpu.memory_space<vmem>>
      %dma_start3A_606 = arith.constant 0 : i32
      %dma_start3A_607 = tpu.memref_slice %arg7[%rem3A_567, %dma_start3A_606] : memref<9x100xi32, #tpu.memory_space<vmem>> -> memref<1x100xi32, #tpu.memory_space<vmem>>
      %dma_start3A_608 = tpu.memref_squeeze %dma_start3A_607 : memref<1x100xi32, #tpu.memory_space<vmem>> -> memref<100xi32, #tpu.memory_space<vmem>>
      %dma_start3A_609 = arith.constant 0 : i32
      %dma_start3A_610 = arith.constant 0 : i32
      %dma_start3A_611 = tpu.memref_slice %arg9[%dma_start3A_609, %dma_start3A_610] : memref<10000x128xbf16, #tpu.memory_space<vmem_shared>> -> memref<10000x128xbf16, #tpu.memory_space<vmem_shared>>
      tpu.enqueue_indirect_dma source(%dma_start3A_605 : memref<100x128xbf16, #tpu.memory_space<vmem>>) target(%dma_start3A_611 : memref<10000x128xbf16, #tpu.memory_space<vmem_shared>>) offsets(%dma_start3A_608 : memref<100xi32, #tpu.memory_space<vmem>>) semaphore(%arg11 : memref<!tpu.dma_semaphore, #tpu.memory_space<semaphore_mem>>) {add = true}
    }
    %scan3A_508 = arith.constant 100 : i32
    %rem3A = arith.constant 97 : i32
    %rem3A_509 = arith.constant 9 : i32
    %rem3A_510 = arith.remsi %rem3A, %rem3A_509 : i32
    %dma_wait3A_511 = arith.constant 0 : i32
    %dma_wait3A_512 = arith.constant 0 : i32
    %dma_wait3A_513 = arith.constant 0 : i32
    %dma_wait3A_514 = tpu.memref_slice %arg8[%rem3A_510, %dma_wait3A_512, %dma_wait3A_513] : memref<9x100x128xbf16, #tpu.memory_space<vmem>> -> memref<1x100x128xbf16, #tpu.memory_space<vmem>>
    %dma_wait3A_515 = tpu.memref_squeeze %dma_wait3A_514 : memref<1x100x128xbf16, #tpu.memory_space<vmem>> -> memref<100x128xbf16, #tpu.memory_space<vmem>>
    %dma_wait3A_516 = arith.constant 0 : i32
    %dma_wait3A_517 = tpu.memref_slice %arg6[%dma_wait3A_511, %dma_wait3A_516] : memref<9x100xi32, #tpu.memory_space<vmem>> -> memref<1x100xi32, #tpu.memory_space<vmem>>
    %dma_wait3A_518 = tpu.memref_squeeze %dma_wait3A_517 : memref<1x100xi32, #tpu.memory_space<vmem>> -> memref<100xi32, #tpu.memory_space<vmem>>
    %dma_wait3A_519 = arith.constant 0 : i32
    %dma_wait3A_520 = arith.constant 0 : i32
    %dma_wait3A_521 = tpu.memref_slice %arg2[%dma_wait3A_519, %dma_wait3A_520] : memref<10000x128xbf16, #tpu.memory_space<hbm>> -> memref<10000x128xbf16, #tpu.memory_space<hbm>>
    tpu.wait_indirect_dma semaphore(%arg11 : memref<!tpu.dma_semaphore, #tpu.memory_space<semaphore_mem>>) src(%dma_wait3A_521 : memref<10000x128xbf16, #tpu.memory_space<hbm>>) dst(%dma_wait3A_515 : memref<100x128xbf16, #tpu.memory_space<vmem>>)
    %rem3A_522 = arith.constant 98 : i32
    %rem3A_523 = arith.constant 9 : i32
    %rem3A_524 = arith.remsi %rem3A_522, %rem3A_523 : i32
    %dma_wait3A_525 = arith.constant 0 : i32
    %dma_wait3A_526 = arith.constant 0 : i32
    %dma_wait3A_527 = arith.constant 0 : i32
    %dma_wait3A_528 = tpu.memref_slice %arg8[%rem3A_524, %dma_wait3A_526, %dma_wait3A_527] : memref<9x100x128xbf16, #tpu.memory_space<vmem>> -> memref<1x100x128xbf16, #tpu.memory_space<vmem>>
    %dma_wait3A_529 = tpu.memref_squeeze %dma_wait3A_528 : memref<1x100x128xbf16, #tpu.memory_space<vmem>> -> memref<100x128xbf16, #tpu.memory_space<vmem>>
    %dma_wait3A_530 = arith.constant 0 : i32
    %dma_wait3A_531 = tpu.memref_slice %arg6[%dma_wait3A_525, %dma_wait3A_530] : memref<9x100xi32, #tpu.memory_space<vmem>> -> memref<1x100xi32, #tpu.memory_space<vmem>>
    %dma_wait3A_532 = tpu.memref_squeeze %dma_wait3A_531 : memref<1x100xi32, #tpu.memory_space<vmem>> -> memref<100xi32, #tpu.memory_space<vmem>>
    %dma_wait3A_533 = arith.constant 0 : i32
    %dma_wait3A_534 = arith.constant 0 : i32
    %dma_wait3A_535 = tpu.memref_slice %arg2[%dma_wait3A_533, %dma_wait3A_534] : memref<10000x128xbf16, #tpu.memory_space<hbm>> -> memref<10000x128xbf16, #tpu.memory_space<hbm>>
    tpu.wait_indirect_dma semaphore(%arg11 : memref<!tpu.dma_semaphore, #tpu.memory_space<semaphore_mem>>) src(%dma_wait3A_535 : memref<10000x128xbf16, #tpu.memory_space<hbm>>) dst(%dma_wait3A_529 : memref<100x128xbf16, #tpu.memory_space<vmem>>)
    %rem3A_536 = arith.constant 99 : i32
    %rem3A_537 = arith.constant 9 : i32
    %rem3A_538 = arith.remsi %rem3A_536, %rem3A_537 : i32
    %dma_wait3A_539 = arith.constant 0 : i32
    %dma_wait3A_540 = arith.constant 0 : i32
    %dma_wait3A_541 = arith.constant 0 : i32
    %dma_wait3A_542 = tpu.memref_slice %arg8[%rem3A_538, %dma_wait3A_540, %dma_wait3A_541] : memref<9x100x128xbf16, #tpu.memory_space<vmem>> -> memref<1x100x128xbf16, #tpu.memory_space<vmem>>
    %dma_wait3A_543 = tpu.memref_squeeze %dma_wait3A_542 : memref<1x100x128xbf16, #tpu.memory_space<vmem>> -> memref<100x128xbf16, #tpu.memory_space<vmem>>
    %dma_wait3A_544 = arith.constant 0 : i32
    %dma_wait3A_545 = tpu.memref_slice %arg6[%dma_wait3A_539, %dma_wait3A_544] : memref<9x100xi32, #tpu.memory_space<vmem>> -> memref<1x100xi32, #tpu.memory_space<vmem>>
    %dma_wait3A_546 = tpu.memref_squeeze %dma_wait3A_545 : memref<1x100xi32, #tpu.memory_space<vmem>> -> memref<100xi32, #tpu.memory_space<vmem>>
    %dma_wait3A_547 = arith.constant 0 : i32
    %dma_wait3A_548 = arith.constant 0 : i32
    %dma_wait3A_549 = tpu.memref_slice %arg2[%dma_wait3A_547, %dma_wait3A_548] : memref<10000x128xbf16, #tpu.memory_space<hbm>> -> memref<10000x128xbf16, #tpu.memory_space<hbm>>
    tpu.wait_indirect_dma semaphore(%arg11 : memref<!tpu.dma_semaphore, #tpu.memory_space<semaphore_mem>>) src(%dma_wait3A_549 : memref<10000x128xbf16, #tpu.memory_space<hbm>>) dst(%dma_wait3A_543 : memref<100x128xbf16, #tpu.memory_space<vmem>>)
    %barrier3A_550 = arith.constant 0 : index
    tpu.barrier barrier_id(%barrier3A_550)
    %add3A_551 = arith.constant 0 : i32
    %add3A_552 = arith.addi %mul3A_7, %add3A_551 : i32
    "tpu.region"() ({
      %run_scoped3A = tpu.sem_alloc : memref<!tpu.dma_semaphore, #tpu.memory_space<semaphore_mem>>
      %dma_start3A_561 = arith.constant 0 : i32
      %dma_start3A_562 = tpu.memref_slice %arg5[%arg0, %add3A_552, %dma_start3A_561] : memref<2x10000x128xbf16, #tpu.memory_space<hbm>> -> memref<1x125x128xbf16, #tpu.memory_space<hbm>>
      %dma_start3A_563 = tpu.memref_squeeze %dma_start3A_562 : memref<1x125x128xbf16, #tpu.memory_space<hbm>> -> memref<125x128xbf16, #tpu.memory_space<hbm>>
      %dma_start3A_564 = arith.constant 0 : i32
      %dma_start3A_565 = tpu.memref_slice %arg9[%add3A_552, %dma_start3A_564] : memref<10000x128xbf16, #tpu.memory_space<vmem_shared>> -> memref<125x128xbf16, #tpu.memory_space<vmem_shared>>
      tpu.enqueue_dma source(%dma_start3A_565 : memref<125x128xbf16, #tpu.memory_space<vmem_shared>>) target(%dma_start3A_563 : memref<125x128xbf16, #tpu.memory_space<hbm>>) target_semaphore(%run_scoped3A : memref<!tpu.dma_semaphore, #tpu.memory_space<semaphore_mem>>)
      %dma_wait3A_566 = arith.constant 0 : i32
      %dma_wait3A_567 = tpu.memref_slice %arg5[%arg0, %add3A_552, %dma_wait3A_566] : memref<2x10000x128xbf16, #tpu.memory_space<hbm>> -> memref<1x125x128xbf16, #tpu.memory_space<hbm>>
      %dma_wait3A_568 = tpu.memref_squeeze %dma_wait3A_567 : memref<1x125x128xbf16, #tpu.memory_space<hbm>> -> memref<125x128xbf16, #tpu.memory_space<hbm>>
      %dma_wait3A_569 = arith.constant 0 : i32
      %dma_wait3A_570 = tpu.memref_slice %arg9[%add3A_552, %dma_wait3A_569] : memref<10000x128xbf16, #tpu.memory_space<vmem_shared>> -> memref<125x128xbf16, #tpu.memory_space<vmem_shared>>
      tpu.wait_dma2 semaphore(%run_scoped3A : memref<!tpu.dma_semaphore, #tpu.memory_space<semaphore_mem>>) src(%dma_wait3A_570 : memref<125x128xbf16, #tpu.memory_space<vmem_shared>>) dst(%dma_wait3A_568 : memref<125x128xbf16, #tpu.memory_space<hbm>>)
      tpu.yield
    }) : () -> ()
    %add3A_553 = arith.constant 125 : i32
    %add3A_554 = arith.addi %mul3A_7, %add3A_553 : i32
    "tpu.region"() ({
      %run_scoped3A = tpu.sem_alloc : memref<!tpu.dma_semaphore, #tpu.memory_space<semaphore_mem>>
      %dma_start3A_561 = arith.constant 0 : i32
      %dma_start3A_562 = tpu.memref_slice %arg5[%arg0, %add3A_554, %dma_start3A_561] : memref<2x10000x128xbf16, #tpu.memory_space<hbm>> -> memref<1x125x128xbf16, #tpu.memory_space<hbm>>
      %dma_start3A_563 = tpu.memref_squeeze %dma_start3A_562 : memref<1x125x128xbf16, #tpu.memory_space<hbm>> -> memref<125x128xbf16, #tpu.memory_space<hbm>>
      %dma_start3A_564 = arith.constant 0 : i32
      %dma_start3A_565 = tpu.memref_slice %arg9[%add3A_554, %dma_start3A_564] : memref<10000x128xbf16, #tpu.memory_space<vmem_shared>> -> memref<125x128xbf16, #tpu.memory_space<vmem_shared>>
      tpu.enqueue_dma source(%dma_start3A_565 : memref<125x128xbf16, #tpu.memory_space<vmem_shared>>) target(%dma_start3A_563 : memref<125x128xbf16, #tpu.memory_space<hbm>>) target_semaphore(%run_scoped3A : memref<!tpu.dma_semaphore, #tpu.memory_space<semaphore_mem>>)
      %dma_wait3A_566 = arith.constant 0 : i32
      %dma_wait3A_567 = tpu.memref_slice %arg5[%arg0, %add3A_554, %dma_wait3A_566] : memref<2x10000x128xbf16, #tpu.memory_space<hbm>> -> memref<1x125x128xbf16, #tpu.memory_space<hbm>>
      %dma_wait3A_568 = tpu.memref_squeeze %dma_wait3A_567 : memref<1x125x128xbf16, #tpu.memory_space<hbm>> -> memref<125x128xbf16, #tpu.memory_space<hbm>>
      %dma_wait3A_569 = arith.constant 0 : i32
      %dma_wait3A_570 = tpu.memref_slice %arg9[%add3A_554, %dma_wait3A_569] : memref<10000x128xbf16, #tpu.memory_space<vmem_shared>> -> memref<125x128xbf16, #tpu.memory_space<vmem_shared>>
      tpu.wait_dma2 semaphore(%run_scoped3A : memref<!tpu.dma_semaphore, #tpu.memory_space<semaphore_mem>>) src(%dma_wait3A_570 : memref<125x128xbf16, #tpu.memory_space<vmem_shared>>) dst(%dma_wait3A_568 : memref<125x128xbf16, #tpu.memory_space<hbm>>)
      tpu.yield
    }) : () -> ()
    %add3A_555 = arith.constant 250 : i32
    %add3A_556 = arith.addi %mul3A_7, %add3A_555 : i32
    "tpu.region"() ({
      %run_scoped3A = tpu.sem_alloc : memref<!tpu.dma_semaphore, #tpu.memory_space<semaphore_mem>>
      %dma_start3A_561 = arith.constant 0 : i32
      %dma_start3A_562 = tpu.memref_slice %arg5[%arg0, %add3A_556, %dma_start3A_561] : memref<2x10000x128xbf16, #tpu.memory_space<hbm>> -> memref<1x125x128xbf16, #tpu.memory_space<hbm>>
      %dma_start3A_563 = tpu.memref_squeeze %dma_start3A_562 : memref<1x125x128xbf16, #tpu.memory_space<hbm>> -> memref<125x128xbf16, #tpu.memory_space<hbm>>
      %dma_start3A_564 = arith.constant 0 : i32
      %dma_start3A_565 = tpu.memref_slice %arg9[%add3A_556, %dma_start3A_564] : memref<10000x128xbf16, #tpu.memory_space<vmem_shared>> -> memref<125x128xbf16, #tpu.memory_space<vmem_shared>>
      tpu.enqueue_dma source(%dma_start3A_565 : memref<125x128xbf16, #tpu.memory_space<vmem_shared>>) target(%dma_start3A_563 : memref<125x128xbf16, #tpu.memory_space<hbm>>) target_semaphore(%run_scoped3A : memref<!tpu.dma_semaphore, #tpu.memory_space<semaphore_mem>>)
      %dma_wait3A_566 = arith.constant 0 : i32
      %dma_wait3A_567 = tpu.memref_slice %arg5[%arg0, %add3A_556, %dma_wait3A_566] : memref<2x10000x128xbf16, #tpu.memory_space<hbm>> -> memref<1x125x128xbf16, #tpu.memory_space<hbm>>
      %dma_wait3A_568 = tpu.memref_squeeze %dma_wait3A_567 : memref<1x125x128xbf16, #tpu.memory_space<hbm>> -> memref<125x128xbf16, #tpu.memory_space<hbm>>
      %dma_wait3A_569 = arith.constant 0 : i32
      %dma_wait3A_570 = tpu.memref_slice %arg9[%add3A_556, %dma_wait3A_569] : memref<10000x128xbf16, #tpu.memory_space<vmem_shared>> -> memref<125x128xbf16, #tpu.memory_space<vmem_shared>>
      tpu.wait_dma2 semaphore(%run_scoped3A : memref<!tpu.dma_semaphore, #tpu.memory_space<semaphore_mem>>) src(%dma_wait3A_570 : memref<125x128xbf16, #tpu.memory_space<vmem_shared>>) dst(%dma_wait3A_568 : memref<125x128xbf16, #tpu.memory_space<hbm>>)
      tpu.yield
    }) : () -> ()
    %add3A_557 = arith.constant 375 : i32
    %add3A_558 = arith.addi %mul3A_7, %add3A_557 : i32
    "tpu.region"() ({
      %run_scoped3A = tpu.sem_alloc : memref<!tpu.dma_semaphore, #tpu.memory_space<semaphore_mem>>
      %dma_start3A_561 = arith.constant 0 : i32
      %dma_start3A_562 = tpu.memref_slice %arg5[%arg0, %add3A_558, %dma_start3A_561] : memref<2x10000x128xbf16, #tpu.memory_space<hbm>> -> memref<1x125x128xbf16, #tpu.memory_space<hbm>>
      %dma_start3A_563 = tpu.memref_squeeze %dma_start3A_562 : memref<1x125x128xbf16, #tpu.memory_space<hbm>> -> memref<125x128xbf16, #tpu.memory_space<hbm>>
      %dma_start3A_564 = arith.constant 0 : i32
      %dma_start3A_565 = tpu.memref_slice %arg9[%add3A_558, %dma_start3A_564] : memref<10000x128xbf16, #tpu.memory_space<vmem_shared>> -> memref<125x128xbf16, #tpu.memory_space<vmem_shared>>
      tpu.enqueue_dma source(%dma_start3A_565 : memref<125x128xbf16, #tpu.memory_space<vmem_shared>>) target(%dma_start3A_563 : memref<125x128xbf16, #tpu.memory_space<hbm>>) target_semaphore(%run_scoped3A : memref<!tpu.dma_semaphore, #tpu.memory_space<semaphore_mem>>)
      %dma_wait3A_566 = arith.constant 0 : i32
      %dma_wait3A_567 = tpu.memref_slice %arg5[%arg0, %add3A_558, %dma_wait3A_566] : memref<2x10000x128xbf16, #tpu.memory_space<hbm>> -> memref<1x125x128xbf16, #tpu.memory_space<hbm>>
      %dma_wait3A_568 = tpu.memref_squeeze %dma_wait3A_567 : memref<1x125x128xbf16, #tpu.memory_space<hbm>> -> memref<125x128xbf16, #tpu.memory_space<hbm>>
      %dma_wait3A_569 = arith.constant 0 : i32
      %dma_wait3A_570 = tpu.memref_slice %arg9[%add3A_558, %dma_wait3A_569] : memref<10000x128xbf16, #tpu.memory_space<vmem_shared>> -> memref<125x128xbf16, #tpu.memory_space<vmem_shared>>
      tpu.wait_dma2 semaphore(%run_scoped3A : memref<!tpu.dma_semaphore, #tpu.memory_space<semaphore_mem>>) src(%dma_wait3A_570 : memref<125x128xbf16, #tpu.memory_space<vmem_shared>>) dst(%dma_wait3A_568 : memref<125x128xbf16, #tpu.memory_space<hbm>>)
      tpu.yield
    }) : () -> ()
    %add3A_559 = arith.constant 500 : i32
    %add3A_560 = arith.addi %mul3A_7, %add3A_559 : i32
    "tpu.region"() ({
      %run_scoped3A = tpu.sem_alloc : memref<!tpu.dma_semaphore, #tpu.memory_space<semaphore_mem>>
      %dma_start3A_561 = arith.constant 0 : i32
      %dma_start3A_562 = tpu.memref_slice %arg5[%arg0, %add3A_560, %dma_start3A_561] : memref<2x10000x128xbf16, #tpu.memory_space<hbm>> -> memref<1x125x128xbf16, #tpu.memory_space<hbm>>
      %dma_start3A_563 = tpu.memref_squeeze %dma_start3A_562 : memref<1x125x128xbf16, #tpu.memory_space<hbm>> -> memref<125x128xbf16, #tpu.memory_space<hbm>>
      %dma_start3A_564 = arith.constant 0 : i32
      %dma_start3A_565 = tpu.memref_slice %arg9[%add3A_560, %dma_start3A_564] : memref<10000x128xbf16, #tpu.memory_space<vmem_shared>> -> memref<125x128xbf16, #tpu.memory_space<vmem_shared>>
      tpu.enqueue_dma source(%dma_start3A_565 : memref<125x128xbf16, #tpu.memory_space<vmem_shared>>) target(%dma_start3A_563 : memref<125x128xbf16, #tpu.memory_space<hbm>>) target_semaphore(%run_scoped3A : memref<!tpu.dma_semaphore, #tpu.memory_space<semaphore_mem>>)
      %dma_wait3A_566 = arith.constant 0 : i32
      %dma_wait3A_567 = tpu.memref_slice %arg5[%arg0, %add3A_560, %dma_wait3A_566] : memref<2x10000x128xbf16, #tpu.memory_space<hbm>> -> memref<1x125x128xbf16, #tpu.memory_space<hbm>>
      %dma_wait3A_568 = tpu.memref_squeeze %dma_wait3A_567 : memref<1x125x128xbf16, #tpu.memory_space<hbm>> -> memref<125x128xbf16, #tpu.memory_space<hbm>>
      %dma_wait3A_569 = arith.constant 0 : i32
      %dma_wait3A_570 = tpu.memref_slice %arg9[%add3A_560, %dma_wait3A_569] : memref<10000x128xbf16, #tpu.memory_space<vmem_shared>> -> memref<125x128xbf16, #tpu.memory_space<vmem_shared>>
      tpu.wait_dma2 semaphore(%run_scoped3A : memref<!tpu.dma_semaphore, #tpu.memory_space<semaphore_mem>>) src(%dma_wait3A_570 : memref<125x128xbf16, #tpu.memory_space<vmem_shared>>) dst(%dma_wait3A_568 : memref<125x128xbf16, #tpu.memory_space<hbm>>)
      tpu.yield
    }) : () -> ()
    return
  }
}

module attributes {stable_mosaic.version = 14 : i64} {
  func.func @_norm_body(%arg0: memref<10000x128xf32, #tpu.memory_space<vmem>>, %arg1: memref<10000x32xf32, #tpu.memory_space<vmem>>, %arg2: memref<10000x32xf32, #tpu.memory_space<vmem>>, %arg3: memref<10000x128xbf16, #tpu.memory_space<vmem>>, %arg4: memref<10000x1xf32, #tpu.memory_space<vmem>>, %arg5: memref<10000x1xf32, #tpu.memory_space<vmem>>) attributes {dimension_semantics = [], scalar_prefetch = 0 : i64, scratch_operands = 0 : i64, tpu.core_type = #tpu.core_type<tc>} {
    %get3A = arith.constant 0 : index
    %get3A_0 = arith.constant 0 : index
    %get3A_1 = vector.load %arg1[%get3A, %get3A_0] : memref<10000x32xf32, #tpu.memory_space<vmem>>, vector<10000x32xf32>
    %reduce_sum3A = arith.constant dense<0.000000e+00> : vector<10000xf32>
    %reduce_sum3A_2 = vector.multi_reduction <add>, %get3A_1, %reduce_sum3A [1] : vector<10000x32xf32> to vector<10000xf32>
    %broadcast_in_dim3A = vector.shape_cast %reduce_sum3A_2 : vector<10000xf32> to vector<10000x1xf32>
    %get3A_3 = arith.constant 0 : index
    %get3A_4 = arith.constant 0 : index
    %get3A_5 = vector.load %arg2[%get3A_3, %get3A_4] : memref<10000x32xf32, #tpu.memory_space<vmem>>, vector<10000x32xf32>
    %reduce_sum3A_6 = arith.constant dense<0.000000e+00> : vector<10000xf32>
    %reduce_sum3A_7 = vector.multi_reduction <add>, %get3A_5, %reduce_sum3A_6 [1] : vector<10000x32xf32> to vector<10000xf32>
    %broadcast_in_dim3A_8 = vector.shape_cast %reduce_sum3A_7 : vector<10000xf32> to vector<10000x1xf32>
    %gt3A = arith.constant 0.000000e+00 : f32
    %gt3A_9 = vector.broadcast %gt3A : f32 to vector<10000x1xf32>
    %gt3A_10 = arith.cmpf ogt, %broadcast_in_dim3A, %gt3A_9 : vector<10000x1xf32>
    %max3A = arith.constant 1.000000e+00 : f32
    %max3A_11 = vector.broadcast %max3A : f32 to vector<10000x1xf32>
    %max3A_12 = arith.maximumf %broadcast_in_dim3A, %max3A_11 : vector<10000x1xf32>
    %rsqrt3A = math.rsqrt %max3A_12 : vector<10000x1xf32>
    %jit3A = arith.constant 0.000000e+00 : f32
    %broadcast_in_dim3A_13 = vector.broadcast %jit3A : f32 to vector<10000x1xf32>
    %select_n3A = arith.select %gt3A_10, %rsqrt3A, %broadcast_in_dim3A_13 : vector<10000x1xi1>, vector<10000x1xf32>
    %gt3A_14 = arith.constant 0.000000e+00 : f32
    %gt3A_15 = vector.broadcast %gt3A_14 : f32 to vector<10000x1xf32>
    %gt3A_16 = arith.cmpf ogt, %broadcast_in_dim3A_8, %gt3A_15 : vector<10000x1xf32>
    %max3A_17 = arith.constant 1.000000e+00 : f32
    %max3A_18 = vector.broadcast %max3A_17 : f32 to vector<10000x1xf32>
    %max3A_19 = arith.maximumf %broadcast_in_dim3A_8, %max3A_18 : vector<10000x1xf32>
    %rsqrt3A_20 = math.rsqrt %max3A_19 : vector<10000x1xf32>
    %jit3A_21 = arith.constant 0.000000e+00 : f32
    %broadcast_in_dim3A_22 = vector.broadcast %jit3A_21 : f32 to vector<10000x1xf32>
    %select_n3A_23 = arith.select %gt3A_16, %rsqrt3A_20, %broadcast_in_dim3A_22 : vector<10000x1xi1>, vector<10000x1xf32>
    %swap3A = arith.constant 0 : index
    %swap3A_24 = arith.constant 0 : index
    %swap3A_25 = vector.load %arg4[%swap3A, %swap3A_24] : memref<10000x1xf32, #tpu.memory_space<vmem>>, vector<10000x1xf32>
    tpu.vector_store %arg4[%swap3A, %swap3A_24], %select_n3A {strides = array<i32>} : memref<10000x1xf32, #tpu.memory_space<vmem>>, vector<10000x1xf32>,
    %swap3A_26 = arith.constant 0 : index
    %swap3A_27 = arith.constant 0 : index
    %swap3A_28 = vector.load %arg5[%swap3A_26, %swap3A_27] : memref<10000x1xf32, #tpu.memory_space<vmem>>, vector<10000x1xf32>
    tpu.vector_store %arg5[%swap3A_26, %swap3A_27], %select_n3A_23 {strides = array<i32>} : memref<10000x1xf32, #tpu.memory_space<vmem>>, vector<10000x1xf32>,
    %get3A_29 = arith.constant 0 : index
    %get3A_30 = arith.constant 0 : index
    %get3A_31 = vector.load %arg0[%get3A_29, %get3A_30] : memref<10000x128xf32, #tpu.memory_space<vmem>>, vector<10000x128xf32>
    %mul3A = vector.broadcast %select_n3A : vector<10000x1xf32> to vector<10000x128xf32>
    %mul3A_32 = arith.mulf %get3A_31, %mul3A : vector<10000x128xf32>
    %convert_element_type3A = arith.truncf %mul3A_32 : vector<10000x128xf32> to vector<10000x128xbf16>
    %swap3A_33 = arith.constant 0 : index
    %swap3A_34 = arith.constant 0 : index
    %swap3A_35 = vector.load %arg3[%swap3A_33, %swap3A_34] : memref<10000x128xbf16, #tpu.memory_space<vmem>>, vector<10000x128xbf16>
    tpu.vector_store %arg3[%swap3A_33, %swap3A_34], %convert_element_type3A {strides = array<i32>} : memref<10000x128xbf16, #tpu.memory_space<vmem>>, vector<10000x128xbf16>,
    return
  }
}

module attributes {stable_mosaic.version = 14 : i64} {
  func.func @_layer_body(%arg0: memref<2x10000x128xbf16, #tpu.memory_space<vmem>>, %arg1: memref<10000x1xf32, #tpu.memory_space<vmem>>, %arg2: memref<10000x1xf32, #tpu.memory_space<vmem>>, %arg3: memref<128x128xf32, #tpu.memory_space<vmem>>, %arg4: memref<1x128xf32, #tpu.memory_space<vmem>>, %arg5: memref<10000x128xbf16, #tpu.memory_space<vmem>>) attributes {dimension_semantics = [], scalar_prefetch = 0 : i64, scratch_operands = 0 : i64, tpu.core_type = #tpu.core_type<tc>} {
    %get3A = arith.constant 0 : index
    %get3A_0 = arith.constant 0 : index
    %get3A_1 = arith.constant 0 : index
    %get3A_2 = vector.load %arg0[%get3A, %get3A_0, %get3A_1] : memref<2x10000x128xbf16, #tpu.memory_space<vmem>>, vector<1x10000x128xbf16>
    %get3A_3 = vector.shape_cast %get3A_2 : vector<1x10000x128xbf16> to vector<10000x128xbf16>
    %convert_element_type3A = arith.extf %get3A_3 : vector<10000x128xbf16> to vector<10000x128xf32>
    %get3A_4 = arith.constant 1 : index
    %get3A_5 = arith.constant 0 : index
    %get3A_6 = arith.constant 0 : index
    %get3A_7 = vector.load %arg0[%get3A_4, %get3A_5, %get3A_6] : memref<2x10000x128xbf16, #tpu.memory_space<vmem>>, vector<1x10000x128xbf16>
    %get3A_8 = vector.shape_cast %get3A_7 : vector<1x10000x128xbf16> to vector<10000x128xbf16>
    %convert_element_type3A_9 = arith.extf %get3A_8 : vector<10000x128xbf16> to vector<10000x128xf32>
    %add3A = arith.addf %convert_element_type3A, %convert_element_type3A_9 : vector<10000x128xf32>
    %get3A_10 = arith.constant 0 : index
    %get3A_11 = arith.constant 0 : index
    %get3A_12 = vector.load %arg1[%get3A_10, %get3A_11] : memref<10000x1xf32, #tpu.memory_space<vmem>>, vector<10000x1xf32>
    %mul3A = vector.broadcast %get3A_12 : vector<10000x1xf32> to vector<10000x128xf32>
    %mul3A_13 = arith.mulf %add3A, %mul3A : vector<10000x128xf32>
    %get3A_14 = arith.constant 0 : index
    %get3A_15 = arith.constant 0 : index
    %get3A_16 = vector.load %arg3[%get3A_14, %get3A_15] : memref<128x128xf32, #tpu.memory_space<vmem>>, vector<128x128xf32>
    %dot_general3A = arith.constant dense<0.000000e+00> : vector<10000x128xf32>
    %dot_general3A_17 = tpu.matmul %mul3A_13, %get3A_16, %dot_general3A {dimension_numbers = #tpu.dot_dimension_numbers<[1], [0], [0], [1], [0, 0, 1, 1], [], []>, transpose_lhs_hint = false} : vector<10000x128xf32>, vector<128x128xf32>, vector<10000x128xf32> -> vector<10000x128xf32>
    %get3A_18 = arith.constant 0 : index
    %get3A_19 = arith.constant 0 : index
    %get3A_20 = vector.load %arg4[%get3A_18, %get3A_19] : memref<1x128xf32, #tpu.memory_space<vmem>>, vector<1x128xf32>
    %add3A_21 = vector.broadcast %get3A_20 : vector<1x128xf32> to vector<10000x128xf32>
    %add3A_22 = arith.addf %dot_general3A_17, %add3A_21 : vector<10000x128xf32>
    %max3A = arith.constant 0.000000e+00 : f32
    %max3A_23 = vector.broadcast %max3A : f32 to vector<10000x128xf32>
    %max3A_24 = arith.maximumf %add3A_22, %max3A_23 : vector<10000x128xf32>
    %get3A_25 = arith.constant 0 : index
    %get3A_26 = arith.constant 0 : index
    %get3A_27 = vector.load %arg2[%get3A_25, %get3A_26] : memref<10000x1xf32, #tpu.memory_space<vmem>>, vector<10000x1xf32>
    %mul3A_28 = vector.broadcast %get3A_27 : vector<10000x1xf32> to vector<10000x128xf32>
    %mul3A_29 = arith.mulf %max3A_24, %mul3A_28 : vector<10000x128xf32>
    %convert_element_type3A_30 = arith.truncf %mul3A_29 : vector<10000x128xf32> to vector<10000x128xbf16>
    %swap3A = arith.constant 0 : index
    %swap3A_31 = arith.constant 0 : index
    %swap3A_32 = vector.load %arg5[%swap3A, %swap3A_31] : memref<10000x128xbf16, #tpu.memory_space<vmem>>, vector<10000x128xbf16>
    tpu.vector_store %arg5[%swap3A, %swap3A_31], %convert_element_type3A_30 {strides = array<i32>} : memref<10000x128xbf16, #tpu.memory_space<vmem>>, vector<10000x128xbf16>,
    return
  }
}

module attributes {stable_mosaic.version = 14 : i64} {
  func.func @_layer_body(%arg0: memref<2x10000x128xbf16, #tpu.memory_space<vmem>>, %arg1: memref<10000x1xf32, #tpu.memory_space<vmem>>, %arg2: memref<10000x1xf32, #tpu.memory_space<vmem>>, %arg3: memref<128x128xf32, #tpu.memory_space<vmem>>, %arg4: memref<1x128xf32, #tpu.memory_space<vmem>>, %arg5: memref<10000x128xf32, #tpu.memory_space<vmem>>) attributes {dimension_semantics = [], scalar_prefetch = 0 : i64, scratch_operands = 0 : i64, tpu.core_type = #tpu.core_type<tc>} {
    %get3A = arith.constant 0 : index
    %get3A_0 = arith.constant 0 : index
    %get3A_1 = arith.constant 0 : index
    %get3A_2 = vector.load %arg0[%get3A, %get3A_0, %get3A_1] : memref<2x10000x128xbf16, #tpu.memory_space<vmem>>, vector<1x10000x128xbf16>
    %get3A_3 = vector.shape_cast %get3A_2 : vector<1x10000x128xbf16> to vector<10000x128xbf16>
    %convert_element_type3A = arith.extf %get3A_3 : vector<10000x128xbf16> to vector<10000x128xf32>
    %get3A_4 = arith.constant 1 : index
    %get3A_5 = arith.constant 0 : index
    %get3A_6 = arith.constant 0 : index
    %get3A_7 = vector.load %arg0[%get3A_4, %get3A_5, %get3A_6] : memref<2x10000x128xbf16, #tpu.memory_space<vmem>>, vector<1x10000x128xbf16>
    %get3A_8 = vector.shape_cast %get3A_7 : vector<1x10000x128xbf16> to vector<10000x128xbf16>
    %convert_element_type3A_9 = arith.extf %get3A_8 : vector<10000x128xbf16> to vector<10000x128xf32>
    %add3A = arith.addf %convert_element_type3A, %convert_element_type3A_9 : vector<10000x128xf32>
    %get3A_10 = arith.constant 0 : index
    %get3A_11 = arith.constant 0 : index
    %get3A_12 = vector.load %arg1[%get3A_10, %get3A_11] : memref<10000x1xf32, #tpu.memory_space<vmem>>, vector<10000x1xf32>
    %mul3A = vector.broadcast %get3A_12 : vector<10000x1xf32> to vector<10000x128xf32>
    %mul3A_13 = arith.mulf %add3A, %mul3A : vector<10000x128xf32>
    %get3A_14 = arith.constant 0 : index
    %get3A_15 = arith.constant 0 : index
    %get3A_16 = vector.load %arg3[%get3A_14, %get3A_15] : memref<128x128xf32, #tpu.memory_space<vmem>>, vector<128x128xf32>
    %dot_general3A = arith.constant dense<0.000000e+00> : vector<10000x128xf32>
    %dot_general3A_17 = tpu.matmul %mul3A_13, %get3A_16, %dot_general3A {dimension_numbers = #tpu.dot_dimension_numbers<[1], [0], [0], [1], [0, 0, 1, 1], [], []>, transpose_lhs_hint = false} : vector<10000x128xf32>, vector<128x128xf32>, vector<10000x128xf32> -> vector<10000x128xf32>
    %get3A_18 = arith.constant 0 : index
    %get3A_19 = arith.constant 0 : index
    %get3A_20 = vector.load %arg4[%get3A_18, %get3A_19] : memref<1x128xf32, #tpu.memory_space<vmem>>, vector<1x128xf32>
    %add3A_21 = vector.broadcast %get3A_20 : vector<1x128xf32> to vector<10000x128xf32>
    %add3A_22 = arith.addf %dot_general3A_17, %add3A_21 : vector<10000x128xf32>
    %swap3A = arith.constant 0 : index
    %swap3A_23 = arith.constant 0 : index
    %swap3A_24 = vector.load %arg5[%swap3A, %swap3A_23] : memref<10000x128xf32, #tpu.memory_space<vmem>>, vector<10000x128xf32>
    tpu.vector_store %arg5[%swap3A, %swap3A_23], %add3A_22 {strides = array<i32>} : memref<10000x128xf32, #tpu.memory_space<vmem>>, vector<10000x128xf32>,
    return
  }
}

</mosaic_0001>

<sc_bundles>
// kernel: kernel.10.cloned.1.call-start
scs
__scs_entry_jumppad:
0x0: {  	(pc) =	sbr.rel $0x88, $3  }
0x1: {  	(tag) =	ssettag $0x0;
	lr =	simm.s32 $0x1  }
0x2: {  	[smem:$0x3F95] =	sst lr;
	_ =	strace $0xD0000000  }
0x3: {  	_ = 	snop  }
0x4: {  	_ = 	snop  }
0x5: {  	_ = 	snop  }
0x6: {  	_ = 	snop  }
0x7: {  	_ = 	snop  }
__scs_overlays_trampoline_lowered:
0x8: {  	[smem:$0x3FA4] =	sst s0  }
0x9: {  	[smem:$0x3FA5] =	sst s1  }
0xa: {  	[smem:$0x3FA6] =	sst s2  }
0xb: {  	[smem:$0x3FA7] =	sst s3  }
0xc: {  	[smem:$0x3FA8] =	sst s4  }
0xd: {  	[smem:$0x3FA9] =	sst s5  }
0xe: {  	[smem:$0x3FAA] =	sst s6  }
0xf: {  	[smem:$0x3FAB] =	sst s7  }
0x10: {  	[smem:$0x3FAC] =	sst s8  }
0x11: {  	[smem:$0x3FAD] =	sst s9;
	s0 =	simm.s32 @!p0 $0x0  }
0x12: {  	s1 =	sld [smem:$0x3F93];
	s0 =	simm.s32 @p0 $0x1  }
0x13: {  	[smem:$0x3FAE] =	sst s0;
	s0 =	simm.s32 @!p1 $0x0  }
0x14: {  	s2 =	sld [smem:$0x3F92];
	s0 =	simm.s32 @p1 $0x1  }
0x15: {  	[smem:$0x3FAF] =	sst s0;
	s0 =	simm.s32 @!p2 $0x0  }
0x16: {  	s3 =	sld [smem:$0x3FDB];
	s0 =	simm.s32 @p2 $0x1  }
0x17: {  	s4 =	simm.s32 $0x1BF5;
	[smem:$0x3FB1] =	sst s0  }
0x18: {  	s0 =	sld [smem:$0x3F94];
	_ =	swait.ge [sflag:s4], $0x0  }
0x19: {  	s7 =	sld [smem:$0x3F95]  }
0x1a: {  	s8 =	sadd.s32 $0xFFFFE003, lr  }
0x1b: {  	s9 =	sadd.s32 $0xFFFFFEF7, lr;
	s5 =	simm.s32 $0xFFFFFFFF;
	p2 =	slt.u32 s8, $0xFFFFF086  }
0x1c: {  	p1 =	slt.u32 s9, $0xF7A;
	s5 =	simm.s32 @!p2 $0x0  }
0x1d: {  	s5 =	simm.s32 @p1 $0x1;
	p0 =	seq.s32 s7, s2  }
0x1e: {  	s7 =	smul.u32 @!p0 $0xF7A, s2;
	p2 =	seq.s32 @!p0 s5, $0x0  }
0x1f: {  	s9 =	smul.u32 $0xF7A, s1;
	s8 =	simm.s32 @!p0 $0x1BF5;
	p2 =	por !p2, p0  }
0x20: {  	[sflag:s8] =	ssyncset.s32 @!p0 $0xFFFFF086;
	s6 =	sadd.s32 @!p0 s3, s7;
	s7 =	simm.s32 @!p0 $0x108  }
0x21: {  	s3 =	sadd.s32 s3, s9;
	s6 =	sadd.s32 @!p0 $0x88, s6;
	s7 =	simm.s32 @p2 $0x1082  }
0x22: {  	[simem:s7], [sflag:s8] =	dma.local @!p0 [hbm:s6], $0xF7A  }
0x23: {  	s9 =	sor.u32 $0xD0000000, s2;
	s6 =	simm.s32 $0x108;
	_ =	swait.ge @!p0 [sflag:s8], $0x0  }
0x24: {  	s3 =	sadd.s32 $0x88, s3;
	s6 =	simm.s32 @!p1 $0x1082;
	[sflag:s4] =	ssyncset.s32 $0xFFFFF086  }
0x25: {  	[simem:s6], [sflag:s4] =	dma.local [hbm:s3], $0xF7A  }
0x26: {  	[smem:$0x3F95] =	sst s1;
	(tag) =	ssettag s2;
	_ =	strace s9  }
0x27: {  	s1 =	sld [smem:$0x3FA5]  }
0x28: {  	s2 =	sld [smem:$0x3FA6]  }
0x29: {  	s4 =	sld [smem:$0x3FA8]  }
0x2a: {  	p0 =	seq.s32 s5, $0x0;
	s5 =	sld [smem:$0x3FA9]  }
0x2b: {  	s6 =	sld [smem:$0x3FAA]  }
0x2c: {  	s7 =	sld [smem:$0x3FAB]  }
0x2d: {  	s3 =	simm.s32 $0x108;
	s8 =	sld [smem:$0x3FAC]  }
0x2e: {  	s3 =	simm.s32 @!p0 $0x1082;
	s9 =	sld [smem:$0x3FAD]  }
0x2f: {  	lr =	sadd.s32 s0, s3;
	s0 =	sld [smem:$0x3FA4]  }
0x30: {  	s3 =	sld [smem:$0x3FA7]  }
0x31: {  	[smem:$0x3FB0] =	sst s10  }
0x32: {  	s10 =	sld [smem:$0x3FAE];
	_ =	sdelay $0x3  }
0x33: {  	p0 =	seq.s32 s10, $0x1;
	s10 =	sld [smem:$0x3FB0];
	_ =	sdelay $0x3  }
0x34: {  	[smem:$0x3FB0] =	sst s10  }
0x35: {  	s10 =	sld [smem:$0x3FAF];
	_ =	sdelay $0x3  }
0x36: {  	p1 =	seq.s32 s10, $0x1;
	s10 =	sld [smem:$0x3FB0];
	_ =	sdelay $0x3  }
0x37: {  	[smem:$0x3FB0] =	sst s10  }
0x38: {  	s10 =	sld [smem:$0x3FB1]  }
0x39: {  	_ = 	snop;
	(pc) =	sbr.ind lr, $3  }
0x3a: {  	_ = 	snop  }
0x3b: {  	_ = 	snop  }
0x3c: {  	p2 =	seq.s32 s10, $0x1;
	s10 =	sld [smem:$0x3FB0]  }
0x3d: {  	_ =	shalt  }
0x3e: {  	_ =	shalt  }
0x3f: {  	_ =	shalt  }
0x40: {  	_ =	shalt  }
0x41: {  	_ =	shalt  }
0x42: {  	_ =	shalt  }
0x43: {  	_ =	shalt  }
0x44: {  	_ =	shalt  }
0x45: {  	_ =	shalt  }
0x46: {  	_ =	shalt  }
0x47: {  	_ =	shalt  }
0x48: {  	_ =	shalt  }
0x49: {  	_ =	shalt  }
0x4a: {  	_ =	shalt  }
0x4b: {  	_ =	shalt  }
0x4c: {  	_ =	shalt  }
0x4d: {  	_ =	shalt  }
0x4e: {  	_ =	shalt  }
0x4f: {  	_ =	shalt  }
0x50: {  	_ =	shalt  }
0x51: {  	_ =	shalt  }
0x52: {  	_ =	shalt  }
0x53: {  	_ =	shalt  }
0x54: {  	_ =	shalt  }
0x55: {  	_ =	shalt  }
0x56: {  	_ =	shalt  }
0x57: {  	_ =	shalt  }
0x58: {  	_ =	shalt  }
0x59: {  	_ =	shalt  }
0x5a: {  	_ =	shalt  }
0x5b: {  	_ =	shalt  }
0x5c: {  	_ =	shalt  }
0x5d: {  	_ =	shalt  }
0x5e: {  	_ =	shalt  }
0x5f: {  	_ =	shalt  }
0x60: {  	_ =	shalt  }
0x61: {  	_ =	shalt  }
0x62: {  	_ =	shalt  }
0x63: {  	_ =	shalt  }
0x64: {  	_ =	shalt  }
0x65: {  	_ =	shalt  }
0x66: {  	_ =	shalt  }
0x67: {  	_ =	shalt  }
0x68: {  	_ =	shalt  }
0x69: {  	_ =	shalt  }
0x6a: {  	_ =	shalt  }
0x6b: {  	_ =	shalt  }
0x6c: {  	_ =	shalt  }
0x6d: {  	_ =	shalt  }
0x6e: {  	_ =	shalt  }
0x6f: {  	_ =	shalt  }
0x70: {  	_ =	shalt  }
0x71: {  	_ =	shalt  }
0x72: {  	_ =	shalt  }
0x73: {  	_ =	shalt  }
0x74: {  	_ =	shalt  }
0x75: {  	_ =	shalt  }
0x76: {  	_ =	shalt  }
0x77: {  	_ =	shalt  }
0x78: {  	_ =	shalt  }
0x79: {  	_ =	shalt  }
0x7a: {  	_ =	shalt  }
0x7b: {  	_ =	shalt  }
0x7c: {  	_ =	shalt  }
0x7d: {  	_ =	shalt  }
0x7e: {  	_ =	shalt  }
0x7f: {  	_ =	shalt  }
0x80: {  	_ =	shalt  }
0x81: {  	_ =	shalt  }
0x82: {  	_ =	shalt  }
0x83: {  	_ =	shalt  }
0x84: {  	_ =	shalt  }
0x85: {  	_ =	shalt  }
0x86: {  	_ =	shalt  }
0x87: {  	_ =	shalt  }
.Lfunc_end0:
.L_simem_size_0:
called_computation_lowered:
.L_overlay_start_0:
0x88: {  	s2 =	sld [smem:$0x3FD9]  }
0x89: {  	s3 =	sld [smem:$0x3FFE];
	_ =	sdelay $0x1  }
0x8a: {  	s1 =	srdreg.scid  }
0x8b: {  	s0 =	sand.u32 $0x1, s1  }
0x8c: {  	s17 =	sshll.u32 s0, $0xA;
	s2 =	sadd.s32 s3, s2  }
0x8d: {  	s2 =	sadd.s32 s2, s17  }
0x8e: {  	[smem:$0x3FBC] =	sst s2  }
0x8f: {  	_ = 	snop  }
0x90: {  	s2 =	sld [smem:$0x3FD0];
	(tm) =	ssettm $0x1  }
0x91: {  	s18 =	sld [smem:$0x3FFB];
	_ =	sdelay $0x3  }
0x92: {  	_ =	strace s18  }
0x93: {  	s3 =	sld [smem:$0x3FFC];
	_ =	sdelay $0x3  }
0x94: {  	_ =	strace s3  }
0x95: {  	s3 =	sld [smem:$0x3FFD];
	_ =	sdelay $0x3  }
0x96: {  	_ =	strace s3  }
0x97: {  	_ =	strace $0x8FFFFFFF  }
0x98: {  	s19 =	sld [smem:$0x3FDB];
	_ =	sdelay $0x1  }
0x99: {  	s4 =	simm.s32 $_scs_section_size  }
0x9a: {  	s5 =	simm.s32 $_size__tile_overlayer_lowered;
	s6 =	simm.s32 $_tile_overlayer_lowered  }
0x9b: {  	s22 =	simm.s32 $0x1BFF;
	s21 =	sshll.u32 s6, $0x1;
	s3 =	sadd.s32 s4, s19  }
0x9c: {  	s7 =	simm.s32 $0x0;
	s20 =	sshll.u32 s5, $0x1;
	s5 =	sadd.s32 s21, s3  }
0x9d: {  	[timem:s7], [sflag:s22] =	dma.local [hbm:s5], s20  }
0x9e: {  	_ =	swait.ge [sflag:s22], s20  }
0x9f: {  	s4 =	ssub.s32 $0x0, s20;
	[sflag:s22] =	ssyncset.done $0x0  }
0xa0: {  	[sflag:s22] =	ssyncadd.s32 s4;
	_ =	sdelay $0x1  }
0xa1: {  	s23 =	simm.s32 $0x1B8B  }
0xa2: {  	_ =	swait.ge [sflag:s23], $0x1  }
0xa3: {  	[sflag:s23] =	ssyncset.done $0x0  }
0xa4: {  	s25 =	simm.s32 $0x1B8E;
	s24 =	sld [smem:$0x3FFE];
	[sflag:s23] =	ssyncadd.s32 $0xFFFFFFFF  }
0xa5: {  	s26 =	simm.s32 $execute0_lowered;
	[smem:$0x3FD2] =	sst s25  }
0xa6: {  	s5 =	sshll.u32 s26, $0x1;
	_ =	strace $0x80000046;
	[dreg:$0x1] =	wrdreg $0xFFFFFFFF  }
0xa7: {  	s28 =	simm.s32 $_size_execute0_lowered;
	s3 =	sadd.s32 s3, s5;
	[dreg:$0x0] =	wrdreg $0x0  }
0xa8: {  	s5 =	sshll.u32 s28, $0x1;
	[dreg:$0x2] =	wrdreg s3  }
0xa9: {  	[dreg:$0x3] =	wrdreg s5  }
0xaa: {  	[dreg:$0x4] =	wrdreg $0xC0  }
0xab: {  	_ =	task [dreg:s7], $0x5FFFF  }
0xac: {  	[dreg:$0x1] =	wrdreg $0xFFFFFFFF  }
0xad: {  	[dreg:$0x0] =	wrdreg $0x60  }
0xae: {  	[dreg:$0x2] =	wrdreg s24  }
0xaf: {  	[dreg:$0x3] =	wrdreg s2  }
0xb0: {  	[dreg:$0x4] =	wrdreg $0x9  }
0xb1: {  	_ =	task.clear_ibuf [dreg:s7], $0x5FFFF;
	_ =	strace $0x90000046  }
0xb2: {  	s29 =	simm.s32 $0x9;
	_ =	strace $0x80000048  }
0xb3: {  	_ =	swait.ge [sflag:s29], $0x1  }
0xb4: {  	[sflag:s29] =	ssyncadd.s32 $0xFFFFFFFF  }
0xb5: {  	_ =	strace $0x90000048  }
0xb6: {  	_ =	sfence  }
0xb7: {  	s30 =	sld [smem:$0x0];
	_ =	sdelay $0x2  }
0xb8: {  	s31 =	sshll.u32 s1, $0xD;
	s1 =	sshrl.u32 s1, $0x2  }
0xb9: {  	s3 =	sand.u32 $0x4000, s31;
	s1 =	sadd.s32 s1, s30  }
0xba: {  	s0 =	sor.u32 s3, s0;
	s1 =	sshll.u32 s1, $0x11  }
0xbb: {  	s0 =	sor.u32 s1, s0  }
0xbc: {  	s0 =	sadd.s32 $0x8F2B, s0  }
0xbd: {  	[sflag:s0] =	ssyncadd.remote.s32 $0x1  }
0xbe: {  	_ =	sfence.sel $0xFFFF  }
0xbf: {  	[dreg:$0x0] =	wrdreg $0xFFFFFFFF;
	(pc) =	sbr.abs _section_cstart, $3  }
0xc0: {  	[dreg:$0x1] =	wrdreg $0xFFFFFFFF  }
0xc1: {  	_ =	task.clear_ibuf [dreg:s7], $0x2FFFF;
	_ =	strace $0x9FFFFFFF  }
0xc2: {  	(tm) =	ssettm $0x7FFFFFFF  }
0xc3: {  	_ =	shalt  }
tec
execute0_lowered:
.L_overlay_start_1:
0x0: {  	(tag) =	ssettag $0x1  }
0x1: {  	s1 =	srdreg.scid;
	s4 =	rddreg [dreg:$0x0]  }
0x2: {  	s0 =	stileid.u32;
	s5 =	rddreg [dreg:$0x1];
	s2 =	simm.s32 $0x0  }
0x3: {  	s9 =	simm.s32 $0x2710;
	s3 =	sand.u32 $0x1, s1;
	s30 =	sshll.u32 s0, $0x1  }
0x4: {  	s10 =	simm.s32 $0x4E20;
	s11 =	simm.s32 $0x7530;
	s1 =	sor.u32 s3, s30  }
0x5: {  	[smem:$0x7FF] =	sst s2;
	s3 =	ssub.s32 $0x2, s3;
	s6 =	smul.u32 $0x4E2, s1  }
0x6: {  	s12 =	simm.s32 $0x0;
	s1 =	rddreg [dreg:$0x2];
	s31 =	sshrl.u32 s3, $0x1  }
0x7: {  	_ =	strace $0x80000047;
	s8 =	ssub.s32 s3, s31;
	s7 =	sadd.s32 s6, s4  }
0x8: {  	s4 =	sadd.s32 s5, s6;
	s3 =	sadd.s32 $0x3400, s7;
	s5 =	sadd.s32 $0xD200, s7  }
0x9: {  	v0 =	vimm.f32 $0.0e+00;
	v1 =	vimm.f32 $1.000000000e+00;
	s6 =	sadd.s32 $0x17000, s7;
	s7 =	smax.u32 s8, $0x1;
	s8 =	simm.s32 $0x1  }
.LBB2_1:
0xa: {  	[tilespmem:s2], [sflag:$0x1] =	stream.linear.gather [hbm4b:s3+s2], $0x2710, $0x38;
	[tilespmem:$0x9C40] =	vst v63  }
0xb: {  	_ =	swait.ge [sflag:s8], $0x2710  }
0xc: {  	[sflag:s8] =	ssyncset.done $0x0  }
0xd: {  	[sflag:s8] =	ssyncadd.s32 $0xFFFFD8F0  }
0xe: {  	[tilespmem:s9], [sflag:$0x1] =	stream.linear.gather [hbm4b:s4+s2], $0x2710, $0x38;
	[tilespmem:$0x9C40] =	vst v63  }
0xf: {  	_ =	swait.ge [sflag:s8], $0x2710  }
0x10: {  	[sflag:s8] =	ssyncset.done $0x0  }
0x11: {  	s13 =	simm.s32 $0x0;
	[sflag:s8] =	ssyncadd.s32 $0xFFFFD8F0  }
.LBB2_2:
0x12: {  	p0 =	sne.s32 s13, $0x9C00  }
.Ltmp0:
0x13: {  	_ = 	snop;
	(pc) =	sbr.rel @p0 .LBB2_2-.Ltmp0, $4  }
0x14: {  	_ = 	snop  }
0x15: {  	s14 =	sshra.s32 s13, $0x2  }
0x16: {  	[tilespmem:s14+$0x4E20] =	vst v0  }
0x17: {  	s13 =	sadd.s32 $0x40, s13;
	[tilespmem:s14+$0x7530] =	vst v0  }
0x18: {  	s14 =	simm.s32 $0x0;
	s13 =	simm.s32 $0x40  }
.LBB2_4:
0x19: {  	p0 =	sne.s32 s13, $0x9C00;
	v2 =	vld [tilespmem:s14+$0x0];
	_ =	sdelay $0x7  }
0x1a: {  	[tilespmem:v2+s10+$0x0] =	vst.idx.add.f32.msk $0xffff, v1  }
0x1b: {  	v2 =	vld [tilespmem:s14+$0x2710];
	_ =	sdelay $0x3  }
.Ltmp1:
0x1c: {  	(pc) =	sbr.rel @p0 .LBB2_4-.Ltmp1, $2  }
0x1d: {  	_ =	sdelay $0x2  }
0x1e: {  	s14 =	sshra.s32 s13, $0x2;
	s13 =	sadd.s32 $0x40, s13;
	[tilespmem:v2+s11+$0x0] =	vst.idx.add.f32.msk $0xffff, v1  }
0x1f: {  	v2 =	vld [tilespmem:s14+$0x0];
	_ =	sdelay $0x7  }
0x20: {  	[tilespmem:v2+s10+$0x0] =	vst.idx.add.f32.msk $0xffff, v1  }
0x21: {  	v2 =	vld [tilespmem:s14+$0x2710];
	_ =	sdelay $0x7  }
0x22: {  	[tilespmem:v2+s11+$0x0] =	vst.idx.add.f32.msk $0xffff, v1  }
0x23: {  	[hbm4b:s5+s2] =	stream.linear.scatter [tilespmem:s10], [sflag:$0x1], $0x2710, $0x38;
	[tilespmem:$0x9C40] =	vst v63  }
0x24: {  	s12 =	sadd.s32 $0x1, s12;
	_ =	swait.ge [sflag:s8], $0x2710  }
0x25: {  	p0 =	sne.s32 s12, s7;
	[sflag:s8] =	ssyncset.done $0x0  }
.Ltmp2:
0x26: {  	[sflag:s8] =	ssyncadd.s32 $0xFFFFD8F0;
	(pc) =	sbr.rel @p0 .LBB2_1-.Ltmp2, $4  }
0x27: {  	[hbm4b:s6+s2] =	stream.linear.scatter [tilespmem:s11], [sflag:$0x1], $0x2710, $0x38;
	[tilespmem:$0x9C40] =	vst v63  }
0x28: {  	_ =	swait.ge [sflag:s8], $0x2710  }
0x29: {  	[sflag:s8] =	ssyncset.done $0x0  }
0x2a: {  	[sflag:s8] =	ssyncadd.s32 $0xFFFFD8F0  }
0x2b: {  	_ =	sfence.sel $0x180000  }
0x2c: {  	[bflag:$0x0] =	sbarrier.arrive $0xFFFF  }
0x2d: {  	p0 =	sne.s32 s0, $0x0;
	_ =	strace $0x90000047  }
0x2e: {  	s0 =	sadd.s32 @!p0 $0x100000, s1;
	[bflag:$0x2] =	sbarrier.arrive $0xFFFF  }
0x2f: {  	[sflag:s0] =	ssyncadd.tile.s32 @!p0 $0x1;
	_ =	shalt  }
.Lfunc_end2:
_tile_overlayer_lowered:
.L_overlay_start_2:
0x30: {  	(tag) =	ssettag $0x2  }
0x31: {  	s0 =	rddreg [dreg:$0x0];
	s2 =	stileid.u32  }
0x32: {  	s1 =	rddreg [dreg:$0x1];
	p0 =	sne.s32 s2, $0x0  }
0x33: {  	s3 =	rddreg [dreg:$0x2];
	[bflag:$0x3] =	sbarrier.arrive $0xFFFF;
	s2 =	simm.s32 @!p0 $0x1C01  }
0x34: {  	[timem:s3], [sflag:s2] =	dma.local @!p0 [hbm:s0], s1  }
0x35: {  	s0 =	simm.s32 @!p0 $0x1  }
0x36: {  	_ =	swait.ge @!p0 [sflag:s0], s1  }
0x37: {  	s1 =	ssub.s32 @!p0 $0x0, s1;
	[sflag:s0] =	ssyncset.done @!p0 $0x0  }
0x38: {  	[sflag:s0] =	ssyncadd.s32 @!p0 s1  }
0x39: {  	[bflag:$0x3] =	sbarrier.arrive $0xFFFF  }
0x3a: {  	_ =	shalt  }

// kernel: kernel.13.cloned.1.call-start
scs
__scs_entry_jumppad:
0x0: {  	(pc) =	sbr.rel $0x88, $3  }
0x1: {  	(tag) =	ssettag $0x0;
	lr =	simm.s32 $0x1  }
0x2: {  	[smem:$0x3F95] =	sst lr;
	_ =	strace $0xD0000000  }
0x3: {  	_ = 	snop  }
0x4: {  	_ = 	snop  }
0x5: {  	_ = 	snop  }
0x6: {  	_ = 	snop  }
0x7: {  	_ = 	snop  }
__scs_overlays_trampoline_lowered:
0x8: {  	[smem:$0x3FA4] =	sst s0  }
0x9: {  	[smem:$0x3FA5] =	sst s1  }
0xa: {  	[smem:$0x3FA6] =	sst s2  }
0xb: {  	[smem:$0x3FA7] =	sst s3  }
0xc: {  	[smem:$0x3FA8] =	sst s4  }
0xd: {  	[smem:$0x3FA9] =	sst s5  }
0xe: {  	[smem:$0x3FAA] =	sst s6  }
0xf: {  	[smem:$0x3FAB] =	sst s7  }
0x10: {  	[smem:$0x3FAC] =	sst s8  }
0x11: {  	[smem:$0x3FAD] =	sst s9;
	s0 =	simm.s32 @!p0 $0x0  }
0x12: {  	s1 =	sld [smem:$0x3F93];
	s0 =	simm.s32 @p0 $0x1  }
0x13: {  	[smem:$0x3FAE] =	sst s0;
	s0 =	simm.s32 @!p1 $0x0  }
0x14: {  	s2 =	sld [smem:$0x3F92];
	s0 =	simm.s32 @p1 $0x1  }
0x15: {  	[smem:$0x3FAF] =	sst s0;
	s0 =	simm.s32 @!p2 $0x0  }
0x16: {  	s3 =	sld [smem:$0x3FDB];
	s0 =	simm.s32 @p2 $0x1  }
0x17: {  	s4 =	simm.s32 $0x1BF5;
	[smem:$0x3FB1] =	sst s0  }
0x18: {  	s0 =	sld [smem:$0x3F94];
	_ =	swait.ge [sflag:s4], $0x0  }
0x19: {  	s7 =	sld [smem:$0x3F95]  }
0x1a: {  	s8 =	sadd.s32 $0xFFFFE003, lr  }
0x1b: {  	s9 =	sadd.s32 $0xFFFFFEF7, lr;
	s5 =	simm.s32 $0xFFFFFFFF;
	p2 =	slt.u32 s8, $0xFFFFF086  }
0x1c: {  	p1 =	slt.u32 s9, $0xF7A;
	s5 =	simm.s32 @!p2 $0x0  }
0x1d: {  	s5 =	simm.s32 @p1 $0x1;
	p0 =	seq.s32 s7, s2  }
0x1e: {  	s7 =	smul.u32 @!p0 $0xF7A, s2;
	p2 =	seq.s32 @!p0 s5, $0x0  }
0x1f: {  	s9 =	smul.u32 $0xF7A, s1;
	s8 =	simm.s32 @!p0 $0x1BF5;
	p2 =	por !p2, p0  }
0x20: {  	[sflag:s8] =	ssyncset.s32 @!p0 $0xFFFFF086;
	s6 =	sadd.s32 @!p0 s3, s7;
	s7 =	simm.s32 @!p0 $0x108  }
0x21: {  	s3 =	sadd.s32 s3, s9;
	s6 =	sadd.s32 @!p0 $0x88, s6;
	s7 =	simm.s32 @p2 $0x1082  }
0x22: {  	[simem:s7], [sflag:s8] =	dma.local @!p0 [hbm:s6], $0xF7A  }
0x23: {  	s9 =	sor.u32 $0xD0000000, s2;
	s6 =	simm.s32 $0x108;
	_ =	swait.ge @!p0 [sflag:s8], $0x0  }
0x24: {  	s3 =	sadd.s32 $0x88, s3;
	s6 =	simm.s32 @!p1 $0x1082;
	[sflag:s4] =	ssyncset.s32 $0xFFFFF086  }
0x25: {  	[simem:s6], [sflag:s4] =	dma.local [hbm:s3], $0xF7A  }
0x26: {  	[smem:$0x3F95] =	sst s1;
	(tag) =	ssettag s2;
	_ =	strace s9  }
0x27: {  	s1 =	sld [smem:$0x3FA5]  }
0x28: {  	s2 =	sld [smem:$0x3FA6]  }
0x29: {  	s4 =	sld [smem:$0x3FA8]  }
0x2a: {  	p0 =	seq.s32 s5, $0x0;
	s5 =	sld [smem:$0x3FA9]  }
0x2b: {  	s6 =	sld [smem:$0x3FAA]  }
0x2c: {  	s7 =	sld [smem:$0x3FAB]  }
0x2d: {  	s3 =	simm.s32 $0x108;
	s8 =	sld [smem:$0x3FAC]  }
0x2e: {  	s3 =	simm.s32 @!p0 $0x1082;
	s9 =	sld [smem:$0x3FAD]  }
0x2f: {  	lr =	sadd.s32 s0, s3;
	s0 =	sld [smem:$0x3FA4]  }
0x30: {  	s3 =	sld [smem:$0x3FA7]  }
0x31: {  	[smem:$0x3FB0] =	sst s10  }
0x32: {  	s10 =	sld [smem:$0x3FAE];
	_ =	sdelay $0x3  }
0x33: {  	p0 =	seq.s32 s10, $0x1;
	s10 =	sld [smem:$0x3FB0];
	_ =	sdelay $0x3  }
0x34: {  	[smem:$0x3FB0] =	sst s10  }
0x35: {  	s10 =	sld [smem:$0x3FAF];
	_ =	sdelay $0x3  }
0x36: {  	p1 =	seq.s32 s10, $0x1;
	s10 =	sld [smem:$0x3FB0];
	_ =	sdelay $0x3  }
0x37: {  	[smem:$0x3FB0] =	sst s10  }
0x38: {  	s10 =	sld [smem:$0x3FB1]  }
0x39: {  	_ = 	snop;
	(pc) =	sbr.ind lr, $3  }
0x3a: {  	_ = 	snop  }
0x3b: {  	_ = 	snop  }
0x3c: {  	p2 =	seq.s32 s10, $0x1;
	s10 =	sld [smem:$0x3FB0]  }
0x3d: {  	_ =	shalt  }
0x3e: {  	_ =	shalt  }
0x3f: {  	_ =	shalt  }
0x40: {  	_ =	shalt  }
0x41: {  	_ =	shalt  }
0x42: {  	_ =	shalt  }
0x43: {  	_ =	shalt  }
0x44: {  	_ =	shalt  }
0x45: {  	_ =	shalt  }
0x46: {  	_ =	shalt  }
0x47: {  	_ =	shalt  }
0x48: {  	_ =	shalt  }
0x49: {  	_ =	shalt  }
0x4a: {  	_ =	shalt  }
0x4b: {  	_ =	shalt  }
0x4c: {  	_ =	shalt  }
0x4d: {  	_ =	shalt  }
0x4e: {  	_ =	shalt  }
0x4f: {  	_ =	shalt  }
0x50: {  	_ =	shalt  }
0x51: {  	_ =	shalt  }
0x52: {  	_ =	shalt  }
0x53: {  	_ =	shalt  }
0x54: {  	_ =	shalt  }
0x55: {  	_ =	shalt  }
0x56: {  	_ =	shalt  }
0x57: {  	_ =	shalt  }
0x58: {  	_ =	shalt  }
0x59: {  	_ =	shalt  }
0x5a: {  	_ =	shalt  }
0x5b: {  	_ =	shalt  }
0x5c: {  	_ =	shalt  }
0x5d: {  	_ =	shalt  }
0x5e: {  	_ =	shalt  }
0x5f: {  	_ =	shalt  }
0x60: {  	_ =	shalt  }
0x61: {  	_ =	shalt  }
0x62: {  	_ =	shalt  }
0x63: {  	_ =	shalt  }
0x64: {  	_ =	shalt  }
0x65: {  	_ =	shalt  }
0x66: {  	_ =	shalt  }
0x67: {  	_ =	shalt  }
0x68: {  	_ =	shalt  }
0x69: {  	_ =	shalt  }
0x6a: {  	_ =	shalt  }
0x6b: {  	_ =	shalt  }
0x6c: {  	_ =	shalt  }
0x6d: {  	_ =	shalt  }
0x6e: {  	_ =	shalt  }
0x6f: {  	_ =	shalt  }
0x70: {  	_ =	shalt  }
0x71: {  	_ =	shalt  }
0x72: {  	_ =	shalt  }
0x73: {  	_ =	shalt  }
0x74: {  	_ =	shalt  }
0x75: {  	_ =	shalt  }
0x76: {  	_ =	shalt  }
0x77: {  	_ =	shalt  }
0x78: {  	_ =	shalt  }
0x79: {  	_ =	shalt  }
0x7a: {  	_ =	shalt  }
0x7b: {  	_ =	shalt  }
0x7c: {  	_ =	shalt  }
0x7d: {  	_ =	shalt  }
0x7e: {  	_ =	shalt  }
0x7f: {  	_ =	shalt  }
0x80: {  	_ =	shalt  }
0x81: {  	_ =	shalt  }
0x82: {  	_ =	shalt  }
0x83: {  	_ =	shalt  }
0x84: {  	_ =	shalt  }
0x85: {  	_ =	shalt  }
0x86: {  	_ =	shalt  }
0x87: {  	_ =	shalt  }
.Lfunc_end0:
.L_simem_size_0:
called_computation.1_lowered:
.L_overlay_start_0:
0x88: {  	s2 =	sld [smem:$0x3FD9]  }
0x89: {  	s3 =	sld [smem:$0x3FFE];
	_ =	sdelay $0x1  }
0x8a: {  	s1 =	srdreg.scid  }
0x8b: {  	s0 =	sand.u32 $0x1, s1  }
0x8c: {  	s17 =	sshll.u32 s0, $0xA;
	s2 =	sadd.s32 s3, s2  }
0x8d: {  	s2 =	sadd.s32 s2, s17  }
0x8e: {  	[smem:$0x3FBC] =	sst s2  }
0x8f: {  	_ = 	snop  }
0x90: {  	s2 =	sld [smem:$0x3FD0];
	(tm) =	ssettm $0x1  }
0x91: {  	s18 =	sld [smem:$0x3FFB];
	_ =	sdelay $0x3  }
0x92: {  	_ =	strace s18  }
0x93: {  	s3 =	sld [smem:$0x3FFC];
	_ =	sdelay $0x3  }
0x94: {  	_ =	strace s3  }
0x95: {  	s3 =	sld [smem:$0x3FFD];
	_ =	sdelay $0x3  }
0x96: {  	_ =	strace s3  }
0x97: {  	_ =	strace $0x8FFFFFFF  }
0x98: {  	s19 =	sld [smem:$0x3FDB];
	_ =	sdelay $0x1  }
0x99: {  	s4 =	simm.s32 $_scs_section_size  }
0x9a: {  	s5 =	simm.s32 $_size__tile_overlayer_lowered;
	s6 =	simm.s32 $_tile_overlayer_lowered  }
0x9b: {  	s22 =	simm.s32 $0x1BFF;
	s21 =	sshll.u32 s6, $0x1;
	s3 =	sadd.s32 s4, s19  }
0x9c: {  	s7 =	simm.s32 $0x0;
	s20 =	sshll.u32 s5, $0x1;
	s5 =	sadd.s32 s21, s3  }
0x9d: {  	[timem:s7], [sflag:s22] =	dma.local [hbm:s5], s20  }
0x9e: {  	_ =	swait.ge [sflag:s22], s20  }
0x9f: {  	s4 =	ssub.s32 $0x0, s20;
	[sflag:s22] =	ssyncset.done $0x0  }
0xa0: {  	[sflag:s22] =	ssyncadd.s32 s4;
	_ =	sdelay $0x1  }
0xa1: {  	s23 =	simm.s32 $0x1B8B  }
0xa2: {  	_ =	swait.ge [sflag:s23], $0x1  }
0xa3: {  	[sflag:s23] =	ssyncset.done $0x0  }
0xa4: {  	s25 =	simm.s32 $0x1B8E;
	s24 =	sld [smem:$0x3FFE];
	[sflag:s23] =	ssyncadd.s32 $0xFFFFFFFF  }
0xa5: {  	s26 =	simm.s32 $execute0_lowered;
	[smem:$0x3FD2] =	sst s25  }
0xa6: {  	s5 =	sshll.u32 s26, $0x1;
	_ =	strace $0x80000049;
	[dreg:$0x1] =	wrdreg $0xFFFFFFFF  }
0xa7: {  	s28 =	simm.s32 $_size_execute0_lowered;
	s3 =	sadd.s32 s3, s5;
	[dreg:$0x0] =	wrdreg $0x0  }
0xa8: {  	s5 =	sshll.u32 s28, $0x1;
	[dreg:$0x2] =	wrdreg s3  }
0xa9: {  	[dreg:$0x3] =	wrdreg s5  }
0xaa: {  	[dreg:$0x4] =	wrdreg $0xC0  }
0xab: {  	_ =	task [dreg:s7], $0x5FFFF  }
0xac: {  	[dreg:$0x1] =	wrdreg $0xFFFFFFFF  }
0xad: {  	[dreg:$0x0] =	wrdreg $0x60  }
0xae: {  	[dreg:$0x2] =	wrdreg s24  }
0xaf: {  	[dreg:$0x3] =	wrdreg s2  }
0xb0: {  	[dreg:$0x4] =	wrdreg $0xE8500  }
0xb1: {  	[dreg:$0x5] =	wrdreg $0x9  }
0xb2: {  	_ =	task.clear_ibuf [dreg:s7], $0x6FFFF;
	_ =	strace $0x90000049  }
0xb3: {  	s29 =	simm.s32 $0x9;
	_ =	strace $0x8000004B  }
0xb4: {  	_ =	swait.ge [sflag:s29], $0x1  }
0xb5: {  	[sflag:s29] =	ssyncadd.s32 $0xFFFFFFFF  }
0xb6: {  	_ =	strace $0x9000004B  }
0xb7: {  	_ =	sfence  }
0xb8: {  	s30 =	sld [smem:$0x0];
	_ =	sdelay $0x2  }
0xb9: {  	s31 =	sshll.u32 s1, $0xD;
	s1 =	sshrl.u32 s1, $0x2  }
0xba: {  	s3 =	sand.u32 $0x4000, s31;
	s1 =	sadd.s32 s1, s30  }
0xbb: {  	s0 =	sor.u32 s3, s0;
	s1 =	sshll.u32 s1, $0x11  }
0xbc: {  	s0 =	sor.u32 s1, s0  }
0xbd: {  	s0 =	sadd.s32 $0x8F2B, s0  }
0xbe: {  	[sflag:s0] =	ssyncadd.remote.s32 $0x1  }
0xbf: {  	_ =	sfence.sel $0xFFFF  }
0xc0: {  	[dreg:$0x0] =	wrdreg $0xFFFFFFFF;
	(pc) =	sbr.abs _section_cstart, $3  }
0xc1: {  	[dreg:$0x1] =	wrdreg $0xFFFFFFFF  }
0xc2: {  	_ =	task.clear_ibuf [dreg:s7], $0x2FFFF;
	_ =	strace $0x9FFFFFFF  }
0xc3: {  	(tm) =	ssettm $0x7FFFFFFF  }
tec
execute0_lowered:
.L_overlay_start_1:
0x0: {  	(tag) =	ssettag $0x1  }
0x1: {  	s0 =	srdreg.scid;
	s2 =	rddreg [dreg:$0x0]  }
0x2: {  	s18 =	stileid.u32;
	s4 =	rddreg [dreg:$0x1];
	s1 =	simm.s32 $0x0  }
0x3: {  	s3 =	sand.u32 $0x1, s0;
	s19 =	sshll.u32 s18, $0x1;
	s8 =	smul.u32 $0x13880, s18  }
0x4: {  	[smem:$0x7FF] =	sst s1;
	s7 =	sadd.s32 $0x2B200, s2;
	s13 =	smul.u32 $0x138800, s3  }
0x5: {  	s0 =	sor.u32 s3, s19;
	s5 =	ssub.s32 $0x2, s3;
	s3 =	smul.u32 $0x28A0, s3  }
0x6: {  	s9 =	sadd.s32 $0x20E00, s2;
	s6 =	smul.u32 $0x28A0, s0;
	s20 =	sshrl.u32 s5, $0x1  }
0x7: {  	s10 =	sadd.s32 $0xFA00, s8;
	s16 =	sadd.s32 $0x3E80, s8;
	s17 =	sadd.s32 $0x7D00, s8  }
0x8: {  	s0 =	ssub.s32 s5, s20;
	s23 =	sadd.s32 s8, s13;
	s24 =	sadd.s32 s13, s16  }
0x9: {  	s15 =	sadd.s32 s13, s17;
	s20 =	smul.u32 $0x5140, s18;
	s5 =	sshrl.u32 s6, $0x3  }
0xa: {  	s21 =	sadd.s32 $0x68, s6;
	s25 =	sshrl.u32 s24, $0x4;
	s26 =	sshrl.u32 s15, $0x4  }
0xb: {  	s11 =	sadd.s32 s7, s5;
	s3 =	sadd.s32 s3, s20;
	s20 =	rddreg [dreg:$0x2]  }
0xc: {  	s12 =	sadd.s32 $0x1A, s5;
	s15 =	sadd.s32 s4, s26;
	[dreg:$0x4] =	wrdreg s11  }
0xd: {  	s24 =	sadd.s32 s9, s5;
	s5 =	sadd.s32 $0x34, s5;
	[dreg:$0xa] =	wrdreg s15  }
0xe: {  	s11 =	sshrl.u32 s21, $0x3;
	s22 =	sadd.s32 s7, s12;
	[dreg:$0x10] =	wrdreg s24  }
0xf: {  	s21 =	sadd.s32 $0x138, s6;
	s12 =	sadd.s32 s9, s12;
	[dreg:$0x7] =	wrdreg s22  }
0x10: {  	s3 =	sadd.s32 $0x270, s3;
	s14 =	sadd.s32 s7, s11;
	[dreg:$0xd] =	wrdreg s12  }
0x11: {  	s11 =	sadd.s32 s9, s11;
	s3 =	sshrl.u32 s3, $0x3;
	[dreg:$0x5] =	wrdreg s14  }
0x12: {  	[dreg:$0x6] =	wrdreg s11;
	s11 =	sshrl.u32 s23, $0x4;
	s23 =	sadd.s32 $0x208, s6  }
0x13: {  	s6 =	smul.u32 $0x27100, s18;
	s15 =	sadd.s32 s3, s9;
	s11 =	sadd.s32 s4, s11  }
0x14: {  	s18 =	sshrl.u32 s10, $0x1;
	[dreg:$0x8] =	wrdreg s11;
	s11 =	sadd.s32 s4, s25  }
0x15: {  	s25 =	sadd.s32 s7, s5;
	s5 =	sadd.s32 s9, s5;
	[dreg:$0x9] =	wrdreg s11  }
0x16: {  	s12 =	sshrl.u32 s6, $0x2;
	s6 =	simm.s32 $0x68;
	[dreg:$0x11] =	wrdreg s25  }
0x17: {  	s11 =	sadd.s32 $0xBB80, s8;
	[dreg:$0x12] =	wrdreg s5;
	s25 =	sadd.s32 s18, s20  }
0x18: {  	s5 =	simm.s32 $0x2;
	s19 =	sadd.s32 s13, s11;
	s13 =	sadd.s32 s13, s10  }
0x19: {  	s10 =	simm.s32 $0x1;
	s14 =	sshrl.u32 s19, $0x4;
	s13 =	sshrl.u32 s13, $0x4  }
0x1a: {  	s19 =	sshrl.u32 s16, $0x1;
	s16 =	smax.u32 s0, $0x1;
	s14 =	sadd.s32 s4, s14  }
0x1b: {  	s4 =	sadd.s32 s4, s13;
	s13 =	sadd.s32 s12, s20;
	[dreg:$0xb] =	wrdreg s14  }
0x1c: {  	s12 =	simm.s32 $0x0;
	[dreg:$0xc] =	wrdreg s4;
	s4 =	sshrl.u32 s21, $0x3  }
0x1d: {  	s14 =	sadd.s32 s3, s7;
	s28 =	sadd.s32 $0x3200, s13;
	s29 =	sadd.s32 $0x4B00, s13  }
0x1e: {  	s30 =	sadd.s32 $0x6400, s13;
	s31 =	sadd.s32 $0x9600, s13;
	s22 =	sadd.s32 s7, s4  }
0x1f: {  	s21 =	sshrl.u32 s17, $0x1;
	s4 =	sadd.s32 s9, s4;
	[dreg:$0xe] =	wrdreg s22  }
0x20: {  	s3 =	sadd.s32 s21, s20;
	[dreg:$0xf] =	wrdreg s4;
	s4 =	sshrl.u32 s23, $0x3  }
0x21: {  	s23 =	sadd.s32 $0x3400, s2;
	s22 =	sshrl.u32 s11, $0x1;
	s2 =	sadd.s32 s19, s20  }
0x22: {  	s11 =	simm.s32 $0x4;
	s26 =	sadd.s32 s7, s4;
	s4 =	sadd.s32 s9, s4  }
.Ltmp0:
0x23: {  	s9 =	sshrl.u32 s8, $0x1;
	s0 =	sshrl.u32 s2, $0x3;
	(pc) =	sbr.rel .LBB2_1-.Ltmp0, $4  }
0x24: {  	s2 =	sshrl.u32 s3, $0x3;
	s7 =	simm.s32 $0xD0;
	[dreg:$0x13] =	wrdreg s26  }
0x25: {  	s8 =	simm.s32 $0x3;
	[dreg:$0x14] =	wrdreg s4;
	s24 =	sadd.s32 s9, s20  }
0x26: {  	s26 =	sadd.s32 $0x1900, s13;
	s4 =	sadd.s32 s22, s20;
	s9 =	simm.s32 $0x64  }
0x27: {  	v0 =	vimm.bf16 $0.0e+00;
	_ =	strace $0x8000004A;
	s3 =	sshrl.u32 s4, $0x3;
	s4 =	simm.s32 $0x750  }
.LBB2_9:
0x28: {  	_ =	swait.ge [sflag:s5], $0x1900  }
0x29: {  	[sflag:s5] =	ssyncset.done $0x0  }
0x2a: {  	[sflag:s5] =	ssyncadd.s32 $0xFFFFE700  }
0x2b: {  	_ =	swait.ge [sflag:s5], $0x1900  }
0x2c: {  	[sflag:s5] =	ssyncset.done $0x0  }
0x2d: {  	[sflag:s5] =	ssyncadd.s32 $0xFFFFE700  }
0x2e: {  	_ =	swait.ge [sflag:s5], $0x1900  }
0x2f: {  	[sflag:s5] =	ssyncset.done $0x0  }
0x30: {  	s13 =	stileid.u32;
	[sflag:s5] =	ssyncadd.s32 $0xFFFFE700  }
0x31: {  	s13 =	sshll.u32 s13, $0x6;
	[bflag:$0x0] =	sbarrier.arrive $0xFFFF  }
0x32: {  	s17 =	sshrl.u32 s24, $0x3;
	s13 =	sor.u32 $0x1C04, s13;
	s18 =	rddreg [dreg:$0x8]  }
0x33: {  	[hbm:s18], [sflag:s13] =	dma.local [spmem:s17], $0x3E8  }
0x34: {  	_ =	swait.ge [sflag:s11], $0x3E8  }
0x35: {  	[sflag:s11] =	ssyncset.done $0x0  }
0x36: {  	s22 =	rddreg [dreg:$0x9];
	[sflag:s11] =	ssyncadd.s32 $0xFFFFFC18  }
0x37: {  	[hbm:s22], [sflag:s13] =	dma.local [spmem:s0], $0x3E8  }
0x38: {  	_ =	swait.ge [sflag:s11], $0x3E8  }
0x39: {  	[sflag:s11] =	ssyncset.done $0x0  }
0x3a: {  	s18 =	rddreg [dreg:$0xa];
	[sflag:s11] =	ssyncadd.s32 $0xFFFFFC18  }
0x3b: {  	[hbm:s18], [sflag:s13] =	dma.local [spmem:s2], $0x3E8  }
0x3c: {  	_ =	swait.ge [sflag:s11], $0x3E8  }
0x3d: {  	[sflag:s11] =	ssyncset.done $0x0  }
0x3e: {  	s19 =	rddreg [dreg:$0xb];
	[sflag:s11] =	ssyncadd.s32 $0xFFFFFC18  }
0x3f: {  	[hbm:s19], [sflag:s13] =	dma.local [spmem:s3], $0x3E8  }
0x40: {  	s12 =	sadd.s32 $0x1, s12;
	_ =	swait.ge [sflag:s11], $0x3E8  }
0x41: {  	s21 =	sshrl.u32 s25, $0x3;
	p0 =	sne.s32 s12, s16;
	[sflag:s11] =	ssyncset.done $0x0  }
.Ltmp1:
0x42: {  	s22 =	rddreg [dreg:$0xc];
	[sflag:s11] =	ssyncadd.s32 $0xFFFFFC18;
	(pc) =	sbr.rel @!p0 .LBB2_10-.Ltmp1, $4  }
0x43: {  	[hbm:s22], [sflag:s13] =	dma.local [spmem:s21], $0x3E8  }
0x44: {  	_ =	swait.ge [sflag:s11], $0x3E8  }
0x45: {  	[sflag:s11] =	ssyncset.done $0x0  }
0x46: {  	[sflag:s11] =	ssyncadd.s32 $0xFFFFFC18  }
.LBB2_1:
0x47: {  	s17 =	simm.s32 $0x100;
	s13 =	simm.s32 $0x0  }
.LBB2_2:
0x48: {  	p0 =	sne.s32 s17, $0x6300;
	[tilespmem:s13+$0x780] =	vst v0;
	s21 =	smov.u32 s17;
	s17 =	sadd.s32 $0x100, s17  }
.Ltmp2:
0x49: {  	[tilespmem:s13+$0x770] =	vst v0;
	(pc) =	sbr.rel @p0 .LBB2_2-.Ltmp2, $3  }
0x4a: {  	[tilespmem:s13+$0x750] =	vst v0  }
0x4b: {  	[tilespmem:s13+$0x760] =	vst v0;
	_ =	sdelay $0x1  }
0x4c: {  	s13 =	sshra.s32 s21, $0x2  }
0x4d: {  	[tilespmem:s13+$0x780] =	vst v0  }
0x4e: {  	[tilespmem:s13+$0x770] =	vst v0  }
0x4f: {  	[tilespmem:s13+$0x750] =	vst v0  }
0x50: {  	[tilespmem:s13+$0x760] =	vst v0  }
0x51: {  	[spmem:s24] =	stream.linear.scatter [tilespmem:s4], [sflag:$0x2], $0x1900, $0x38;
	[tilespmem:$0x18490] =	vst v63  }
0x52: {  	_ = 	snop  }
0x53: {  	[spmem:s26] =	stream.linear.scatter [tilespmem:s4], [sflag:$0x2], $0x1900, $0x38;
	[tilespmem:$0x18490] =	vst v63  }
0x54: {  	_ = 	snop  }
0x55: {  	[spmem:s28] =	stream.linear.scatter [tilespmem:s4], [sflag:$0x2], $0x1900, $0x38;
	[tilespmem:$0x18490] =	vst v63  }
0x56: {  	_ = 	snop  }
0x57: {  	[spmem:s29] =	stream.linear.scatter [tilespmem:s4], [sflag:$0x2], $0x1900, $0x38;
	[tilespmem:$0x18490] =	vst v63  }
0x58: {  	_ = 	snop  }
0x59: {  	[spmem:s30] =	stream.linear.scatter [tilespmem:s4], [sflag:$0x2], $0x1900, $0x38;
	[tilespmem:$0x18490] =	vst v63  }
0x5a: {  	_ = 	snop  }
0x5b: {  	[spmem:s25] =	stream.linear.scatter [tilespmem:s4], [sflag:$0x2], $0x1900, $0x38;
	[tilespmem:$0x18490] =	vst v63  }
0x5c: {  	_ = 	snop  }
0x5d: {  	[spmem:s31] =	stream.linear.scatter [tilespmem:s4], [sflag:$0x2], $0x640, $0x38;
	[tilespmem:$0x18490] =	vst v63  }
0x5e: {  	_ =	swait.ge [sflag:s5], $0x1900  }
0x5f: {  	[sflag:s5] =	ssyncset.done $0x0  }
0x60: {  	[sflag:s5] =	ssyncadd.s32 $0xFFFFE700  }
0x61: {  	_ =	swait.ge [sflag:s5], $0x1900  }
0x62: {  	[sflag:s5] =	ssyncset.done $0x0  }
0x63: {  	[sflag:s5] =	ssyncadd.s32 $0xFFFFE700  }
0x64: {  	_ =	swait.ge [sflag:s5], $0x1900  }
0x65: {  	[sflag:s5] =	ssyncset.done $0x0  }
0x66: {  	[sflag:s5] =	ssyncadd.s32 $0xFFFFE700  }
0x67: {  	_ =	swait.ge [sflag:s5], $0x1900  }
0x68: {  	[sflag:s5] =	ssyncset.done $0x0  }
0x69: {  	[sflag:s5] =	ssyncadd.s32 $0xFFFFE700  }
0x6a: {  	_ =	swait.ge [sflag:s5], $0x1900  }
0x6b: {  	[sflag:s5] =	ssyncset.done $0x0  }
0x6c: {  	[sflag:s5] =	ssyncadd.s32 $0xFFFFE700  }
0x6d: {  	_ =	swait.ge [sflag:s5], $0x1900  }
0x6e: {  	[sflag:s5] =	ssyncset.done $0x0  }
0x6f: {  	[sflag:s5] =	ssyncadd.s32 $0xFFFFE700  }
0x70: {  	_ =	swait.ge [sflag:s5], $0x640  }
0x71: {  	[sflag:s5] =	ssyncset.done $0x0  }
0x72: {  	[sflag:s5] =	ssyncadd.s32 $0xFFFFF9C0  }
0x73: {  	[bflag:$0x0] =	sbarrier.arrive $0xFFFF  }
0x74: {  	s13 =	simm.s32 $0x0;
	s17 =	rddreg [dreg:$0x4]  }
0x75: {  	[tilespmem:s13], [sflag:$0x3] =	stream.linear.gather [hbm4b:s17+s13], $0x68, $0x38;
	[tilespmem:$0x18490] =	vst v63  }
0x76: {  	s18 =	simm.s32 $0x3A8;
	s22 =	rddreg [dreg:$0x10]  }
0x77: {  	[tilespmem:s18], [sflag:$0x3] =	stream.linear.gather [hbm4b:s22+s13], $0x68, $0x38;
	[tilespmem:$0x18490] =	vst v63  }
0x78: {  	s18 =	rddreg [dreg:$0x5]  }
0x79: {  	[tilespmem:s6], [sflag:$0x3] =	stream.linear.gather [hbm4b:s18+s13], $0x68, $0x38;
	[tilespmem:$0x18490] =	vst v63  }
0x7a: {  	s21 =	simm.s32 $0x410;
	s19 =	rddreg [dreg:$0x6]  }
0x7b: {  	[tilespmem:s21], [sflag:$0x3] =	stream.linear.gather [hbm4b:s19+s13], $0x68, $0x38;
	[tilespmem:$0x18490] =	vst v63  }
0x7c: {  	s22 =	rddreg [dreg:$0x7]  }
0x7d: {  	[tilespmem:s7], [sflag:$0x3] =	stream.linear.gather [hbm4b:s22+s13], $0x68, $0x38;
	[tilespmem:$0x18490] =	vst v63  }
0x7e: {  	s18 =	rddreg [dreg:$0xd];
	s19 =	simm.s32 $0x478  }
0x7f: {  	[tilespmem:s19], [sflag:$0x3] =	stream.linear.gather [hbm4b:s18+s13], $0x68, $0x38;
	[tilespmem:$0x18490] =	vst v63  }
0x80: {  	_ =	swait.ge [sflag:s8], $0x68  }
0x81: {  	[sflag:s8] =	ssyncset.done $0x0  }
0x82: {  	[sflag:s8] =	ssyncadd.s32 $0xFFFFFF98  }
0x83: {  	_ =	swait.ge [sflag:s8], $0x68  }
0x84: {  	[sflag:s8] =	ssyncset.done $0x0  }
0x85: {  	[sflag:s8] =	ssyncadd.s32 $0xFFFFFF98  }
0x86: {  	[tilespmem:s4], [sflag:$0x1] =	stream.indirect.gather [hbm4b:s23+s9], $0x40, s13, s9, $0xb8;
	[tilespmem:$0x18490] =	vst v63  }
0x87: {  	_ =	swait.ge [sflag:s8], $0x68  }
0x88: {  	[sflag:s8] =	ssyncset.done $0x0  }
0x89: {  	[sflag:s8] =	ssyncadd.s32 $0xFFFFFF98  }
0x8a: {  	_ =	swait.ge [sflag:s8], $0x68  }
0x8b: {  	[sflag:s8] =	ssyncset.done $0x0  }
0x8c: {  	s21 =	simm.s32 $0x2050;
	[sflag:s8] =	ssyncadd.s32 $0xFFFFFF98  }
0x8d: {  	[tilespmem:s21], [sflag:$0x1] =	stream.indirect.gather [hbm4b:s23+s9], $0x40, s6, s9, $0xb8;
	[tilespmem:$0x18490] =	vst v63  }
0x8e: {  	_ =	swait.ge [sflag:s8], $0x68  }
0x8f: {  	[sflag:s8] =	ssyncset.done $0x0  }
0x90: {  	[sflag:s8] =	ssyncadd.s32 $0xFFFFFF98  }
0x91: {  	_ =	swait.ge [sflag:s8], $0x68  }
0x92: {  	[sflag:s8] =	ssyncset.done $0x0  }
0x93: {  	s22 =	simm.s32 $0x3950;
	[sflag:s8] =	ssyncadd.s32 $0xFFFFFF98  }
0x94: {  	[tilespmem:s22], [sflag:$0x1] =	stream.indirect.gather [hbm4b:s23+s9], $0x40, s7, s9, $0xb8;
	[tilespmem:$0x18490] =	vst v63  }
0x95: {  	s19 =	simm.s32 $0x138;
	s18 =	rddreg [dreg:$0xe]  }
0x96: {  	[tilespmem:s19], [sflag:$0x3] =	stream.linear.gather [hbm4b:s18+s13], $0x68, $0x38;
	[tilespmem:$0x18490] =	vst v63  }
0x97: {  	s21 =	rddreg [dreg:$0xf];
	s22 =	simm.s32 $0x4E0  }
0x98: {  	[tilespmem:s22], [sflag:$0x3] =	stream.linear.gather [hbm4b:s21+s13], $0x68, $0x38;
	[tilespmem:$0x18490] =	vst v63  }
0x99: {  	s18 =	rddreg [dreg:$0x11];
	s19 =	simm.s32 $0x1A0  }
0x9a: {  	[tilespmem:s19], [sflag:$0x3] =	stream.linear.gather [hbm4b:s18+s13], $0x68, $0x38;
	[tilespmem:$0x18490] =	vst v63  }
0x9b: {  	s21 =	rddreg [dreg:$0x12];
	s22 =	simm.s32 $0x548  }
0x9c: {  	[tilespmem:s22], [sflag:$0x3] =	stream.linear.gather [hbm4b:s21+s13], $0x68, $0x38;
	[tilespmem:$0x18490] =	vst v63  }
.Ltmp3:
0x9d: {  	s18 =	rddreg [dreg:$0x13];
	s19 =	simm.s32 $0x208;
	(pc) =	sbr.rel .LBB2_4-.Ltmp3, $4  }
0x9e: {  	[tilespmem:s19], [sflag:$0x3] =	stream.linear.gather [hbm4b:s18+s13], $0x68, $0x38;
	[tilespmem:$0x18490] =	vst v63  }
0x9f: {  	s21 =	rddreg [dreg:$0x14];
	s22 =	simm.s32 $0x5B0  }
0xa0: {  	[tilespmem:s22], [sflag:$0x3] =	stream.linear.gather [hbm4b:s21+s13], $0x68, $0x38;
	[tilespmem:$0x18490] =	vst v63  }
0xa1: {  	s22 =	smov.u32 s14;
	s21 =	smov.u32 s15  }
.LBB2_5:
0xa2: {  	s18 =	sadd.s32 $0x156, s17  }
0xa3: {  	s18 =	sshrl.u32 s18, $0x9  }
0xa4: {  	s18 =	sand.u32 $0x7F, s18  }
0xa5: {  	s18 =	smul.u32 $0x9, s18;
	_ =	sdelay $0x1  }
0xa6: {  	s18 =	ssub.s32 s13, s18  }
0xa7: {  	s18 =	sadd.s32 $0x6, s18  }
0xa8: {  	s18 =	sand.u32 $0xFF, s18  }
0xa9: {  	s18 =	smul.u32 $0x68, s18;
	_ =	sdelay $0x1  }
0xaa: {  	[tilespmem:s18], [sflag:$0x3] =	stream.linear.gather [hbm4b:s22+s1], $0x68, $0x38;
	[tilespmem:$0x18490] =	vst v63  }
0xab: {  	s18 =	sadd.s32 $0x3A8, s18  }
0xac: {  	[tilespmem:s18], [sflag:$0x3] =	stream.linear.gather [hbm4b:s21+s1], $0x68, $0x38;
	[tilespmem:$0x18490] =	vst v63  }
.LBB2_7:
0xad: {  	s18 =	sadd.s32 $0x3, s13  }
0xae: {  	s19 =	sand.u32 $0xFF, s18  }
0xaf: {  	s19 =	smul.u32 $0x39, s19;
	_ =	sdelay $0x1  }
0xb0: {  	s19 =	sshrl.u32 s19, $0x9  }
0xb1: {  	s19 =	smul.u32 $0x9, s19;
	_ =	sdelay $0x1  }
0xb2: {  	_ =	swait.ge [sflag:s8], $0x68;
	s18 =	ssub.s32 s18, s19  }
0xb3: {  	[sflag:s8] =	ssyncset.done $0x0;
	s18 =	sand.u32 $0xFF, s18  }
0xb4: {  	[sflag:s8] =	ssyncadd.s32 $0xFFFFFF98;
	s19 =	smul.u32 $0x6400, s18  }
0xb5: {  	_ =	swait.ge [sflag:s8], $0x68;
	s18 =	smul.u32 $0x1A0, s18  }
0xb6: {  	[sflag:s8] =	ssyncset.done $0x0;
	s19 =	sshrl.u32 s19, $0x2  }
0xb7: {  	[sflag:s8] =	ssyncadd.s32 $0xFFFFFF98;
	s18 =	sshrl.u32 s18, $0x2;
	s19 =	sadd.s32 $0x750, s19  }
0xb8: {  	[tilespmem:s19], [sflag:$0x1] =	stream.indirect.gather [hbm4b:s23+s9], $0x40, s18, s9, $0xb8;
	[tilespmem:$0x18490] =	vst v63  }
.LBB2_8:
0xb9: {  	s17 =	sshrl.u32 s17, $0x9  }
0xba: {  	s17 =	sand.u32 $0x7F, s17  }
0xbb: {  	s17 =	smul.u32 $0x9, s17;
	_ =	sdelay $0x1  }
0xbc: {  	s17 =	ssub.s32 s13, s17  }
0xbd: {  	s17 =	sand.u32 $0xFF, s17  }
0xbe: {  	s13 =	sadd.s32 $0x1, s13;
	s18 =	smul.u32 $0x6400, s17  }
0xbf: {  	p0 =	sne.s32 s13, $0x64;
	s17 =	smul.u32 $0x1A0, s17  }
.Ltmp4:
0xc0: {  	_ = 	snop;
	(pc) =	sbr.rel @!p0 .LBB2_9-.Ltmp4, $4  }
0xc1: {  	_ =	swait.ge [sflag:s10], $0x1900;
	s21 =	sadd.s32 $0xD, s21;
	s22 =	sadd.s32 $0xD, s22  }
0xc2: {  	[sflag:s10] =	ssyncset.done $0x0;
	s18 =	sshrl.u32 s18, $0x2;
	s17 =	sshrl.u32 s17, $0x2  }
0xc3: {  	[sflag:s10] =	ssyncadd.s32 $0xFFFFE700;
	s18 =	sadd.s32 $0x750, s18;
	s17 =	sadd.s32 $0x3A8, s17  }
0xc4: {  	[spmem:s20] =	stream.indirect.scatter.add.bf16 [tilespmem:s18], [sflag:$0x2], $0x40, s17, s9, $0xb8;
	[tilespmem:$0x18490] =	vst v63  }
.LBB2_4:
0xc5: {  	p0 =	slt.u32 s13, $0x3  }
0xc6: {  	p1 =	sgt.u32 @!p0 s13, $0x5D  }
0xc7: {  	p1 =	por p0, !p1  }
.Ltmp5:
0xc8: {  	_ = 	snop;
	(pc) =	sbr.rel @p1 .LBB2_5-.Ltmp5, $4  }
0xc9: {  	s18 =	simm.s32 @!p0 $0x2  }
0xca: {  	_ =	swait.ge @!p0 [sflag:s18], $0x1900  }
0xcb: {  	s17 =	smul.u32 $0x39, s13;
	[sflag:s18] =	ssyncset.done @!p0 $0x0  }
0xcc: {  	[sflag:s18] =	ssyncadd.s32 @!p0 $0xFFFFE700  }
0xcd: {  	p0 =	sgt.u32 s13, $0x60  }
.Ltmp6:
0xce: {  	_ = 	snop;
	(pc) =	sbr.rel @p0 .LBB2_8-.Ltmp6, $4  }
.Ltmp7:
0xcf: {  	_ = 	snop;
	(pc) =	sbr.rel @!p0 .LBB2_7-.Ltmp7, $4  }
0xd0: {  	_ = 	snop  }
0xd1: {  	_ = 	snop  }
0xd2: {  	_ = 	snop  }
0xd3: {  	_ = 	snop  }
.LBB2_10:
0xd4: {  	_ =	sfence.sel $0x180000  }
0xd5: {  	[bflag:$0x0] =	sbarrier.arrive $0xFFFF  }
0xd6: {  	_ =	strace $0x9000004A  }
0xd7: {  	s0 =	stileid.u32;
	[bflag:$0x2] =	sbarrier.arrive $0xFFFF  }
0xd8: {  	p0 =	sne.s32 s0, $0x0;
	s0 =	rddreg [dreg:$0x3]  }
0xd9: {  	s0 =	sadd.s32 @!p0 $0x100000, s0  }
0xda: {  	[sflag:s0] =	ssyncadd.tile.s32 @!p0 $0x1;
	_ =	shalt  }
.Lfunc_end2:
_tile_overlayer_lowered:
.L_overlay_start_2:
0xdb: {  	(tag) =	ssettag $0x2  }
0xdc: {  	s0 =	rddreg [dreg:$0x0];
	s2 =	stileid.u32  }
0xdd: {  	s1 =	rddreg [dreg:$0x1];
	p0 =	sne.s32 s2, $0x0  }
0xde: {  	s3 =	rddreg [dreg:$0x2];
	[bflag:$0x3] =	sbarrier.arrive $0xFFFF;
	s2 =	simm.s32 @!p0 $0x1C04  }
0xdf: {  	[timem:s3], [sflag:s2] =	dma.local @!p0 [hbm:s0], s1  }
0xe0: {  	s0 =	simm.s32 @!p0 $0x4  }
0xe1: {  	_ =	swait.ge @!p0 [sflag:s0], s1  }
0xe2: {  	s1 =	ssub.s32 @!p0 $0x0, s1;
	[sflag:s0] =	ssyncset.done @!p0 $0x0  }
0xe3: {  	[sflag:s0] =	ssyncadd.s32 @!p0 s1  }
0xe4: {  	[bflag:$0x3] =	sbarrier.arrive $0xFFFF  }
0xe5: {  	_ =	shalt  }

// kernel: kernel.16.cloned.1.call-start
scs
__scs_entry_jumppad:
0x0: {  	(pc) =	sbr.rel $0x88, $3  }
0x1: {  	(tag) =	ssettag $0x0;
	lr =	simm.s32 $0x1  }
0x2: {  	[smem:$0x3F95] =	sst lr;
	_ =	strace $0xD0000000  }
0x3: {  	_ = 	snop  }
0x4: {  	_ = 	snop  }
0x5: {  	_ = 	snop  }
0x6: {  	_ = 	snop  }
0x7: {  	_ = 	snop  }
__scs_overlays_trampoline_lowered:
0x8: {  	[smem:$0x3FA4] =	sst s0  }
0x9: {  	[smem:$0x3FA5] =	sst s1  }
0xa: {  	[smem:$0x3FA6] =	sst s2  }
0xb: {  	[smem:$0x3FA7] =	sst s3  }
0xc: {  	[smem:$0x3FA8] =	sst s4  }
0xd: {  	[smem:$0x3FA9] =	sst s5  }
0xe: {  	[smem:$0x3FAA] =	sst s6  }
0xf: {  	[smem:$0x3FAB] =	sst s7  }
0x10: {  	[smem:$0x3FAC] =	sst s8  }
0x11: {  	[smem:$0x3FAD] =	sst s9;
	s0 =	simm.s32 @!p0 $0x0  }
0x12: {  	s1 =	sld [smem:$0x3F93];
	s0 =	simm.s32 @p0 $0x1  }
0x13: {  	[smem:$0x3FAE] =	sst s0;
	s0 =	simm.s32 @!p1 $0x0  }
0x14: {  	s2 =	sld [smem:$0x3F92];
	s0 =	simm.s32 @p1 $0x1  }
0x15: {  	[smem:$0x3FAF] =	sst s0;
	s0 =	simm.s32 @!p2 $0x0  }
0x16: {  	s3 =	sld [smem:$0x3FDB];
	s0 =	simm.s32 @p2 $0x1  }
0x17: {  	s4 =	simm.s32 $0x1BF5;
	[smem:$0x3FB1] =	sst s0  }
0x18: {  	s0 =	sld [smem:$0x3F94];
	_ =	swait.ge [sflag:s4], $0x0  }
0x19: {  	s7 =	sld [smem:$0x3F95]  }
0x1a: {  	s8 =	sadd.s32 $0xFFFFE003, lr  }
0x1b: {  	s9 =	sadd.s32 $0xFFFFFEF7, lr;
	s5 =	simm.s32 $0xFFFFFFFF;
	p2 =	slt.u32 s8, $0xFFFFF086  }
0x1c: {  	p1 =	slt.u32 s9, $0xF7A;
	s5 =	simm.s32 @!p2 $0x0  }
0x1d: {  	s5 =	simm.s32 @p1 $0x1;
	p0 =	seq.s32 s7, s2  }
0x1e: {  	s7 =	smul.u32 @!p0 $0xF7A, s2;
	p2 =	seq.s32 @!p0 s5, $0x0  }
0x1f: {  	s9 =	smul.u32 $0xF7A, s1;
	s8 =	simm.s32 @!p0 $0x1BF5;
	p2 =	por !p2, p0  }
0x20: {  	[sflag:s8] =	ssyncset.s32 @!p0 $0xFFFFF086;
	s6 =	sadd.s32 @!p0 s3, s7;
	s7 =	simm.s32 @!p0 $0x108  }
0x21: {  	s3 =	sadd.s32 s3, s9;
	s6 =	sadd.s32 @!p0 $0x88, s6;
	s7 =	simm.s32 @p2 $0x1082  }
0x22: {  	[simem:s7], [sflag:s8] =	dma.local @!p0 [hbm:s6], $0xF7A  }
0x23: {  	s9 =	sor.u32 $0xD0000000, s2;
	s6 =	simm.s32 $0x108;
	_ =	swait.ge @!p0 [sflag:s8], $0x0  }
0x24: {  	s3 =	sadd.s32 $0x88, s3;
	s6 =	simm.s32 @!p1 $0x1082;
	[sflag:s4] =	ssyncset.s32 $0xFFFFF086  }
0x25: {  	[simem:s6], [sflag:s4] =	dma.local [hbm:s3], $0xF7A  }
0x26: {  	[smem:$0x3F95] =	sst s1;
	(tag) =	ssettag s2;
	_ =	strace s9  }
0x27: {  	s1 =	sld [smem:$0x3FA5]  }
0x28: {  	s2 =	sld [smem:$0x3FA6]  }
0x29: {  	s4 =	sld [smem:$0x3FA8]  }
0x2a: {  	p0 =	seq.s32 s5, $0x0;
	s5 =	sld [smem:$0x3FA9]  }
0x2b: {  	s6 =	sld [smem:$0x3FAA]  }
0x2c: {  	s7 =	sld [smem:$0x3FAB]  }
0x2d: {  	s3 =	simm.s32 $0x108;
	s8 =	sld [smem:$0x3FAC]  }
0x2e: {  	s3 =	simm.s32 @!p0 $0x1082;
	s9 =	sld [smem:$0x3FAD]  }
0x2f: {  	lr =	sadd.s32 s0, s3;
	s0 =	sld [smem:$0x3FA4]  }
0x30: {  	s3 =	sld [smem:$0x3FA7]  }
0x31: {  	[smem:$0x3FB0] =	sst s10  }
0x32: {  	s10 =	sld [smem:$0x3FAE];
	_ =	sdelay $0x3  }
0x33: {  	p0 =	seq.s32 s10, $0x1;
	s10 =	sld [smem:$0x3FB0];
	_ =	sdelay $0x3  }
0x34: {  	[smem:$0x3FB0] =	sst s10  }
0x35: {  	s10 =	sld [smem:$0x3FAF];
	_ =	sdelay $0x3  }
0x36: {  	p1 =	seq.s32 s10, $0x1;
	s10 =	sld [smem:$0x3FB0];
	_ =	sdelay $0x3  }
0x37: {  	[smem:$0x3FB0] =	sst s10  }
0x38: {  	s10 =	sld [smem:$0x3FB1]  }
0x39: {  	_ = 	snop;
	(pc) =	sbr.ind lr, $3  }
0x3a: {  	_ = 	snop  }
0x3b: {  	_ = 	snop  }
0x3c: {  	p2 =	seq.s32 s10, $0x1;
	s10 =	sld [smem:$0x3FB0]  }
0x3d: {  	_ =	shalt  }
0x3e: {  	_ =	shalt  }
0x3f: {  	_ =	shalt  }
0x40: {  	_ =	shalt  }
0x41: {  	_ =	shalt  }
0x42: {  	_ =	shalt  }
0x43: {  	_ =	shalt  }
0x44: {  	_ =	shalt  }
0x45: {  	_ =	shalt  }
0x46: {  	_ =	shalt  }
0x47: {  	_ =	shalt  }
0x48: {  	_ =	shalt  }
0x49: {  	_ =	shalt  }
0x4a: {  	_ =	shalt  }
0x4b: {  	_ =	shalt  }
0x4c: {  	_ =	shalt  }
0x4d: {  	_ =	shalt  }
0x4e: {  	_ =	shalt  }
0x4f: {  	_ =	shalt  }
0x50: {  	_ =	shalt  }
0x51: {  	_ =	shalt  }
0x52: {  	_ =	shalt  }
0x53: {  	_ =	shalt  }
0x54: {  	_ =	shalt  }
0x55: {  	_ =	shalt  }
0x56: {  	_ =	shalt  }
0x57: {  	_ =	shalt  }
0x58: {  	_ =	shalt  }
0x59: {  	_ =	shalt  }
0x5a: {  	_ =	shalt  }
0x5b: {  	_ =	shalt  }
0x5c: {  	_ =	shalt  }
0x5d: {  	_ =	shalt  }
0x5e: {  	_ =	shalt  }
0x5f: {  	_ =	shalt  }
0x60: {  	_ =	shalt  }
0x61: {  	_ =	shalt  }
0x62: {  	_ =	shalt  }
0x63: {  	_ =	shalt  }
0x64: {  	_ =	shalt  }
0x65: {  	_ =	shalt  }
0x66: {  	_ =	shalt  }
0x67: {  	_ =	shalt  }
0x68: {  	_ =	shalt  }
0x69: {  	_ =	shalt  }
0x6a: {  	_ =	shalt  }
0x6b: {  	_ =	shalt  }
0x6c: {  	_ =	shalt  }
0x6d: {  	_ =	shalt  }
0x6e: {  	_ =	shalt  }
0x6f: {  	_ =	shalt  }
0x70: {  	_ =	shalt  }
0x71: {  	_ =	shalt  }
0x72: {  	_ =	shalt  }
0x73: {  	_ =	shalt  }
0x74: {  	_ =	shalt  }
0x75: {  	_ =	shalt  }
0x76: {  	_ =	shalt  }
0x77: {  	_ =	shalt  }
0x78: {  	_ =	shalt  }
0x79: {  	_ =	shalt  }
0x7a: {  	_ =	shalt  }
0x7b: {  	_ =	shalt  }
0x7c: {  	_ =	shalt  }
0x7d: {  	_ =	shalt  }
0x7e: {  	_ =	shalt  }
0x7f: {  	_ =	shalt  }
0x80: {  	_ =	shalt  }
0x81: {  	_ =	shalt  }
0x82: {  	_ =	shalt  }
0x83: {  	_ =	shalt  }
0x84: {  	_ =	shalt  }
0x85: {  	_ =	shalt  }
0x86: {  	_ =	shalt  }
0x87: {  	_ =	shalt  }
.Lfunc_end0:
.L_simem_size_0:
called_computation.2_lowered:
.L_overlay_start_0:
0x88: {  	s2 =	sld [smem:$0x3FD9]  }
0x89: {  	s3 =	sld [smem:$0x3FFE];
	_ =	sdelay $0x1  }
0x8a: {  	s1 =	srdreg.scid  }
0x8b: {  	s0 =	sand.u32 $0x1, s1  }
0x8c: {  	s17 =	sshll.u32 s0, $0xA;
	s2 =	sadd.s32 s3, s2  }
0x8d: {  	s2 =	sadd.s32 s2, s17  }
0x8e: {  	[smem:$0x3FBC] =	sst s2  }
0x8f: {  	_ = 	snop  }
0x90: {  	s2 =	sld [smem:$0x3FD0];
	(tm) =	ssettm $0x1  }
0x91: {  	s18 =	sld [smem:$0x3FFB];
	_ =	sdelay $0x3  }
0x92: {  	_ =	strace s18  }
0x93: {  	s3 =	sld [smem:$0x3FFC];
	_ =	sdelay $0x3  }
0x94: {  	_ =	strace s3  }
0x95: {  	s3 =	sld [smem:$0x3FFD];
	_ =	sdelay $0x3  }
0x96: {  	_ =	strace s3  }
0x97: {  	_ =	strace $0x8FFFFFFF  }
0x98: {  	s19 =	sld [smem:$0x3FDB];
	_ =	sdelay $0x1  }
0x99: {  	s4 =	simm.s32 $_scs_section_size  }
0x9a: {  	s5 =	simm.s32 $_size__tile_overlayer_lowered;
	s6 =	simm.s32 $_tile_overlayer_lowered  }
0x9b: {  	s22 =	simm.s32 $0x1BFF;
	s21 =	sshll.u32 s6, $0x1;
	s3 =	sadd.s32 s4, s19  }
0x9c: {  	s7 =	simm.s32 $0x0;
	s20 =	sshll.u32 s5, $0x1;
	s5 =	sadd.s32 s21, s3  }
0x9d: {  	[timem:s7], [sflag:s22] =	dma.local [hbm:s5], s20  }
0x9e: {  	_ =	swait.ge [sflag:s22], s20  }
0x9f: {  	s4 =	ssub.s32 $0x0, s20;
	[sflag:s22] =	ssyncset.done $0x0  }
0xa0: {  	[sflag:s22] =	ssyncadd.s32 s4;
	_ =	sdelay $0x1  }
0xa1: {  	s23 =	simm.s32 $0x1B8B  }
0xa2: {  	_ =	swait.ge [sflag:s23], $0x1  }
0xa3: {  	[sflag:s23] =	ssyncset.done $0x0  }
0xa4: {  	s25 =	simm.s32 $0x1B8E;
	s24 =	sld [smem:$0x3FFE];
	[sflag:s23] =	ssyncadd.s32 $0xFFFFFFFF  }
0xa5: {  	s26 =	simm.s32 $execute0_lowered;
	[smem:$0x3FD2] =	sst s25  }
0xa6: {  	s5 =	sshll.u32 s26, $0x1;
	_ =	strace $0x8000004C;
	[dreg:$0x1] =	wrdreg $0xFFFFFFFF  }
0xa7: {  	s28 =	simm.s32 $_size_execute0_lowered;
	s3 =	sadd.s32 s3, s5;
	[dreg:$0x0] =	wrdreg $0x0  }
0xa8: {  	s5 =	sshll.u32 s28, $0x1;
	[dreg:$0x2] =	wrdreg s3  }
0xa9: {  	[dreg:$0x3] =	wrdreg s5  }
0xaa: {  	[dreg:$0x4] =	wrdreg $0xC0  }
0xab: {  	_ =	task [dreg:s7], $0x5FFFF  }
0xac: {  	[dreg:$0x1] =	wrdreg $0xFFFFFFFF  }
0xad: {  	[dreg:$0x0] =	wrdreg $0x60  }
0xae: {  	[dreg:$0x2] =	wrdreg s24  }
0xaf: {  	[dreg:$0x3] =	wrdreg s2  }
0xb0: {  	[dreg:$0x4] =	wrdreg $0xE8500  }
0xb1: {  	[dreg:$0x5] =	wrdreg $0x9  }
0xb2: {  	_ =	task.clear_ibuf [dreg:s7], $0x6FFFF;
	_ =	strace $0x9000004C  }
0xb3: {  	s29 =	simm.s32 $0x9;
	_ =	strace $0x8000004E  }
0xb4: {  	_ =	swait.ge [sflag:s29], $0x1  }
0xb5: {  	[sflag:s29] =	ssyncadd.s32 $0xFFFFFFFF  }
0xb6: {  	_ =	strace $0x9000004E  }
0xb7: {  	_ =	sfence  }
0xb8: {  	s30 =	sld [smem:$0x0];
	_ =	sdelay $0x2  }
0xb9: {  	s31 =	sshll.u32 s1, $0xD;
	s1 =	sshrl.u32 s1, $0x2  }
0xba: {  	s3 =	sand.u32 $0x4000, s31;
	s1 =	sadd.s32 s1, s30  }
0xbb: {  	s0 =	sor.u32 s3, s0;
	s1 =	sshll.u32 s1, $0x11  }
0xbc: {  	s0 =	sor.u32 s1, s0  }
0xbd: {  	s0 =	sadd.s32 $0x8F2B, s0  }
0xbe: {  	[sflag:s0] =	ssyncadd.remote.s32 $0x1  }
0xbf: {  	_ =	sfence.sel $0xFFFF  }
0xc0: {  	[dreg:$0x0] =	wrdreg $0xFFFFFFFF;
	(pc) =	sbr.abs _section_cstart, $3  }
0xc1: {  	[dreg:$0x1] =	wrdreg $0xFFFFFFFF  }
0xc2: {  	_ =	task.clear_ibuf [dreg:s7], $0x2FFFF;
	_ =	strace $0x9FFFFFFF  }
0xc3: {  	(tm) =	ssettm $0x7FFFFFFF  }
tec
execute0_lowered:
.L_overlay_start_1:
0x0: {  	(tag) =	ssettag $0x1  }
0x1: {  	s0 =	srdreg.scid;
	s2 =	rddreg [dreg:$0x0]  }
0x2: {  	s18 =	stileid.u32;
	s4 =	rddreg [dreg:$0x1];
	s1 =	simm.s32 $0x0  }
0x3: {  	s3 =	sand.u32 $0x1, s0;
	s19 =	sshll.u32 s18, $0x1;
	s8 =	smul.u32 $0x13880, s18  }
0x4: {  	[smem:$0x7FF] =	sst s1;
	s7 =	sadd.s32 $0x2B200, s2;
	s13 =	smul.u32 $0x138800, s3  }
0x5: {  	s0 =	sor.u32 s3, s19;
	s5 =	ssub.s32 $0x2, s3;
	s3 =	smul.u32 $0x28A0, s3  }
0x6: {  	s9 =	sadd.s32 $0x20E00, s2;
	s6 =	smul.u32 $0x28A0, s0;
	s20 =	sshrl.u32 s5, $0x1  }
0x7: {  	s10 =	sadd.s32 $0xFA00, s8;
	s16 =	sadd.s32 $0x3E80, s8;
	s17 =	sadd.s32 $0x7D00, s8  }
0x8: {  	s0 =	ssub.s32 s5, s20;
	s23 =	sadd.s32 s8, s13;
	s24 =	sadd.s32 s13, s16  }
0x9: {  	s15 =	sadd.s32 s13, s17;
	s20 =	smul.u32 $0x5140, s18;
	s5 =	sshrl.u32 s6, $0x3  }
0xa: {  	s21 =	sadd.s32 $0x68, s6;
	s25 =	sshrl.u32 s24, $0x4;
	s26 =	sshrl.u32 s15, $0x4  }
0xb: {  	s11 =	sadd.s32 s7, s5;
	s3 =	sadd.s32 s3, s20;
	s20 =	rddreg [dreg:$0x2]  }
0xc: {  	s12 =	sadd.s32 $0x1A, s5;
	s15 =	sadd.s32 s4, s26;
	[dreg:$0x4] =	wrdreg s11  }
0xd: {  	s24 =	sadd.s32 s9, s5;
	s5 =	sadd.s32 $0x34, s5;
	[dreg:$0xa] =	wrdreg s15  }
0xe: {  	s11 =	sshrl.u32 s21, $0x3;
	s22 =	sadd.s32 s7, s12;
	[dreg:$0x10] =	wrdreg s24  }
0xf: {  	s21 =	sadd.s32 $0x138, s6;
	s12 =	sadd.s32 s9, s12;
	[dreg:$0x7] =	wrdreg s22  }
0x10: {  	s3 =	sadd.s32 $0x270, s3;
	s14 =	sadd.s32 s7, s11;
	[dreg:$0xd] =	wrdreg s12  }
0x11: {  	s11 =	sadd.s32 s9, s11;
	s3 =	sshrl.u32 s3, $0x3;
	[dreg:$0x5] =	wrdreg s14  }
0x12: {  	[dreg:$0x6] =	wrdreg s11;
	s11 =	sshrl.u32 s23, $0x4;
	s23 =	sadd.s32 $0x208, s6  }
0x13: {  	s6 =	smul.u32 $0x27100, s18;
	s15 =	sadd.s32 s3, s9;
	s11 =	sadd.s32 s4, s11  }
0x14: {  	s18 =	sshrl.u32 s10, $0x1;
	[dreg:$0x8] =	wrdreg s11;
	s11 =	sadd.s32 s4, s25  }
0x15: {  	s25 =	sadd.s32 s7, s5;
	s5 =	sadd.s32 s9, s5;
	[dreg:$0x9] =	wrdreg s11  }
0x16: {  	s12 =	sshrl.u32 s6, $0x2;
	s6 =	simm.s32 $0x68;
	[dreg:$0x11] =	wrdreg s25  }
0x17: {  	s11 =	sadd.s32 $0xBB80, s8;
	[dreg:$0x12] =	wrdreg s5;
	s25 =	sadd.s32 s18, s20  }
0x18: {  	s5 =	simm.s32 $0x2;
	s19 =	sadd.s32 s13, s11;
	s13 =	sadd.s32 s13, s10  }
0x19: {  	s10 =	simm.s32 $0x1;
	s14 =	sshrl.u32 s19, $0x4;
	s13 =	sshrl.u32 s13, $0x4  }
0x1a: {  	s19 =	sshrl.u32 s16, $0x1;
	s16 =	smax.u32 s0, $0x1;
	s14 =	sadd.s32 s4, s14  }
0x1b: {  	s4 =	sadd.s32 s4, s13;
	s13 =	sadd.s32 s12, s20;
	[dreg:$0xb] =	wrdreg s14  }
0x1c: {  	s12 =	simm.s32 $0x0;
	[dreg:$0xc] =	wrdreg s4;
	s4 =	sshrl.u32 s21, $0x3  }
0x1d: {  	s14 =	sadd.s32 s3, s7;
	s28 =	sadd.s32 $0x3200, s13;
	s29 =	sadd.s32 $0x4B00, s13  }
0x1e: {  	s30 =	sadd.s32 $0x6400, s13;
	s31 =	sadd.s32 $0x9600, s13;
	s22 =	sadd.s32 s7, s4  }
0x1f: {  	s21 =	sshrl.u32 s17, $0x1;
	s4 =	sadd.s32 s9, s4;
	[dreg:$0xe] =	wrdreg s22  }
0x20: {  	s3 =	sadd.s32 s21, s20;
	[dreg:$0xf] =	wrdreg s4;
	s4 =	sshrl.u32 s23, $0x3  }
0x21: {  	s23 =	sadd.s32 $0x3400, s2;
	s22 =	sshrl.u32 s11, $0x1;
	s2 =	sadd.s32 s19, s20  }
0x22: {  	s11 =	simm.s32 $0x4;
	s26 =	sadd.s32 s7, s4;
	s4 =	sadd.s32 s9, s4  }
.Ltmp0:
0x23: {  	s9 =	sshrl.u32 s8, $0x1;
	s0 =	sshrl.u32 s2, $0x3;
	(pc) =	sbr.rel .LBB2_1-.Ltmp0, $4  }
0x24: {  	s2 =	sshrl.u32 s3, $0x3;
	s7 =	simm.s32 $0xD0;
	[dreg:$0x13] =	wrdreg s26  }
0x25: {  	s8 =	simm.s32 $0x3;
	[dreg:$0x14] =	wrdreg s4;
	s24 =	sadd.s32 s9, s20  }
0x26: {  	s26 =	sadd.s32 $0x1900, s13;
	s4 =	sadd.s32 s22, s20;
	s9 =	simm.s32 $0x64  }
0x27: {  	v0 =	vimm.bf16 $0.0e+00;
	_ =	strace $0x8000004D;
	s3 =	sshrl.u32 s4, $0x3;
	s4 =	simm.s32 $0x750  }
.LBB2_9:
0x28: {  	_ =	swait.ge [sflag:s5], $0x1900  }
0x29: {  	[sflag:s5] =	ssyncset.done $0x0  }
0x2a: {  	[sflag:s5] =	ssyncadd.s32 $0xFFFFE700  }
0x2b: {  	_ =	swait.ge [sflag:s5], $0x1900  }
0x2c: {  	[sflag:s5] =	ssyncset.done $0x0  }
0x2d: {  	[sflag:s5] =	ssyncadd.s32 $0xFFFFE700  }
0x2e: {  	_ =	swait.ge [sflag:s5], $0x1900  }
0x2f: {  	[sflag:s5] =	ssyncset.done $0x0  }
0x30: {  	s13 =	stileid.u32;
	[sflag:s5] =	ssyncadd.s32 $0xFFFFE700  }
0x31: {  	s13 =	sshll.u32 s13, $0x6;
	[bflag:$0x0] =	sbarrier.arrive $0xFFFF  }
0x32: {  	s17 =	sshrl.u32 s24, $0x3;
	s13 =	sor.u32 $0x1C04, s13;
	s18 =	rddreg [dreg:$0x8]  }
0x33: {  	[hbm:s18], [sflag:s13] =	dma.local [spmem:s17], $0x3E8  }
0x34: {  	_ =	swait.ge [sflag:s11], $0x3E8  }
0x35: {  	[sflag:s11] =	ssyncset.done $0x0  }
0x36: {  	s22 =	rddreg [dreg:$0x9];
	[sflag:s11] =	ssyncadd.s32 $0xFFFFFC18  }
0x37: {  	[hbm:s22], [sflag:s13] =	dma.local [spmem:s0], $0x3E8  }
0x38: {  	_ =	swait.ge [sflag:s11], $0x3E8  }
0x39: {  	[sflag:s11] =	ssyncset.done $0x0  }
0x3a: {  	s18 =	rddreg [dreg:$0xa];
	[sflag:s11] =	ssyncadd.s32 $0xFFFFFC18  }
0x3b: {  	[hbm:s18], [sflag:s13] =	dma.local [spmem:s2], $0x3E8  }
0x3c: {  	_ =	swait.ge [sflag:s11], $0x3E8  }
0x3d: {  	[sflag:s11] =	ssyncset.done $0x0  }
0x3e: {  	s19 =	rddreg [dreg:$0xb];
	[sflag:s11] =	ssyncadd.s32 $0xFFFFFC18  }
0x3f: {  	[hbm:s19], [sflag:s13] =	dma.local [spmem:s3], $0x3E8  }
0x40: {  	s12 =	sadd.s32 $0x1, s12;
	_ =	swait.ge [sflag:s11], $0x3E8  }
0x41: {  	s21 =	sshrl.u32 s25, $0x3;
	p0 =	sne.s32 s12, s16;
	[sflag:s11] =	ssyncset.done $0x0  }
.Ltmp1:
0x42: {  	s22 =	rddreg [dreg:$0xc];
	[sflag:s11] =	ssyncadd.s32 $0xFFFFFC18;
	(pc) =	sbr.rel @!p0 .LBB2_10-.Ltmp1, $4  }
0x43: {  	[hbm:s22], [sflag:s13] =	dma.local [spmem:s21], $0x3E8  }
0x44: {  	_ =	swait.ge [sflag:s11], $0x3E8  }
0x45: {  	[sflag:s11] =	ssyncset.done $0x0  }
0x46: {  	[sflag:s11] =	ssyncadd.s32 $0xFFFFFC18  }
.LBB2_1:
0x47: {  	s17 =	simm.s32 $0x100;
	s13 =	simm.s32 $0x0  }
.LBB2_2:
0x48: {  	p0 =	sne.s32 s17, $0x6300;
	[tilespmem:s13+$0x780] =	vst v0;
	s21 =	smov.u32 s17;
	s17 =	sadd.s32 $0x100, s17  }
.Ltmp2:
0x49: {  	[tilespmem:s13+$0x770] =	vst v0;
	(pc) =	sbr.rel @p0 .LBB2_2-.Ltmp2, $3  }
0x4a: {  	[tilespmem:s13+$0x750] =	vst v0  }
0x4b: {  	[tilespmem:s13+$0x760] =	vst v0;
	_ =	sdelay $0x1  }
0x4c: {  	s13 =	sshra.s32 s21, $0x2  }
0x4d: {  	[tilespmem:s13+$0x780] =	vst v0  }
0x4e: {  	[tilespmem:s13+$0x770] =	vst v0  }
0x4f: {  	[tilespmem:s13+$0x750] =	vst v0  }
0x50: {  	[tilespmem:s13+$0x760] =	vst v0  }
0x51: {  	[spmem:s24] =	stream.linear.scatter [tilespmem:s4], [sflag:$0x2], $0x1900, $0x38;
	[tilespmem:$0x18490] =	vst v63  }
0x52: {  	_ = 	snop  }
0x53: {  	[spmem:s26] =	stream.linear.scatter [tilespmem:s4], [sflag:$0x2], $0x1900, $0x38;
	[tilespmem:$0x18490] =	vst v63  }
0x54: {  	_ = 	snop  }
0x55: {  	[spmem:s28] =	stream.linear.scatter [tilespmem:s4], [sflag:$0x2], $0x1900, $0x38;
	[tilespmem:$0x18490] =	vst v63  }
0x56: {  	_ = 	snop  }
0x57: {  	[spmem:s29] =	stream.linear.scatter [tilespmem:s4], [sflag:$0x2], $0x1900, $0x38;
	[tilespmem:$0x18490] =	vst v63  }
0x58: {  	_ = 	snop  }
0x59: {  	[spmem:s30] =	stream.linear.scatter [tilespmem:s4], [sflag:$0x2], $0x1900, $0x38;
	[tilespmem:$0x18490] =	vst v63  }
0x5a: {  	_ = 	snop  }
0x5b: {  	[spmem:s25] =	stream.linear.scatter [tilespmem:s4], [sflag:$0x2], $0x1900, $0x38;
	[tilespmem:$0x18490] =	vst v63  }
0x5c: {  	_ = 	snop  }
0x5d: {  	[spmem:s31] =	stream.linear.scatter [tilespmem:s4], [sflag:$0x2], $0x640, $0x38;
	[tilespmem:$0x18490] =	vst v63  }
0x5e: {  	_ =	swait.ge [sflag:s5], $0x1900  }
0x5f: {  	[sflag:s5] =	ssyncset.done $0x0  }
0x60: {  	[sflag:s5] =	ssyncadd.s32 $0xFFFFE700  }
0x61: {  	_ =	swait.ge [sflag:s5], $0x1900  }
0x62: {  	[sflag:s5] =	ssyncset.done $0x0  }
0x63: {  	[sflag:s5] =	ssyncadd.s32 $0xFFFFE700  }
0x64: {  	_ =	swait.ge [sflag:s5], $0x1900  }
0x65: {  	[sflag:s5] =	ssyncset.done $0x0  }
0x66: {  	[sflag:s5] =	ssyncadd.s32 $0xFFFFE700  }
0x67: {  	_ =	swait.ge [sflag:s5], $0x1900  }
0x68: {  	[sflag:s5] =	ssyncset.done $0x0  }
0x69: {  	[sflag:s5] =	ssyncadd.s32 $0xFFFFE700  }
0x6a: {  	_ =	swait.ge [sflag:s5], $0x1900  }
0x6b: {  	[sflag:s5] =	ssyncset.done $0x0  }
0x6c: {  	[sflag:s5] =	ssyncadd.s32 $0xFFFFE700  }
0x6d: {  	_ =	swait.ge [sflag:s5], $0x1900  }
0x6e: {  	[sflag:s5] =	ssyncset.done $0x0  }
0x6f: {  	[sflag:s5] =	ssyncadd.s32 $0xFFFFE700  }
0x70: {  	_ =	swait.ge [sflag:s5], $0x640  }
0x71: {  	[sflag:s5] =	ssyncset.done $0x0  }
0x72: {  	[sflag:s5] =	ssyncadd.s32 $0xFFFFF9C0  }
0x73: {  	[bflag:$0x0] =	sbarrier.arrive $0xFFFF  }
0x74: {  	s13 =	simm.s32 $0x0;
	s17 =	rddreg [dreg:$0x4]  }
0x75: {  	[tilespmem:s13], [sflag:$0x3] =	stream.linear.gather [hbm4b:s17+s13], $0x68, $0x38;
	[tilespmem:$0x18490] =	vst v63  }
0x76: {  	s18 =	simm.s32 $0x3A8;
	s22 =	rddreg [dreg:$0x10]  }
0x77: {  	[tilespmem:s18], [sflag:$0x3] =	stream.linear.gather [hbm4b:s22+s13], $0x68, $0x38;
	[tilespmem:$0x18490] =	vst v63  }
0x78: {  	s18 =	rddreg [dreg:$0x5]  }
0x79: {  	[tilespmem:s6], [sflag:$0x3] =	stream.linear.gather [hbm4b:s18+s13], $0x68, $0x38;
	[tilespmem:$0x18490] =	vst v63  }
0x7a: {  	s21 =	simm.s32 $0x410;
	s19 =	rddreg [dreg:$0x6]  }
0x7b: {  	[tilespmem:s21], [sflag:$0x3] =	stream.linear.gather [hbm4b:s19+s13], $0x68, $0x38;
	[tilespmem:$0x18490] =	vst v63  }
0x7c: {  	s22 =	rddreg [dreg:$0x7]  }
0x7d: {  	[tilespmem:s7], [sflag:$0x3] =	stream.linear.gather [hbm4b:s22+s13], $0x68, $0x38;
	[tilespmem:$0x18490] =	vst v63  }
0x7e: {  	s18 =	rddreg [dreg:$0xd];
	s19 =	simm.s32 $0x478  }
0x7f: {  	[tilespmem:s19], [sflag:$0x3] =	stream.linear.gather [hbm4b:s18+s13], $0x68, $0x38;
	[tilespmem:$0x18490] =	vst v63  }
0x80: {  	_ =	swait.ge [sflag:s8], $0x68  }
0x81: {  	[sflag:s8] =	ssyncset.done $0x0  }
0x82: {  	[sflag:s8] =	ssyncadd.s32 $0xFFFFFF98  }
0x83: {  	_ =	swait.ge [sflag:s8], $0x68  }
0x84: {  	[sflag:s8] =	ssyncset.done $0x0  }
0x85: {  	[sflag:s8] =	ssyncadd.s32 $0xFFFFFF98  }
0x86: {  	[tilespmem:s4], [sflag:$0x1] =	stream.indirect.gather [hbm4b:s23+s9], $0x40, s13, s9, $0xb8;
	[tilespmem:$0x18490] =	vst v63  }
0x87: {  	_ =	swait.ge [sflag:s8], $0x68  }
0x88: {  	[sflag:s8] =	ssyncset.done $0x0  }
0x89: {  	[sflag:s8] =	ssyncadd.s32 $0xFFFFFF98  }
0x8a: {  	_ =	swait.ge [sflag:s8], $0x68  }
0x8b: {  	[sflag:s8] =	ssyncset.done $0x0  }
0x8c: {  	s21 =	simm.s32 $0x2050;
	[sflag:s8] =	ssyncadd.s32 $0xFFFFFF98  }
0x8d: {  	[tilespmem:s21], [sflag:$0x1] =	stream.indirect.gather [hbm4b:s23+s9], $0x40, s6, s9, $0xb8;
	[tilespmem:$0x18490] =	vst v63  }
0x8e: {  	_ =	swait.ge [sflag:s8], $0x68  }
0x8f: {  	[sflag:s8] =	ssyncset.done $0x0  }
0x90: {  	[sflag:s8] =	ssyncadd.s32 $0xFFFFFF98  }
0x91: {  	_ =	swait.ge [sflag:s8], $0x68  }
0x92: {  	[sflag:s8] =	ssyncset.done $0x0  }
0x93: {  	s22 =	simm.s32 $0x3950;
	[sflag:s8] =	ssyncadd.s32 $0xFFFFFF98  }
0x94: {  	[tilespmem:s22], [sflag:$0x1] =	stream.indirect.gather [hbm4b:s23+s9], $0x40, s7, s9, $0xb8;
	[tilespmem:$0x18490] =	vst v63  }
0x95: {  	s19 =	simm.s32 $0x138;
	s18 =	rddreg [dreg:$0xe]  }
0x96: {  	[tilespmem:s19], [sflag:$0x3] =	stream.linear.gather [hbm4b:s18+s13], $0x68, $0x38;
	[tilespmem:$0x18490] =	vst v63  }
0x97: {  	s21 =	rddreg [dreg:$0xf];
	s22 =	simm.s32 $0x4E0  }
0x98: {  	[tilespmem:s22], [sflag:$0x3] =	stream.linear.gather [hbm4b:s21+s13], $0x68, $0x38;
	[tilespmem:$0x18490] =	vst v63  }
0x99: {  	s18 =	rddreg [dreg:$0x11];
	s19 =	simm.s32 $0x1A0  }
0x9a: {  	[tilespmem:s19], [sflag:$0x3] =	stream.linear.gather [hbm4b:s18+s13], $0x68, $0x38;
	[tilespmem:$0x18490] =	vst v63  }
0x9b: {  	s21 =	rddreg [dreg:$0x12];
	s22 =	simm.s32 $0x548  }
0x9c: {  	[tilespmem:s22], [sflag:$0x3] =	stream.linear.gather [hbm4b:s21+s13], $0x68, $0x38;
	[tilespmem:$0x18490] =	vst v63  }
.Ltmp3:
0x9d: {  	s18 =	rddreg [dreg:$0x13];
	s19 =	simm.s32 $0x208;
	(pc) =	sbr.rel .LBB2_4-.Ltmp3, $4  }
0x9e: {  	[tilespmem:s19], [sflag:$0x3] =	stream.linear.gather [hbm4b:s18+s13], $0x68, $0x38;
	[tilespmem:$0x18490] =	vst v63  }
0x9f: {  	s21 =	rddreg [dreg:$0x14];
	s22 =	simm.s32 $0x5B0  }
0xa0: {  	[tilespmem:s22], [sflag:$0x3] =	stream.linear.gather [hbm4b:s21+s13], $0x68, $0x38;
	[tilespmem:$0x18490] =	vst v63  }
0xa1: {  	s22 =	smov.u32 s14;
	s21 =	smov.u32 s15  }
.LBB2_5:
0xa2: {  	s18 =	sadd.s32 $0x156, s17  }
0xa3: {  	s18 =	sshrl.u32 s18, $0x9  }
0xa4: {  	s18 =	sand.u32 $0x7F, s18  }
0xa5: {  	s18 =	smul.u32 $0x9, s18;
	_ =	sdelay $0x1  }
0xa6: {  	s18 =	ssub.s32 s13, s18  }
0xa7: {  	s18 =	sadd.s32 $0x6, s18  }
0xa8: {  	s18 =	sand.u32 $0xFF, s18  }
0xa9: {  	s18 =	smul.u32 $0x68, s18;
	_ =	sdelay $0x1  }
0xaa: {  	[tilespmem:s18], [sflag:$0x3] =	stream.linear.gather [hbm4b:s22+s1], $0x68, $0x38;
	[tilespmem:$0x18490] =	vst v63  }
0xab: {  	s18 =	sadd.s32 $0x3A8, s18  }
0xac: {  	[tilespmem:s18], [sflag:$0x3] =	stream.linear.gather [hbm4b:s21+s1], $0x68, $0x38;
	[tilespmem:$0x18490] =	vst v63  }
.LBB2_7:
0xad: {  	s18 =	sadd.s32 $0x3, s13  }
0xae: {  	s19 =	sand.u32 $0xFF, s18  }
0xaf: {  	s19 =	smul.u32 $0x39, s19;
	_ =	sdelay $0x1  }
0xb0: {  	s19 =	sshrl.u32 s19, $0x9  }
0xb1: {  	s19 =	smul.u32 $0x9, s19;
	_ =	sdelay $0x1  }
0xb2: {  	_ =	swait.ge [sflag:s8], $0x68;
	s18 =	ssub.s32 s18, s19  }
0xb3: {  	[sflag:s8] =	ssyncset.done $0x0;
	s18 =	sand.u32 $0xFF, s18  }
0xb4: {  	[sflag:s8] =	ssyncadd.s32 $0xFFFFFF98;
	s19 =	smul.u32 $0x6400, s18  }
0xb5: {  	_ =	swait.ge [sflag:s8], $0x68;
	s18 =	smul.u32 $0x1A0, s18  }
0xb6: {  	[sflag:s8] =	ssyncset.done $0x0;
	s19 =	sshrl.u32 s19, $0x2  }
0xb7: {  	[sflag:s8] =	ssyncadd.s32 $0xFFFFFF98;
	s18 =	sshrl.u32 s18, $0x2;
	s19 =	sadd.s32 $0x750, s19  }
0xb8: {  	[tilespmem:s19], [sflag:$0x1] =	stream.indirect.gather [hbm4b:s23+s9], $0x40, s18, s9, $0xb8;
	[tilespmem:$0x18490] =	vst v63  }
.LBB2_8:
0xb9: {  	s17 =	sshrl.u32 s17, $0x9  }
0xba: {  	s17 =	sand.u32 $0x7F, s17  }
0xbb: {  	s17 =	smul.u32 $0x9, s17;
	_ =	sdelay $0x1  }
0xbc: {  	s17 =	ssub.s32 s13, s17  }
0xbd: {  	s17 =	sand.u32 $0xFF, s17  }
0xbe: {  	s13 =	sadd.s32 $0x1, s13;
	s18 =	smul.u32 $0x6400, s17  }
0xbf: {  	p0 =	sne.s32 s13, $0x64;
	s17 =	smul.u32 $0x1A0, s17  }
.Ltmp4:
0xc0: {  	_ = 	snop;
	(pc) =	sbr.rel @!p0 .LBB2_9-.Ltmp4, $4  }
0xc1: {  	_ =	swait.ge [sflag:s10], $0x1900;
	s21 =	sadd.s32 $0xD, s21;
	s22 =	sadd.s32 $0xD, s22  }
0xc2: {  	[sflag:s10] =	ssyncset.done $0x0;
	s18 =	sshrl.u32 s18, $0x2;
	s17 =	sshrl.u32 s17, $0x2  }
0xc3: {  	[sflag:s10] =	ssyncadd.s32 $0xFFFFE700;
	s18 =	sadd.s32 $0x750, s18;
	s17 =	sadd.s32 $0x3A8, s17  }
0xc4: {  	[spmem:s20] =	stream.indirect.scatter.add.bf16 [tilespmem:s18], [sflag:$0x2], $0x40, s17, s9, $0xb8;
	[tilespmem:$0x18490] =	vst v63  }
.LBB2_4:
0xc5: {  	p0 =	slt.u32 s13, $0x3  }
0xc6: {  	p1 =	sgt.u32 @!p0 s13, $0x5D  }
0xc7: {  	p1 =	por p0, !p1  }
.Ltmp5:
0xc8: {  	_ = 	snop;
	(pc) =	sbr.rel @p1 .LBB2_5-.Ltmp5, $4  }
0xc9: {  	s18 =	simm.s32 @!p0 $0x2  }
0xca: {  	_ =	swait.ge @!p0 [sflag:s18], $0x1900  }
0xcb: {  	s17 =	smul.u32 $0x39, s13;
	[sflag:s18] =	ssyncset.done @!p0 $0x0  }
0xcc: {  	[sflag:s18] =	ssyncadd.s32 @!p0 $0xFFFFE700  }
0xcd: {  	p0 =	sgt.u32 s13, $0x60  }
.Ltmp6:
0xce: {  	_ = 	snop;
	(pc) =	sbr.rel @p0 .LBB2_8-.Ltmp6, $4  }
.Ltmp7:
0xcf: {  	_ = 	snop;
	(pc) =	sbr.rel @!p0 .LBB2_7-.Ltmp7, $4  }
0xd0: {  	_ = 	snop  }
0xd1: {  	_ = 	snop  }
0xd2: {  	_ = 	snop  }
0xd3: {  	_ = 	snop  }
.LBB2_10:
0xd4: {  	_ =	sfence.sel $0x180000  }
0xd5: {  	[bflag:$0x0] =	sbarrier.arrive $0xFFFF  }
0xd6: {  	_ =	strace $0x9000004D  }
0xd7: {  	s0 =	stileid.u32;
	[bflag:$0x2] =	sbarrier.arrive $0xFFFF  }
0xd8: {  	p0 =	sne.s32 s0, $0x0;
	s0 =	rddreg [dreg:$0x3]  }
0xd9: {  	s0 =	sadd.s32 @!p0 $0x100000, s0  }
0xda: {  	[sflag:s0] =	ssyncadd.tile.s32 @!p0 $0x1;
	_ =	shalt  }
.Lfunc_end2:
_tile_overlayer_lowered:
.L_overlay_start_2:
0xdb: {  	(tag) =	ssettag $0x2  }
0xdc: {  	s0 =	rddreg [dreg:$0x0];
	s2 =	stileid.u32  }
0xdd: {  	s1 =	rddreg [dreg:$0x1];
	p0 =	sne.s32 s2, $0x0  }
0xde: {  	s3 =	rddreg [dreg:$0x2];
	[bflag:$0x3] =	sbarrier.arrive $0xFFFF;
	s2 =	simm.s32 @!p0 $0x1C04  }
0xdf: {  	[timem:s3], [sflag:s2] =	dma.local @!p0 [hbm:s0], s1  }
0xe0: {  	s0 =	simm.s32 @!p0 $0x4  }
0xe1: {  	_ =	swait.ge @!p0 [sflag:s0], s1  }
0xe2: {  	s1 =	ssub.s32 @!p0 $0x0, s1;
	[sflag:s0] =	ssyncset.done @!p0 $0x0  }
0xe3: {  	[sflag:s0] =	ssyncadd.s32 @!p0 s1  }
0xe4: {  	[bflag:$0x3] =	sbarrier.arrive $0xFFFF  }
0xe5: {  	_ =	shalt  }

// kernel: kernel.19.cloned.1.call-start
scs
__scs_entry_jumppad:
0x0: {  	(pc) =	sbr.rel $0x88, $3  }
0x1: {  	(tag) =	ssettag $0x0;
	lr =	simm.s32 $0x1  }
0x2: {  	[smem:$0x3F95] =	sst lr;
	_ =	strace $0xD0000000  }
0x3: {  	_ = 	snop  }
0x4: {  	_ = 	snop  }
0x5: {  	_ = 	snop  }
0x6: {  	_ = 	snop  }
0x7: {  	_ = 	snop  }
__scs_overlays_trampoline_lowered:
0x8: {  	[smem:$0x3FA4] =	sst s0  }
0x9: {  	[smem:$0x3FA5] =	sst s1  }
0xa: {  	[smem:$0x3FA6] =	sst s2  }
0xb: {  	[smem:$0x3FA7] =	sst s3  }
0xc: {  	[smem:$0x3FA8] =	sst s4  }
0xd: {  	[smem:$0x3FA9] =	sst s5  }
0xe: {  	[smem:$0x3FAA] =	sst s6  }
0xf: {  	[smem:$0x3FAB] =	sst s7  }
0x10: {  	[smem:$0x3FAC] =	sst s8  }
0x11: {  	[smem:$0x3FAD] =	sst s9;
	s0 =	simm.s32 @!p0 $0x0  }
0x12: {  	s1 =	sld [smem:$0x3F93];
	s0 =	simm.s32 @p0 $0x1  }
0x13: {  	[smem:$0x3FAE] =	sst s0;
	s0 =	simm.s32 @!p1 $0x0  }
0x14: {  	s2 =	sld [smem:$0x3F92];
	s0 =	simm.s32 @p1 $0x1  }
0x15: {  	[smem:$0x3FAF] =	sst s0;
	s0 =	simm.s32 @!p2 $0x0  }
0x16: {  	s3 =	sld [smem:$0x3FDB];
	s0 =	simm.s32 @p2 $0x1  }
0x17: {  	s4 =	simm.s32 $0x1BF5;
	[smem:$0x3FB1] =	sst s0  }
0x18: {  	s0 =	sld [smem:$0x3F94];
	_ =	swait.ge [sflag:s4], $0x0  }
0x19: {  	s7 =	sld [smem:$0x3F95]  }
0x1a: {  	s8 =	sadd.s32 $0xFFFFE003, lr  }
0x1b: {  	s9 =	sadd.s32 $0xFFFFFEF7, lr;
	s5 =	simm.s32 $0xFFFFFFFF;
	p2 =	slt.u32 s8, $0xFFFFF086  }
0x1c: {  	p1 =	slt.u32 s9, $0xF7A;
	s5 =	simm.s32 @!p2 $0x0  }
0x1d: {  	s5 =	simm.s32 @p1 $0x1;
	p0 =	seq.s32 s7, s2  }
0x1e: {  	s7 =	smul.u32 @!p0 $0xF7A, s2;
	p2 =	seq.s32 @!p0 s5, $0x0  }
0x1f: {  	s9 =	smul.u32 $0xF7A, s1;
	s8 =	simm.s32 @!p0 $0x1BF5;
	p2 =	por !p2, p0  }
0x20: {  	[sflag:s8] =	ssyncset.s32 @!p0 $0xFFFFF086;
	s6 =	sadd.s32 @!p0 s3, s7;
	s7 =	simm.s32 @!p0 $0x108  }
0x21: {  	s3 =	sadd.s32 s3, s9;
	s6 =	sadd.s32 @!p0 $0x88, s6;
	s7 =	simm.s32 @p2 $0x1082  }
0x22: {  	[simem:s7], [sflag:s8] =	dma.local @!p0 [hbm:s6], $0xF7A  }
0x23: {  	s9 =	sor.u32 $0xD0000000, s2;
	s6 =	simm.s32 $0x108;
	_ =	swait.ge @!p0 [sflag:s8], $0x0  }
0x24: {  	s3 =	sadd.s32 $0x88, s3;
	s6 =	simm.s32 @!p1 $0x1082;
	[sflag:s4] =	ssyncset.s32 $0xFFFFF086  }
0x25: {  	[simem:s6], [sflag:s4] =	dma.local [hbm:s3], $0xF7A  }
0x26: {  	[smem:$0x3F95] =	sst s1;
	(tag) =	ssettag s2;
	_ =	strace s9  }
0x27: {  	s1 =	sld [smem:$0x3FA5]  }
0x28: {  	s2 =	sld [smem:$0x3FA6]  }
0x29: {  	s4 =	sld [smem:$0x3FA8]  }
0x2a: {  	p0 =	seq.s32 s5, $0x0;
	s5 =	sld [smem:$0x3FA9]  }
0x2b: {  	s6 =	sld [smem:$0x3FAA]  }
0x2c: {  	s7 =	sld [smem:$0x3FAB]  }
0x2d: {  	s3 =	simm.s32 $0x108;
	s8 =	sld [smem:$0x3FAC]  }
0x2e: {  	s3 =	simm.s32 @!p0 $0x1082;
	s9 =	sld [smem:$0x3FAD]  }
0x2f: {  	lr =	sadd.s32 s0, s3;
	s0 =	sld [smem:$0x3FA4]  }
0x30: {  	s3 =	sld [smem:$0x3FA7]  }
0x31: {  	[smem:$0x3FB0] =	sst s10  }
0x32: {  	s10 =	sld [smem:$0x3FAE];
	_ =	sdelay $0x3  }
0x33: {  	p0 =	seq.s32 s10, $0x1;
	s10 =	sld [smem:$0x3FB0];
	_ =	sdelay $0x3  }
0x34: {  	[smem:$0x3FB0] =	sst s10  }
0x35: {  	s10 =	sld [smem:$0x3FAF];
	_ =	sdelay $0x3  }
0x36: {  	p1 =	seq.s32 s10, $0x1;
	s10 =	sld [smem:$0x3FB0];
	_ =	sdelay $0x3  }
0x37: {  	[smem:$0x3FB0] =	sst s10  }
0x38: {  	s10 =	sld [smem:$0x3FB1]  }
0x39: {  	_ = 	snop;
	(pc) =	sbr.ind lr, $3  }
0x3a: {  	_ = 	snop  }
0x3b: {  	_ = 	snop  }
0x3c: {  	p2 =	seq.s32 s10, $0x1;
	s10 =	sld [smem:$0x3FB0]  }
0x3d: {  	_ =	shalt  }
0x3e: {  	_ =	shalt  }
0x3f: {  	_ =	shalt  }
0x40: {  	_ =	shalt  }
0x41: {  	_ =	shalt  }
0x42: {  	_ =	shalt  }
0x43: {  	_ =	shalt  }
0x44: {  	_ =	shalt  }
0x45: {  	_ =	shalt  }
0x46: {  	_ =	shalt  }
0x47: {  	_ =	shalt  }
0x48: {  	_ =	shalt  }
0x49: {  	_ =	shalt  }
0x4a: {  	_ =	shalt  }
0x4b: {  	_ =	shalt  }
0x4c: {  	_ =	shalt  }
0x4d: {  	_ =	shalt  }
0x4e: {  	_ =	shalt  }
0x4f: {  	_ =	shalt  }
0x50: {  	_ =	shalt  }
0x51: {  	_ =	shalt  }
0x52: {  	_ =	shalt  }
0x53: {  	_ =	shalt  }
0x54: {  	_ =	shalt  }
0x55: {  	_ =	shalt  }
0x56: {  	_ =	shalt  }
0x57: {  	_ =	shalt  }
0x58: {  	_ =	shalt  }
0x59: {  	_ =	shalt  }
0x5a: {  	_ =	shalt  }
0x5b: {  	_ =	shalt  }
0x5c: {  	_ =	shalt  }
0x5d: {  	_ =	shalt  }
0x5e: {  	_ =	shalt  }
0x5f: {  	_ =	shalt  }
0x60: {  	_ =	shalt  }
0x61: {  	_ =	shalt  }
0x62: {  	_ =	shalt  }
0x63: {  	_ =	shalt  }
0x64: {  	_ =	shalt  }
0x65: {  	_ =	shalt  }
0x66: {  	_ =	shalt  }
0x67: {  	_ =	shalt  }
0x68: {  	_ =	shalt  }
0x69: {  	_ =	shalt  }
0x6a: {  	_ =	shalt  }
0x6b: {  	_ =	shalt  }
0x6c: {  	_ =	shalt  }
0x6d: {  	_ =	shalt  }
0x6e: {  	_ =	shalt  }
0x6f: {  	_ =	shalt  }
0x70: {  	_ =	shalt  }
0x71: {  	_ =	shalt  }
0x72: {  	_ =	shalt  }
0x73: {  	_ =	shalt  }
0x74: {  	_ =	shalt  }
0x75: {  	_ =	shalt  }
0x76: {  	_ =	shalt  }
0x77: {  	_ =	shalt  }
0x78: {  	_ =	shalt  }
0x79: {  	_ =	shalt  }
0x7a: {  	_ =	shalt  }
0x7b: {  	_ =	shalt  }
0x7c: {  	_ =	shalt  }
0x7d: {  	_ =	shalt  }
0x7e: {  	_ =	shalt  }
0x7f: {  	_ =	shalt  }
0x80: {  	_ =	shalt  }
0x81: {  	_ =	shalt  }
0x82: {  	_ =	shalt  }
0x83: {  	_ =	shalt  }
0x84: {  	_ =	shalt  }
0x85: {  	_ =	shalt  }
0x86: {  	_ =	shalt  }
0x87: {  	_ =	shalt  }
.Lfunc_end0:
.L_simem_size_0:
called_computation.3_lowered:
.L_overlay_start_0:
0x88: {  	s2 =	sld [smem:$0x3FD9]  }
0x89: {  	s3 =	sld [smem:$0x3FFE];
	_ =	sdelay $0x1  }
0x8a: {  	s1 =	srdreg.scid  }
0x8b: {  	s0 =	sand.u32 $0x1, s1  }
0x8c: {  	s17 =	sshll.u32 s0, $0xA;
	s2 =	sadd.s32 s3, s2  }
0x8d: {  	s2 =	sadd.s32 s2, s17  }
0x8e: {  	[smem:$0x3FBC] =	sst s2  }
0x8f: {  	_ = 	snop  }
0x90: {  	s2 =	sld [smem:$0x3FD0];
	(tm) =	ssettm $0x1  }
0x91: {  	s18 =	sld [smem:$0x3FFB];
	_ =	sdelay $0x3  }
0x92: {  	_ =	strace s18  }
0x93: {  	s3 =	sld [smem:$0x3FFC];
	_ =	sdelay $0x3  }
0x94: {  	_ =	strace s3  }
0x95: {  	s3 =	sld [smem:$0x3FFD];
	_ =	sdelay $0x3  }
0x96: {  	_ =	strace s3  }
0x97: {  	_ =	strace $0x8FFFFFFF  }
0x98: {  	s19 =	sld [smem:$0x3FDB];
	_ =	sdelay $0x1  }
0x99: {  	s4 =	simm.s32 $_scs_section_size  }
0x9a: {  	s5 =	simm.s32 $_size__tile_overlayer_lowered;
	s6 =	simm.s32 $_tile_overlayer_lowered  }
0x9b: {  	s22 =	simm.s32 $0x1BFF;
	s21 =	sshll.u32 s6, $0x1;
	s3 =	sadd.s32 s4, s19  }
0x9c: {  	s7 =	simm.s32 $0x0;
	s20 =	sshll.u32 s5, $0x1;
	s5 =	sadd.s32 s21, s3  }
0x9d: {  	[timem:s7], [sflag:s22] =	dma.local [hbm:s5], s20  }
0x9e: {  	_ =	swait.ge [sflag:s22], s20  }
0x9f: {  	s4 =	ssub.s32 $0x0, s20;
	[sflag:s22] =	ssyncset.done $0x0  }
0xa0: {  	[sflag:s22] =	ssyncadd.s32 s4;
	_ =	sdelay $0x1  }
0xa1: {  	s23 =	simm.s32 $0x1B8B  }
0xa2: {  	_ =	swait.ge [sflag:s23], $0x1  }
0xa3: {  	[sflag:s23] =	ssyncset.done $0x0  }
0xa4: {  	s25 =	simm.s32 $0x1B8E;
	s24 =	sld [smem:$0x3FFE];
	[sflag:s23] =	ssyncadd.s32 $0xFFFFFFFF  }
0xa5: {  	s26 =	simm.s32 $execute0_lowered;
	[smem:$0x3FD2] =	sst s25  }
0xa6: {  	s5 =	sshll.u32 s26, $0x1;
	_ =	strace $0x8000004F;
	[dreg:$0x1] =	wrdreg $0xFFFFFFFF  }
0xa7: {  	s28 =	simm.s32 $_size_execute0_lowered;
	s3 =	sadd.s32 s3, s5;
	[dreg:$0x0] =	wrdreg $0x0  }
0xa8: {  	s5 =	sshll.u32 s28, $0x1;
	[dreg:$0x2] =	wrdreg s3  }
0xa9: {  	[dreg:$0x3] =	wrdreg s5  }
0xaa: {  	[dreg:$0x4] =	wrdreg $0xC0  }
0xab: {  	_ =	task [dreg:s7], $0x5FFFF  }
0xac: {  	[dreg:$0x1] =	wrdreg $0xFFFFFFFF  }
0xad: {  	[dreg:$0x0] =	wrdreg $0x60  }
0xae: {  	[dreg:$0x2] =	wrdreg s24  }
0xaf: {  	[dreg:$0x3] =	wrdreg s2  }
0xb0: {  	[dreg:$0x4] =	wrdreg $0xE8500  }
0xb1: {  	[dreg:$0x5] =	wrdreg $0x9  }
0xb2: {  	_ =	task.clear_ibuf [dreg:s7], $0x6FFFF;
	_ =	strace $0x9000004F  }
0xb3: {  	s29 =	simm.s32 $0x9;
	_ =	strace $0x80000051  }
0xb4: {  	_ =	swait.ge [sflag:s29], $0x1  }
0xb5: {  	[sflag:s29] =	ssyncadd.s32 $0xFFFFFFFF  }
0xb6: {  	_ =	strace $0x90000051  }
0xb7: {  	_ =	sfence  }
0xb8: {  	s30 =	sld [smem:$0x0];
	_ =	sdelay $0x2  }
0xb9: {  	s31 =	sshll.u32 s1, $0xD;
	s1 =	sshrl.u32 s1, $0x2  }
0xba: {  	s3 =	sand.u32 $0x4000, s31;
	s1 =	sadd.s32 s1, s30  }
0xbb: {  	s0 =	sor.u32 s3, s0;
	s1 =	sshll.u32 s1, $0x11  }
0xbc: {  	s0 =	sor.u32 s1, s0  }
0xbd: {  	s0 =	sadd.s32 $0x8F2B, s0  }
0xbe: {  	[sflag:s0] =	ssyncadd.remote.s32 $0x1  }
0xbf: {  	_ =	sfence.sel $0xFFFF  }
0xc0: {  	[dreg:$0x0] =	wrdreg $0xFFFFFFFF;
	(pc) =	sbr.abs _section_cstart, $3  }
0xc1: {  	[dreg:$0x1] =	wrdreg $0xFFFFFFFF  }
0xc2: {  	_ =	task.clear_ibuf [dreg:s7], $0x2FFFF;
	_ =	strace $0x9FFFFFFF  }
0xc3: {  	(tm) =	ssettm $0x7FFFFFFF  }
tec
execute0_lowered:
.L_overlay_start_1:
0x0: {  	(tag) =	ssettag $0x1  }
0x1: {  	s0 =	srdreg.scid;
	s2 =	rddreg [dreg:$0x0]  }
0x2: {  	s18 =	stileid.u32;
	s4 =	rddreg [dreg:$0x1];
	s1 =	simm.s32 $0x0  }
0x3: {  	s3 =	sand.u32 $0x1, s0;
	s19 =	sshll.u32 s18, $0x1;
	s8 =	smul.u32 $0x13880, s18  }
0x4: {  	[smem:$0x7FF] =	sst s1;
	s7 =	sadd.s32 $0x2B200, s2;
	s13 =	smul.u32 $0x138800, s3  }
0x5: {  	s0 =	sor.u32 s3, s19;
	s5 =	ssub.s32 $0x2, s3;
	s3 =	smul.u32 $0x28A0, s3  }
0x6: {  	s9 =	sadd.s32 $0x20E00, s2;
	s6 =	smul.u32 $0x28A0, s0;
	s20 =	sshrl.u32 s5, $0x1  }
0x7: {  	s10 =	sadd.s32 $0xFA00, s8;
	s16 =	sadd.s32 $0x3E80, s8;
	s17 =	sadd.s32 $0x7D00, s8  }
0x8: {  	s0 =	ssub.s32 s5, s20;
	s23 =	sadd.s32 s8, s13;
	s24 =	sadd.s32 s13, s16  }
0x9: {  	s15 =	sadd.s32 s13, s17;
	s20 =	smul.u32 $0x5140, s18;
	s5 =	sshrl.u32 s6, $0x3  }
0xa: {  	s21 =	sadd.s32 $0x68, s6;
	s25 =	sshrl.u32 s24, $0x4;
	s26 =	sshrl.u32 s15, $0x4  }
0xb: {  	s11 =	sadd.s32 s7, s5;
	s3 =	sadd.s32 s3, s20;
	s20 =	rddreg [dreg:$0x2]  }
0xc: {  	s12 =	sadd.s32 $0x1A, s5;
	s15 =	sadd.s32 s4, s26;
	[dreg:$0x4] =	wrdreg s11  }
0xd: {  	s24 =	sadd.s32 s9, s5;
	s5 =	sadd.s32 $0x34, s5;
	[dreg:$0xa] =	wrdreg s15  }
0xe: {  	s11 =	sshrl.u32 s21, $0x3;
	s22 =	sadd.s32 s7, s12;
	[dreg:$0x10] =	wrdreg s24  }
0xf: {  	s21 =	sadd.s32 $0x138, s6;
	s12 =	sadd.s32 s9, s12;
	[dreg:$0x7] =	wrdreg s22  }
0x10: {  	s3 =	sadd.s32 $0x270, s3;
	s14 =	sadd.s32 s7, s11;
	[dreg:$0xd] =	wrdreg s12  }
0x11: {  	s11 =	sadd.s32 s9, s11;
	s3 =	sshrl.u32 s3, $0x3;
	[dreg:$0x5] =	wrdreg s14  }
0x12: {  	[dreg:$0x6] =	wrdreg s11;
	s11 =	sshrl.u32 s23, $0x4;
	s23 =	sadd.s32 $0x208, s6  }
0x13: {  	s6 =	smul.u32 $0x27100, s18;
	s15 =	sadd.s32 s3, s9;
	s11 =	sadd.s32 s4, s11  }
0x14: {  	s18 =	sshrl.u32 s10, $0x1;
	[dreg:$0x8] =	wrdreg s11;
	s11 =	sadd.s32 s4, s25  }
0x15: {  	s25 =	sadd.s32 s7, s5;
	s5 =	sadd.s32 s9, s5;
	[dreg:$0x9] =	wrdreg s11  }
0x16: {  	s12 =	sshrl.u32 s6, $0x2;
	s6 =	simm.s32 $0x68;
	[dreg:$0x11] =	wrdreg s25  }
0x17: {  	s11 =	sadd.s32 $0xBB80, s8;
	[dreg:$0x12] =	wrdreg s5;
	s25 =	sadd.s32 s18, s20  }
0x18: {  	s5 =	simm.s32 $0x2;
	s19 =	sadd.s32 s13, s11;
	s13 =	sadd.s32 s13, s10  }
0x19: {  	s10 =	simm.s32 $0x1;
	s14 =	sshrl.u32 s19, $0x4;
	s13 =	sshrl.u32 s13, $0x4  }
0x1a: {  	s19 =	sshrl.u32 s16, $0x1;
	s16 =	smax.u32 s0, $0x1;
	s14 =	sadd.s32 s4, s14  }
0x1b: {  	s4 =	sadd.s32 s4, s13;
	s13 =	sadd.s32 s12, s20;
	[dreg:$0xb] =	wrdreg s14  }
0x1c: {  	s12 =	simm.s32 $0x0;
	[dreg:$0xc] =	wrdreg s4;
	s4 =	sshrl.u32 s21, $0x3  }
0x1d: {  	s14 =	sadd.s32 s3, s7;
	s28 =	sadd.s32 $0x3200, s13;
	s29 =	sadd.s32 $0x4B00, s13  }
0x1e: {  	s30 =	sadd.s32 $0x6400, s13;
	s31 =	sadd.s32 $0x9600, s13;
	s22 =	sadd.s32 s7, s4  }
0x1f: {  	s21 =	sshrl.u32 s17, $0x1;
	s4 =	sadd.s32 s9, s4;
	[dreg:$0xe] =	wrdreg s22  }
0x20: {  	s3 =	sadd.s32 s21, s20;
	[dreg:$0xf] =	wrdreg s4;
	s4 =	sshrl.u32 s23, $0x3  }
0x21: {  	s23 =	sadd.s32 $0x3400, s2;
	s22 =	sshrl.u32 s11, $0x1;
	s2 =	sadd.s32 s19, s20  }
0x22: {  	s11 =	simm.s32 $0x4;
	s26 =	sadd.s32 s7, s4;
	s4 =	sadd.s32 s9, s4  }
.Ltmp0:
0x23: {  	s9 =	sshrl.u32 s8, $0x1;
	s0 =	sshrl.u32 s2, $0x3;
	(pc) =	sbr.rel .LBB2_1-.Ltmp0, $4  }
0x24: {  	s2 =	sshrl.u32 s3, $0x3;
	s7 =	simm.s32 $0xD0;
	[dreg:$0x13] =	wrdreg s26  }
0x25: {  	s8 =	simm.s32 $0x3;
	[dreg:$0x14] =	wrdreg s4;
	s24 =	sadd.s32 s9, s20  }
0x26: {  	s26 =	sadd.s32 $0x1900, s13;
	s4 =	sadd.s32 s22, s20;
	s9 =	simm.s32 $0x64  }
0x27: {  	v0 =	vimm.bf16 $0.0e+00;
	_ =	strace $0x80000050;
	s3 =	sshrl.u32 s4, $0x3;
	s4 =	simm.s32 $0x750  }
.LBB2_9:
0x28: {  	_ =	swait.ge [sflag:s5], $0x1900  }
0x29: {  	[sflag:s5] =	ssyncset.done $0x0  }
0x2a: {  	[sflag:s5] =	ssyncadd.s32 $0xFFFFE700  }
0x2b: {  	_ =	swait.ge [sflag:s5], $0x1900  }
0x2c: {  	[sflag:s5] =	ssyncset.done $0x0  }
0x2d: {  	[sflag:s5] =	ssyncadd.s32 $0xFFFFE700  }
0x2e: {  	_ =	swait.ge [sflag:s5], $0x1900  }
0x2f: {  	[sflag:s5] =	ssyncset.done $0x0  }
0x30: {  	s13 =	stileid.u32;
	[sflag:s5] =	ssyncadd.s32 $0xFFFFE700  }
0x31: {  	s13 =	sshll.u32 s13, $0x6;
	[bflag:$0x0] =	sbarrier.arrive $0xFFFF  }
0x32: {  	s17 =	sshrl.u32 s24, $0x3;
	s13 =	sor.u32 $0x1C04, s13;
	s18 =	rddreg [dreg:$0x8]  }
0x33: {  	[hbm:s18], [sflag:s13] =	dma.local [spmem:s17], $0x3E8  }
0x34: {  	_ =	swait.ge [sflag:s11], $0x3E8  }
0x35: {  	[sflag:s11] =	ssyncset.done $0x0  }
0x36: {  	s22 =	rddreg [dreg:$0x9];
	[sflag:s11] =	ssyncadd.s32 $0xFFFFFC18  }
0x37: {  	[hbm:s22], [sflag:s13] =	dma.local [spmem:s0], $0x3E8  }
0x38: {  	_ =	swait.ge [sflag:s11], $0x3E8  }
0x39: {  	[sflag:s11] =	ssyncset.done $0x0  }
0x3a: {  	s18 =	rddreg [dreg:$0xa];
	[sflag:s11] =	ssyncadd.s32 $0xFFFFFC18  }
0x3b: {  	[hbm:s18], [sflag:s13] =	dma.local [spmem:s2], $0x3E8  }
0x3c: {  	_ =	swait.ge [sflag:s11], $0x3E8  }
0x3d: {  	[sflag:s11] =	ssyncset.done $0x0  }
0x3e: {  	s19 =	rddreg [dreg:$0xb];
	[sflag:s11] =	ssyncadd.s32 $0xFFFFFC18  }
0x3f: {  	[hbm:s19], [sflag:s13] =	dma.local [spmem:s3], $0x3E8  }
0x40: {  	s12 =	sadd.s32 $0x1, s12;
	_ =	swait.ge [sflag:s11], $0x3E8  }
0x41: {  	s21 =	sshrl.u32 s25, $0x3;
	p0 =	sne.s32 s12, s16;
	[sflag:s11] =	ssyncset.done $0x0  }
.Ltmp1:
0x42: {  	s22 =	rddreg [dreg:$0xc];
	[sflag:s11] =	ssyncadd.s32 $0xFFFFFC18;
	(pc) =	sbr.rel @!p0 .LBB2_10-.Ltmp1, $4  }
0x43: {  	[hbm:s22], [sflag:s13] =	dma.local [spmem:s21], $0x3E8  }
0x44: {  	_ =	swait.ge [sflag:s11], $0x3E8  }
0x45: {  	[sflag:s11] =	ssyncset.done $0x0  }
0x46: {  	[sflag:s11] =	ssyncadd.s32 $0xFFFFFC18  }
.LBB2_1:
0x47: {  	s17 =	simm.s32 $0x100;
	s13 =	simm.s32 $0x0  }
.LBB2_2:
0x48: {  	p0 =	sne.s32 s17, $0x6300;
	[tilespmem:s13+$0x780] =	vst v0;
	s21 =	smov.u32 s17;
	s17 =	sadd.s32 $0x100, s17  }
.Ltmp2:
0x49: {  	[tilespmem:s13+$0x770] =	vst v0;
	(pc) =	sbr.rel @p0 .LBB2_2-.Ltmp2, $3  }
0x4a: {  	[tilespmem:s13+$0x750] =	vst v0  }
0x4b: {  	[tilespmem:s13+$0x760] =	vst v0;
	_ =	sdelay $0x1  }
0x4c: {  	s13 =	sshra.s32 s21, $0x2  }
0x4d: {  	[tilespmem:s13+$0x780] =	vst v0  }
0x4e: {  	[tilespmem:s13+$0x770] =	vst v0  }
0x4f: {  	[tilespmem:s13+$0x750] =	vst v0  }
0x50: {  	[tilespmem:s13+$0x760] =	vst v0  }
0x51: {  	[spmem:s24] =	stream.linear.scatter [tilespmem:s4], [sflag:$0x2], $0x1900, $0x38;
	[tilespmem:$0x18490] =	vst v63  }
0x52: {  	_ = 	snop  }
0x53: {  	[spmem:s26] =	stream.linear.scatter [tilespmem:s4], [sflag:$0x2], $0x1900, $0x38;
	[tilespmem:$0x18490] =	vst v63  }
0x54: {  	_ = 	snop  }
0x55: {  	[spmem:s28] =	stream.linear.scatter [tilespmem:s4], [sflag:$0x2], $0x1900, $0x38;
	[tilespmem:$0x18490] =	vst v63  }
0x56: {  	_ = 	snop  }
0x57: {  	[spmem:s29] =	stream.linear.scatter [tilespmem:s4], [sflag:$0x2], $0x1900, $0x38;
	[tilespmem:$0x18490] =	vst v63  }
0x58: {  	_ = 	snop  }
0x59: {  	[spmem:s30] =	stream.linear.scatter [tilespmem:s4], [sflag:$0x2], $0x1900, $0x38;
	[tilespmem:$0x18490] =	vst v63  }
0x5a: {  	_ = 	snop  }
0x5b: {  	[spmem:s25] =	stream.linear.scatter [tilespmem:s4], [sflag:$0x2], $0x1900, $0x38;
	[tilespmem:$0x18490] =	vst v63  }
0x5c: {  	_ = 	snop  }
0x5d: {  	[spmem:s31] =	stream.linear.scatter [tilespmem:s4], [sflag:$0x2], $0x640, $0x38;
	[tilespmem:$0x18490] =	vst v63  }
0x5e: {  	_ =	swait.ge [sflag:s5], $0x1900  }
0x5f: {  	[sflag:s5] =	ssyncset.done $0x0  }
0x60: {  	[sflag:s5] =	ssyncadd.s32 $0xFFFFE700  }
0x61: {  	_ =	swait.ge [sflag:s5], $0x1900  }
0x62: {  	[sflag:s5] =	ssyncset.done $0x0  }
0x63: {  	[sflag:s5] =	ssyncadd.s32 $0xFFFFE700  }
0x64: {  	_ =	swait.ge [sflag:s5], $0x1900  }
0x65: {  	[sflag:s5] =	ssyncset.done $0x0  }
0x66: {  	[sflag:s5] =	ssyncadd.s32 $0xFFFFE700  }
0x67: {  	_ =	swait.ge [sflag:s5], $0x1900  }
0x68: {  	[sflag:s5] =	ssyncset.done $0x0  }
0x69: {  	[sflag:s5] =	ssyncadd.s32 $0xFFFFE700  }
0x6a: {  	_ =	swait.ge [sflag:s5], $0x1900  }
0x6b: {  	[sflag:s5] =	ssyncset.done $0x0  }
0x6c: {  	[sflag:s5] =	ssyncadd.s32 $0xFFFFE700  }
0x6d: {  	_ =	swait.ge [sflag:s5], $0x1900  }
0x6e: {  	[sflag:s5] =	ssyncset.done $0x0  }
0x6f: {  	[sflag:s5] =	ssyncadd.s32 $0xFFFFE700  }
0x70: {  	_ =	swait.ge [sflag:s5], $0x640  }
0x71: {  	[sflag:s5] =	ssyncset.done $0x0  }
0x72: {  	[sflag:s5] =	ssyncadd.s32 $0xFFFFF9C0  }
0x73: {  	[bflag:$0x0] =	sbarrier.arrive $0xFFFF  }
0x74: {  	s13 =	simm.s32 $0x0;
	s17 =	rddreg [dreg:$0x4]  }
0x75: {  	[tilespmem:s13], [sflag:$0x3] =	stream.linear.gather [hbm4b:s17+s13], $0x68, $0x38;
	[tilespmem:$0x18490] =	vst v63  }
0x76: {  	s18 =	simm.s32 $0x3A8;
	s22 =	rddreg [dreg:$0x10]  }
0x77: {  	[tilespmem:s18], [sflag:$0x3] =	stream.linear.gather [hbm4b:s22+s13], $0x68, $0x38;
	[tilespmem:$0x18490] =	vst v63  }
0x78: {  	s18 =	rddreg [dreg:$0x5]  }
0x79: {  	[tilespmem:s6], [sflag:$0x3] =	stream.linear.gather [hbm4b:s18+s13], $0x68, $0x38;
	[tilespmem:$0x18490] =	vst v63  }
0x7a: {  	s21 =	simm.s32 $0x410;
	s19 =	rddreg [dreg:$0x6]  }
0x7b: {  	[tilespmem:s21], [sflag:$0x3] =	stream.linear.gather [hbm4b:s19+s13], $0x68, $0x38;
	[tilespmem:$0x18490] =	vst v63  }
0x7c: {  	s22 =	rddreg [dreg:$0x7]  }
0x7d: {  	[tilespmem:s7], [sflag:$0x3] =	stream.linear.gather [hbm4b:s22+s13], $0x68, $0x38;
	[tilespmem:$0x18490] =	vst v63  }
0x7e: {  	s18 =	rddreg [dreg:$0xd];
	s19 =	simm.s32 $0x478  }
0x7f: {  	[tilespmem:s19], [sflag:$0x3] =	stream.linear.gather [hbm4b:s18+s13], $0x68, $0x38;
	[tilespmem:$0x18490] =	vst v63  }
0x80: {  	_ =	swait.ge [sflag:s8], $0x68  }
0x81: {  	[sflag:s8] =	ssyncset.done $0x0  }
0x82: {  	[sflag:s8] =	ssyncadd.s32 $0xFFFFFF98  }
0x83: {  	_ =	swait.ge [sflag:s8], $0x68  }
0x84: {  	[sflag:s8] =	ssyncset.done $0x0  }
0x85: {  	[sflag:s8] =	ssyncadd.s32 $0xFFFFFF98  }
0x86: {  	[tilespmem:s4], [sflag:$0x1] =	stream.indirect.gather [hbm4b:s23+s9], $0x40, s13, s9, $0xb8;
	[tilespmem:$0x18490] =	vst v63  }
0x87: {  	_ =	swait.ge [sflag:s8], $0x68  }
0x88: {  	[sflag:s8] =	ssyncset.done $0x0  }
0x89: {  	[sflag:s8] =	ssyncadd.s32 $0xFFFFFF98  }
0x8a: {  	_ =	swait.ge [sflag:s8], $0x68  }
0x8b: {  	[sflag:s8] =	ssyncset.done $0x0  }
0x8c: {  	s21 =	simm.s32 $0x2050;
	[sflag:s8] =	ssyncadd.s32 $0xFFFFFF98  }
0x8d: {  	[tilespmem:s21], [sflag:$0x1] =	stream.indirect.gather [hbm4b:s23+s9], $0x40, s6, s9, $0xb8;
	[tilespmem:$0x18490] =	vst v63  }
0x8e: {  	_ =	swait.ge [sflag:s8], $0x68  }
0x8f: {  	[sflag:s8] =	ssyncset.done $0x0  }
0x90: {  	[sflag:s8] =	ssyncadd.s32 $0xFFFFFF98  }
0x91: {  	_ =	swait.ge [sflag:s8], $0x68  }
0x92: {  	[sflag:s8] =	ssyncset.done $0x0  }
0x93: {  	s22 =	simm.s32 $0x3950;
	[sflag:s8] =	ssyncadd.s32 $0xFFFFFF98  }
0x94: {  	[tilespmem:s22], [sflag:$0x1] =	stream.indirect.gather [hbm4b:s23+s9], $0x40, s7, s9, $0xb8;
	[tilespmem:$0x18490] =	vst v63  }
0x95: {  	s19 =	simm.s32 $0x138;
	s18 =	rddreg [dreg:$0xe]  }
0x96: {  	[tilespmem:s19], [sflag:$0x3] =	stream.linear.gather [hbm4b:s18+s13], $0x68, $0x38;
	[tilespmem:$0x18490] =	vst v63  }
0x97: {  	s21 =	rddreg [dreg:$0xf];
	s22 =	simm.s32 $0x4E0  }
0x98: {  	[tilespmem:s22], [sflag:$0x3] =	stream.linear.gather [hbm4b:s21+s13], $0x68, $0x38;
	[tilespmem:$0x18490] =	vst v63  }
0x99: {  	s18 =	rddreg [dreg:$0x11];
	s19 =	simm.s32 $0x1A0  }
0x9a: {  	[tilespmem:s19], [sflag:$0x3] =	stream.linear.gather [hbm4b:s18+s13], $0x68, $0x38;
	[tilespmem:$0x18490] =	vst v63  }
0x9b: {  	s21 =	rddreg [dreg:$0x12];
	s22 =	simm.s32 $0x548  }
0x9c: {  	[tilespmem:s22], [sflag:$0x3] =	stream.linear.gather [hbm4b:s21+s13], $0x68, $0x38;
	[tilespmem:$0x18490] =	vst v63  }
.Ltmp3:
0x9d: {  	s18 =	rddreg [dreg:$0x13];
	s19 =	simm.s32 $0x208;
	(pc) =	sbr.rel .LBB2_4-.Ltmp3, $4  }
0x9e: {  	[tilespmem:s19], [sflag:$0x3] =	stream.linear.gather [hbm4b:s18+s13], $0x68, $0x38;
	[tilespmem:$0x18490] =	vst v63  }
0x9f: {  	s21 =	rddreg [dreg:$0x14];
	s22 =	simm.s32 $0x5B0  }
0xa0: {  	[tilespmem:s22], [sflag:$0x3] =	stream.linear.gather [hbm4b:s21+s13], $0x68, $0x38;
	[tilespmem:$0x18490] =	vst v63  }
0xa1: {  	s22 =	smov.u32 s14;
	s21 =	smov.u32 s15  }
.LBB2_5:
0xa2: {  	s18 =	sadd.s32 $0x156, s17  }
0xa3: {  	s18 =	sshrl.u32 s18, $0x9  }
0xa4: {  	s18 =	sand.u32 $0x7F, s18  }
0xa5: {  	s18 =	smul.u32 $0x9, s18;
	_ =	sdelay $0x1  }
0xa6: {  	s18 =	ssub.s32 s13, s18  }
0xa7: {  	s18 =	sadd.s32 $0x6, s18  }
0xa8: {  	s18 =	sand.u32 $0xFF, s18  }
0xa9: {  	s18 =	smul.u32 $0x68, s18;
	_ =	sdelay $0x1  }
0xaa: {  	[tilespmem:s18], [sflag:$0x3] =	stream.linear.gather [hbm4b:s22+s1], $0x68, $0x38;
	[tilespmem:$0x18490] =	vst v63  }
0xab: {  	s18 =	sadd.s32 $0x3A8, s18  }
0xac: {  	[tilespmem:s18], [sflag:$0x3] =	stream.linear.gather [hbm4b:s21+s1], $0x68, $0x38;
	[tilespmem:$0x18490] =	vst v63  }
.LBB2_7:
0xad: {  	s18 =	sadd.s32 $0x3, s13  }
0xae: {  	s19 =	sand.u32 $0xFF, s18  }
0xaf: {  	s19 =	smul.u32 $0x39, s19;
	_ =	sdelay $0x1  }
0xb0: {  	s19 =	sshrl.u32 s19, $0x9  }
0xb1: {  	s19 =	smul.u32 $0x9, s19;
	_ =	sdelay $0x1  }
0xb2: {  	_ =	swait.ge [sflag:s8], $0x68;
	s18 =	ssub.s32 s18, s19  }
0xb3: {  	[sflag:s8] =	ssyncset.done $0x0;
	s18 =	sand.u32 $0xFF, s18  }
0xb4: {  	[sflag:s8] =	ssyncadd.s32 $0xFFFFFF98;
	s19 =	smul.u32 $0x6400, s18  }
0xb5: {  	_ =	swait.ge [sflag:s8], $0x68;
	s18 =	smul.u32 $0x1A0, s18  }
0xb6: {  	[sflag:s8] =	ssyncset.done $0x0;
	s19 =	sshrl.u32 s19, $0x2  }
0xb7: {  	[sflag:s8] =	ssyncadd.s32 $0xFFFFFF98;
	s18 =	sshrl.u32 s18, $0x2;
	s19 =	sadd.s32 $0x750, s19  }
0xb8: {  	[tilespmem:s19], [sflag:$0x1] =	stream.indirect.gather [hbm4b:s23+s9], $0x40, s18, s9, $0xb8;
	[tilespmem:$0x18490] =	vst v63  }
.LBB2_8:
0xb9: {  	s17 =	sshrl.u32 s17, $0x9  }
0xba: {  	s17 =	sand.u32 $0x7F, s17  }
0xbb: {  	s17 =	smul.u32 $0x9, s17;
	_ =	sdelay $0x1  }
0xbc: {  	s17 =	ssub.s32 s13, s17  }
0xbd: {  	s17 =	sand.u32 $0xFF, s17  }
0xbe: {  	s13 =	sadd.s32 $0x1, s13;
	s18 =	smul.u32 $0x6400, s17  }
0xbf: {  	p0 =	sne.s32 s13, $0x64;
	s17 =	smul.u32 $0x1A0, s17  }
.Ltmp4:
0xc0: {  	_ = 	snop;
	(pc) =	sbr.rel @!p0 .LBB2_9-.Ltmp4, $4  }
0xc1: {  	_ =	swait.ge [sflag:s10], $0x1900;
	s21 =	sadd.s32 $0xD, s21;
	s22 =	sadd.s32 $0xD, s22  }
0xc2: {  	[sflag:s10] =	ssyncset.done $0x0;
	s18 =	sshrl.u32 s18, $0x2;
	s17 =	sshrl.u32 s17, $0x2  }
0xc3: {  	[sflag:s10] =	ssyncadd.s32 $0xFFFFE700;
	s18 =	sadd.s32 $0x750, s18;
	s17 =	sadd.s32 $0x3A8, s17  }
0xc4: {  	[spmem:s20] =	stream.indirect.scatter.add.bf16 [tilespmem:s18], [sflag:$0x2], $0x40, s17, s9, $0xb8;
	[tilespmem:$0x18490] =	vst v63  }
.LBB2_4:
0xc5: {  	p0 =	slt.u32 s13, $0x3  }
0xc6: {  	p1 =	sgt.u32 @!p0 s13, $0x5D  }
0xc7: {  	p1 =	por p0, !p1  }
.Ltmp5:
0xc8: {  	_ = 	snop;
	(pc) =	sbr.rel @p1 .LBB2_5-.Ltmp5, $4  }
0xc9: {  	s18 =	simm.s32 @!p0 $0x2  }
0xca: {  	_ =	swait.ge @!p0 [sflag:s18], $0x1900  }
0xcb: {  	s17 =	smul.u32 $0x39, s13;
	[sflag:s18] =	ssyncset.done @!p0 $0x0  }
0xcc: {  	[sflag:s18] =	ssyncadd.s32 @!p0 $0xFFFFE700  }
0xcd: {  	p0 =	sgt.u32 s13, $0x60  }
.Ltmp6:
0xce: {  	_ = 	snop;
	(pc) =	sbr.rel @p0 .LBB2_8-.Ltmp6, $4  }
.Ltmp7:
0xcf: {  	_ = 	snop;
	(pc) =	sbr.rel @!p0 .LBB2_7-.Ltmp7, $4  }
0xd0: {  	_ = 	snop  }
0xd1: {  	_ = 	snop  }
0xd2: {  	_ = 	snop  }
0xd3: {  	_ = 	snop  }
.LBB2_10:
0xd4: {  	_ =	sfence.sel $0x180000  }
0xd5: {  	[bflag:$0x0] =	sbarrier.arrive $0xFFFF  }
0xd6: {  	_ =	strace $0x90000050  }
0xd7: {  	s0 =	stileid.u32;
	[bflag:$0x2] =	sbarrier.arrive $0xFFFF  }
0xd8: {  	p0 =	sne.s32 s0, $0x0;
	s0 =	rddreg [dreg:$0x3]  }
0xd9: {  	s0 =	sadd.s32 @!p0 $0x100000, s0  }
0xda: {  	[sflag:s0] =	ssyncadd.tile.s32 @!p0 $0x1;
	_ =	shalt  }
.Lfunc_end2:
_tile_overlayer_lowered:
.L_overlay_start_2:
0xdb: {  	(tag) =	ssettag $0x2  }
0xdc: {  	s0 =	rddreg [dreg:$0x0];
	s2 =	stileid.u32  }
0xdd: {  	s1 =	rddreg [dreg:$0x1];
	p0 =	sne.s32 s2, $0x0  }
0xde: {  	s3 =	rddreg [dreg:$0x2];
	[bflag:$0x3] =	sbarrier.arrive $0xFFFF;
	s2 =	simm.s32 @!p0 $0x1C04  }
0xdf: {  	[timem:s3], [sflag:s2] =	dma.local @!p0 [hbm:s0], s1  }
0xe0: {  	s0 =	simm.s32 @!p0 $0x4  }
0xe1: {  	_ =	swait.ge @!p0 [sflag:s0], s1  }
0xe2: {  	s1 =	ssub.s32 @!p0 $0x0, s1;
	[sflag:s0] =	ssyncset.done @!p0 $0x0  }
0xe3: {  	[sflag:s0] =	ssyncadd.s32 @!p0 s1  }
0xe4: {  	[bflag:$0x3] =	sbarrier.arrive $0xFFFF  }
0xe5: {  	_ =	shalt  }

</sc_bundles>
